<compile_context>
chip_gen: v7x
topology: tpu7x:2x2x1
jax: 0.10.2.dev20260603
libtpu: 0.0.44.dev20260713+nightly
codegen_flags: <defaults>
</compile_context>

<pallas_src>
import functools

import jax
import jax.numpy as jnp
from jax import lax
from jax.experimental import pallas as pl
from jax.experimental.pallas import tpu as pltpu
from jax.experimental.pallas import tpu_sc as plsc

_NC = 2
_NS = 16
_L = 16
_K = 128

_SPLAT_DNUMS = lax.GatherDimensionNumbers(
    offset_dims=(), collapsed_slice_dims=(0,), start_index_map=(0,))


def _sc_spmm(x, idx1, val1, idx2, val2):
    n, d = x.shape
    chunks_total = idx1.shape[0]
    cpt = chunks_total // _NS
    npt = -(-n // (_NS * _K)) * _K
    n_pad = npt * _NS
    assert chunks_total == cpt * _NS and d % _L == 0

    mesh = plsc.VectorSubcoreMesh(core_axis_name="c", subcore_axis_name="s")

    @functools.partial(
        pl.kernel,
        mesh=mesh,
        out_type=(
            jax.ShapeDtypeStruct((n_pad, d), jnp.float32),
            jax.ShapeDtypeStruct((n_pad, d), jnp.float32),
        ),
        scratch_types=[
            pltpu.VMEM((2, _K), jnp.int32),
            pltpu.VMEM((1, _K), jnp.float32),
            pltpu.VMEM((_K, d), jnp.float32),
            pltpu.SemaphoreType.DMA,
            pltpu.SemaphoreType.DMA,
            pltpu.VMEM_SHARED((n_pad, d), jnp.float32),
        ],
    )
    def spmm_kernel(x_hbm, i1, v1, i2, v2, g1, g2,
                    idx_v, val_v, rows, gsem, ssem, acc):
        cid = lax.axis_index("c")
        tid = lax.axis_index("s")

        zero = jnp.zeros((_L,), jnp.float32)

        @pl.loop(0, _K)
        def _(r):
            for j in range(d // _L):
                rows[r, pl.ds(j * _L, _L)] = zero

        def scale():
            @pl.loop(0, _K // _L)
            def _(gg):
                gbase = gg * _L
                val16 = val_v[0, pl.ds(gbase, _L)]
                for l in range(_L):
                    vs = lax.gather(
                        val16, jnp.full((_L, 1), l, jnp.int32),
                        _SPLAT_DNUMS, (1,),
                        mode=lax.GatherScatterMode.PROMISE_IN_BOUNDS)
                    for jj in range(d // _L):
                        sl = pl.ds(jj * _L, _L)
                        rows[gbase + l, sl] = rows[gbase + l, sl] * vs

        def process(i_hbm, v_hbm, out_hbm):
            row0 = tid * npt
            for i in range(npt // _K):
                pltpu.sync_copy(rows, acc.at[pl.ds(row0 + i * _K, _K)])
            plsc.subcore_barrier()

            chunk0 = tid * cpt

            @pl.loop(0, cpt)
            def _(c):
                pltpu.sync_copy(i_hbm.at[chunk0 + c], idx_v)
                pltpu.sync_copy(v_hbm.at[pl.ds(chunk0 + c, 1)], val_v)
                pltpu.async_copy(
                    x_hbm.at[idx_v.at[0]], rows, gsem).wait()
                scale()
                pltpu.async_copy(
                    rows, acc.at[idx_v.at[1]], ssem, add=True).wait()

            plsc.subcore_barrier()
            for i in range(npt // _K):
                pltpu.sync_copy(acc.at[pl.ds(row0 + i * _K, _K)], rows)
                pltpu.sync_copy(rows, out_hbm.at[pl.ds(row0 + i * _K, _K)])

        @pl.when(cid == 0)
        def _():
            process(i1, v1, g1)

        @pl.when(cid == 1)
        def _():
            process(i2, v2, g2)

    return spmm_kernel(x, idx1, val1, idx2, val2)


def _ln_body(x_ref, g1_ref, g2_ref, w_ref, scale_ref, bias_ref, out_ref):
    w = w_ref[...]
    h0 = jnp.dot(x_ref[...], w, preferred_element_type=jnp.float32)
    h1 = jnp.dot(g1_ref[...], w, preferred_element_type=jnp.float32)
    h2 = jnp.dot(g2_ref[...], w, preferred_element_type=jnp.float32)
    h = jnp.concatenate([h0, h1, h2], axis=1)
    mu = jnp.mean(h, axis=1, keepdims=True)
    var = jnp.mean(h * h, axis=1, keepdims=True) - mu * mu
    inv = lax.rsqrt(var + 1e-5)
    out_ref[...] = (h - mu) * inv * scale_ref[...] + bias_ref[...]


def _ln_tc(x, g1, g2, w, ln_scale, ln_bias):
    n, d = x.shape
    out_dim = ln_scale.shape[0]
    bt = 1000
    grid = n // bt
    return pl.pallas_call(
        _ln_body,
        grid=(grid,),
        in_specs=[
            pl.BlockSpec((bt, d), lambda i: (i, 0)),
            pl.BlockSpec((bt, d), lambda i: (i, 0)),
            pl.BlockSpec((bt, d), lambda i: (i, 0)),
            pl.BlockSpec((d, d), lambda i: (0, 0)),
            pl.BlockSpec((1, out_dim), lambda i: (0, 0)),
            pl.BlockSpec((1, out_dim), lambda i: (0, 0)),
        ],
        out_specs=pl.BlockSpec((bt, out_dim), lambda i: (i, 0)),
        out_shape=jax.ShapeDtypeStruct((n, out_dim), jnp.float32),
    )(x, g1, g2, w, ln_scale.reshape(1, -1), ln_bias.reshape(1, -1))


def kernel(x, adj1_indices, adj1_values, adj2_indices, adj2_values,
           W, ln_scale, ln_bias):
    e = adj1_values.shape[0]
    chunks_total = -(-e // (_NS * _K)) * _NS
    epad = chunks_total * _K
    pad = epad - e

    def prep(indices, values):
        dst = indices[0]
        src = indices[1]
        if pad:
            zi = jnp.zeros((pad,), jnp.int32)
            src = jnp.concatenate([src, zi])
            dst = jnp.concatenate([dst, zi])
            values = jnp.concatenate([values, jnp.zeros((pad,), jnp.float32)])
        idx = jnp.stack([src.reshape(chunks_total, _K),
                         dst.reshape(chunks_total, _K)], axis=1)
        return idx, values.reshape(chunks_total, _K)

    i1, v1 = prep(adj1_indices, adj1_values)
    i2, v2 = prep(adj2_indices, adj2_values)
    g1, g2 = _sc_spmm(x, i1, v1, i2, v2)
    return _ln_tc(x, g1, g2, W, ln_scale, ln_bias)

# --- scband reference (transcript-rebuilt; emitter-appended) ---
"""Pipeline reference for scband-lrgcnbranch-43671227466231 (READ-ONLY COPY).

The authoritative reference and input builder live on the scoring server;
editing this copy changes nothing except your own understanding.
"""

import jax, jax.numpy as jnp
import numpy as np

N = 10000
E = 320000
D = 128
H = 128
OUT = (2 * 1 + 1) * H  # (max_hops*num_layers + 1) * hidden_dim = 384


def setup_inputs(seed: int = 0) -> dict:
    key = jax.random.key(seed)
    ks = jax.random.split(key, 8)
    x = jax.random.normal(ks[0], (N, D), dtype=jnp.float32)
    adj1_indices = jax.random.randint(ks[1], (2, E), 0, N, dtype=jnp.int32)
    adj1_values = jax.random.uniform(ks[2], (E,), dtype=jnp.float32)
    adj2_indices = jax.random.randint(ks[3], (2, E), 0, N, dtype=jnp.int32)
    adj2_values = jax.random.uniform(ks[4], (E,), dtype=jnp.float32)
    # learned params: fc1 (no bias) + LayerNorm affine
    W = jax.random.normal(ks[5], (D, H), dtype=jnp.float32) * (1.0 / np.sqrt(D))
    ln_scale = jnp.ones((OUT,), dtype=jnp.float32)
    ln_bias = jnp.zeros((OUT,), dtype=jnp.float32)
    return {
        "x": x,
        "adj1_indices": adj1_indices,
        "adj1_values": adj1_values,
        "adj2_indices": adj2_indices,
        "adj2_values": adj2_values,
        "W": W,
        "ln_scale": ln_scale,
        "ln_bias": ln_bias,
    }


def _spmm(indices, values, h, n):
    # sparse (n x n) COO  @  dense (n x H)
    dst = indices[0]
    src = indices[1]
    msgs = values[:, None] * jnp.take(h, src, axis=0)
    return jax.ops.segment_sum(msgs, dst, num_segments=n)


def reference(x, adj1_indices, adj1_values, adj2_indices, adj2_values, W, ln_scale, ln_bias):
    n = x.shape[0]
    h0 = x @ W
    # num_layers=1, max_hops=2: both hops operate on h_prev == h0
    h1 = _spmm(adj1_indices, adj1_values, h0, n)
    h2 = _spmm(adj2_indices, adj2_values, h0, n)
    h = jnp.concatenate([h0, h1, h2], axis=1)
    # dropout is identity in eval mode
    mu = jnp.mean(h, axis=-1, keepdims=True)
    var = jnp.var(h, axis=-1, keepdims=True)
    hn = (h - mu) / jnp.sqrt(var + 1e-5)
    return hn * ln_scale + ln_bias

if __name__ == "__main__":
    import jax
    _d = setup_inputs()
    print(jax.jit(kernel)(*tuple(_d.values())))

</pallas_src>

<mosaic_0001>
#map = affine_map<(d0, d1) -> (0, 0)>
#map1 = affine_map<(d0, d1) -> (0, 0, 0)>
module attributes {stable_mosaic.version = 14 : i64} {
  func.func @spmm_kernel(%arg0: i32, %arg1: i32, %arg2: memref<10000x128xf32, #tpu.memory_space<hbm>>, %arg3: memref<2512x2x128xi32, #tpu.memory_space<hbm>>, %arg4: memref<2512x128xf32, #tpu.memory_space<hbm>>, %arg5: memref<2512x2x128xi32, #tpu.memory_space<hbm>>, %arg6: memref<2512x128xf32, #tpu.memory_space<hbm>>, %arg7: memref<10240x128xf32, #tpu.memory_space<hbm>>, %arg8: memref<10240x128xf32, #tpu.memory_space<hbm>>, %arg9: memref<2x128xi32, #tpu.memory_space<vmem>>, %arg10: memref<1x128xf32, #tpu.memory_space<vmem>>, %arg11: memref<128x128xf32, #tpu.memory_space<vmem>>, %arg12: memref<!tpu.dma_semaphore, #tpu.memory_space<semaphore_mem>>, %arg13: memref<!tpu.dma_semaphore, #tpu.memory_space<semaphore_mem>>, %arg14: memref<10240x128xf32, #tpu.memory_space<vmem_shared>>) attributes {dimension_semantics = [#tpu.dimension_semantics<core_parallel>, #tpu.dimension_semantics<subcore_parallel>], iteration_bounds = array<i64: 2, 16>, scalar_prefetch = 0 : i64, scratch_operands = 6 : i64, tpu.core_type = #tpu.core_type<sc_vector_subcore>, window_params = [{transform_indices = #map}, {transform_indices = #map1}, {transform_indices = #map}, {transform_indices = #map1}, {transform_indices = #map}, {transform_indices = #map}, {transform_indices = #map}]} {
    %broadcast_in_dim3A = arith.constant 0.000000e+00 : f32
    %broadcast_in_dim3A_0 = vector.broadcast %broadcast_in_dim3A : f32 to vector<16xf32>
    %scan3A = arith.constant 0 : i32
    %scan3A_1 = arith.constant 128 : i32
    %scan3A_2 = arith.addi %scan3A, %scan3A_1 : i32
    %scan3A_3 = arith.constant 1 : i32
    scf.for %scan3A_12 = %scan3A to %scan3A_2 step %scan3A_3  : i32 {
      %mul3A = arith.constant 1 : i32
      %mul3A_13 = arith.muli %scan3A_12, %mul3A : i32
      %add3A = arith.constant 0 : i32
      %add3A_14 = arith.addi %add3A, %mul3A_13 : i32
      %swap3A = arith.index_cast %add3A_14 : i32 to index
      %swap3A_15 = arith.constant 0 : index
      %swap3A_16 = tpu.vector_load %arg11[%swap3A, %swap3A_15] {strides = array<i32>} : memref<128x128xf32, #tpu.memory_space<vmem>>, vector<1x16xf32>,
      %swap3A_17 = vector.shape_cast %swap3A_16 : vector<1x16xf32> to vector<16xf32>
      %swap3A_18 = vector.shape_cast %broadcast_in_dim3A_0 : vector<16xf32> to vector<1x16xf32>
      tpu.vector_store %arg11[%swap3A, %swap3A_15], %swap3A_18 {strides = array<i32>} : memref<128x128xf32, #tpu.memory_space<vmem>>, vector<1x16xf32>,
      %swap3A_19 = arith.index_cast %add3A_14 : i32 to index
      %swap3A_20 = arith.constant 16 : index
      %swap3A_21 = tpu.vector_load %arg11[%swap3A_19, %swap3A_20] {strides = array<i32>} : memref<128x128xf32, #tpu.memory_space<vmem>>, vector<1x16xf32>,
      %swap3A_22 = vector.shape_cast %swap3A_21 : vector<1x16xf32> to vector<16xf32>
      %swap3A_23 = vector.shape_cast %broadcast_in_dim3A_0 : vector<16xf32> to vector<1x16xf32>
      tpu.vector_store %arg11[%swap3A_19, %swap3A_20], %swap3A_23 {strides = array<i32>} : memref<128x128xf32, #tpu.memory_space<vmem>>, vector<1x16xf32>,
      %swap3A_24 = arith.index_cast %add3A_14 : i32 to index
      %swap3A_25 = arith.constant 32 : index
      %swap3A_26 = tpu.vector_load %arg11[%swap3A_24, %swap3A_25] {strides = array<i32>} : memref<128x128xf32, #tpu.memory_space<vmem>>, vector<1x16xf32>,
      %swap3A_27 = vector.shape_cast %swap3A_26 : vector<1x16xf32> to vector<16xf32>
      %swap3A_28 = vector.shape_cast %broadcast_in_dim3A_0 : vector<16xf32> to vector<1x16xf32>
      tpu.vector_store %arg11[%swap3A_24, %swap3A_25], %swap3A_28 {strides = array<i32>} : memref<128x128xf32, #tpu.memory_space<vmem>>, vector<1x16xf32>,
      %swap3A_29 = arith.index_cast %add3A_14 : i32 to index
      %swap3A_30 = arith.constant 48 : index
      %swap3A_31 = tpu.vector_load %arg11[%swap3A_29, %swap3A_30] {strides = array<i32>} : memref<128x128xf32, #tpu.memory_space<vmem>>, vector<1x16xf32>,
      %swap3A_32 = vector.shape_cast %swap3A_31 : vector<1x16xf32> to vector<16xf32>
      %swap3A_33 = vector.shape_cast %broadcast_in_dim3A_0 : vector<16xf32> to vector<1x16xf32>
      tpu.vector_store %arg11[%swap3A_29, %swap3A_30], %swap3A_33 {strides = array<i32>} : memref<128x128xf32, #tpu.memory_space<vmem>>, vector<1x16xf32>,
      %swap3A_34 = arith.index_cast %add3A_14 : i32 to index
      %swap3A_35 = arith.constant 64 : index
      %swap3A_36 = tpu.vector_load %arg11[%swap3A_34, %swap3A_35] {strides = array<i32>} : memref<128x128xf32, #tpu.memory_space<vmem>>, vector<1x16xf32>,
      %swap3A_37 = vector.shape_cast %swap3A_36 : vector<1x16xf32> to vector<16xf32>
      %swap3A_38 = vector.shape_cast %broadcast_in_dim3A_0 : vector<16xf32> to vector<1x16xf32>
      tpu.vector_store %arg11[%swap3A_34, %swap3A_35], %swap3A_38 {strides = array<i32>} : memref<128x128xf32, #tpu.memory_space<vmem>>, vector<1x16xf32>,
      %swap3A_39 = arith.index_cast %add3A_14 : i32 to index
      %swap3A_40 = arith.constant 80 : index
      %swap3A_41 = tpu.vector_load %arg11[%swap3A_39, %swap3A_40] {strides = array<i32>} : memref<128x128xf32, #tpu.memory_space<vmem>>, vector<1x16xf32>,
      %swap3A_42 = vector.shape_cast %swap3A_41 : vector<1x16xf32> to vector<16xf32>
      %swap3A_43 = vector.shape_cast %broadcast_in_dim3A_0 : vector<16xf32> to vector<1x16xf32>
      tpu.vector_store %arg11[%swap3A_39, %swap3A_40], %swap3A_43 {strides = array<i32>} : memref<128x128xf32, #tpu.memory_space<vmem>>, vector<1x16xf32>,
      %swap3A_44 = arith.index_cast %add3A_14 : i32 to index
      %swap3A_45 = arith.constant 96 : index
      %swap3A_46 = tpu.vector_load %arg11[%swap3A_44, %swap3A_45] {strides = array<i32>} : memref<128x128xf32, #tpu.memory_space<vmem>>, vector<1x16xf32>,
      %swap3A_47 = vector.shape_cast %swap3A_46 : vector<1x16xf32> to vector<16xf32>
      %swap3A_48 = vector.shape_cast %broadcast_in_dim3A_0 : vector<16xf32> to vector<1x16xf32>
      tpu.vector_store %arg11[%swap3A_44, %swap3A_45], %swap3A_48 {strides = array<i32>} : memref<128x128xf32, #tpu.memory_space<vmem>>, vector<1x16xf32>,
      %swap3A_49 = arith.index_cast %add3A_14 : i32 to index
      %swap3A_50 = arith.constant 112 : index
      %swap3A_51 = tpu.vector_load %arg11[%swap3A_49, %swap3A_50] {strides = array<i32>} : memref<128x128xf32, #tpu.memory_space<vmem>>, vector<1x16xf32>,
      %swap3A_52 = vector.shape_cast %swap3A_51 : vector<1x16xf32> to vector<16xf32>
      %swap3A_53 = vector.shape_cast %broadcast_in_dim3A_0 : vector<16xf32> to vector<1x16xf32>
      tpu.vector_store %arg11[%swap3A_49, %swap3A_50], %swap3A_53 {strides = array<i32>} : memref<128x128xf32, #tpu.memory_space<vmem>>, vector<1x16xf32>,
    }
    %scan3A_4 = arith.constant 128 : i32
    %eq3A = arith.constant 0 : i32
    %eq3A_5 = arith.cmpi eq, %arg0, %eq3A : i32
    %convert_element_type3A = arith.extui %eq3A_5 : i1 to i32
    %cond3A = arith.constant 0 : i32
    %cond3A_6 = arith.cmpi ne, %convert_element_type3A, %cond3A : i32
    scf.if %cond3A_6 {
      %mul3A = arith.constant 640 : i32
      %mul3A_12 = arith.muli %arg1, %mul3A : i32
      %add3A = arith.constant 0 : i32
      %add3A_13 = arith.addi %mul3A_12, %add3A : i32
      "tpu.region"() ({
        %run_scoped3A = tpu.sem_alloc : memref<!tpu.dma_semaphore, #tpu.memory_space<semaphore_mem>>
        %dma_start3A = arith.constant 0 : i32
        %dma_start3A_50 = tpu.memref_slice %arg14[%add3A_13, %dma_start3A] : memref<10240x128xf32, #tpu.memory_space<vmem_shared>> -> memref<128x128xf32, #tpu.memory_space<vmem_shared>>
        %dma_start3A_51 = arith.constant 0 : i32
        %dma_start3A_52 = tpu.memref_slice %arg14[%add3A_13, %dma_start3A_51] : memref<10240x128xf32, #tpu.memory_space<vmem_shared>> -> memref<128x128xf32, #tpu.memory_space<vmem_shared>>
        tpu.enqueue_dma source(%arg11 : memref<128x128xf32, #tpu.memory_space<vmem>>) target(%dma_start3A_52 : memref<128x128xf32, #tpu.memory_space<vmem_shared>>) target_semaphore(%run_scoped3A : memref<!tpu.dma_semaphore, #tpu.memory_space<semaphore_mem>>)
        %dma_wait3A = arith.constant 0 : i32
        %dma_wait3A_53 = tpu.memref_slice %arg14[%add3A_13, %dma_wait3A] : memref<10240x128xf32, #tpu.memory_space<vmem_shared>> -> memref<128x128xf32, #tpu.memory_space<vmem_shared>>
        %dma_wait3A_54 = arith.constant 0 : i32
        %dma_wait3A_55 = tpu.memref_slice %arg14[%add3A_13, %dma_wait3A_54] : memref<10240x128xf32, #tpu.memory_space<vmem_shared>> -> memref<128x128xf32, #tpu.memory_space<vmem_shared>>
        tpu.wait_dma2 semaphore(%run_scoped3A : memref<!tpu.dma_semaphore, #tpu.memory_space<semaphore_mem>>) src(%arg11 : memref<128x128xf32, #tpu.memory_space<vmem>>) dst(%dma_wait3A_55 : memref<128x128xf32, #tpu.memory_space<vmem_shared>>)
        tpu.yield
      }) : () -> ()
      %add3A_14 = arith.constant 128 : i32
      %add3A_15 = arith.addi %mul3A_12, %add3A_14 : i32
      "tpu.region"() ({
        %run_scoped3A = tpu.sem_alloc : memref<!tpu.dma_semaphore, #tpu.memory_space<semaphore_mem>>
        %dma_start3A = arith.constant 0 : i32
        %dma_start3A_50 = tpu.memref_slice %arg14[%add3A_15, %dma_start3A] : memref<10240x128xf32, #tpu.memory_space<vmem_shared>> -> memref<128x128xf32, #tpu.memory_space<vmem_shared>>
        %dma_start3A_51 = arith.constant 0 : i32
        %dma_start3A_52 = tpu.memref_slice %arg14[%add3A_15, %dma_start3A_51] : memref<10240x128xf32, #tpu.memory_space<vmem_shared>> -> memref<128x128xf32, #tpu.memory_space<vmem_shared>>
        tpu.enqueue_dma source(%arg11 : memref<128x128xf32, #tpu.memory_space<vmem>>) target(%dma_start3A_52 : memref<128x128xf32, #tpu.memory_space<vmem_shared>>) target_semaphore(%run_scoped3A : memref<!tpu.dma_semaphore, #tpu.memory_space<semaphore_mem>>)
        %dma_wait3A = arith.constant 0 : i32
        %dma_wait3A_53 = tpu.memref_slice %arg14[%add3A_15, %dma_wait3A] : memref<10240x128xf32, #tpu.memory_space<vmem_shared>> -> memref<128x128xf32, #tpu.memory_space<vmem_shared>>
        %dma_wait3A_54 = arith.constant 0 : i32
        %dma_wait3A_55 = tpu.memref_slice %arg14[%add3A_15, %dma_wait3A_54] : memref<10240x128xf32, #tpu.memory_space<vmem_shared>> -> memref<128x128xf32, #tpu.memory_space<vmem_shared>>
        tpu.wait_dma2 semaphore(%run_scoped3A : memref<!tpu.dma_semaphore, #tpu.memory_space<semaphore_mem>>) src(%arg11 : memref<128x128xf32, #tpu.memory_space<vmem>>) dst(%dma_wait3A_55 : memref<128x128xf32, #tpu.memory_space<vmem_shared>>)
        tpu.yield
      }) : () -> ()
      %add3A_16 = arith.constant 256 : i32
      %add3A_17 = arith.addi %mul3A_12, %add3A_16 : i32
      "tpu.region"() ({
        %run_scoped3A = tpu.sem_alloc : memref<!tpu.dma_semaphore, #tpu.memory_space<semaphore_mem>>
        %dma_start3A = arith.constant 0 : i32
        %dma_start3A_50 = tpu.memref_slice %arg14[%add3A_17, %dma_start3A] : memref<10240x128xf32, #tpu.memory_space<vmem_shared>> -> memref<128x128xf32, #tpu.memory_space<vmem_shared>>
        %dma_start3A_51 = arith.constant 0 : i32
        %dma_start3A_52 = tpu.memref_slice %arg14[%add3A_17, %dma_start3A_51] : memref<10240x128xf32, #tpu.memory_space<vmem_shared>> -> memref<128x128xf32, #tpu.memory_space<vmem_shared>>
        tpu.enqueue_dma source(%arg11 : memref<128x128xf32, #tpu.memory_space<vmem>>) target(%dma_start3A_52 : memref<128x128xf32, #tpu.memory_space<vmem_shared>>) target_semaphore(%run_scoped3A : memref<!tpu.dma_semaphore, #tpu.memory_space<semaphore_mem>>)
        %dma_wait3A = arith.constant 0 : i32
        %dma_wait3A_53 = tpu.memref_slice %arg14[%add3A_17, %dma_wait3A] : memref<10240x128xf32, #tpu.memory_space<vmem_shared>> -> memref<128x128xf32, #tpu.memory_space<vmem_shared>>
        %dma_wait3A_54 = arith.constant 0 : i32
        %dma_wait3A_55 = tpu.memref_slice %arg14[%add3A_17, %dma_wait3A_54] : memref<10240x128xf32, #tpu.memory_space<vmem_shared>> -> memref<128x128xf32, #tpu.memory_space<vmem_shared>>
        tpu.wait_dma2 semaphore(%run_scoped3A : memref<!tpu.dma_semaphore, #tpu.memory_space<semaphore_mem>>) src(%arg11 : memref<128x128xf32, #tpu.memory_space<vmem>>) dst(%dma_wait3A_55 : memref<128x128xf32, #tpu.memory_space<vmem_shared>>)
        tpu.yield
      }) : () -> ()
      %add3A_18 = arith.constant 384 : i32
      %add3A_19 = arith.addi %mul3A_12, %add3A_18 : i32
      "tpu.region"() ({
        %run_scoped3A = tpu.sem_alloc : memref<!tpu.dma_semaphore, #tpu.memory_space<semaphore_mem>>
        %dma_start3A = arith.constant 0 : i32
        %dma_start3A_50 = tpu.memref_slice %arg14[%add3A_19, %dma_start3A] : memref<10240x128xf32, #tpu.memory_space<vmem_shared>> -> memref<128x128xf32, #tpu.memory_space<vmem_shared>>
        %dma_start3A_51 = arith.constant 0 : i32
        %dma_start3A_52 = tpu.memref_slice %arg14[%add3A_19, %dma_start3A_51] : memref<10240x128xf32, #tpu.memory_space<vmem_shared>> -> memref<128x128xf32, #tpu.memory_space<vmem_shared>>
        tpu.enqueue_dma source(%arg11 : memref<128x128xf32, #tpu.memory_space<vmem>>) target(%dma_start3A_52 : memref<128x128xf32, #tpu.memory_space<vmem_shared>>) target_semaphore(%run_scoped3A : memref<!tpu.dma_semaphore, #tpu.memory_space<semaphore_mem>>)
        %dma_wait3A = arith.constant 0 : i32
        %dma_wait3A_53 = tpu.memref_slice %arg14[%add3A_19, %dma_wait3A] : memref<10240x128xf32, #tpu.memory_space<vmem_shared>> -> memref<128x128xf32, #tpu.memory_space<vmem_shared>>
        %dma_wait3A_54 = arith.constant 0 : i32
        %dma_wait3A_55 = tpu.memref_slice %arg14[%add3A_19, %dma_wait3A_54] : memref<10240x128xf32, #tpu.memory_space<vmem_shared>> -> memref<128x128xf32, #tpu.memory_space<vmem_shared>>
        tpu.wait_dma2 semaphore(%run_scoped3A : memref<!tpu.dma_semaphore, #tpu.memory_space<semaphore_mem>>) src(%arg11 : memref<128x128xf32, #tpu.memory_space<vmem>>) dst(%dma_wait3A_55 : memref<128x128xf32, #tpu.memory_space<vmem_shared>>)
        tpu.yield
      }) : () -> ()
      %add3A_20 = arith.constant 512 : i32
      %add3A_21 = arith.addi %mul3A_12, %add3A_20 : i32
      "tpu.region"() ({
        %run_scoped3A = tpu.sem_alloc : memref<!tpu.dma_semaphore, #tpu.memory_space<semaphore_mem>>
        %dma_start3A = arith.constant 0 : i32
        %dma_start3A_50 = tpu.memref_slice %arg14[%add3A_21, %dma_start3A] : memref<10240x128xf32, #tpu.memory_space<vmem_shared>> -> memref<128x128xf32, #tpu.memory_space<vmem_shared>>
        %dma_start3A_51 = arith.constant 0 : i32
        %dma_start3A_52 = tpu.memref_slice %arg14[%add3A_21, %dma_start3A_51] : memref<10240x128xf32, #tpu.memory_space<vmem_shared>> -> memref<128x128xf32, #tpu.memory_space<vmem_shared>>
        tpu.enqueue_dma source(%arg11 : memref<128x128xf32, #tpu.memory_space<vmem>>) target(%dma_start3A_52 : memref<128x128xf32, #tpu.memory_space<vmem_shared>>) target_semaphore(%run_scoped3A : memref<!tpu.dma_semaphore, #tpu.memory_space<semaphore_mem>>)
        %dma_wait3A = arith.constant 0 : i32
        %dma_wait3A_53 = tpu.memref_slice %arg14[%add3A_21, %dma_wait3A] : memref<10240x128xf32, #tpu.memory_space<vmem_shared>> -> memref<128x128xf32, #tpu.memory_space<vmem_shared>>
        %dma_wait3A_54 = arith.constant 0 : i32
        %dma_wait3A_55 = tpu.memref_slice %arg14[%add3A_21, %dma_wait3A_54] : memref<10240x128xf32, #tpu.memory_space<vmem_shared>> -> memref<128x128xf32, #tpu.memory_space<vmem_shared>>
        tpu.wait_dma2 semaphore(%run_scoped3A : memref<!tpu.dma_semaphore, #tpu.memory_space<semaphore_mem>>) src(%arg11 : memref<128x128xf32, #tpu.memory_space<vmem>>) dst(%dma_wait3A_55 : memref<128x128xf32, #tpu.memory_space<vmem_shared>>)
        tpu.yield
      }) : () -> ()
      %barrier3A = arith.constant 0 : index
      tpu.barrier barrier_id(%barrier3A)
      %mul3A_22 = arith.constant 157 : i32
      %mul3A_23 = arith.muli %arg1, %mul3A_22 : i32
      %scan3A_24 = arith.constant 0 : i32
      %scan3A_25 = arith.constant 157 : i32
      %scan3A_26 = arith.addi %scan3A_24, %scan3A_25 : i32
      %scan3A_27 = arith.constant 1 : i32
      scf.for %scan3A_50 = %scan3A_24 to %scan3A_26 step %scan3A_27  : i32 {
        %mul3A_51 = arith.constant 1 : i32
        %mul3A_52 = arith.muli %scan3A_50, %mul3A_51 : i32
        %add3A_53 = arith.constant 0 : i32
        %add3A_54 = arith.addi %add3A_53, %mul3A_52 : i32
        %add3A_55 = arith.addi %mul3A_23, %add3A_54 : i32
        "tpu.region"() ({
          %run_scoped3A = tpu.sem_alloc : memref<!tpu.dma_semaphore, #tpu.memory_space<semaphore_mem>>
          %dma_start3A_88 = arith.constant 0 : i32
          %dma_start3A_89 = arith.constant 0 : i32
          %dma_start3A_90 = tpu.memref_slice %arg3[%add3A_55, %dma_start3A_88, %dma_start3A_89] : memref<2512x2x128xi32, #tpu.memory_space<hbm>> -> memref<1x2x128xi32, #tpu.memory_space<hbm>>
          %dma_start3A_91 = tpu.memref_squeeze %dma_start3A_90 : memref<1x2x128xi32, #tpu.memory_space<hbm>> -> memref<2x128xi32, #tpu.memory_space<hbm>>
          %dma_start3A_92 = arith.constant 0 : i32
          %dma_start3A_93 = arith.constant 0 : i32
          %dma_start3A_94 = tpu.memref_slice %arg3[%add3A_55, %dma_start3A_92, %dma_start3A_93] : memref<2512x2x128xi32, #tpu.memory_space<hbm>> -> memref<1x2x128xi32, #tpu.memory_space<hbm>>
          %dma_start3A_95 = tpu.memref_squeeze %dma_start3A_94 : memref<1x2x128xi32, #tpu.memory_space<hbm>> -> memref<2x128xi32, #tpu.memory_space<hbm>>
          tpu.enqueue_dma source(%dma_start3A_95 : memref<2x128xi32, #tpu.memory_space<hbm>>) target(%arg9 : memref<2x128xi32, #tpu.memory_space<vmem>>) target_semaphore(%run_scoped3A : memref<!tpu.dma_semaphore, #tpu.memory_space<semaphore_mem>>)
          %dma_wait3A_96 = arith.constant 0 : i32
          %dma_wait3A_97 = arith.constant 0 : i32
          %dma_wait3A_98 = tpu.memref_slice %arg3[%add3A_55, %dma_wait3A_96, %dma_wait3A_97] : memref<2512x2x128xi32, #tpu.memory_space<hbm>> -> memref<1x2x128xi32, #tpu.memory_space<hbm>>
          %dma_wait3A_99 = tpu.memref_squeeze %dma_wait3A_98 : memref<1x2x128xi32, #tpu.memory_space<hbm>> -> memref<2x128xi32, #tpu.memory_space<hbm>>
          %dma_wait3A_100 = arith.constant 0 : i32
          %dma_wait3A_101 = arith.constant 0 : i32
          %dma_wait3A_102 = tpu.memref_slice %arg3[%add3A_55, %dma_wait3A_100, %dma_wait3A_101] : memref<2512x2x128xi32, #tpu.memory_space<hbm>> -> memref<1x2x128xi32, #tpu.memory_space<hbm>>
          %dma_wait3A_103 = tpu.memref_squeeze %dma_wait3A_102 : memref<1x2x128xi32, #tpu.memory_space<hbm>> -> memref<2x128xi32, #tpu.memory_space<hbm>>
          tpu.wait_dma2 semaphore(%run_scoped3A : memref<!tpu.dma_semaphore, #tpu.memory_space<semaphore_mem>>) src(%dma_wait3A_103 : memref<2x128xi32, #tpu.memory_space<hbm>>) dst(%arg9 : memref<2x128xi32, #tpu.memory_space<vmem>>)
          tpu.yield
        }) : () -> ()
        %add3A_56 = arith.addi %mul3A_23, %add3A_54 : i32
        "tpu.region"() ({
          %run_scoped3A = tpu.sem_alloc : memref<!tpu.dma_semaphore, #tpu.memory_space<semaphore_mem>>
          %dma_start3A_88 = arith.constant 0 : i32
          %dma_start3A_89 = tpu.memref_slice %arg4[%add3A_56, %dma_start3A_88] : memref<2512x128xf32, #tpu.memory_space<hbm>> -> memref<1x128xf32, #tpu.memory_space<hbm>>
          %dma_start3A_90 = arith.constant 0 : i32
          %dma_start3A_91 = tpu.memref_slice %arg4[%add3A_56, %dma_start3A_90] : memref<2512x128xf32, #tpu.memory_space<hbm>> -> memref<1x128xf32, #tpu.memory_space<hbm>>
          tpu.enqueue_dma source(%dma_start3A_91 : memref<1x128xf32, #tpu.memory_space<hbm>>) target(%arg10 : memref<1x128xf32, #tpu.memory_space<vmem>>) target_semaphore(%run_scoped3A : memref<!tpu.dma_semaphore, #tpu.memory_space<semaphore_mem>>)
          %dma_wait3A_92 = arith.constant 0 : i32
          %dma_wait3A_93 = tpu.memref_slice %arg4[%add3A_56, %dma_wait3A_92] : memref<2512x128xf32, #tpu.memory_space<hbm>> -> memref<1x128xf32, #tpu.memory_space<hbm>>
          %dma_wait3A_94 = arith.constant 0 : i32
          %dma_wait3A_95 = tpu.memref_slice %arg4[%add3A_56, %dma_wait3A_94] : memref<2512x128xf32, #tpu.memory_space<hbm>> -> memref<1x128xf32, #tpu.memory_space<hbm>>
          tpu.wait_dma2 semaphore(%run_scoped3A : memref<!tpu.dma_semaphore, #tpu.memory_space<semaphore_mem>>) src(%dma_wait3A_95 : memref<1x128xf32, #tpu.memory_space<hbm>>) dst(%arg10 : memref<1x128xf32, #tpu.memory_space<vmem>>)
          tpu.yield
        }) : () -> ()
        %dma_start3A = arith.constant 0 : i32
        %dma_start3A_57 = arith.constant 0 : i32
        %dma_start3A_58 = tpu.memref_slice %arg9[%dma_start3A, %dma_start3A_57] : memref<2x128xi32, #tpu.memory_space<vmem>> -> memref<1x128xi32, #tpu.memory_space<vmem>>
        %dma_start3A_59 = tpu.memref_squeeze %dma_start3A_58 : memref<1x128xi32, #tpu.memory_space<vmem>> -> memref<128xi32, #tpu.memory_space<vmem>>
        %dma_start3A_60 = arith.constant 0 : i32
        %dma_start3A_61 = arith.constant 0 : i32
        %dma_start3A_62 = tpu.memref_slice %arg2[%dma_start3A_60, %dma_start3A_61] : memref<10000x128xf32, #tpu.memory_space<hbm>> -> memref<10000x128xf32, #tpu.memory_space<hbm>>
        tpu.enqueue_indirect_dma source(%dma_start3A_62 : memref<10000x128xf32, #tpu.memory_space<hbm>>) target(%arg11 : memref<128x128xf32, #tpu.memory_space<vmem>>) offsets(%dma_start3A_59 : memref<128xi32, #tpu.memory_space<vmem>>) semaphore(%arg12 : memref<!tpu.dma_semaphore, #tpu.memory_space<semaphore_mem>>)
        %dma_wait3A = arith.constant 0 : i32
        %dma_wait3A_63 = arith.constant 0 : i32
        %dma_wait3A_64 = tpu.memref_slice %arg9[%dma_wait3A, %dma_wait3A_63] : memref<2x128xi32, #tpu.memory_space<vmem>> -> memref<1x128xi32, #tpu.memory_space<vmem>>
        %dma_wait3A_65 = tpu.memref_squeeze %dma_wait3A_64 : memref<1x128xi32, #tpu.memory_space<vmem>> -> memref<128xi32, #tpu.memory_space<vmem>>
        %dma_wait3A_66 = arith.constant 0 : i32
        %dma_wait3A_67 = arith.constant 0 : i32
        %dma_wait3A_68 = tpu.memref_slice %arg2[%dma_wait3A_66, %dma_wait3A_67] : memref<10000x128xf32, #tpu.memory_space<hbm>> -> memref<10000x128xf32, #tpu.memory_space<hbm>>
        tpu.wait_indirect_dma semaphore(%arg12 : memref<!tpu.dma_semaphore, #tpu.memory_space<semaphore_mem>>) src(%dma_wait3A_68 : memref<10000x128xf32, #tpu.memory_space<hbm>>) dst(%arg11 : memref<128x128xf32, #tpu.memory_space<vmem>>)
        %scan3A_69 = arith.constant 0 : i32
        %scan3A_70 = arith.constant 8 : i32
        %scan3A_71 = arith.addi %scan3A_69, %scan3A_70 : i32
        %scan3A_72 = arith.constant 1 : i32
        scf.for %scan3A_88 = %scan3A_69 to %scan3A_71 step %scan3A_72  : i32 {
          %mul3A_89 = arith.constant 1 : i32
          %mul3A_90 = arith.muli %scan3A_88, %mul3A_89 : i32
          %add3A_91 = arith.constant 0 : i32
          %add3A_92 = arith.addi %add3A_91, %mul3A_90 : i32
          %mul3A_93 = arith.constant 16 : i32
          %mul3A_94 = arith.muli %add3A_92, %mul3A_93 : i32
          %get3A = arith.constant 0 : i32
          %get3A_95 = arith.index_cast %get3A : i32 to index
          %get3A_96 = arith.index_cast %mul3A_94 : i32 to index
          %get3A_97 = tpu.vector_load %arg10[%get3A_95, %get3A_96] {strides = array<i32>} : memref<1x128xf32, #tpu.memory_space<vmem>>, vector<1x16xf32>,
          %get3A_98 = vector.shape_cast %get3A_97 : vector<1x16xf32> to vector<16xf32>
          %broadcast_in_dim3A_99 = arith.constant 0 : i32
          %broadcast_in_dim3A_100 = vector.broadcast %broadcast_in_dim3A_99 : i32 to vector<16x1xi32>
          %gather3A = vector.shape_cast %broadcast_in_dim3A_100 : vector<16x1xi32> to vector<16xi32>
          %gather3A_101 = tpu.dynamic_gather %get3A_98[%gather3A] in [0] : vector<16xf32>, vector<16xi32> -> vector<16xf32>
          %add3A_102 = arith.constant 0 : i32
          %add3A_103 = arith.addi %mul3A_94, %add3A_102 : i32
          %get3A_104 = arith.index_cast %add3A_103 : i32 to index
          %get3A_105 = arith.constant 0 : index
          %get3A_106 = tpu.vector_load %arg11[%get3A_104, %get3A_105] {strides = array<i32>} : memref<128x128xf32, #tpu.memory_space<vmem>>, vector<1x16xf32>,
          %get3A_107 = vector.shape_cast %get3A_106 : vector<1x16xf32> to vector<16xf32>
          %mul3A_108 = arith.mulf %get3A_107, %gather3A_101 : vector<16xf32>
          %add3A_109 = arith.constant 0 : i32
          %add3A_110 = arith.addi %mul3A_94, %add3A_109 : i32
          %swap3A = arith.index_cast %add3A_110 : i32 to index
          %swap3A_111 = arith.constant 0 : index
          %swap3A_112 = tpu.vector_load %arg11[%swap3A, %swap3A_111] {strides = array<i32>} : memref<128x128xf32, #tpu.memory_space<vmem>>, vector<1x16xf32>,
          %swap3A_113 = vector.shape_cast %swap3A_112 : vector<1x16xf32> to vector<16xf32>
          %swap3A_114 = vector.shape_cast %mul3A_108 : vector<16xf32> to vector<1x16xf32>
          tpu.vector_store %arg11[%swap3A, %swap3A_111], %swap3A_114 {strides = array<i32>} : memref<128x128xf32, #tpu.memory_space<vmem>>, vector<1x16xf32>,
          %add3A_115 = arith.constant 0 : i32
          %add3A_116 = arith.addi %mul3A_94, %add3A_115 : i32
          %get3A_117 = arith.index_cast %add3A_116 : i32 to index
          %get3A_118 = arith.constant 16 : index
          %get3A_119 = tpu.vector_load %arg11[%get3A_117, %get3A_118] {strides = array<i32>} : memref<128x128xf32, #tpu.memory_space<vmem>>, vector<1x16xf32>,
          %get3A_120 = vector.shape_cast %get3A_119 : vector<1x16xf32> to vector<16xf32>
          %mul3A_121 = arith.mulf %get3A_120, %gather3A_101 : vector<16xf32>
          %add3A_122 = arith.constant 0 : i32
          %add3A_123 = arith.addi %mul3A_94, %add3A_122 : i32
          %swap3A_124 = arith.index_cast %add3A_123 : i32 to index
          %swap3A_125 = arith.constant 16 : index
          %swap3A_126 = tpu.vector_load %arg11[%swap3A_124, %swap3A_125] {strides = array<i32>} : memref<128x128xf32, #tpu.memory_space<vmem>>, vector<1x16xf32>,
          %swap3A_127 = vector.shape_cast %swap3A_126 : vector<1x16xf32> to vector<16xf32>
          %swap3A_128 = vector.shape_cast %mul3A_121 : vector<16xf32> to vector<1x16xf32>
          tpu.vector_store %arg11[%swap3A_124, %swap3A_125], %swap3A_128 {strides = array<i32>} : memref<128x128xf32, #tpu.memory_space<vmem>>, vector<1x16xf32>,
          %add3A_129 = arith.constant 0 : i32
          %add3A_130 = arith.addi %mul3A_94, %add3A_129 : i32
          %get3A_131 = arith.index_cast %add3A_130 : i32 to index
          %get3A_132 = arith.constant 32 : index
          %get3A_133 = tpu.vector_load %arg11[%get3A_131, %get3A_132] {strides = array<i32>} : memref<128x128xf32, #tpu.memory_space<vmem>>, vector<1x16xf32>,
          %get3A_134 = vector.shape_cast %get3A_133 : vector<1x16xf32> to vector<16xf32>
          %mul3A_135 = arith.mulf %get3A_134, %gather3A_101 : vector<16xf32>
          %add3A_136 = arith.constant 0 : i32
          %add3A_137 = arith.addi %mul3A_94, %add3A_136 : i32
          %swap3A_138 = arith.index_cast %add3A_137 : i32 to index
          %swap3A_139 = arith.constant 32 : index
          %swap3A_140 = tpu.vector_load %arg11[%swap3A_138, %swap3A_139] {strides = array<i32>} : memref<128x128xf32, #tpu.memory_space<vmem>>, vector<1x16xf32>,
          %swap3A_141 = vector.shape_cast %swap3A_140 : vector<1x16xf32> to vector<16xf32>
          %swap3A_142 = vector.shape_cast %mul3A_135 : vector<16xf32> to vector<1x16xf32>
          tpu.vector_store %arg11[%swap3A_138, %swap3A_139], %swap3A_142 {strides = array<i32>} : memref<128x128xf32, #tpu.memory_space<vmem>>, vector<1x16xf32>,
          %add3A_143 = arith.constant 0 : i32
          %add3A_144 = arith.addi %mul3A_94, %add3A_143 : i32
          %get3A_145 = arith.index_cast %add3A_144 : i32 to index
          %get3A_146 = arith.constant 48 : index
          %get3A_147 = tpu.vector_load %arg11[%get3A_145, %get3A_146] {strides = array<i32>} : memref<128x128xf32, #tpu.memory_space<vmem>>, vector<1x16xf32>,
          %get3A_148 = vector.shape_cast %get3A_147 : vector<1x16xf32> to vector<16xf32>
          %mul3A_149 = arith.mulf %get3A_148, %gather3A_101 : vector<16xf32>
          %add3A_150 = arith.constant 0 : i32
          %add3A_151 = arith.addi %mul3A_94, %add3A_150 : i32
          %swap3A_152 = arith.index_cast %add3A_151 : i32 to index
          %swap3A_153 = arith.constant 48 : index
          %swap3A_154 = tpu.vector_load %arg11[%swap3A_152, %swap3A_153] {strides = array<i32>} : memref<128x128xf32, #tpu.memory_space<vmem>>, vector<1x16xf32>,
          %swap3A_155 = vector.shape_cast %swap3A_154 : vector<1x16xf32> to vector<16xf32>
          %swap3A_156 = vector.shape_cast %mul3A_149 : vector<16xf32> to vector<1x16xf32>
          tpu.vector_store %arg11[%swap3A_152, %swap3A_153], %swap3A_156 {strides = array<i32>} : memref<128x128xf32, #tpu.memory_space<vmem>>, vector<1x16xf32>,
          %add3A_157 = arith.constant 0 : i32
          %add3A_158 = arith.addi %mul3A_94, %add3A_157 : i32
          %get3A_159 = arith.index_cast %add3A_158 : i32 to index
          %get3A_160 = arith.constant 64 : index
          %get3A_161 = tpu.vector_load %arg11[%get3A_159, %get3A_160] {strides = array<i32>} : memref<128x128xf32, #tpu.memory_space<vmem>>, vector<1x16xf32>,
          %get3A_162 = vector.shape_cast %get3A_161 : vector<1x16xf32> to vector<16xf32>
          %mul3A_163 = arith.mulf %get3A_162, %gather3A_101 : vector<16xf32>
          %add3A_164 = arith.constant 0 : i32
          %add3A_165 = arith.addi %mul3A_94, %add3A_164 : i32
          %swap3A_166 = arith.index_cast %add3A_165 : i32 to index
          %swap3A_167 = arith.constant 64 : index
          %swap3A_168 = tpu.vector_load %arg11[%swap3A_166, %swap3A_167] {strides = array<i32>} : memref<128x128xf32, #tpu.memory_space<vmem>>, vector<1x16xf32>,
          %swap3A_169 = vector.shape_cast %swap3A_168 : vector<1x16xf32> to vector<16xf32>
          %swap3A_170 = vector.shape_cast %mul3A_163 : vector<16xf32> to vector<1x16xf32>
          tpu.vector_store %arg11[%swap3A_166, %swap3A_167], %swap3A_170 {strides = array<i32>} : memref<128x128xf32, #tpu.memory_space<vmem>>, vector<1x16xf32>,
          %add3A_171 = arith.constant 0 : i32
          %add3A_172 = arith.addi %mul3A_94, %add3A_171 : i32
          %get3A_173 = arith.index_cast %add3A_172 : i32 to index
          %get3A_174 = arith.constant 80 : index
          %get3A_175 = tpu.vector_load %arg11[%get3A_173, %get3A_174] {strides = array<i32>} : memref<128x128xf32, #tpu.memory_space<vmem>>, vector<1x16xf32>,
          %get3A_176 = vector.shape_cast %get3A_175 : vector<1x16xf32> to vector<16xf32>
          %mul3A_177 = arith.mulf %get3A_176, %gather3A_101 : vector<16xf32>
          %add3A_178 = arith.constant 0 : i32
          %add3A_179 = arith.addi %mul3A_94, %add3A_178 : i32
          %swap3A_180 = arith.index_cast %add3A_179 : i32 to index
          %swap3A_181 = arith.constant 80 : index
          %swap3A_182 = tpu.vector_load %arg11[%swap3A_180, %swap3A_181] {strides = array<i32>} : memref<128x128xf32, #tpu.memory_space<vmem>>, vector<1x16xf32>,
          %swap3A_183 = vector.shape_cast %swap3A_182 : vector<1x16xf32> to vector<16xf32>
          %swap3A_184 = vector.shape_cast %mul3A_177 : vector<16xf32> to vector<1x16xf32>
          tpu.vector_store %arg11[%swap3A_180, %swap3A_181], %swap3A_184 {strides = array<i32>} : memref<128x128xf32, #tpu.memory_space<vmem>>, vector<1x16xf32>,
          %add3A_185 = arith.constant 0 : i32
          %add3A_186 = arith.addi %mul3A_94, %add3A_185 : i32
          %get3A_187 = arith.index_cast %add3A_186 : i32 to index
          %get3A_188 = arith.constant 96 : index
          %get3A_189 = tpu.vector_load %arg11[%get3A_187, %get3A_188] {strides = array<i32>} : memref<128x128xf32, #tpu.memory_space<vmem>>, vector<1x16xf32>,
          %get3A_190 = vector.shape_cast %get3A_189 : vector<1x16xf32> to vector<16xf32>
          %mul3A_191 = arith.mulf %get3A_190, %gather3A_101 : vector<16xf32>
          %add3A_192 = arith.constant 0 : i32
          %add3A_193 = arith.addi %mul3A_94, %add3A_192 : i32
          %swap3A_194 = arith.index_cast %add3A_193 : i32 to index
          %swap3A_195 = arith.constant 96 : index
          %swap3A_196 = tpu.vector_load %arg11[%swap3A_194, %swap3A_195] {strides = array<i32>} : memref<128x128xf32, #tpu.memory_space<vmem>>, vector<1x16xf32>,
          %swap3A_197 = vector.shape_cast %swap3A_196 : vector<1x16xf32> to vector<16xf32>
          %swap3A_198 = vector.shape_cast %mul3A_191 : vector<16xf32> to vector<1x16xf32>
          tpu.vector_store %arg11[%swap3A_194, %swap3A_195], %swap3A_198 {strides = array<i32>} : memref<128x128xf32, #tpu.memory_space<vmem>>, vector<1x16xf32>,
          %add3A_199 = arith.constant 0 : i32
          %add3A_200 = arith.addi %mul3A_94, %add3A_199 : i32
          %get3A_201 = arith.index_cast %add3A_200 : i32 to index
          %get3A_202 = arith.constant 112 : index
          %get3A_203 = tpu.vector_load %arg11[%get3A_201, %get3A_202] {strides = array<i32>} : memref<128x128xf32, #tpu.memory_space<vmem>>, vector<1x16xf32>,
          %get3A_204 = vector.shape_cast %get3A_203 : vector<1x16xf32> to vector<16xf32>
          %mul3A_205 = arith.mulf %get3A_204, %gather3A_101 : vector<16xf32>
          %add3A_206 = arith.constant 0 : i32
          %add3A_207 = arith.addi %mul3A_94, %add3A_206 : i32
          %swap3A_208 = arith.index_cast %add3A_207 : i32 to index
          %swap3A_209 = arith.constant 112 : index
          %swap3A_210 = tpu.vector_load %arg11[%swap3A_208, %swap3A_209] {strides = array<i32>} : memref<128x128xf32, #tpu.memory_space<vmem>>, vector<1x16xf32>,
          %swap3A_211 = vector.shape_cast %swap3A_210 : vector<1x16xf32> to vector<16xf32>
          %swap3A_212 = vector.shape_cast %mul3A_205 : vector<16xf32> to vector<1x16xf32>
          tpu.vector_store %arg11[%swap3A_208, %swap3A_209], %swap3A_212 {strides = array<i32>} : memref<128x128xf32, #tpu.memory_space<vmem>>, vector<1x16xf32>,
          %broadcast_in_dim3A_213 = arith.constant 1 : i32
          %broadcast_in_dim3A_214 = vector.broadcast %broadcast_in_dim3A_213 : i32 to vector<16x1xi32>
          %gather3A_215 = vector.shape_cast %broadcast_in_dim3A_214 : vector<16x1xi32> to vector<16xi32>
          %gather3A_216 = tpu.dynamic_gather %get3A_98[%gather3A_215] in [0] : vector<16xf32>, vector<16xi32> -> vector<16xf32>
          %add3A_217 = arith.constant 1 : i32
          %add3A_218 = arith.addi %mul3A_94, %add3A_217 : i32
          %get3A_219 = arith.index_cast %add3A_218 : i32 to index
          %get3A_220 = arith.constant 0 : index
          %get3A_221 = tpu.vector_load %arg11[%get3A_219, %get3A_220] {strides = array<i32>} : memref<128x128xf32, #tpu.memory_space<vmem>>, vector<1x16xf32>,
          %get3A_222 = vector.shape_cast %get3A_221 : vector<1x16xf32> to vector<16xf32>
          %mul3A_223 = arith.mulf %get3A_222, %gather3A_216 : vector<16xf32>
          %add3A_224 = arith.constant 1 : i32
          %add3A_225 = arith.addi %mul3A_94, %add3A_224 : i32
          %swap3A_226 = arith.index_cast %add3A_225 : i32 to index
          %swap3A_227 = arith.constant 0 : index
          %swap3A_228 = tpu.vector_load %arg11[%swap3A_226, %swap3A_227] {strides = array<i32>} : memref<128x128xf32, #tpu.memory_space<vmem>>, vector<1x16xf32>,
          %swap3A_229 = vector.shape_cast %swap3A_228 : vector<1x16xf32> to vector<16xf32>
          %swap3A_230 = vector.shape_cast %mul3A_223 : vector<16xf32> to vector<1x16xf32>
          tpu.vector_store %arg11[%swap3A_226, %swap3A_227], %swap3A_230 {strides = array<i32>} : memref<128x128xf32, #tpu.memory_space<vmem>>, vector<1x16xf32>,
          %add3A_231 = arith.constant 1 : i32
          %add3A_232 = arith.addi %mul3A_94, %add3A_231 : i32
          %get3A_233 = arith.index_cast %add3A_232 : i32 to index
          %get3A_234 = arith.constant 16 : index
          %get3A_235 = tpu.vector_load %arg11[%get3A_233, %get3A_234] {strides = array<i32>} : memref<128x128xf32, #tpu.memory_space<vmem>>, vector<1x16xf32>,
          %get3A_236 = vector.shape_cast %get3A_235 : vector<1x16xf32> to vector<16xf32>
          %mul3A_237 = arith.mulf %get3A_236, %gather3A_216 : vector<16xf32>
          %add3A_238 = arith.constant 1 : i32
          %add3A_239 = arith.addi %mul3A_94, %add3A_238 : i32
          %swap3A_240 = arith.index_cast %add3A_239 : i32 to index
          %swap3A_241 = arith.constant 16 : index
          %swap3A_242 = tpu.vector_load %arg11[%swap3A_240, %swap3A_241] {strides = array<i32>} : memref<128x128xf32, #tpu.memory_space<vmem>>, vector<1x16xf32>,
          %swap3A_243 = vector.shape_cast %swap3A_242 : vector<1x16xf32> to vector<16xf32>
          %swap3A_244 = vector.shape_cast %mul3A_237 : vector<16xf32> to vector<1x16xf32>
          tpu.vector_store %arg11[%swap3A_240, %swap3A_241], %swap3A_244 {strides = array<i32>} : memref<128x128xf32, #tpu.memory_space<vmem>>, vector<1x16xf32>,
          %add3A_245 = arith.constant 1 : i32
          %add3A_246 = arith.addi %mul3A_94, %add3A_245 : i32
          %get3A_247 = arith.index_cast %add3A_246 : i32 to index
          %get3A_248 = arith.constant 32 : index
          %get3A_249 = tpu.vector_load %arg11[%get3A_247, %get3A_248] {strides = array<i32>} : memref<128x128xf32, #tpu.memory_space<vmem>>, vector<1x16xf32>,
          %get3A_250 = vector.shape_cast %get3A_249 : vector<1x16xf32> to vector<16xf32>
          %mul3A_251 = arith.mulf %get3A_250, %gather3A_216 : vector<16xf32>
          %add3A_252 = arith.constant 1 : i32
          %add3A_253 = arith.addi %mul3A_94, %add3A_252 : i32
          %swap3A_254 = arith.index_cast %add3A_253 : i32 to index
          %swap3A_255 = arith.constant 32 : index
          %swap3A_256 = tpu.vector_load %arg11[%swap3A_254, %swap3A_255] {strides = array<i32>} : memref<128x128xf32, #tpu.memory_space<vmem>>, vector<1x16xf32>,
          %swap3A_257 = vector.shape_cast %swap3A_256 : vector<1x16xf32> to vector<16xf32>
          %swap3A_258 = vector.shape_cast %mul3A_251 : vector<16xf32> to vector<1x16xf32>
          tpu.vector_store %arg11[%swap3A_254, %swap3A_255], %swap3A_258 {strides = array<i32>} : memref<128x128xf32, #tpu.memory_space<vmem>>, vector<1x16xf32>,
          %add3A_259 = arith.constant 1 : i32
          %add3A_260 = arith.addi %mul3A_94, %add3A_259 : i32
          %get3A_261 = arith.index_cast %add3A_260 : i32 to index
          %get3A_262 = arith.constant 48 : index
          %get3A_263 = tpu.vector_load %arg11[%get3A_261, %get3A_262] {strides = array<i32>} : memref<128x128xf32, #tpu.memory_space<vmem>>, vector<1x16xf32>,
          %get3A_264 = vector.shape_cast %get3A_263 : vector<1x16xf32> to vector<16xf32>
          %mul3A_265 = arith.mulf %get3A_264, %gather3A_216 : vector<16xf32>
          %add3A_266 = arith.constant 1 : i32
          %add3A_267 = arith.addi %mul3A_94, %add3A_266 : i32
          %swap3A_268 = arith.index_cast %add3A_267 : i32 to index
          %swap3A_269 = arith.constant 48 : index
          %swap3A_270 = tpu.vector_load %arg11[%swap3A_268, %swap3A_269] {strides = array<i32>} : memref<128x128xf32, #tpu.memory_space<vmem>>, vector<1x16xf32>,
          %swap3A_271 = vector.shape_cast %swap3A_270 : vector<1x16xf32> to vector<16xf32>
          %swap3A_272 = vector.shape_cast %mul3A_265 : vector<16xf32> to vector<1x16xf32>
          tpu.vector_store %arg11[%swap3A_268, %swap3A_269], %swap3A_272 {strides = array<i32>} : memref<128x128xf32, #tpu.memory_space<vmem>>, vector<1x16xf32>,
          %add3A_273 = arith.constant 1 : i32
          %add3A_274 = arith.addi %mul3A_94, %add3A_273 : i32
          %get3A_275 = arith.index_cast %add3A_274 : i32 to index
          %get3A_276 = arith.constant 64 : index
          %get3A_277 = tpu.vector_load %arg11[%get3A_275, %get3A_276] {strides = array<i32>} : memref<128x128xf32, #tpu.memory_space<vmem>>, vector<1x16xf32>,
          %get3A_278 = vector.shape_cast %get3A_277 : vector<1x16xf32> to vector<16xf32>
          %mul3A_279 = arith.mulf %get3A_278, %gather3A_216 : vector<16xf32>
          %add3A_280 = arith.constant 1 : i32
          %add3A_281 = arith.addi %mul3A_94, %add3A_280 : i32
          %swap3A_282 = arith.index_cast %add3A_281 : i32 to index
          %swap3A_283 = arith.constant 64 : index
          %swap3A_284 = tpu.vector_load %arg11[%swap3A_282, %swap3A_283] {strides = array<i32>} : memref<128x128xf32, #tpu.memory_space<vmem>>, vector<1x16xf32>,
          %swap3A_285 = vector.shape_cast %swap3A_284 : vector<1x16xf32> to vector<16xf32>
          %swap3A_286 = vector.shape_cast %mul3A_279 : vector<16xf32> to vector<1x16xf32>
          tpu.vector_store %arg11[%swap3A_282, %swap3A_283], %swap3A_286 {strides = array<i32>} : memref<128x128xf32, #tpu.memory_space<vmem>>, vector<1x16xf32>,
          %add3A_287 = arith.constant 1 : i32
          %add3A_288 = arith.addi %mul3A_94, %add3A_287 : i32
          %get3A_289 = arith.index_cast %add3A_288 : i32 to index
          %get3A_290 = arith.constant 80 : index
          %get3A_291 = tpu.vector_load %arg11[%get3A_289, %get3A_290] {strides = array<i32>} : memref<128x128xf32, #tpu.memory_space<vmem>>, vector<1x16xf32>,
          %get3A_292 = vector.shape_cast %get3A_291 : vector<1x16xf32> to vector<16xf32>
          %mul3A_293 = arith.mulf %get3A_292, %gather3A_216 : vector<16xf32>
          %add3A_294 = arith.constant 1 : i32
          %add3A_295 = arith.addi %mul3A_94, %add3A_294 : i32
          %swap3A_296 = arith.index_cast %add3A_295 : i32 to index
          %swap3A_297 = arith.constant 80 : index
          %swap3A_298 = tpu.vector_load %arg11[%swap3A_296, %swap3A_297] {strides = array<i32>} : memref<128x128xf32, #tpu.memory_space<vmem>>, vector<1x16xf32>,
          %swap3A_299 = vector.shape_cast %swap3A_298 : vector<1x16xf32> to vector<16xf32>
          %swap3A_300 = vector.shape_cast %mul3A_293 : vector<16xf32> to vector<1x16xf32>
          tpu.vector_store %arg11[%swap3A_296, %swap3A_297], %swap3A_300 {strides = array<i32>} : memref<128x128xf32, #tpu.memory_space<vmem>>, vector<1x16xf32>,
          %add3A_301 = arith.constant 1 : i32
          %add3A_302 = arith.addi %mul3A_94, %add3A_301 : i32
          %get3A_303 = arith.index_cast %add3A_302 : i32 to index
          %get3A_304 = arith.constant 96 : index
          %get3A_305 = tpu.vector_load %arg11[%get3A_303, %get3A_304] {strides = array<i32>} : memref<128x128xf32, #tpu.memory_space<vmem>>, vector<1x16xf32>,
          %get3A_306 = vector.shape_cast %get3A_305 : vector<1x16xf32> to vector<16xf32>
          %mul3A_307 = arith.mulf %get3A_306, %gather3A_216 : vector<16xf32>
          %add3A_308 = arith.constant 1 : i32
          %add3A_309 = arith.addi %mul3A_94, %add3A_308 : i32
          %swap3A_310 = arith.index_cast %add3A_309 : i32 to index
          %swap3A_311 = arith.constant 96 : index
          %swap3A_312 = tpu.vector_load %arg11[%swap3A_310, %swap3A_311] {strides = array<i32>} : memref<128x128xf32, #tpu.memory_space<vmem>>, vector<1x16xf32>,
          %swap3A_313 = vector.shape_cast %swap3A_312 : vector<1x16xf32> to vector<16xf32>
          %swap3A_314 = vector.shape_cast %mul3A_307 : vector<16xf32> to vector<1x16xf32>
          tpu.vector_store %arg11[%swap3A_310, %swap3A_311], %swap3A_314 {strides = array<i32>} : memref<128x128xf32, #tpu.memory_space<vmem>>, vector<1x16xf32>,
          %add3A_315 = arith.constant 1 : i32
          %add3A_316 = arith.addi %mul3A_94, %add3A_315 : i32
          %get3A_317 = arith.index_cast %add3A_316 : i32 to index
          %get3A_318 = arith.constant 112 : index
          %get3A_319 = tpu.vector_load %arg11[%get3A_317, %get3A_318] {strides = array<i32>} : memref<128x128xf32, #tpu.memory_space<vmem>>, vector<1x16xf32>,
          %get3A_320 = vector.shape_cast %get3A_319 : vector<1x16xf32> to vector<16xf32>
          %mul3A_321 = arith.mulf %get3A_320, %gather3A_216 : vector<16xf32>
          %add3A_322 = arith.constant 1 : i32
          %add3A_323 = arith.addi %mul3A_94, %add3A_322 : i32
          %swap3A_324 = arith.index_cast %add3A_323 : i32 to index
          %swap3A_325 = arith.constant 112 : index
          %swap3A_326 = tpu.vector_load %arg11[%swap3A_324, %swap3A_325] {strides = array<i32>} : memref<128x128xf32, #tpu.memory_space<vmem>>, vector<1x16xf32>,
          %swap3A_327 = vector.shape_cast %swap3A_326 : vector<1x16xf32> to vector<16xf32>
          %swap3A_328 = vector.shape_cast %mul3A_321 : vector<16xf32> to vector<1x16xf32>
          tpu.vector_store %arg11[%swap3A_324, %swap3A_325], %swap3A_328 {strides = array<i32>} : memref<128x128xf32, #tpu.memory_space<vmem>>, vector<1x16xf32>,
          %broadcast_in_dim3A_329 = arith.constant 2 : i32
          %broadcast_in_dim3A_330 = vector.broadcast %broadcast_in_dim3A_329 : i32 to vector<16x1xi32>
          %gather3A_331 = vector.shape_cast %broadcast_in_dim3A_330 : vector<16x1xi32> to vector<16xi32>
          %gather3A_332 = tpu.dynamic_gather %get3A_98[%gather3A_331] in [0] : vector<16xf32>, vector<16xi32> -> vector<16xf32>
          %add3A_333 = arith.constant 2 : i32
          %add3A_334 = arith.addi %mul3A_94, %add3A_333 : i32
          %get3A_335 = arith.index_cast %add3A_334 : i32 to index
          %get3A_336 = arith.constant 0 : index
          %get3A_337 = tpu.vector_load %arg11[%get3A_335, %get3A_336] {strides = array<i32>} : memref<128x128xf32, #tpu.memory_space<vmem>>, vector<1x16xf32>,
          %get3A_338 = vector.shape_cast %get3A_337 : vector<1x16xf32> to vector<16xf32>
          %mul3A_339 = arith.mulf %get3A_338, %gather3A_332 : vector<16xf32>
          %add3A_340 = arith.constant 2 : i32
          %add3A_341 = arith.addi %mul3A_94, %add3A_340 : i32
          %swap3A_342 = arith.index_cast %add3A_341 : i32 to index
          %swap3A_343 = arith.constant 0 : index
          %swap3A_344 = tpu.vector_load %arg11[%swap3A_342, %swap3A_343] {strides = array<i32>} : memref<128x128xf32, #tpu.memory_space<vmem>>, vector<1x16xf32>,
          %swap3A_345 = vector.shape_cast %swap3A_344 : vector<1x16xf32> to vector<16xf32>
          %swap3A_346 = vector.shape_cast %mul3A_339 : vector<16xf32> to vector<1x16xf32>
          tpu.vector_store %arg11[%swap3A_342, %swap3A_343], %swap3A_346 {strides = array<i32>} : memref<128x128xf32, #tpu.memory_space<vmem>>, vector<1x16xf32>,
          %add3A_347 = arith.constant 2 : i32
          %add3A_348 = arith.addi %mul3A_94, %add3A_347 : i32
          %get3A_349 = arith.index_cast %add3A_348 : i32 to index
          %get3A_350 = arith.constant 16 : index
          %get3A_351 = tpu.vector_load %arg11[%get3A_349, %get3A_350] {strides = array<i32>} : memref<128x128xf32, #tpu.memory_space<vmem>>, vector<1x16xf32>,
          %get3A_352 = vector.shape_cast %get3A_351 : vector<1x16xf32> to vector<16xf32>
          %mul3A_353 = arith.mulf %get3A_352, %gather3A_332 : vector<16xf32>
          %add3A_354 = arith.constant 2 : i32
          %add3A_355 = arith.addi %mul3A_94, %add3A_354 : i32
          %swap3A_356 = arith.index_cast %add3A_355 : i32 to index
          %swap3A_357 = arith.constant 16 : index
          %swap3A_358 = tpu.vector_load %arg11[%swap3A_356, %swap3A_357] {strides = array<i32>} : memref<128x128xf32, #tpu.memory_space<vmem>>, vector<1x16xf32>,
          %swap3A_359 = vector.shape_cast %swap3A_358 : vector<1x16xf32> to vector<16xf32>
          %swap3A_360 = vector.shape_cast %mul3A_353 : vector<16xf32> to vector<1x16xf32>
          tpu.vector_store %arg11[%swap3A_356, %swap3A_357], %swap3A_360 {strides = array<i32>} : memref<128x128xf32, #tpu.memory_space<vmem>>, vector<1x16xf32>,
          %add3A_361 = arith.constant 2 : i32
          %add3A_362 = arith.addi %mul3A_94, %add3A_361 : i32
          %get3A_363 = arith.index_cast %add3A_362 : i32 to index
          %get3A_364 = arith.constant 32 : index
          %get3A_365 = tpu.vector_load %arg11[%get3A_363, %get3A_364] {strides = array<i32>} : memref<128x128xf32, #tpu.memory_space<vmem>>, vector<1x16xf32>,
          %get3A_366 = vector.shape_cast %get3A_365 : vector<1x16xf32> to vector<16xf32>
          %mul3A_367 = arith.mulf %get3A_366, %gather3A_332 : vector<16xf32>
          %add3A_368 = arith.constant 2 : i32
          %add3A_369 = arith.addi %mul3A_94, %add3A_368 : i32
          %swap3A_370 = arith.index_cast %add3A_369 : i32 to index
          %swap3A_371 = arith.constant 32 : index
          %swap3A_372 = tpu.vector_load %arg11[%swap3A_370, %swap3A_371] {strides = array<i32>} : memref<128x128xf32, #tpu.memory_space<vmem>>, vector<1x16xf32>,
          %swap3A_373 = vector.shape_cast %swap3A_372 : vector<1x16xf32> to vector<16xf32>
          %swap3A_374 = vector.shape_cast %mul3A_367 : vector<16xf32> to vector<1x16xf32>
          tpu.vector_store %arg11[%swap3A_370, %swap3A_371], %swap3A_374 {strides = array<i32>} : memref<128x128xf32, #tpu.memory_space<vmem>>, vector<1x16xf32>,
          %add3A_375 = arith.constant 2 : i32
          %add3A_376 = arith.addi %mul3A_94, %add3A_375 : i32
          %get3A_377 = arith.index_cast %add3A_376 : i32 to index
          %get3A_378 = arith.constant 48 : index
          %get3A_379 = tpu.vector_load %arg11[%get3A_377, %get3A_378] {strides = array<i32>} : memref<128x128xf32, #tpu.memory_space<vmem>>, vector<1x16xf32>,
          %get3A_380 = vector.shape_cast %get3A_379 : vector<1x16xf32> to vector<16xf32>
          %mul3A_381 = arith.mulf %get3A_380, %gather3A_332 : vector<16xf32>
          %add3A_382 = arith.constant 2 : i32
          %add3A_383 = arith.addi %mul3A_94, %add3A_382 : i32
          %swap3A_384 = arith.index_cast %add3A_383 : i32 to index
          %swap3A_385 = arith.constant 48 : index
          %swap3A_386 = tpu.vector_load %arg11[%swap3A_384, %swap3A_385] {strides = array<i32>} : memref<128x128xf32, #tpu.memory_space<vmem>>, vector<1x16xf32>,
          %swap3A_387 = vector.shape_cast %swap3A_386 : vector<1x16xf32> to vector<16xf32>
          %swap3A_388 = vector.shape_cast %mul3A_381 : vector<16xf32> to vector<1x16xf32>
          tpu.vector_store %arg11[%swap3A_384, %swap3A_385], %swap3A_388 {strides = array<i32>} : memref<128x128xf32, #tpu.memory_space<vmem>>, vector<1x16xf32>,
          %add3A_389 = arith.constant 2 : i32
          %add3A_390 = arith.addi %mul3A_94, %add3A_389 : i32
          %get3A_391 = arith.index_cast %add3A_390 : i32 to index
          %get3A_392 = arith.constant 64 : index
          %get3A_393 = tpu.vector_load %arg11[%get3A_391, %get3A_392] {strides = array<i32>} : memref<128x128xf32, #tpu.memory_space<vmem>>, vector<1x16xf32>,
          %get3A_394 = vector.shape_cast %get3A_393 : vector<1x16xf32> to vector<16xf32>
          %mul3A_395 = arith.mulf %get3A_394, %gather3A_332 : vector<16xf32>
          %add3A_396 = arith.constant 2 : i32
          %add3A_397 = arith.addi %mul3A_94, %add3A_396 : i32
          %swap3A_398 = arith.index_cast %add3A_397 : i32 to index
          %swap3A_399 = arith.constant 64 : index
          %swap3A_400 = tpu.vector_load %arg11[%swap3A_398, %swap3A_399] {strides = array<i32>} : memref<128x128xf32, #tpu.memory_space<vmem>>, vector<1x16xf32>,
          %swap3A_401 = vector.shape_cast %swap3A_400 : vector<1x16xf32> to vector<16xf32>
          %swap3A_402 = vector.shape_cast %mul3A_395 : vector<16xf32> to vector<1x16xf32>
          tpu.vector_store %arg11[%swap3A_398, %swap3A_399], %swap3A_402 {strides = array<i32>} : memref<128x128xf32, #tpu.memory_space<vmem>>, vector<1x16xf32>,
          %add3A_403 = arith.constant 2 : i32
          %add3A_404 = arith.addi %mul3A_94, %add3A_403 : i32
          %get3A_405 = arith.index_cast %add3A_404 : i32 to index
          %get3A_406 = arith.constant 80 : index
          %get3A_407 = tpu.vector_load %arg11[%get3A_405, %get3A_406] {strides = array<i32>} : memref<128x128xf32, #tpu.memory_space<vmem>>, vector<1x16xf32>,
          %get3A_408 = vector.shape_cast %get3A_407 : vector<1x16xf32> to vector<16xf32>
          %mul3A_409 = arith.mulf %get3A_408, %gather3A_332 : vector<16xf32>
          %add3A_410 = arith.constant 2 : i32
          %add3A_411 = arith.addi %mul3A_94, %add3A_410 : i32
          %swap3A_412 = arith.index_cast %add3A_411 : i32 to index
          %swap3A_413 = arith.constant 80 : index
          %swap3A_414 = tpu.vector_load %arg11[%swap3A_412, %swap3A_413] {strides = array<i32>} : memref<128x128xf32, #tpu.memory_space<vmem>>, vector<1x16xf32>,
          %swap3A_415 = vector.shape_cast %swap3A_414 : vector<1x16xf32> to vector<16xf32>
          %swap3A_416 = vector.shape_cast %mul3A_409 : vector<16xf32> to vector<1x16xf32>
          tpu.vector_store %arg11[%swap3A_412, %swap3A_413], %swap3A_416 {strides = array<i32>} : memref<128x128xf32, #tpu.memory_space<vmem>>, vector<1x16xf32>,
          %add3A_417 = arith.constant 2 : i32
          %add3A_418 = arith.addi %mul3A_94, %add3A_417 : i32
          %get3A_419 = arith.index_cast %add3A_418 : i32 to index
          %get3A_420 = arith.constant 96 : index
          %get3A_421 = tpu.vector_load %arg11[%get3A_419, %get3A_420] {strides = array<i32>} : memref<128x128xf32, #tpu.memory_space<vmem>>, vector<1x16xf32>,
          %get3A_422 = vector.shape_cast %get3A_421 : vector<1x16xf32> to vector<16xf32>
          %mul3A_423 = arith.mulf %get3A_422, %gather3A_332 : vector<16xf32>
          %add3A_424 = arith.constant 2 : i32
          %add3A_425 = arith.addi %mul3A_94, %add3A_424 : i32
          %swap3A_426 = arith.index_cast %add3A_425 : i32 to index
          %swap3A_427 = arith.constant 96 : index
          %swap3A_428 = tpu.vector_load %arg11[%swap3A_426, %swap3A_427] {strides = array<i32>} : memref<128x128xf32, #tpu.memory_space<vmem>>, vector<1x16xf32>,
          %swap3A_429 = vector.shape_cast %swap3A_428 : vector<1x16xf32> to vector<16xf32>
          %swap3A_430 = vector.shape_cast %mul3A_423 : vector<16xf32> to vector<1x16xf32>
          tpu.vector_store %arg11[%swap3A_426, %swap3A_427], %swap3A_430 {strides = array<i32>} : memref<128x128xf32, #tpu.memory_space<vmem>>, vector<1x16xf32>,
          %add3A_431 = arith.constant 2 : i32
          %add3A_432 = arith.addi %mul3A_94, %add3A_431 : i32
          %get3A_433 = arith.index_cast %add3A_432 : i32 to index
          %get3A_434 = arith.constant 112 : index
          %get3A_435 = tpu.vector_load %arg11[%get3A_433, %get3A_434] {strides = array<i32>} : memref<128x128xf32, #tpu.memory_space<vmem>>, vector<1x16xf32>,
          %get3A_436 = vector.shape_cast %get3A_435 : vector<1x16xf32> to vector<16xf32>
          %mul3A_437 = arith.mulf %get3A_436, %gather3A_332 : vector<16xf32>
          %add3A_438 = arith.constant 2 : i32
          %add3A_439 = arith.addi %mul3A_94, %add3A_438 : i32
          %swap3A_440 = arith.index_cast %add3A_439 : i32 to index
          %swap3A_441 = arith.constant 112 : index
          %swap3A_442 = tpu.vector_load %arg11[%swap3A_440, %swap3A_441] {strides = array<i32>} : memref<128x128xf32, #tpu.memory_space<vmem>>, vector<1x16xf32>,
          %swap3A_443 = vector.shape_cast %swap3A_442 : vector<1x16xf32> to vector<16xf32>
          %swap3A_444 = vector.shape_cast %mul3A_437 : vector<16xf32> to vector<1x16xf32>
          tpu.vector_store %arg11[%swap3A_440, %swap3A_441], %swap3A_444 {strides = array<i32>} : memref<128x128xf32, #tpu.memory_space<vmem>>, vector<1x16xf32>,
          %broadcast_in_dim3A_445 = arith.constant 3 : i32
          %broadcast_in_dim3A_446 = vector.broadcast %broadcast_in_dim3A_445 : i32 to vector<16x1xi32>
          %gather3A_447 = vector.shape_cast %broadcast_in_dim3A_446 : vector<16x1xi32> to vector<16xi32>
          %gather3A_448 = tpu.dynamic_gather %get3A_98[%gather3A_447] in [0] : vector<16xf32>, vector<16xi32> -> vector<16xf32>
          %add3A_449 = arith.constant 3 : i32
          %add3A_450 = arith.addi %mul3A_94, %add3A_449 : i32
          %get3A_451 = arith.index_cast %add3A_450 : i32 to index
          %get3A_452 = arith.constant 0 : index
          %get3A_453 = tpu.vector_load %arg11[%get3A_451, %get3A_452] {strides = array<i32>} : memref<128x128xf32, #tpu.memory_space<vmem>>, vector<1x16xf32>,
          %get3A_454 = vector.shape_cast %get3A_453 : vector<1x16xf32> to vector<16xf32>
          %mul3A_455 = arith.mulf %get3A_454, %gather3A_448 : vector<16xf32>
          %add3A_456 = arith.constant 3 : i32
          %add3A_457 = arith.addi %mul3A_94, %add3A_456 : i32
          %swap3A_458 = arith.index_cast %add3A_457 : i32 to index
          %swap3A_459 = arith.constant 0 : index
          %swap3A_460 = tpu.vector_load %arg11[%swap3A_458, %swap3A_459] {strides = array<i32>} : memref<128x128xf32, #tpu.memory_space<vmem>>, vector<1x16xf32>,
          %swap3A_461 = vector.shape_cast %swap3A_460 : vector<1x16xf32> to vector<16xf32>
          %swap3A_462 = vector.shape_cast %mul3A_455 : vector<16xf32> to vector<1x16xf32>
          tpu.vector_store %arg11[%swap3A_458, %swap3A_459], %swap3A_462 {strides = array<i32>} : memref<128x128xf32, #tpu.memory_space<vmem>>, vector<1x16xf32>,
          %add3A_463 = arith.constant 3 : i32
          %add3A_464 = arith.addi %mul3A_94, %add3A_463 : i32
          %get3A_465 = arith.index_cast %add3A_464 : i32 to index
          %get3A_466 = arith.constant 16 : index
          %get3A_467 = tpu.vector_load %arg11[%get3A_465, %get3A_466] {strides = array<i32>} : memref<128x128xf32, #tpu.memory_space<vmem>>, vector<1x16xf32>,
          %get3A_468 = vector.shape_cast %get3A_467 : vector<1x16xf32> to vector<16xf32>
          %mul3A_469 = arith.mulf %get3A_468, %gather3A_448 : vector<16xf32>
          %add3A_470 = arith.constant 3 : i32
          %add3A_471 = arith.addi %mul3A_94, %add3A_470 : i32
          %swap3A_472 = arith.index_cast %add3A_471 : i32 to index
          %swap3A_473 = arith.constant 16 : index
          %swap3A_474 = tpu.vector_load %arg11[%swap3A_472, %swap3A_473] {strides = array<i32>} : memref<128x128xf32, #tpu.memory_space<vmem>>, vector<1x16xf32>,
          %swap3A_475 = vector.shape_cast %swap3A_474 : vector<1x16xf32> to vector<16xf32>
          %swap3A_476 = vector.shape_cast %mul3A_469 : vector<16xf32> to vector<1x16xf32>
          tpu.vector_store %arg11[%swap3A_472, %swap3A_473], %swap3A_476 {strides = array<i32>} : memref<128x128xf32, #tpu.memory_space<vmem>>, vector<1x16xf32>,
          %add3A_477 = arith.constant 3 : i32
          %add3A_478 = arith.addi %mul3A_94, %add3A_477 : i32
          %get3A_479 = arith.index_cast %add3A_478 : i32 to index
          %get3A_480 = arith.constant 32 : index
          %get3A_481 = tpu.vector_load %arg11[%get3A_479, %get3A_480] {strides = array<i32>} : memref<128x128xf32, #tpu.memory_space<vmem>>, vector<1x16xf32>,
          %get3A_482 = vector.shape_cast %get3A_481 : vector<1x16xf32> to vector<16xf32>
          %mul3A_483 = arith.mulf %get3A_482, %gather3A_448 : vector<16xf32>
          %add3A_484 = arith.constant 3 : i32
          %add3A_485 = arith.addi %mul3A_94, %add3A_484 : i32
          %swap3A_486 = arith.index_cast %add3A_485 : i32 to index
          %swap3A_487 = arith.constant 32 : index
          %swap3A_488 = tpu.vector_load %arg11[%swap3A_486, %swap3A_487] {strides = array<i32>} : memref<128x128xf32, #tpu.memory_space<vmem>>, vector<1x16xf32>,
          %swap3A_489 = vector.shape_cast %swap3A_488 : vector<1x16xf32> to vector<16xf32>
          %swap3A_490 = vector.shape_cast %mul3A_483 : vector<16xf32> to vector<1x16xf32>
          tpu.vector_store %arg11[%swap3A_486, %swap3A_487], %swap3A_490 {strides = array<i32>} : memref<128x128xf32, #tpu.memory_space<vmem>>, vector<1x16xf32>,
          %add3A_491 = arith.constant 3 : i32
          %add3A_492 = arith.addi %mul3A_94, %add3A_491 : i32
          %get3A_493 = arith.index_cast %add3A_492 : i32 to index
          %get3A_494 = arith.constant 48 : index
          %get3A_495 = tpu.vector_load %arg11[%get3A_493, %get3A_494] {strides = array<i32>} : memref<128x128xf32, #tpu.memory_space<vmem>>, vector<1x16xf32>,
          %get3A_496 = vector.shape_cast %get3A_495 : vector<1x16xf32> to vector<16xf32>
          %mul3A_497 = arith.mulf %get3A_496, %gather3A_448 : vector<16xf32>
          %add3A_498 = arith.constant 3 : i32
          %add3A_499 = arith.addi %mul3A_94, %add3A_498 : i32
          %swap3A_500 = arith.index_cast %add3A_499 : i32 to index
          %swap3A_501 = arith.constant 48 : index
          %swap3A_502 = tpu.vector_load %arg11[%swap3A_500, %swap3A_501] {strides = array<i32>} : memref<128x128xf32, #tpu.memory_space<vmem>>, vector<1x16xf32>,
          %swap3A_503 = vector.shape_cast %swap3A_502 : vector<1x16xf32> to vector<16xf32>
          %swap3A_504 = vector.shape_cast %mul3A_497 : vector<16xf32> to vector<1x16xf32>
          tpu.vector_store %arg11[%swap3A_500, %swap3A_501], %swap3A_504 {strides = array<i32>} : memref<128x128xf32, #tpu.memory_space<vmem>>, vector<1x16xf32>,
          %add3A_505 = arith.constant 3 : i32
          %add3A_506 = arith.addi %mul3A_94, %add3A_505 : i32
          %get3A_507 = arith.index_cast %add3A_506 : i32 to index
          %get3A_508 = arith.constant 64 : index
          %get3A_509 = tpu.vector_load %arg11[%get3A_507, %get3A_508] {strides = array<i32>} : memref<128x128xf32, #tpu.memory_space<vmem>>, vector<1x16xf32>,
          %get3A_510 = vector.shape_cast %get3A_509 : vector<1x16xf32> to vector<16xf32>
          %mul3A_511 = arith.mulf %get3A_510, %gather3A_448 : vector<16xf32>
          %add3A_512 = arith.constant 3 : i32
          %add3A_513 = arith.addi %mul3A_94, %add3A_512 : i32
          %swap3A_514 = arith.index_cast %add3A_513 : i32 to index
          %swap3A_515 = arith.constant 64 : index
          %swap3A_516 = tpu.vector_load %arg11[%swap3A_514, %swap3A_515] {strides = array<i32>} : memref<128x128xf32, #tpu.memory_space<vmem>>, vector<1x16xf32>,
          %swap3A_517 = vector.shape_cast %swap3A_516 : vector<1x16xf32> to vector<16xf32>
          %swap3A_518 = vector.shape_cast %mul3A_511 : vector<16xf32> to vector<1x16xf32>
          tpu.vector_store %arg11[%swap3A_514, %swap3A_515], %swap3A_518 {strides = array<i32>} : memref<128x128xf32, #tpu.memory_space<vmem>>, vector<1x16xf32>,
          %add3A_519 = arith.constant 3 : i32
          %add3A_520 = arith.addi %mul3A_94, %add3A_519 : i32
          %get3A_521 = arith.index_cast %add3A_520 : i32 to index
          %get3A_522 = arith.constant 80 : index
          %get3A_523 = tpu.vector_load %arg11[%get3A_521, %get3A_522] {strides = array<i32>} : memref<128x128xf32, #tpu.memory_space<vmem>>, vector<1x16xf32>,
          %get3A_524 = vector.shape_cast %get3A_523 : vector<1x16xf32> to vector<16xf32>
          %mul3A_525 = arith.mulf %get3A_524, %gather3A_448 : vector<16xf32>
          %add3A_526 = arith.constant 3 : i32
          %add3A_527 = arith.addi %mul3A_94, %add3A_526 : i32
          %swap3A_528 = arith.index_cast %add3A_527 : i32 to index
          %swap3A_529 = arith.constant 80 : index
          %swap3A_530 = tpu.vector_load %arg11[%swap3A_528, %swap3A_529] {strides = array<i32>} : memref<128x128xf32, #tpu.memory_space<vmem>>, vector<1x16xf32>,
          %swap3A_531 = vector.shape_cast %swap3A_530 : vector<1x16xf32> to vector<16xf32>
          %swap3A_532 = vector.shape_cast %mul3A_525 : vector<16xf32> to vector<1x16xf32>
          tpu.vector_store %arg11[%swap3A_528, %swap3A_529], %swap3A_532 {strides = array<i32>} : memref<128x128xf32, #tpu.memory_space<vmem>>, vector<1x16xf32>,
          %add3A_533 = arith.constant 3 : i32
          %add3A_534 = arith.addi %mul3A_94, %add3A_533 : i32
          %get3A_535 = arith.index_cast %add3A_534 : i32 to index
          %get3A_536 = arith.constant 96 : index
          %get3A_537 = tpu.vector_load %arg11[%get3A_535, %get3A_536] {strides = array<i32>} : memref<128x128xf32, #tpu.memory_space<vmem>>, vector<1x16xf32>,
          %get3A_538 = vector.shape_cast %get3A_537 : vector<1x16xf32> to vector<16xf32>
          %mul3A_539 = arith.mulf %get3A_538, %gather3A_448 : vector<16xf32>
          %add3A_540 = arith.constant 3 : i32
          %add3A_541 = arith.addi %mul3A_94, %add3A_540 : i32
          %swap3A_542 = arith.index_cast %add3A_541 : i32 to index
          %swap3A_543 = arith.constant 96 : index
          %swap3A_544 = tpu.vector_load %arg11[%swap3A_542, %swap3A_543] {strides = array<i32>} : memref<128x128xf32, #tpu.memory_space<vmem>>, vector<1x16xf32>,
          %swap3A_545 = vector.shape_cast %swap3A_544 : vector<1x16xf32> to vector<16xf32>
          %swap3A_546 = vector.shape_cast %mul3A_539 : vector<16xf32> to vector<1x16xf32>
          tpu.vector_store %arg11[%swap3A_542, %swap3A_543], %swap3A_546 {strides = array<i32>} : memref<128x128xf32, #tpu.memory_space<vmem>>, vector<1x16xf32>,
          %add3A_547 = arith.constant 3 : i32
          %add3A_548 = arith.addi %mul3A_94, %add3A_547 : i32
          %get3A_549 = arith.index_cast %add3A_548 : i32 to index
          %get3A_550 = arith.constant 112 : index
          %get3A_551 = tpu.vector_load %arg11[%get3A_549, %get3A_550] {strides = array<i32>} : memref<128x128xf32, #tpu.memory_space<vmem>>, vector<1x16xf32>,
          %get3A_552 = vector.shape_cast %get3A_551 : vector<1x16xf32> to vector<16xf32>
          %mul3A_553 = arith.mulf %get3A_552, %gather3A_448 : vector<16xf32>
          %add3A_554 = arith.constant 3 : i32
          %add3A_555 = arith.addi %mul3A_94, %add3A_554 : i32
          %swap3A_556 = arith.index_cast %add3A_555 : i32 to index
          %swap3A_557 = arith.constant 112 : index
          %swap3A_558 = tpu.vector_load %arg11[%swap3A_556, %swap3A_557] {strides = array<i32>} : memref<128x128xf32, #tpu.memory_space<vmem>>, vector<1x16xf32>,
          %swap3A_559 = vector.shape_cast %swap3A_558 : vector<1x16xf32> to vector<16xf32>
          %swap3A_560 = vector.shape_cast %mul3A_553 : vector<16xf32> to vector<1x16xf32>
          tpu.vector_store %arg11[%swap3A_556, %swap3A_557], %swap3A_560 {strides = array<i32>} : memref<128x128xf32, #tpu.memory_space<vmem>>, vector<1x16xf32>,
          %broadcast_in_dim3A_561 = arith.constant 4 : i32
          %broadcast_in_dim3A_562 = vector.broadcast %broadcast_in_dim3A_561 : i32 to vector<16x1xi32>
          %gather3A_563 = vector.shape_cast %broadcast_in_dim3A_562 : vector<16x1xi32> to vector<16xi32>
          %gather3A_564 = tpu.dynamic_gather %get3A_98[%gather3A_563] in [0] : vector<16xf32>, vector<16xi32> -> vector<16xf32>
          %add3A_565 = arith.constant 4 : i32
          %add3A_566 = arith.addi %mul3A_94, %add3A_565 : i32
          %get3A_567 = arith.index_cast %add3A_566 : i32 to index
          %get3A_568 = arith.constant 0 : index
          %get3A_569 = tpu.vector_load %arg11[%get3A_567, %get3A_568] {strides = array<i32>} : memref<128x128xf32, #tpu.memory_space<vmem>>, vector<1x16xf32>,
          %get3A_570 = vector.shape_cast %get3A_569 : vector<1x16xf32> to vector<16xf32>
          %mul3A_571 = arith.mulf %get3A_570, %gather3A_564 : vector<16xf32>
          %add3A_572 = arith.constant 4 : i32
          %add3A_573 = arith.addi %mul3A_94, %add3A_572 : i32
          %swap3A_574 = arith.index_cast %add3A_573 : i32 to index
          %swap3A_575 = arith.constant 0 : index
          %swap3A_576 = tpu.vector_load %arg11[%swap3A_574, %swap3A_575] {strides = array<i32>} : memref<128x128xf32, #tpu.memory_space<vmem>>, vector<1x16xf32>,
          %swap3A_577 = vector.shape_cast %swap3A_576 : vector<1x16xf32> to vector<16xf32>
          %swap3A_578 = vector.shape_cast %mul3A_571 : vector<16xf32> to vector<1x16xf32>
          tpu.vector_store %arg11[%swap3A_574, %swap3A_575], %swap3A_578 {strides = array<i32>} : memref<128x128xf32, #tpu.memory_space<vmem>>, vector<1x16xf32>,
          %add3A_579 = arith.constant 4 : i32
          %add3A_580 = arith.addi %mul3A_94, %add3A_579 : i32
          %get3A_581 = arith.index_cast %add3A_580 : i32 to index
          %get3A_582 = arith.constant 16 : index
          %get3A_583 = tpu.vector_load %arg11[%get3A_581, %get3A_582] {strides = array<i32>} : memref<128x128xf32, #tpu.memory_space<vmem>>, vector<1x16xf32>,
          %get3A_584 = vector.shape_cast %get3A_583 : vector<1x16xf32> to vector<16xf32>
          %mul3A_585 = arith.mulf %get3A_584, %gather3A_564 : vector<16xf32>
          %add3A_586 = arith.constant 4 : i32
          %add3A_587 = arith.addi %mul3A_94, %add3A_586 : i32
          %swap3A_588 = arith.index_cast %add3A_587 : i32 to index
          %swap3A_589 = arith.constant 16 : index
          %swap3A_590 = tpu.vector_load %arg11[%swap3A_588, %swap3A_589] {strides = array<i32>} : memref<128x128xf32, #tpu.memory_space<vmem>>, vector<1x16xf32>,
          %swap3A_591 = vector.shape_cast %swap3A_590 : vector<1x16xf32> to vector<16xf32>
          %swap3A_592 = vector.shape_cast %mul3A_585 : vector<16xf32> to vector<1x16xf32>
          tpu.vector_store %arg11[%swap3A_588, %swap3A_589], %swap3A_592 {strides = array<i32>} : memref<128x128xf32, #tpu.memory_space<vmem>>, vector<1x16xf32>,
          %add3A_593 = arith.constant 4 : i32
          %add3A_594 = arith.addi %mul3A_94, %add3A_593 : i32
          %get3A_595 = arith.index_cast %add3A_594 : i32 to index
          %get3A_596 = arith.constant 32 : index
          %get3A_597 = tpu.vector_load %arg11[%get3A_595, %get3A_596] {strides = array<i32>} : memref<128x128xf32, #tpu.memory_space<vmem>>, vector<1x16xf32>,
          %get3A_598 = vector.shape_cast %get3A_597 : vector<1x16xf32> to vector<16xf32>
          %mul3A_599 = arith.mulf %get3A_598, %gather3A_564 : vector<16xf32>
          %add3A_600 = arith.constant 4 : i32
          %add3A_601 = arith.addi %mul3A_94, %add3A_600 : i32
          %swap3A_602 = arith.index_cast %add3A_601 : i32 to index
          %swap3A_603 = arith.constant 32 : index
          %swap3A_604 = tpu.vector_load %arg11[%swap3A_602, %swap3A_603] {strides = array<i32>} : memref<128x128xf32, #tpu.memory_space<vmem>>, vector<1x16xf32>,
          %swap3A_605 = vector.shape_cast %swap3A_604 : vector<1x16xf32> to vector<16xf32>
          %swap3A_606 = vector.shape_cast %mul3A_599 : vector<16xf32> to vector<1x16xf32>
          tpu.vector_store %arg11[%swap3A_602, %swap3A_603], %swap3A_606 {strides = array<i32>} : memref<128x128xf32, #tpu.memory_space<vmem>>, vector<1x16xf32>,
          %add3A_607 = arith.constant 4 : i32
          %add3A_608 = arith.addi %mul3A_94, %add3A_607 : i32
          %get3A_609 = arith.index_cast %add3A_608 : i32 to index
          %get3A_610 = arith.constant 48 : index
          %get3A_611 = tpu.vector_load %arg11[%get3A_609, %get3A_610] {strides = array<i32>} : memref<128x128xf32, #tpu.memory_space<vmem>>, vector<1x16xf32>,
          %get3A_612 = vector.shape_cast %get3A_611 : vector<1x16xf32> to vector<16xf32>
          %mul3A_613 = arith.mulf %get3A_612, %gather3A_564 : vector<16xf32>
          %add3A_614 = arith.constant 4 : i32
          %add3A_615 = arith.addi %mul3A_94, %add3A_614 : i32
          %swap3A_616 = arith.index_cast %add3A_615 : i32 to index
          %swap3A_617 = arith.constant 48 : index
          %swap3A_618 = tpu.vector_load %arg11[%swap3A_616, %swap3A_617] {strides = array<i32>} : memref<128x128xf32, #tpu.memory_space<vmem>>, vector<1x16xf32>,
          %swap3A_619 = vector.shape_cast %swap3A_618 : vector<1x16xf32> to vector<16xf32>
          %swap3A_620 = vector.shape_cast %mul3A_613 : vector<16xf32> to vector<1x16xf32>
          tpu.vector_store %arg11[%swap3A_616, %swap3A_617], %swap3A_620 {strides = array<i32>} : memref<128x128xf32, #tpu.memory_space<vmem>>, vector<1x16xf32>,
          %add3A_621 = arith.constant 4 : i32
          %add3A_622 = arith.addi %mul3A_94, %add3A_621 : i32
          %get3A_623 = arith.index_cast %add3A_622 : i32 to index
          %get3A_624 = arith.constant 64 : index
          %get3A_625 = tpu.vector_load %arg11[%get3A_623, %get3A_624] {strides = array<i32>} : memref<128x128xf32, #tpu.memory_space<vmem>>, vector<1x16xf32>,
          %get3A_626 = vector.shape_cast %get3A_625 : vector<1x16xf32> to vector<16xf32>
          %mul3A_627 = arith.mulf %get3A_626, %gather3A_564 : vector<16xf32>
          %add3A_628 = arith.constant 4 : i32
          %add3A_629 = arith.addi %mul3A_94, %add3A_628 : i32
          %swap3A_630 = arith.index_cast %add3A_629 : i32 to index
          %swap3A_631 = arith.constant 64 : index
          %swap3A_632 = tpu.vector_load %arg11[%swap3A_630, %swap3A_631] {strides = array<i32>} : memref<128x128xf32, #tpu.memory_space<vmem>>, vector<1x16xf32>,
          %swap3A_633 = vector.shape_cast %swap3A_632 : vector<1x16xf32> to vector<16xf32>
          %swap3A_634 = vector.shape_cast %mul3A_627 : vector<16xf32> to vector<1x16xf32>
          tpu.vector_store %arg11[%swap3A_630, %swap3A_631], %swap3A_634 {strides = array<i32>} : memref<128x128xf32, #tpu.memory_space<vmem>>, vector<1x16xf32>,
          %add3A_635 = arith.constant 4 : i32
          %add3A_636 = arith.addi %mul3A_94, %add3A_635 : i32
          %get3A_637 = arith.index_cast %add3A_636 : i32 to index
          %get3A_638 = arith.constant 80 : index
          %get3A_639 = tpu.vector_load %arg11[%get3A_637, %get3A_638] {strides = array<i32>} : memref<128x128xf32, #tpu.memory_space<vmem>>, vector<1x16xf32>,
          %get3A_640 = vector.shape_cast %get3A_639 : vector<1x16xf32> to vector<16xf32>
          %mul3A_641 = arith.mulf %get3A_640, %gather3A_564 : vector<16xf32>
          %add3A_642 = arith.constant 4 : i32
          %add3A_643 = arith.addi %mul3A_94, %add3A_642 : i32
          %swap3A_644 = arith.index_cast %add3A_643 : i32 to index
          %swap3A_645 = arith.constant 80 : index
          %swap3A_646 = tpu.vector_load %arg11[%swap3A_644, %swap3A_645] {strides = array<i32>} : memref<128x128xf32, #tpu.memory_space<vmem>>, vector<1x16xf32>,
          %swap3A_647 = vector.shape_cast %swap3A_646 : vector<1x16xf32> to vector<16xf32>
          %swap3A_648 = vector.shape_cast %mul3A_641 : vector<16xf32> to vector<1x16xf32>
          tpu.vector_store %arg11[%swap3A_644, %swap3A_645], %swap3A_648 {strides = array<i32>} : memref<128x128xf32, #tpu.memory_space<vmem>>, vector<1x16xf32>,
          %add3A_649 = arith.constant 4 : i32
          %add3A_650 = arith.addi %mul3A_94, %add3A_649 : i32
          %get3A_651 = arith.index_cast %add3A_650 : i32 to index
          %get3A_652 = arith.constant 96 : index
          %get3A_653 = tpu.vector_load %arg11[%get3A_651, %get3A_652] {strides = array<i32>} : memref<128x128xf32, #tpu.memory_space<vmem>>, vector<1x16xf32>,
          %get3A_654 = vector.shape_cast %get3A_653 : vector<1x16xf32> to vector<16xf32>
          %mul3A_655 = arith.mulf %get3A_654, %gather3A_564 : vector<16xf32>
          %add3A_656 = arith.constant 4 : i32
          %add3A_657 = arith.addi %mul3A_94, %add3A_656 : i32
          %swap3A_658 = arith.index_cast %add3A_657 : i32 to index
          %swap3A_659 = arith.constant 96 : index
          %swap3A_660 = tpu.vector_load %arg11[%swap3A_658, %swap3A_659] {strides = array<i32>} : memref<128x128xf32, #tpu.memory_space<vmem>>, vector<1x16xf32>,
          %swap3A_661 = vector.shape_cast %swap3A_660 : vector<1x16xf32> to vector<16xf32>
          %swap3A_662 = vector.shape_cast %mul3A_655 : vector<16xf32> to vector<1x16xf32>
          tpu.vector_store %arg11[%swap3A_658, %swap3A_659], %swap3A_662 {strides = array<i32>} : memref<128x128xf32, #tpu.memory_space<vmem>>, vector<1x16xf32>,
          %add3A_663 = arith.constant 4 : i32
          %add3A_664 = arith.addi %mul3A_94, %add3A_663 : i32
          %get3A_665 = arith.index_cast %add3A_664 : i32 to index
          %get3A_666 = arith.constant 112 : index
          %get3A_667 = tpu.vector_load %arg11[%get3A_665, %get3A_666] {strides = array<i32>} : memref<128x128xf32, #tpu.memory_space<vmem>>, vector<1x16xf32>,
          %get3A_668 = vector.shape_cast %get3A_667 : vector<1x16xf32> to vector<16xf32>
          %mul3A_669 = arith.mulf %get3A_668, %gather3A_564 : vector<16xf32>
          %add3A_670 = arith.constant 4 : i32
          %add3A_671 = arith.addi %mul3A_94, %add3A_670 : i32
          %swap3A_672 = arith.index_cast %add3A_671 : i32 to index
          %swap3A_673 = arith.constant 112 : index
          %swap3A_674 = tpu.vector_load %arg11[%swap3A_672, %swap3A_673] {strides = array<i32>} : memref<128x128xf32, #tpu.memory_space<vmem>>, vector<1x16xf32>,
          %swap3A_675 = vector.shape_cast %swap3A_674 : vector<1x16xf32> to vector<16xf32>
          %swap3A_676 = vector.shape_cast %mul3A_669 : vector<16xf32> to vector<1x16xf32>
          tpu.vector_store %arg11[%swap3A_672, %swap3A_673], %swap3A_676 {strides = array<i32>} : memref<128x128xf32, #tpu.memory_space<vmem>>, vector<1x16xf32>,
          %broadcast_in_dim3A_677 = arith.constant 5 : i32
          %broadcast_in_dim3A_678 = vector.broadcast %broadcast_in_dim3A_677 : i32 to vector<16x1xi32>
          %gather3A_679 = vector.shape_cast %broadcast_in_dim3A_678 : vector<16x1xi32> to vector<16xi32>
          %gather3A_680 = tpu.dynamic_gather %get3A_98[%gather3A_679] in [0] : vector<16xf32>, vector<16xi32> -> vector<16xf32>
          %add3A_681 = arith.constant 5 : i32
          %add3A_682 = arith.addi %mul3A_94, %add3A_681 : i32
          %get3A_683 = arith.index_cast %add3A_682 : i32 to index
          %get3A_684 = arith.constant 0 : index
          %get3A_685 = tpu.vector_load %arg11[%get3A_683, %get3A_684] {strides = array<i32>} : memref<128x128xf32, #tpu.memory_space<vmem>>, vector<1x16xf32>,
          %get3A_686 = vector.shape_cast %get3A_685 : vector<1x16xf32> to vector<16xf32>
          %mul3A_687 = arith.mulf %get3A_686, %gather3A_680 : vector<16xf32>
          %add3A_688 = arith.constant 5 : i32
          %add3A_689 = arith.addi %mul3A_94, %add3A_688 : i32
          %swap3A_690 = arith.index_cast %add3A_689 : i32 to index
          %swap3A_691 = arith.constant 0 : index
          %swap3A_692 = tpu.vector_load %arg11[%swap3A_690, %swap3A_691] {strides = array<i32>} : memref<128x128xf32, #tpu.memory_space<vmem>>, vector<1x16xf32>,
          %swap3A_693 = vector.shape_cast %swap3A_692 : vector<1x16xf32> to vector<16xf32>
          %swap3A_694 = vector.shape_cast %mul3A_687 : vector<16xf32> to vector<1x16xf32>
          tpu.vector_store %arg11[%swap3A_690, %swap3A_691], %swap3A_694 {strides = array<i32>} : memref<128x128xf32, #tpu.memory_space<vmem>>, vector<1x16xf32>,
          %add3A_695 = arith.constant 5 : i32
          %add3A_696 = arith.addi %mul3A_94, %add3A_695 : i32
          %get3A_697 = arith.index_cast %add3A_696 : i32 to index
          %get3A_698 = arith.constant 16 : index
          %get3A_699 = tpu.vector_load %arg11[%get3A_697, %get3A_698] {strides = array<i32>} : memref<128x128xf32, #tpu.memory_space<vmem>>, vector<1x16xf32>,
          %get3A_700 = vector.shape_cast %get3A_699 : vector<1x16xf32> to vector<16xf32>
          %mul3A_701 = arith.mulf %get3A_700, %gather3A_680 : vector<16xf32>
          %add3A_702 = arith.constant 5 : i32
          %add3A_703 = arith.addi %mul3A_94, %add3A_702 : i32
          %swap3A_704 = arith.index_cast %add3A_703 : i32 to index
          %swap3A_705 = arith.constant 16 : index
          %swap3A_706 = tpu.vector_load %arg11[%swap3A_704, %swap3A_705] {strides = array<i32>} : memref<128x128xf32, #tpu.memory_space<vmem>>, vector<1x16xf32>,
          %swap3A_707 = vector.shape_cast %swap3A_706 : vector<1x16xf32> to vector<16xf32>
          %swap3A_708 = vector.shape_cast %mul3A_701 : vector<16xf32> to vector<1x16xf32>
          tpu.vector_store %arg11[%swap3A_704, %swap3A_705], %swap3A_708 {strides = array<i32>} : memref<128x128xf32, #tpu.memory_space<vmem>>, vector<1x16xf32>,
          %add3A_709 = arith.constant 5 : i32
          %add3A_710 = arith.addi %mul3A_94, %add3A_709 : i32
          %get3A_711 = arith.index_cast %add3A_710 : i32 to index
          %get3A_712 = arith.constant 32 : index
          %get3A_713 = tpu.vector_load %arg11[%get3A_711, %get3A_712] {strides = array<i32>} : memref<128x128xf32, #tpu.memory_space<vmem>>, vector<1x16xf32>,
          %get3A_714 = vector.shape_cast %get3A_713 : vector<1x16xf32> to vector<16xf32>
          %mul3A_715 = arith.mulf %get3A_714, %gather3A_680 : vector<16xf32>
          %add3A_716 = arith.constant 5 : i32
          %add3A_717 = arith.addi %mul3A_94, %add3A_716 : i32
          %swap3A_718 = arith.index_cast %add3A_717 : i32 to index
          %swap3A_719 = arith.constant 32 : index
          %swap3A_720 = tpu.vector_load %arg11[%swap3A_718, %swap3A_719] {strides = array<i32>} : memref<128x128xf32, #tpu.memory_space<vmem>>, vector<1x16xf32>,
          %swap3A_721 = vector.shape_cast %swap3A_720 : vector<1x16xf32> to vector<16xf32>
          %swap3A_722 = vector.shape_cast %mul3A_715 : vector<16xf32> to vector<1x16xf32>
          tpu.vector_store %arg11[%swap3A_718, %swap3A_719], %swap3A_722 {strides = array<i32>} : memref<128x128xf32, #tpu.memory_space<vmem>>, vector<1x16xf32>,
          %add3A_723 = arith.constant 5 : i32
          %add3A_724 = arith.addi %mul3A_94, %add3A_723 : i32
          %get3A_725 = arith.index_cast %add3A_724 : i32 to index
          %get3A_726 = arith.constant 48 : index
          %get3A_727 = tpu.vector_load %arg11[%get3A_725, %get3A_726] {strides = array<i32>} : memref<128x128xf32, #tpu.memory_space<vmem>>, vector<1x16xf32>,
          %get3A_728 = vector.shape_cast %get3A_727 : vector<1x16xf32> to vector<16xf32>
          %mul3A_729 = arith.mulf %get3A_728, %gather3A_680 : vector<16xf32>
          %add3A_730 = arith.constant 5 : i32
          %add3A_731 = arith.addi %mul3A_94, %add3A_730 : i32
          %swap3A_732 = arith.index_cast %add3A_731 : i32 to index
          %swap3A_733 = arith.constant 48 : index
          %swap3A_734 = tpu.vector_load %arg11[%swap3A_732, %swap3A_733] {strides = array<i32>} : memref<128x128xf32, #tpu.memory_space<vmem>>, vector<1x16xf32>,
          %swap3A_735 = vector.shape_cast %swap3A_734 : vector<1x16xf32> to vector<16xf32>
          %swap3A_736 = vector.shape_cast %mul3A_729 : vector<16xf32> to vector<1x16xf32>
          tpu.vector_store %arg11[%swap3A_732, %swap3A_733], %swap3A_736 {strides = array<i32>} : memref<128x128xf32, #tpu.memory_space<vmem>>, vector<1x16xf32>,
          %add3A_737 = arith.constant 5 : i32
          %add3A_738 = arith.addi %mul3A_94, %add3A_737 : i32
          %get3A_739 = arith.index_cast %add3A_738 : i32 to index
          %get3A_740 = arith.constant 64 : index
          %get3A_741 = tpu.vector_load %arg11[%get3A_739, %get3A_740] {strides = array<i32>} : memref<128x128xf32, #tpu.memory_space<vmem>>, vector<1x16xf32>,
          %get3A_742 = vector.shape_cast %get3A_741 : vector<1x16xf32> to vector<16xf32>
          %mul3A_743 = arith.mulf %get3A_742, %gather3A_680 : vector<16xf32>
          %add3A_744 = arith.constant 5 : i32
          %add3A_745 = arith.addi %mul3A_94, %add3A_744 : i32
          %swap3A_746 = arith.index_cast %add3A_745 : i32 to index
          %swap3A_747 = arith.constant 64 : index
          %swap3A_748 = tpu.vector_load %arg11[%swap3A_746, %swap3A_747] {strides = array<i32>} : memref<128x128xf32, #tpu.memory_space<vmem>>, vector<1x16xf32>,
          %swap3A_749 = vector.shape_cast %swap3A_748 : vector<1x16xf32> to vector<16xf32>
          %swap3A_750 = vector.shape_cast %mul3A_743 : vector<16xf32> to vector<1x16xf32>
          tpu.vector_store %arg11[%swap3A_746, %swap3A_747], %swap3A_750 {strides = array<i32>} : memref<128x128xf32, #tpu.memory_space<vmem>>, vector<1x16xf32>,
          %add3A_751 = arith.constant 5 : i32
          %add3A_752 = arith.addi %mul3A_94, %add3A_751 : i32
          %get3A_753 = arith.index_cast %add3A_752 : i32 to index
          %get3A_754 = arith.constant 80 : index
          %get3A_755 = tpu.vector_load %arg11[%get3A_753, %get3A_754] {strides = array<i32>} : memref<128x128xf32, #tpu.memory_space<vmem>>, vector<1x16xf32>,
          %get3A_756 = vector.shape_cast %get3A_755 : vector<1x16xf32> to vector<16xf32>
          %mul3A_757 = arith.mulf %get3A_756, %gather3A_680 : vector<16xf32>
          %add3A_758 = arith.constant 5 : i32
          %add3A_759 = arith.addi %mul3A_94, %add3A_758 : i32
          %swap3A_760 = arith.index_cast %add3A_759 : i32 to index
          %swap3A_761 = arith.constant 80 : index
          %swap3A_762 = tpu.vector_load %arg11[%swap3A_760, %swap3A_761] {strides = array<i32>} : memref<128x128xf32, #tpu.memory_space<vmem>>, vector<1x16xf32>,
          %swap3A_763 = vector.shape_cast %swap3A_762 : vector<1x16xf32> to vector<16xf32>
          %swap3A_764 = vector.shape_cast %mul3A_757 : vector<16xf32> to vector<1x16xf32>
          tpu.vector_store %arg11[%swap3A_760, %swap3A_761], %swap3A_764 {strides = array<i32>} : memref<128x128xf32, #tpu.memory_space<vmem>>, vector<1x16xf32>,
          %add3A_765 = arith.constant 5 : i32
          %add3A_766 = arith.addi %mul3A_94, %add3A_765 : i32
          %get3A_767 = arith.index_cast %add3A_766 : i32 to index
          %get3A_768 = arith.constant 96 : index
          %get3A_769 = tpu.vector_load %arg11[%get3A_767, %get3A_768] {strides = array<i32>} : memref<128x128xf32, #tpu.memory_space<vmem>>, vector<1x16xf32>,
          %get3A_770 = vector.shape_cast %get3A_769 : vector<1x16xf32> to vector<16xf32>
          %mul3A_771 = arith.mulf %get3A_770, %gather3A_680 : vector<16xf32>
          %add3A_772 = arith.constant 5 : i32
          %add3A_773 = arith.addi %mul3A_94, %add3A_772 : i32
          %swap3A_774 = arith.index_cast %add3A_773 : i32 to index
          %swap3A_775 = arith.constant 96 : index
          %swap3A_776 = tpu.vector_load %arg11[%swap3A_774, %swap3A_775] {strides = array<i32>} : memref<128x128xf32, #tpu.memory_space<vmem>>, vector<1x16xf32>,
          %swap3A_777 = vector.shape_cast %swap3A_776 : vector<1x16xf32> to vector<16xf32>
          %swap3A_778 = vector.shape_cast %mul3A_771 : vector<16xf32> to vector<1x16xf32>
          tpu.vector_store %arg11[%swap3A_774, %swap3A_775], %swap3A_778 {strides = array<i32>} : memref<128x128xf32, #tpu.memory_space<vmem>>, vector<1x16xf32>,
          %add3A_779 = arith.constant 5 : i32
          %add3A_780 = arith.addi %mul3A_94, %add3A_779 : i32
          %get3A_781 = arith.index_cast %add3A_780 : i32 to index
          %get3A_782 = arith.constant 112 : index
          %get3A_783 = tpu.vector_load %arg11[%get3A_781, %get3A_782] {strides = array<i32>} : memref<128x128xf32, #tpu.memory_space<vmem>>, vector<1x16xf32>,
          %get3A_784 = vector.shape_cast %get3A_783 : vector<1x16xf32> to vector<16xf32>
          %mul3A_785 = arith.mulf %get3A_784, %gather3A_680 : vector<16xf32>
          %add3A_786 = arith.constant 5 : i32
          %add3A_787 = arith.addi %mul3A_94, %add3A_786 : i32
          %swap3A_788 = arith.index_cast %add3A_787 : i32 to index
          %swap3A_789 = arith.constant 112 : index
          %swap3A_790 = tpu.vector_load %arg11[%swap3A_788, %swap3A_789] {strides = array<i32>} : memref<128x128xf32, #tpu.memory_space<vmem>>, vector<1x16xf32>,
          %swap3A_791 = vector.shape_cast %swap3A_790 : vector<1x16xf32> to vector<16xf32>
          %swap3A_792 = vector.shape_cast %mul3A_785 : vector<16xf32> to vector<1x16xf32>
          tpu.vector_store %arg11[%swap3A_788, %swap3A_789], %swap3A_792 {strides = array<i32>} : memref<128x128xf32, #tpu.memory_space<vmem>>, vector<1x16xf32>,
          %broadcast_in_dim3A_793 = arith.constant 6 : i32
          %broadcast_in_dim3A_794 = vector.broadcast %broadcast_in_dim3A_793 : i32 to vector<16x1xi32>
          %gather3A_795 = vector.shape_cast %broadcast_in_dim3A_794 : vector<16x1xi32> to vector<16xi32>
          %gather3A_796 = tpu.dynamic_gather %get3A_98[%gather3A_795] in [0] : vector<16xf32>, vector<16xi32> -> vector<16xf32>
          %add3A_797 = arith.constant 6 : i32
          %add3A_798 = arith.addi %mul3A_94, %add3A_797 : i32
          %get3A_799 = arith.index_cast %add3A_798 : i32 to index
          %get3A_800 = arith.constant 0 : index
          %get3A_801 = tpu.vector_load %arg11[%get3A_799, %get3A_800] {strides = array<i32>} : memref<128x128xf32, #tpu.memory_space<vmem>>, vector<1x16xf32>,
          %get3A_802 = vector.shape_cast %get3A_801 : vector<1x16xf32> to vector<16xf32>
          %mul3A_803 = arith.mulf %get3A_802, %gather3A_796 : vector<16xf32>
          %add3A_804 = arith.constant 6 : i32
          %add3A_805 = arith.addi %mul3A_94, %add3A_804 : i32
          %swap3A_806 = arith.index_cast %add3A_805 : i32 to index
          %swap3A_807 = arith.constant 0 : index
          %swap3A_808 = tpu.vector_load %arg11[%swap3A_806, %swap3A_807] {strides = array<i32>} : memref<128x128xf32, #tpu.memory_space<vmem>>, vector<1x16xf32>,
          %swap3A_809 = vector.shape_cast %swap3A_808 : vector<1x16xf32> to vector<16xf32>
          %swap3A_810 = vector.shape_cast %mul3A_803 : vector<16xf32> to vector<1x16xf32>
          tpu.vector_store %arg11[%swap3A_806, %swap3A_807], %swap3A_810 {strides = array<i32>} : memref<128x128xf32, #tpu.memory_space<vmem>>, vector<1x16xf32>,
          %add3A_811 = arith.constant 6 : i32
          %add3A_812 = arith.addi %mul3A_94, %add3A_811 : i32
          %get3A_813 = arith.index_cast %add3A_812 : i32 to index
          %get3A_814 = arith.constant 16 : index
          %get3A_815 = tpu.vector_load %arg11[%get3A_813, %get3A_814] {strides = array<i32>} : memref<128x128xf32, #tpu.memory_space<vmem>>, vector<1x16xf32>,
          %get3A_816 = vector.shape_cast %get3A_815 : vector<1x16xf32> to vector<16xf32>
          %mul3A_817 = arith.mulf %get3A_816, %gather3A_796 : vector<16xf32>
          %add3A_818 = arith.constant 6 : i32
          %add3A_819 = arith.addi %mul3A_94, %add3A_818 : i32
          %swap3A_820 = arith.index_cast %add3A_819 : i32 to index
          %swap3A_821 = arith.constant 16 : index
          %swap3A_822 = tpu.vector_load %arg11[%swap3A_820, %swap3A_821] {strides = array<i32>} : memref<128x128xf32, #tpu.memory_space<vmem>>, vector<1x16xf32>,
          %swap3A_823 = vector.shape_cast %swap3A_822 : vector<1x16xf32> to vector<16xf32>
          %swap3A_824 = vector.shape_cast %mul3A_817 : vector<16xf32> to vector<1x16xf32>
          tpu.vector_store %arg11[%swap3A_820, %swap3A_821], %swap3A_824 {strides = array<i32>} : memref<128x128xf32, #tpu.memory_space<vmem>>, vector<1x16xf32>,
          %add3A_825 = arith.constant 6 : i32
          %add3A_826 = arith.addi %mul3A_94, %add3A_825 : i32
          %get3A_827 = arith.index_cast %add3A_826 : i32 to index
          %get3A_828 = arith.constant 32 : index
          %get3A_829 = tpu.vector_load %arg11[%get3A_827, %get3A_828] {strides = array<i32>} : memref<128x128xf32, #tpu.memory_space<vmem>>, vector<1x16xf32>,
          %get3A_830 = vector.shape_cast %get3A_829 : vector<1x16xf32> to vector<16xf32>
          %mul3A_831 = arith.mulf %get3A_830, %gather3A_796 : vector<16xf32>
          %add3A_832 = arith.constant 6 : i32
          %add3A_833 = arith.addi %mul3A_94, %add3A_832 : i32
          %swap3A_834 = arith.index_cast %add3A_833 : i32 to index
          %swap3A_835 = arith.constant 32 : index
          %swap3A_836 = tpu.vector_load %arg11[%swap3A_834, %swap3A_835] {strides = array<i32>} : memref<128x128xf32, #tpu.memory_space<vmem>>, vector<1x16xf32>,
          %swap3A_837 = vector.shape_cast %swap3A_836 : vector<1x16xf32> to vector<16xf32>
          %swap3A_838 = vector.shape_cast %mul3A_831 : vector<16xf32> to vector<1x16xf32>
          tpu.vector_store %arg11[%swap3A_834, %swap3A_835], %swap3A_838 {strides = array<i32>} : memref<128x128xf32, #tpu.memory_space<vmem>>, vector<1x16xf32>,
          %add3A_839 = arith.constant 6 : i32
          %add3A_840 = arith.addi %mul3A_94, %add3A_839 : i32
          %get3A_841 = arith.index_cast %add3A_840 : i32 to index
          %get3A_842 = arith.constant 48 : index
          %get3A_843 = tpu.vector_load %arg11[%get3A_841, %get3A_842] {strides = array<i32>} : memref<128x128xf32, #tpu.memory_space<vmem>>, vector<1x16xf32>,
          %get3A_844 = vector.shape_cast %get3A_843 : vector<1x16xf32> to vector<16xf32>
          %mul3A_845 = arith.mulf %get3A_844, %gather3A_796 : vector<16xf32>
          %add3A_846 = arith.constant 6 : i32
          %add3A_847 = arith.addi %mul3A_94, %add3A_846 : i32
          %swap3A_848 = arith.index_cast %add3A_847 : i32 to index
          %swap3A_849 = arith.constant 48 : index
          %swap3A_850 = tpu.vector_load %arg11[%swap3A_848, %swap3A_849] {strides = array<i32>} : memref<128x128xf32, #tpu.memory_space<vmem>>, vector<1x16xf32>,
          %swap3A_851 = vector.shape_cast %swap3A_850 : vector<1x16xf32> to vector<16xf32>
          %swap3A_852 = vector.shape_cast %mul3A_845 : vector<16xf32> to vector<1x16xf32>
          tpu.vector_store %arg11[%swap3A_848, %swap3A_849], %swap3A_852 {strides = array<i32>} : memref<128x128xf32, #tpu.memory_space<vmem>>, vector<1x16xf32>,
          %add3A_853 = arith.constant 6 : i32
          %add3A_854 = arith.addi %mul3A_94, %add3A_853 : i32
          %get3A_855 = arith.index_cast %add3A_854 : i32 to index
          %get3A_856 = arith.constant 64 : index
          %get3A_857 = tpu.vector_load %arg11[%get3A_855, %get3A_856] {strides = array<i32>} : memref<128x128xf32, #tpu.memory_space<vmem>>, vector<1x16xf32>,
          %get3A_858 = vector.shape_cast %get3A_857 : vector<1x16xf32> to vector<16xf32>
          %mul3A_859 = arith.mulf %get3A_858, %gather3A_796 : vector<16xf32>
          %add3A_860 = arith.constant 6 : i32
          %add3A_861 = arith.addi %mul3A_94, %add3A_860 : i32
          %swap3A_862 = arith.index_cast %add3A_861 : i32 to index
          %swap3A_863 = arith.constant 64 : index
          %swap3A_864 = tpu.vector_load %arg11[%swap3A_862, %swap3A_863] {strides = array<i32>} : memref<128x128xf32, #tpu.memory_space<vmem>>, vector<1x16xf32>,
          %swap3A_865 = vector.shape_cast %swap3A_864 : vector<1x16xf32> to vector<16xf32>
          %swap3A_866 = vector.shape_cast %mul3A_859 : vector<16xf32> to vector<1x16xf32>
          tpu.vector_store %arg11[%swap3A_862, %swap3A_863], %swap3A_866 {strides = array<i32>} : memref<128x128xf32, #tpu.memory_space<vmem>>, vector<1x16xf32>,
          %add3A_867 = arith.constant 6 : i32
          %add3A_868 = arith.addi %mul3A_94, %add3A_867 : i32
          %get3A_869 = arith.index_cast %add3A_868 : i32 to index
          %get3A_870 = arith.constant 80 : index
          %get3A_871 = tpu.vector_load %arg11[%get3A_869, %get3A_870] {strides = array<i32>} : memref<128x128xf32, #tpu.memory_space<vmem>>, vector<1x16xf32>,
          %get3A_872 = vector.shape_cast %get3A_871 : vector<1x16xf32> to vector<16xf32>
          %mul3A_873 = arith.mulf %get3A_872, %gather3A_796 : vector<16xf32>
          %add3A_874 = arith.constant 6 : i32
          %add3A_875 = arith.addi %mul3A_94, %add3A_874 : i32
          %swap3A_876 = arith.index_cast %add3A_875 : i32 to index
          %swap3A_877 = arith.constant 80 : index
          %swap3A_878 = tpu.vector_load %arg11[%swap3A_876, %swap3A_877] {strides = array<i32>} : memref<128x128xf32, #tpu.memory_space<vmem>>, vector<1x16xf32>,
          %swap3A_879 = vector.shape_cast %swap3A_878 : vector<1x16xf32> to vector<16xf32>
          %swap3A_880 = vector.shape_cast %mul3A_873 : vector<16xf32> to vector<1x16xf32>
          tpu.vector_store %arg11[%swap3A_876, %swap3A_877], %swap3A_880 {strides = array<i32>} : memref<128x128xf32, #tpu.memory_space<vmem>>, vector<1x16xf32>,
          %add3A_881 = arith.constant 6 : i32
          %add3A_882 = arith.addi %mul3A_94, %add3A_881 : i32
          %get3A_883 = arith.index_cast %add3A_882 : i32 to index
          %get3A_884 = arith.constant 96 : index
          %get3A_885 = tpu.vector_load %arg11[%get3A_883, %get3A_884] {strides = array<i32>} : memref<128x128xf32, #tpu.memory_space<vmem>>, vector<1x16xf32>,
          %get3A_886 = vector.shape_cast %get3A_885 : vector<1x16xf32> to vector<16xf32>
          %mul3A_887 = arith.mulf %get3A_886, %gather3A_796 : vector<16xf32>
          %add3A_888 = arith.constant 6 : i32
          %add3A_889 = arith.addi %mul3A_94, %add3A_888 : i32
          %swap3A_890 = arith.index_cast %add3A_889 : i32 to index
          %swap3A_891 = arith.constant 96 : index
          %swap3A_892 = tpu.vector_load %arg11[%swap3A_890, %swap3A_891] {strides = array<i32>} : memref<128x128xf32, #tpu.memory_space<vmem>>, vector<1x16xf32>,
          %swap3A_893 = vector.shape_cast %swap3A_892 : vector<1x16xf32> to vector<16xf32>
          %swap3A_894 = vector.shape_cast %mul3A_887 : vector<16xf32> to vector<1x16xf32>
          tpu.vector_store %arg11[%swap3A_890, %swap3A_891], %swap3A_894 {strides = array<i32>} : memref<128x128xf32, #tpu.memory_space<vmem>>, vector<1x16xf32>,
          %add3A_895 = arith.constant 6 : i32
          %add3A_896 = arith.addi %mul3A_94, %add3A_895 : i32
          %get3A_897 = arith.index_cast %add3A_896 : i32 to index
          %get3A_898 = arith.constant 112 : index
          %get3A_899 = tpu.vector_load %arg11[%get3A_897, %get3A_898] {strides = array<i32>} : memref<128x128xf32, #tpu.memory_space<vmem>>, vector<1x16xf32>,
          %get3A_900 = vector.shape_cast %get3A_899 : vector<1x16xf32> to vector<16xf32>
          %mul3A_901 = arith.mulf %get3A_900, %gather3A_796 : vector<16xf32>
          %add3A_902 = arith.constant 6 : i32
          %add3A_903 = arith.addi %mul3A_94, %add3A_902 : i32
          %swap3A_904 = arith.index_cast %add3A_903 : i32 to index
          %swap3A_905 = arith.constant 112 : index
          %swap3A_906 = tpu.vector_load %arg11[%swap3A_904, %swap3A_905] {strides = array<i32>} : memref<128x128xf32, #tpu.memory_space<vmem>>, vector<1x16xf32>,
          %swap3A_907 = vector.shape_cast %swap3A_906 : vector<1x16xf32> to vector<16xf32>
          %swap3A_908 = vector.shape_cast %mul3A_901 : vector<16xf32> to vector<1x16xf32>
          tpu.vector_store %arg11[%swap3A_904, %swap3A_905], %swap3A_908 {strides = array<i32>} : memref<128x128xf32, #tpu.memory_space<vmem>>, vector<1x16xf32>,
          %broadcast_in_dim3A_909 = arith.constant 7 : i32
          %broadcast_in_dim3A_910 = vector.broadcast %broadcast_in_dim3A_909 : i32 to vector<16x1xi32>
          %gather3A_911 = vector.shape_cast %broadcast_in_dim3A_910 : vector<16x1xi32> to vector<16xi32>
          %gather3A_912 = tpu.dynamic_gather %get3A_98[%gather3A_911] in [0] : vector<16xf32>, vector<16xi32> -> vector<16xf32>
          %add3A_913 = arith.constant 7 : i32
          %add3A_914 = arith.addi %mul3A_94, %add3A_913 : i32
          %get3A_915 = arith.index_cast %add3A_914 : i32 to index
          %get3A_916 = arith.constant 0 : index
          %get3A_917 = tpu.vector_load %arg11[%get3A_915, %get3A_916] {strides = array<i32>} : memref<128x128xf32, #tpu.memory_space<vmem>>, vector<1x16xf32>,
          %get3A_918 = vector.shape_cast %get3A_917 : vector<1x16xf32> to vector<16xf32>
          %mul3A_919 = arith.mulf %get3A_918, %gather3A_912 : vector<16xf32>
          %add3A_920 = arith.constant 7 : i32
          %add3A_921 = arith.addi %mul3A_94, %add3A_920 : i32
          %swap3A_922 = arith.index_cast %add3A_921 : i32 to index
          %swap3A_923 = arith.constant 0 : index
          %swap3A_924 = tpu.vector_load %arg11[%swap3A_922, %swap3A_923] {strides = array<i32>} : memref<128x128xf32, #tpu.memory_space<vmem>>, vector<1x16xf32>,
          %swap3A_925 = vector.shape_cast %swap3A_924 : vector<1x16xf32> to vector<16xf32>
          %swap3A_926 = vector.shape_cast %mul3A_919 : vector<16xf32> to vector<1x16xf32>
          tpu.vector_store %arg11[%swap3A_922, %swap3A_923], %swap3A_926 {strides = array<i32>} : memref<128x128xf32, #tpu.memory_space<vmem>>, vector<1x16xf32>,
          %add3A_927 = arith.constant 7 : i32
          %add3A_928 = arith.addi %mul3A_94, %add3A_927 : i32
          %get3A_929 = arith.index_cast %add3A_928 : i32 to index
          %get3A_930 = arith.constant 16 : index
          %get3A_931 = tpu.vector_load %arg11[%get3A_929, %get3A_930] {strides = array<i32>} : memref<128x128xf32, #tpu.memory_space<vmem>>, vector<1x16xf32>,
          %get3A_932 = vector.shape_cast %get3A_931 : vector<1x16xf32> to vector<16xf32>
          %mul3A_933 = arith.mulf %get3A_932, %gather3A_912 : vector<16xf32>
          %add3A_934 = arith.constant 7 : i32
          %add3A_935 = arith.addi %mul3A_94, %add3A_934 : i32
          %swap3A_936 = arith.index_cast %add3A_935 : i32 to index
          %swap3A_937 = arith.constant 16 : index
          %swap3A_938 = tpu.vector_load %arg11[%swap3A_936, %swap3A_937] {strides = array<i32>} : memref<128x128xf32, #tpu.memory_space<vmem>>, vector<1x16xf32>,
          %swap3A_939 = vector.shape_cast %swap3A_938 : vector<1x16xf32> to vector<16xf32>
          %swap3A_940 = vector.shape_cast %mul3A_933 : vector<16xf32> to vector<1x16xf32>
          tpu.vector_store %arg11[%swap3A_936, %swap3A_937], %swap3A_940 {strides = array<i32>} : memref<128x128xf32, #tpu.memory_space<vmem>>, vector<1x16xf32>,
          %add3A_941 = arith.constant 7 : i32
          %add3A_942 = arith.addi %mul3A_94, %add3A_941 : i32
          %get3A_943 = arith.index_cast %add3A_942 : i32 to index
          %get3A_944 = arith.constant 32 : index
          %get3A_945 = tpu.vector_load %arg11[%get3A_943, %get3A_944] {strides = array<i32>} : memref<128x128xf32, #tpu.memory_space<vmem>>, vector<1x16xf32>,
          %get3A_946 = vector.shape_cast %get3A_945 : vector<1x16xf32> to vector<16xf32>
          %mul3A_947 = arith.mulf %get3A_946, %gather3A_912 : vector<16xf32>
          %add3A_948 = arith.constant 7 : i32
          %add3A_949 = arith.addi %mul3A_94, %add3A_948 : i32
          %swap3A_950 = arith.index_cast %add3A_949 : i32 to index
          %swap3A_951 = arith.constant 32 : index
          %swap3A_952 = tpu.vector_load %arg11[%swap3A_950, %swap3A_951] {strides = array<i32>} : memref<128x128xf32, #tpu.memory_space<vmem>>, vector<1x16xf32>,
          %swap3A_953 = vector.shape_cast %swap3A_952 : vector<1x16xf32> to vector<16xf32>
          %swap3A_954 = vector.shape_cast %mul3A_947 : vector<16xf32> to vector<1x16xf32>
          tpu.vector_store %arg11[%swap3A_950, %swap3A_951], %swap3A_954 {strides = array<i32>} : memref<128x128xf32, #tpu.memory_space<vmem>>, vector<1x16xf32>,
          %add3A_955 = arith.constant 7 : i32
          %add3A_956 = arith.addi %mul3A_94, %add3A_955 : i32
          %get3A_957 = arith.index_cast %add3A_956 : i32 to index
          %get3A_958 = arith.constant 48 : index
          %get3A_959 = tpu.vector_load %arg11[%get3A_957, %get3A_958] {strides = array<i32>} : memref<128x128xf32, #tpu.memory_space<vmem>>, vector<1x16xf32>,
          %get3A_960 = vector.shape_cast %get3A_959 : vector<1x16xf32> to vector<16xf32>
          %mul3A_961 = arith.mulf %get3A_960, %gather3A_912 : vector<16xf32>
          %add3A_962 = arith.constant 7 : i32
          %add3A_963 = arith.addi %mul3A_94, %add3A_962 : i32
          %swap3A_964 = arith.index_cast %add3A_963 : i32 to index
          %swap3A_965 = arith.constant 48 : index
          %swap3A_966 = tpu.vector_load %arg11[%swap3A_964, %swap3A_965] {strides = array<i32>} : memref<128x128xf32, #tpu.memory_space<vmem>>, vector<1x16xf32>,
          %swap3A_967 = vector.shape_cast %swap3A_966 : vector<1x16xf32> to vector<16xf32>
          %swap3A_968 = vector.shape_cast %mul3A_961 : vector<16xf32> to vector<1x16xf32>
          tpu.vector_store %arg11[%swap3A_964, %swap3A_965], %swap3A_968 {strides = array<i32>} : memref<128x128xf32, #tpu.memory_space<vmem>>, vector<1x16xf32>,
          %add3A_969 = arith.constant 7 : i32
          %add3A_970 = arith.addi %mul3A_94, %add3A_969 : i32
          %get3A_971 = arith.index_cast %add3A_970 : i32 to index
          %get3A_972 = arith.constant 64 : index
          %get3A_973 = tpu.vector_load %arg11[%get3A_971, %get3A_972] {strides = array<i32>} : memref<128x128xf32, #tpu.memory_space<vmem>>, vector<1x16xf32>,
          %get3A_974 = vector.shape_cast %get3A_973 : vector<1x16xf32> to vector<16xf32>
          %mul3A_975 = arith.mulf %get3A_974, %gather3A_912 : vector<16xf32>
          %add3A_976 = arith.constant 7 : i32
          %add3A_977 = arith.addi %mul3A_94, %add3A_976 : i32
          %swap3A_978 = arith.index_cast %add3A_977 : i32 to index
          %swap3A_979 = arith.constant 64 : index
          %swap3A_980 = tpu.vector_load %arg11[%swap3A_978, %swap3A_979] {strides = array<i32>} : memref<128x128xf32, #tpu.memory_space<vmem>>, vector<1x16xf32>,
          %swap3A_981 = vector.shape_cast %swap3A_980 : vector<1x16xf32> to vector<16xf32>
          %swap3A_982 = vector.shape_cast %mul3A_975 : vector<16xf32> to vector<1x16xf32>
          tpu.vector_store %arg11[%swap3A_978, %swap3A_979], %swap3A_982 {strides = array<i32>} : memref<128x128xf32, #tpu.memory_space<vmem>>, vector<1x16xf32>,
          %add3A_983 = arith.constant 7 : i32
          %add3A_984 = arith.addi %mul3A_94, %add3A_983 : i32
          %get3A_985 = arith.index_cast %add3A_984 : i32 to index
          %get3A_986 = arith.constant 80 : index
          %get3A_987 = tpu.vector_load %arg11[%get3A_985, %get3A_986] {strides = array<i32>} : memref<128x128xf32, #tpu.memory_space<vmem>>, vector<1x16xf32>,
          %get3A_988 = vector.shape_cast %get3A_987 : vector<1x16xf32> to vector<16xf32>
          %mul3A_989 = arith.mulf %get3A_988, %gather3A_912 : vector<16xf32>
          %add3A_990 = arith.constant 7 : i32
          %add3A_991 = arith.addi %mul3A_94, %add3A_990 : i32
          %swap3A_992 = arith.index_cast %add3A_991 : i32 to index
          %swap3A_993 = arith.constant 80 : index
          %swap3A_994 = tpu.vector_load %arg11[%swap3A_992, %swap3A_993] {strides = array<i32>} : memref<128x128xf32, #tpu.memory_space<vmem>>, vector<1x16xf32>,
          %swap3A_995 = vector.shape_cast %swap3A_994 : vector<1x16xf32> to vector<16xf32>
          %swap3A_996 = vector.shape_cast %mul3A_989 : vector<16xf32> to vector<1x16xf32>
          tpu.vector_store %arg11[%swap3A_992, %swap3A_993], %swap3A_996 {strides = array<i32>} : memref<128x128xf32, #tpu.memory_space<vmem>>, vector<1x16xf32>,
          %add3A_997 = arith.constant 7 : i32
          %add3A_998 = arith.addi %mul3A_94, %add3A_997 : i32
          %get3A_999 = arith.index_cast %add3A_998 : i32 to index
          %get3A_1000 = arith.constant 96 : index
          %get3A_1001 = tpu.vector_load %arg11[%get3A_999, %get3A_1000] {strides = array<i32>} : memref<128x128xf32, #tpu.memory_space<vmem>>, vector<1x16xf32>,
          %get3A_1002 = vector.shape_cast %get3A_1001 : vector<1x16xf32> to vector<16xf32>
          %mul3A_1003 = arith.mulf %get3A_1002, %gather3A_912 : vector<16xf32>
          %add3A_1004 = arith.constant 7 : i32
          %add3A_1005 = arith.addi %mul3A_94, %add3A_1004 : i32
          %swap3A_1006 = arith.index_cast %add3A_1005 : i32 to index
          %swap3A_1007 = arith.constant 96 : index
          %swap3A_1008 = tpu.vector_load %arg11[%swap3A_1006, %swap3A_1007] {strides = array<i32>} : memref<128x128xf32, #tpu.memory_space<vmem>>, vector<1x16xf32>,
          %swap3A_1009 = vector.shape_cast %swap3A_1008 : vector<1x16xf32> to vector<16xf32>
          %swap3A_1010 = vector.shape_cast %mul3A_1003 : vector<16xf32> to vector<1x16xf32>
          tpu.vector_store %arg11[%swap3A_1006, %swap3A_1007], %swap3A_1010 {strides = array<i32>} : memref<128x128xf32, #tpu.memory_space<vmem>>, vector<1x16xf32>,
          %add3A_1011 = arith.constant 7 : i32
          %add3A_1012 = arith.addi %mul3A_94, %add3A_1011 : i32
          %get3A_1013 = arith.index_cast %add3A_1012 : i32 to index
          %get3A_1014 = arith.constant 112 : index
          %get3A_1015 = tpu.vector_load %arg11[%get3A_1013, %get3A_1014] {strides = array<i32>} : memref<128x128xf32, #tpu.memory_space<vmem>>, vector<1x16xf32>,
          %get3A_1016 = vector.shape_cast %get3A_1015 : vector<1x16xf32> to vector<16xf32>
          %mul3A_1017 = arith.mulf %get3A_1016, %gather3A_912 : vector<16xf32>
          %add3A_1018 = arith.constant 7 : i32
          %add3A_1019 = arith.addi %mul3A_94, %add3A_1018 : i32
          %swap3A_1020 = arith.index_cast %add3A_1019 : i32 to index
          %swap3A_1021 = arith.constant 112 : index
          %swap3A_1022 = tpu.vector_load %arg11[%swap3A_1020, %swap3A_1021] {strides = array<i32>} : memref<128x128xf32, #tpu.memory_space<vmem>>, vector<1x16xf32>,
          %swap3A_1023 = vector.shape_cast %swap3A_1022 : vector<1x16xf32> to vector<16xf32>
          %swap3A_1024 = vector.shape_cast %mul3A_1017 : vector<16xf32> to vector<1x16xf32>
          tpu.vector_store %arg11[%swap3A_1020, %swap3A_1021], %swap3A_1024 {strides = array<i32>} : memref<128x128xf32, #tpu.memory_space<vmem>>, vector<1x16xf32>,
          %broadcast_in_dim3A_1025 = arith.constant 8 : i32
          %broadcast_in_dim3A_1026 = vector.broadcast %broadcast_in_dim3A_1025 : i32 to vector<16x1xi32>
          %gather3A_1027 = vector.shape_cast %broadcast_in_dim3A_1026 : vector<16x1xi32> to vector<16xi32>
          %gather3A_1028 = tpu.dynamic_gather %get3A_98[%gather3A_1027] in [0] : vector<16xf32>, vector<16xi32> -> vector<16xf32>
          %add3A_1029 = arith.constant 8 : i32
          %add3A_1030 = arith.addi %mul3A_94, %add3A_1029 : i32
          %get3A_1031 = arith.index_cast %add3A_1030 : i32 to index
          %get3A_1032 = arith.constant 0 : index
          %get3A_1033 = tpu.vector_load %arg11[%get3A_1031, %get3A_1032] {strides = array<i32>} : memref<128x128xf32, #tpu.memory_space<vmem>>, vector<1x16xf32>,
          %get3A_1034 = vector.shape_cast %get3A_1033 : vector<1x16xf32> to vector<16xf32>
          %mul3A_1035 = arith.mulf %get3A_1034, %gather3A_1028 : vector<16xf32>
          %add3A_1036 = arith.constant 8 : i32
          %add3A_1037 = arith.addi %mul3A_94, %add3A_1036 : i32
          %swap3A_1038 = arith.index_cast %add3A_1037 : i32 to index
          %swap3A_1039 = arith.constant 0 : index
          %swap3A_1040 = tpu.vector_load %arg11[%swap3A_1038, %swap3A_1039] {strides = array<i32>} : memref<128x128xf32, #tpu.memory_space<vmem>>, vector<1x16xf32>,
          %swap3A_1041 = vector.shape_cast %swap3A_1040 : vector<1x16xf32> to vector<16xf32>
          %swap3A_1042 = vector.shape_cast %mul3A_1035 : vector<16xf32> to vector<1x16xf32>
          tpu.vector_store %arg11[%swap3A_1038, %swap3A_1039], %swap3A_1042 {strides = array<i32>} : memref<128x128xf32, #tpu.memory_space<vmem>>, vector<1x16xf32>,
          %add3A_1043 = arith.constant 8 : i32
          %add3A_1044 = arith.addi %mul3A_94, %add3A_1043 : i32
          %get3A_1045 = arith.index_cast %add3A_1044 : i32 to index
          %get3A_1046 = arith.constant 16 : index
          %get3A_1047 = tpu.vector_load %arg11[%get3A_1045, %get3A_1046] {strides = array<i32>} : memref<128x128xf32, #tpu.memory_space<vmem>>, vector<1x16xf32>,
          %get3A_1048 = vector.shape_cast %get3A_1047 : vector<1x16xf32> to vector<16xf32>
          %mul3A_1049 = arith.mulf %get3A_1048, %gather3A_1028 : vector<16xf32>
          %add3A_1050 = arith.constant 8 : i32
          %add3A_1051 = arith.addi %mul3A_94, %add3A_1050 : i32
          %swap3A_1052 = arith.index_cast %add3A_1051 : i32 to index
          %swap3A_1053 = arith.constant 16 : index
          %swap3A_1054 = tpu.vector_load %arg11[%swap3A_1052, %swap3A_1053] {strides = array<i32>} : memref<128x128xf32, #tpu.memory_space<vmem>>, vector<1x16xf32>,
          %swap3A_1055 = vector.shape_cast %swap3A_1054 : vector<1x16xf32> to vector<16xf32>
          %swap3A_1056 = vector.shape_cast %mul3A_1049 : vector<16xf32> to vector<1x16xf32>
          tpu.vector_store %arg11[%swap3A_1052, %swap3A_1053], %swap3A_1056 {strides = array<i32>} : memref<128x128xf32, #tpu.memory_space<vmem>>, vector<1x16xf32>,
          %add3A_1057 = arith.constant 8 : i32
          %add3A_1058 = arith.addi %mul3A_94, %add3A_1057 : i32
          %get3A_1059 = arith.index_cast %add3A_1058 : i32 to index
          %get3A_1060 = arith.constant 32 : index
          %get3A_1061 = tpu.vector_load %arg11[%get3A_1059, %get3A_1060] {strides = array<i32>} : memref<128x128xf32, #tpu.memory_space<vmem>>, vector<1x16xf32>,
          %get3A_1062 = vector.shape_cast %get3A_1061 : vector<1x16xf32> to vector<16xf32>
          %mul3A_1063 = arith.mulf %get3A_1062, %gather3A_1028 : vector<16xf32>
          %add3A_1064 = arith.constant 8 : i32
          %add3A_1065 = arith.addi %mul3A_94, %add3A_1064 : i32
          %swap3A_1066 = arith.index_cast %add3A_1065 : i32 to index
          %swap3A_1067 = arith.constant 32 : index
          %swap3A_1068 = tpu.vector_load %arg11[%swap3A_1066, %swap3A_1067] {strides = array<i32>} : memref<128x128xf32, #tpu.memory_space<vmem>>, vector<1x16xf32>,
          %swap3A_1069 = vector.shape_cast %swap3A_1068 : vector<1x16xf32> to vector<16xf32>
          %swap3A_1070 = vector.shape_cast %mul3A_1063 : vector<16xf32> to vector<1x16xf32>
          tpu.vector_store %arg11[%swap3A_1066, %swap3A_1067], %swap3A_1070 {strides = array<i32>} : memref<128x128xf32, #tpu.memory_space<vmem>>, vector<1x16xf32>,
          %add3A_1071 = arith.constant 8 : i32
          %add3A_1072 = arith.addi %mul3A_94, %add3A_1071 : i32
          %get3A_1073 = arith.index_cast %add3A_1072 : i32 to index
          %get3A_1074 = arith.constant 48 : index
          %get3A_1075 = tpu.vector_load %arg11[%get3A_1073, %get3A_1074] {strides = array<i32>} : memref<128x128xf32, #tpu.memory_space<vmem>>, vector<1x16xf32>,
          %get3A_1076 = vector.shape_cast %get3A_1075 : vector<1x16xf32> to vector<16xf32>
          %mul3A_1077 = arith.mulf %get3A_1076, %gather3A_1028 : vector<16xf32>
          %add3A_1078 = arith.constant 8 : i32
          %add3A_1079 = arith.addi %mul3A_94, %add3A_1078 : i32
          %swap3A_1080 = arith.index_cast %add3A_1079 : i32 to index
          %swap3A_1081 = arith.constant 48 : index
          %swap3A_1082 = tpu.vector_load %arg11[%swap3A_1080, %swap3A_1081] {strides = array<i32>} : memref<128x128xf32, #tpu.memory_space<vmem>>, vector<1x16xf32>,
          %swap3A_1083 = vector.shape_cast %swap3A_1082 : vector<1x16xf32> to vector<16xf32>
          %swap3A_1084 = vector.shape_cast %mul3A_1077 : vector<16xf32> to vector<1x16xf32>
          tpu.vector_store %arg11[%swap3A_1080, %swap3A_1081], %swap3A_1084 {strides = array<i32>} : memref<128x128xf32, #tpu.memory_space<vmem>>, vector<1x16xf32>,
          %add3A_1085 = arith.constant 8 : i32
          %add3A_1086 = arith.addi %mul3A_94, %add3A_1085 : i32
          %get3A_1087 = arith.index_cast %add3A_1086 : i32 to index
          %get3A_1088 = arith.constant 64 : index
          %get3A_1089 = tpu.vector_load %arg11[%get3A_1087, %get3A_1088] {strides = array<i32>} : memref<128x128xf32, #tpu.memory_space<vmem>>, vector<1x16xf32>,
          %get3A_1090 = vector.shape_cast %get3A_1089 : vector<1x16xf32> to vector<16xf32>
          %mul3A_1091 = arith.mulf %get3A_1090, %gather3A_1028 : vector<16xf32>
          %add3A_1092 = arith.constant 8 : i32
          %add3A_1093 = arith.addi %mul3A_94, %add3A_1092 : i32
          %swap3A_1094 = arith.index_cast %add3A_1093 : i32 to index
          %swap3A_1095 = arith.constant 64 : index
          %swap3A_1096 = tpu.vector_load %arg11[%swap3A_1094, %swap3A_1095] {strides = array<i32>} : memref<128x128xf32, #tpu.memory_space<vmem>>, vector<1x16xf32>,
          %swap3A_1097 = vector.shape_cast %swap3A_1096 : vector<1x16xf32> to vector<16xf32>
          %swap3A_1098 = vector.shape_cast %mul3A_1091 : vector<16xf32> to vector<1x16xf32>
          tpu.vector_store %arg11[%swap3A_1094, %swap3A_1095], %swap3A_1098 {strides = array<i32>} : memref<128x128xf32, #tpu.memory_space<vmem>>, vector<1x16xf32>,
          %add3A_1099 = arith.constant 8 : i32
          %add3A_1100 = arith.addi %mul3A_94, %add3A_1099 : i32
          %get3A_1101 = arith.index_cast %add3A_1100 : i32 to index
          %get3A_1102 = arith.constant 80 : index
          %get3A_1103 = tpu.vector_load %arg11[%get3A_1101, %get3A_1102] {strides = array<i32>} : memref<128x128xf32, #tpu.memory_space<vmem>>, vector<1x16xf32>,
          %get3A_1104 = vector.shape_cast %get3A_1103 : vector<1x16xf32> to vector<16xf32>
          %mul3A_1105 = arith.mulf %get3A_1104, %gather3A_1028 : vector<16xf32>
          %add3A_1106 = arith.constant 8 : i32
          %add3A_1107 = arith.addi %mul3A_94, %add3A_1106 : i32
          %swap3A_1108 = arith.index_cast %add3A_1107 : i32 to index
          %swap3A_1109 = arith.constant 80 : index
          %swap3A_1110 = tpu.vector_load %arg11[%swap3A_1108, %swap3A_1109] {strides = array<i32>} : memref<128x128xf32, #tpu.memory_space<vmem>>, vector<1x16xf32>,
          %swap3A_1111 = vector.shape_cast %swap3A_1110 : vector<1x16xf32> to vector<16xf32>
          %swap3A_1112 = vector.shape_cast %mul3A_1105 : vector<16xf32> to vector<1x16xf32>
          tpu.vector_store %arg11[%swap3A_1108, %swap3A_1109], %swap3A_1112 {strides = array<i32>} : memref<128x128xf32, #tpu.memory_space<vmem>>, vector<1x16xf32>,
          %add3A_1113 = arith.constant 8 : i32
          %add3A_1114 = arith.addi %mul3A_94, %add3A_1113 : i32
          %get3A_1115 = arith.index_cast %add3A_1114 : i32 to index
          %get3A_1116 = arith.constant 96 : index
          %get3A_1117 = tpu.vector_load %arg11[%get3A_1115, %get3A_1116] {strides = array<i32>} : memref<128x128xf32, #tpu.memory_space<vmem>>, vector<1x16xf32>,
          %get3A_1118 = vector.shape_cast %get3A_1117 : vector<1x16xf32> to vector<16xf32>
          %mul3A_1119 = arith.mulf %get3A_1118, %gather3A_1028 : vector<16xf32>
          %add3A_1120 = arith.constant 8 : i32
          %add3A_1121 = arith.addi %mul3A_94, %add3A_1120 : i32
          %swap3A_1122 = arith.index_cast %add3A_1121 : i32 to index
          %swap3A_1123 = arith.constant 96 : index
          %swap3A_1124 = tpu.vector_load %arg11[%swap3A_1122, %swap3A_1123] {strides = array<i32>} : memref<128x128xf32, #tpu.memory_space<vmem>>, vector<1x16xf32>,
          %swap3A_1125 = vector.shape_cast %swap3A_1124 : vector<1x16xf32> to vector<16xf32>
          %swap3A_1126 = vector.shape_cast %mul3A_1119 : vector<16xf32> to vector<1x16xf32>
          tpu.vector_store %arg11[%swap3A_1122, %swap3A_1123], %swap3A_1126 {strides = array<i32>} : memref<128x128xf32, #tpu.memory_space<vmem>>, vector<1x16xf32>,
          %add3A_1127 = arith.constant 8 : i32
          %add3A_1128 = arith.addi %mul3A_94, %add3A_1127 : i32
          %get3A_1129 = arith.index_cast %add3A_1128 : i32 to index
          %get3A_1130 = arith.constant 112 : index
          %get3A_1131 = tpu.vector_load %arg11[%get3A_1129, %get3A_1130] {strides = array<i32>} : memref<128x128xf32, #tpu.memory_space<vmem>>, vector<1x16xf32>,
          %get3A_1132 = vector.shape_cast %get3A_1131 : vector<1x16xf32> to vector<16xf32>
          %mul3A_1133 = arith.mulf %get3A_1132, %gather3A_1028 : vector<16xf32>
          %add3A_1134 = arith.constant 8 : i32
          %add3A_1135 = arith.addi %mul3A_94, %add3A_1134 : i32
          %swap3A_1136 = arith.index_cast %add3A_1135 : i32 to index
          %swap3A_1137 = arith.constant 112 : index
          %swap3A_1138 = tpu.vector_load %arg11[%swap3A_1136, %swap3A_1137] {strides = array<i32>} : memref<128x128xf32, #tpu.memory_space<vmem>>, vector<1x16xf32>,
          %swap3A_1139 = vector.shape_cast %swap3A_1138 : vector<1x16xf32> to vector<16xf32>
          %swap3A_1140 = vector.shape_cast %mul3A_1133 : vector<16xf32> to vector<1x16xf32>
          tpu.vector_store %arg11[%swap3A_1136, %swap3A_1137], %swap3A_1140 {strides = array<i32>} : memref<128x128xf32, #tpu.memory_space<vmem>>, vector<1x16xf32>,
          %broadcast_in_dim3A_1141 = arith.constant 9 : i32
          %broadcast_in_dim3A_1142 = vector.broadcast %broadcast_in_dim3A_1141 : i32 to vector<16x1xi32>
          %gather3A_1143 = vector.shape_cast %broadcast_in_dim3A_1142 : vector<16x1xi32> to vector<16xi32>
          %gather3A_1144 = tpu.dynamic_gather %get3A_98[%gather3A_1143] in [0] : vector<16xf32>, vector<16xi32> -> vector<16xf32>
          %add3A_1145 = arith.constant 9 : i32
          %add3A_1146 = arith.addi %mul3A_94, %add3A_1145 : i32
          %get3A_1147 = arith.index_cast %add3A_1146 : i32 to index
          %get3A_1148 = arith.constant 0 : index
          %get3A_1149 = tpu.vector_load %arg11[%get3A_1147, %get3A_1148] {strides = array<i32>} : memref<128x128xf32, #tpu.memory_space<vmem>>, vector<1x16xf32>,
          %get3A_1150 = vector.shape_cast %get3A_1149 : vector<1x16xf32> to vector<16xf32>
          %mul3A_1151 = arith.mulf %get3A_1150, %gather3A_1144 : vector<16xf32>
          %add3A_1152 = arith.constant 9 : i32
          %add3A_1153 = arith.addi %mul3A_94, %add3A_1152 : i32
          %swap3A_1154 = arith.index_cast %add3A_1153 : i32 to index
          %swap3A_1155 = arith.constant 0 : index
          %swap3A_1156 = tpu.vector_load %arg11[%swap3A_1154, %swap3A_1155] {strides = array<i32>} : memref<128x128xf32, #tpu.memory_space<vmem>>, vector<1x16xf32>,
          %swap3A_1157 = vector.shape_cast %swap3A_1156 : vector<1x16xf32> to vector<16xf32>
          %swap3A_1158 = vector.shape_cast %mul3A_1151 : vector<16xf32> to vector<1x16xf32>
          tpu.vector_store %arg11[%swap3A_1154, %swap3A_1155], %swap3A_1158 {strides = array<i32>} : memref<128x128xf32, #tpu.memory_space<vmem>>, vector<1x16xf32>,
          %add3A_1159 = arith.constant 9 : i32
          %add3A_1160 = arith.addi %mul3A_94, %add3A_1159 : i32
          %get3A_1161 = arith.index_cast %add3A_1160 : i32 to index
          %get3A_1162 = arith.constant 16 : index
          %get3A_1163 = tpu.vector_load %arg11[%get3A_1161, %get3A_1162] {strides = array<i32>} : memref<128x128xf32, #tpu.memory_space<vmem>>, vector<1x16xf32>,
          %get3A_1164 = vector.shape_cast %get3A_1163 : vector<1x16xf32> to vector<16xf32>
          %mul3A_1165 = arith.mulf %get3A_1164, %gather3A_1144 : vector<16xf32>
          %add3A_1166 = arith.constant 9 : i32
          %add3A_1167 = arith.addi %mul3A_94, %add3A_1166 : i32
          %swap3A_1168 = arith.index_cast %add3A_1167 : i32 to index
          %swap3A_1169 = arith.constant 16 : index
          %swap3A_1170 = tpu.vector_load %arg11[%swap3A_1168, %swap3A_1169] {strides = array<i32>} : memref<128x128xf32, #tpu.memory_space<vmem>>, vector<1x16xf32>,
          %swap3A_1171 = vector.shape_cast %swap3A_1170 : vector<1x16xf32> to vector<16xf32>
          %swap3A_1172 = vector.shape_cast %mul3A_1165 : vector<16xf32> to vector<1x16xf32>
          tpu.vector_store %arg11[%swap3A_1168, %swap3A_1169], %swap3A_1172 {strides = array<i32>} : memref<128x128xf32, #tpu.memory_space<vmem>>, vector<1x16xf32>,
          %add3A_1173 = arith.constant 9 : i32
          %add3A_1174 = arith.addi %mul3A_94, %add3A_1173 : i32
          %get3A_1175 = arith.index_cast %add3A_1174 : i32 to index
          %get3A_1176 = arith.constant 32 : index
          %get3A_1177 = tpu.vector_load %arg11[%get3A_1175, %get3A_1176] {strides = array<i32>} : memref<128x128xf32, #tpu.memory_space<vmem>>, vector<1x16xf32>,
          %get3A_1178 = vector.shape_cast %get3A_1177 : vector<1x16xf32> to vector<16xf32>
          %mul3A_1179 = arith.mulf %get3A_1178, %gather3A_1144 : vector<16xf32>
          %add3A_1180 = arith.constant 9 : i32
          %add3A_1181 = arith.addi %mul3A_94, %add3A_1180 : i32
          %swap3A_1182 = arith.index_cast %add3A_1181 : i32 to index
          %swap3A_1183 = arith.constant 32 : index
          %swap3A_1184 = tpu.vector_load %arg11[%swap3A_1182, %swap3A_1183] {strides = array<i32>} : memref<128x128xf32, #tpu.memory_space<vmem>>, vector<1x16xf32>,
          %swap3A_1185 = vector.shape_cast %swap3A_1184 : vector<1x16xf32> to vector<16xf32>
          %swap3A_1186 = vector.shape_cast %mul3A_1179 : vector<16xf32> to vector<1x16xf32>
          tpu.vector_store %arg11[%swap3A_1182, %swap3A_1183], %swap3A_1186 {strides = array<i32>} : memref<128x128xf32, #tpu.memory_space<vmem>>, vector<1x16xf32>,
          %add3A_1187 = arith.constant 9 : i32
          %add3A_1188 = arith.addi %mul3A_94, %add3A_1187 : i32
          %get3A_1189 = arith.index_cast %add3A_1188 : i32 to index
          %get3A_1190 = arith.constant 48 : index
          %get3A_1191 = tpu.vector_load %arg11[%get3A_1189, %get3A_1190] {strides = array<i32>} : memref<128x128xf32, #tpu.memory_space<vmem>>, vector<1x16xf32>,
          %get3A_1192 = vector.shape_cast %get3A_1191 : vector<1x16xf32> to vector<16xf32>
          %mul3A_1193 = arith.mulf %get3A_1192, %gather3A_1144 : vector<16xf32>
          %add3A_1194 = arith.constant 9 : i32
          %add3A_1195 = arith.addi %mul3A_94, %add3A_1194 : i32
          %swap3A_1196 = arith.index_cast %add3A_1195 : i32 to index
          %swap3A_1197 = arith.constant 48 : index
          %swap3A_1198 = tpu.vector_load %arg11[%swap3A_1196, %swap3A_1197] {strides = array<i32>} : memref<128x128xf32, #tpu.memory_space<vmem>>, vector<1x16xf32>,
          %swap3A_1199 = vector.shape_cast %swap3A_1198 : vector<1x16xf32> to vector<16xf32>
          %swap3A_1200 = vector.shape_cast %mul3A_1193 : vector<16xf32> to vector<1x16xf32>
          tpu.vector_store %arg11[%swap3A_1196, %swap3A_1197], %swap3A_1200 {strides = array<i32>} : memref<128x128xf32, #tpu.memory_space<vmem>>, vector<1x16xf32>,
          %add3A_1201 = arith.constant 9 : i32
          %add3A_1202 = arith.addi %mul3A_94, %add3A_1201 : i32
          %get3A_1203 = arith.index_cast %add3A_1202 : i32 to index
          %get3A_1204 = arith.constant 64 : index
          %get3A_1205 = tpu.vector_load %arg11[%get3A_1203, %get3A_1204] {strides = array<i32>} : memref<128x128xf32, #tpu.memory_space<vmem>>, vector<1x16xf32>,
          %get3A_1206 = vector.shape_cast %get3A_1205 : vector<1x16xf32> to vector<16xf32>
          %mul3A_1207 = arith.mulf %get3A_1206, %gather3A_1144 : vector<16xf32>
          %add3A_1208 = arith.constant 9 : i32
          %add3A_1209 = arith.addi %mul3A_94, %add3A_1208 : i32
          %swap3A_1210 = arith.index_cast %add3A_1209 : i32 to index
          %swap3A_1211 = arith.constant 64 : index
          %swap3A_1212 = tpu.vector_load %arg11[%swap3A_1210, %swap3A_1211] {strides = array<i32>} : memref<128x128xf32, #tpu.memory_space<vmem>>, vector<1x16xf32>,
          %swap3A_1213 = vector.shape_cast %swap3A_1212 : vector<1x16xf32> to vector<16xf32>
          %swap3A_1214 = vector.shape_cast %mul3A_1207 : vector<16xf32> to vector<1x16xf32>
          tpu.vector_store %arg11[%swap3A_1210, %swap3A_1211], %swap3A_1214 {strides = array<i32>} : memref<128x128xf32, #tpu.memory_space<vmem>>, vector<1x16xf32>,
          %add3A_1215 = arith.constant 9 : i32
          %add3A_1216 = arith.addi %mul3A_94, %add3A_1215 : i32
          %get3A_1217 = arith.index_cast %add3A_1216 : i32 to index
          %get3A_1218 = arith.constant 80 : index
          %get3A_1219 = tpu.vector_load %arg11[%get3A_1217, %get3A_1218] {strides = array<i32>} : memref<128x128xf32, #tpu.memory_space<vmem>>, vector<1x16xf32>,
          %get3A_1220 = vector.shape_cast %get3A_1219 : vector<1x16xf32> to vector<16xf32>
          %mul3A_1221 = arith.mulf %get3A_1220, %gather3A_1144 : vector<16xf32>
          %add3A_1222 = arith.constant 9 : i32
          %add3A_1223 = arith.addi %mul3A_94, %add3A_1222 : i32
          %swap3A_1224 = arith.index_cast %add3A_1223 : i32 to index
          %swap3A_1225 = arith.constant 80 : index
          %swap3A_1226 = tpu.vector_load %arg11[%swap3A_1224, %swap3A_1225] {strides = array<i32>} : memref<128x128xf32, #tpu.memory_space<vmem>>, vector<1x16xf32>,
          %swap3A_1227 = vector.shape_cast %swap3A_1226 : vector<1x16xf32> to vector<16xf32>
          %swap3A_1228 = vector.shape_cast %mul3A_1221 : vector<16xf32> to vector<1x16xf32>
          tpu.vector_store %arg11[%swap3A_1224, %swap3A_1225], %swap3A_1228 {strides = array<i32>} : memref<128x128xf32, #tpu.memory_space<vmem>>, vector<1x16xf32>,
          %add3A_1229 = arith.constant 9 : i32
          %add3A_1230 = arith.addi %mul3A_94, %add3A_1229 : i32
          %get3A_1231 = arith.index_cast %add3A_1230 : i32 to index
          %get3A_1232 = arith.constant 96 : index
          %get3A_1233 = tpu.vector_load %arg11[%get3A_1231, %get3A_1232] {strides = array<i32>} : memref<128x128xf32, #tpu.memory_space<vmem>>, vector<1x16xf32>,
          %get3A_1234 = vector.shape_cast %get3A_1233 : vector<1x16xf32> to vector<16xf32>
          %mul3A_1235 = arith.mulf %get3A_1234, %gather3A_1144 : vector<16xf32>
          %add3A_1236 = arith.constant 9 : i32
          %add3A_1237 = arith.addi %mul3A_94, %add3A_1236 : i32
          %swap3A_1238 = arith.index_cast %add3A_1237 : i32 to index
          %swap3A_1239 = arith.constant 96 : index
          %swap3A_1240 = tpu.vector_load %arg11[%swap3A_1238, %swap3A_1239] {strides = array<i32>} : memref<128x128xf32, #tpu.memory_space<vmem>>, vector<1x16xf32>,
          %swap3A_1241 = vector.shape_cast %swap3A_1240 : vector<1x16xf32> to vector<16xf32>
          %swap3A_1242 = vector.shape_cast %mul3A_1235 : vector<16xf32> to vector<1x16xf32>
          tpu.vector_store %arg11[%swap3A_1238, %swap3A_1239], %swap3A_1242 {strides = array<i32>} : memref<128x128xf32, #tpu.memory_space<vmem>>, vector<1x16xf32>,
          %add3A_1243 = arith.constant 9 : i32
          %add3A_1244 = arith.addi %mul3A_94, %add3A_1243 : i32
          %get3A_1245 = arith.index_cast %add3A_1244 : i32 to index
          %get3A_1246 = arith.constant 112 : index
          %get3A_1247 = tpu.vector_load %arg11[%get3A_1245, %get3A_1246] {strides = array<i32>} : memref<128x128xf32, #tpu.memory_space<vmem>>, vector<1x16xf32>,
          %get3A_1248 = vector.shape_cast %get3A_1247 : vector<1x16xf32> to vector<16xf32>
          %mul3A_1249 = arith.mulf %get3A_1248, %gather3A_1144 : vector<16xf32>
          %add3A_1250 = arith.constant 9 : i32
          %add3A_1251 = arith.addi %mul3A_94, %add3A_1250 : i32
          %swap3A_1252 = arith.index_cast %add3A_1251 : i32 to index
          %swap3A_1253 = arith.constant 112 : index
          %swap3A_1254 = tpu.vector_load %arg11[%swap3A_1252, %swap3A_1253] {strides = array<i32>} : memref<128x128xf32, #tpu.memory_space<vmem>>, vector<1x16xf32>,
          %swap3A_1255 = vector.shape_cast %swap3A_1254 : vector<1x16xf32> to vector<16xf32>
          %swap3A_1256 = vector.shape_cast %mul3A_1249 : vector<16xf32> to vector<1x16xf32>
          tpu.vector_store %arg11[%swap3A_1252, %swap3A_1253], %swap3A_1256 {strides = array<i32>} : memref<128x128xf32, #tpu.memory_space<vmem>>, vector<1x16xf32>,
          %broadcast_in_dim3A_1257 = arith.constant 10 : i32
          %broadcast_in_dim3A_1258 = vector.broadcast %broadcast_in_dim3A_1257 : i32 to vector<16x1xi32>
          %gather3A_1259 = vector.shape_cast %broadcast_in_dim3A_1258 : vector<16x1xi32> to vector<16xi32>
          %gather3A_1260 = tpu.dynamic_gather %get3A_98[%gather3A_1259] in [0] : vector<16xf32>, vector<16xi32> -> vector<16xf32>
          %add3A_1261 = arith.constant 10 : i32
          %add3A_1262 = arith.addi %mul3A_94, %add3A_1261 : i32
          %get3A_1263 = arith.index_cast %add3A_1262 : i32 to index
          %get3A_1264 = arith.constant 0 : index
          %get3A_1265 = tpu.vector_load %arg11[%get3A_1263, %get3A_1264] {strides = array<i32>} : memref<128x128xf32, #tpu.memory_space<vmem>>, vector<1x16xf32>,
          %get3A_1266 = vector.shape_cast %get3A_1265 : vector<1x16xf32> to vector<16xf32>
          %mul3A_1267 = arith.mulf %get3A_1266, %gather3A_1260 : vector<16xf32>
          %add3A_1268 = arith.constant 10 : i32
          %add3A_1269 = arith.addi %mul3A_94, %add3A_1268 : i32
          %swap3A_1270 = arith.index_cast %add3A_1269 : i32 to index
          %swap3A_1271 = arith.constant 0 : index
          %swap3A_1272 = tpu.vector_load %arg11[%swap3A_1270, %swap3A_1271] {strides = array<i32>} : memref<128x128xf32, #tpu.memory_space<vmem>>, vector<1x16xf32>,
          %swap3A_1273 = vector.shape_cast %swap3A_1272 : vector<1x16xf32> to vector<16xf32>
          %swap3A_1274 = vector.shape_cast %mul3A_1267 : vector<16xf32> to vector<1x16xf32>
          tpu.vector_store %arg11[%swap3A_1270, %swap3A_1271], %swap3A_1274 {strides = array<i32>} : memref<128x128xf32, #tpu.memory_space<vmem>>, vector<1x16xf32>,
          %add3A_1275 = arith.constant 10 : i32
          %add3A_1276 = arith.addi %mul3A_94, %add3A_1275 : i32
          %get3A_1277 = arith.index_cast %add3A_1276 : i32 to index
          %get3A_1278 = arith.constant 16 : index
          %get3A_1279 = tpu.vector_load %arg11[%get3A_1277, %get3A_1278] {strides = array<i32>} : memref<128x128xf32, #tpu.memory_space<vmem>>, vector<1x16xf32>,
          %get3A_1280 = vector.shape_cast %get3A_1279 : vector<1x16xf32> to vector<16xf32>
          %mul3A_1281 = arith.mulf %get3A_1280, %gather3A_1260 : vector<16xf32>
          %add3A_1282 = arith.constant 10 : i32
          %add3A_1283 = arith.addi %mul3A_94, %add3A_1282 : i32
          %swap3A_1284 = arith.index_cast %add3A_1283 : i32 to index
          %swap3A_1285 = arith.constant 16 : index
          %swap3A_1286 = tpu.vector_load %arg11[%swap3A_1284, %swap3A_1285] {strides = array<i32>} : memref<128x128xf32, #tpu.memory_space<vmem>>, vector<1x16xf32>,
          %swap3A_1287 = vector.shape_cast %swap3A_1286 : vector<1x16xf32> to vector<16xf32>
          %swap3A_1288 = vector.shape_cast %mul3A_1281 : vector<16xf32> to vector<1x16xf32>
          tpu.vector_store %arg11[%swap3A_1284, %swap3A_1285], %swap3A_1288 {strides = array<i32>} : memref<128x128xf32, #tpu.memory_space<vmem>>, vector<1x16xf32>,
          %add3A_1289 = arith.constant 10 : i32
          %add3A_1290 = arith.addi %mul3A_94, %add3A_1289 : i32
          %get3A_1291 = arith.index_cast %add3A_1290 : i32 to index
          %get3A_1292 = arith.constant 32 : index
          %get3A_1293 = tpu.vector_load %arg11[%get3A_1291, %get3A_1292] {strides = array<i32>} : memref<128x128xf32, #tpu.memory_space<vmem>>, vector<1x16xf32>,
          %get3A_1294 = vector.shape_cast %get3A_1293 : vector<1x16xf32> to vector<16xf32>
          %mul3A_1295 = arith.mulf %get3A_1294, %gather3A_1260 : vector<16xf32>
          %add3A_1296 = arith.constant 10 : i32
          %add3A_1297 = arith.addi %mul3A_94, %add3A_1296 : i32
          %swap3A_1298 = arith.index_cast %add3A_1297 : i32 to index
          %swap3A_1299 = arith.constant 32 : index
          %swap3A_1300 = tpu.vector_load %arg11[%swap3A_1298, %swap3A_1299] {strides = array<i32>} : memref<128x128xf32, #tpu.memory_space<vmem>>, vector<1x16xf32>,
          %swap3A_1301 = vector.shape_cast %swap3A_1300 : vector<1x16xf32> to vector<16xf32>
          %swap3A_1302 = vector.shape_cast %mul3A_1295 : vector<16xf32> to vector<1x16xf32>
          tpu.vector_store %arg11[%swap3A_1298, %swap3A_1299], %swap3A_1302 {strides = array<i32>} : memref<128x128xf32, #tpu.memory_space<vmem>>, vector<1x16xf32>,
          %add3A_1303 = arith.constant 10 : i32
          %add3A_1304 = arith.addi %mul3A_94, %add3A_1303 : i32
          %get3A_1305 = arith.index_cast %add3A_1304 : i32 to index
          %get3A_1306 = arith.constant 48 : index
          %get3A_1307 = tpu.vector_load %arg11[%get3A_1305, %get3A_1306] {strides = array<i32>} : memref<128x128xf32, #tpu.memory_space<vmem>>, vector<1x16xf32>,
          %get3A_1308 = vector.shape_cast %get3A_1307 : vector<1x16xf32> to vector<16xf32>
          %mul3A_1309 = arith.mulf %get3A_1308, %gather3A_1260 : vector<16xf32>
          %add3A_1310 = arith.constant 10 : i32
          %add3A_1311 = arith.addi %mul3A_94, %add3A_1310 : i32
          %swap3A_1312 = arith.index_cast %add3A_1311 : i32 to index
          %swap3A_1313 = arith.constant 48 : index
          %swap3A_1314 = tpu.vector_load %arg11[%swap3A_1312, %swap3A_1313] {strides = array<i32>} : memref<128x128xf32, #tpu.memory_space<vmem>>, vector<1x16xf32>,
          %swap3A_1315 = vector.shape_cast %swap3A_1314 : vector<1x16xf32> to vector<16xf32>
          %swap3A_1316 = vector.shape_cast %mul3A_1309 : vector<16xf32> to vector<1x16xf32>
          tpu.vector_store %arg11[%swap3A_1312, %swap3A_1313], %swap3A_1316 {strides = array<i32>} : memref<128x128xf32, #tpu.memory_space<vmem>>, vector<1x16xf32>,
          %add3A_1317 = arith.constant 10 : i32
          %add3A_1318 = arith.addi %mul3A_94, %add3A_1317 : i32
          %get3A_1319 = arith.index_cast %add3A_1318 : i32 to index
          %get3A_1320 = arith.constant 64 : index
          %get3A_1321 = tpu.vector_load %arg11[%get3A_1319, %get3A_1320] {strides = array<i32>} : memref<128x128xf32, #tpu.memory_space<vmem>>, vector<1x16xf32>,
          %get3A_1322 = vector.shape_cast %get3A_1321 : vector<1x16xf32> to vector<16xf32>
          %mul3A_1323 = arith.mulf %get3A_1322, %gather3A_1260 : vector<16xf32>
          %add3A_1324 = arith.constant 10 : i32
          %add3A_1325 = arith.addi %mul3A_94, %add3A_1324 : i32
          %swap3A_1326 = arith.index_cast %add3A_1325 : i32 to index
          %swap3A_1327 = arith.constant 64 : index
          %swap3A_1328 = tpu.vector_load %arg11[%swap3A_1326, %swap3A_1327] {strides = array<i32>} : memref<128x128xf32, #tpu.memory_space<vmem>>, vector<1x16xf32>,
          %swap3A_1329 = vector.shape_cast %swap3A_1328 : vector<1x16xf32> to vector<16xf32>
          %swap3A_1330 = vector.shape_cast %mul3A_1323 : vector<16xf32> to vector<1x16xf32>
          tpu.vector_store %arg11[%swap3A_1326, %swap3A_1327], %swap3A_1330 {strides = array<i32>} : memref<128x128xf32, #tpu.memory_space<vmem>>, vector<1x16xf32>,
          %add3A_1331 = arith.constant 10 : i32
          %add3A_1332 = arith.addi %mul3A_94, %add3A_1331 : i32
          %get3A_1333 = arith.index_cast %add3A_1332 : i32 to index
          %get3A_1334 = arith.constant 80 : index
          %get3A_1335 = tpu.vector_load %arg11[%get3A_1333, %get3A_1334] {strides = array<i32>} : memref<128x128xf32, #tpu.memory_space<vmem>>, vector<1x16xf32>,
          %get3A_1336 = vector.shape_cast %get3A_1335 : vector<1x16xf32> to vector<16xf32>
          %mul3A_1337 = arith.mulf %get3A_1336, %gather3A_1260 : vector<16xf32>
          %add3A_1338 = arith.constant 10 : i32
          %add3A_1339 = arith.addi %mul3A_94, %add3A_1338 : i32
          %swap3A_1340 = arith.index_cast %add3A_1339 : i32 to index
          %swap3A_1341 = arith.constant 80 : index
          %swap3A_1342 = tpu.vector_load %arg11[%swap3A_1340, %swap3A_1341] {strides = array<i32>} : memref<128x128xf32, #tpu.memory_space<vmem>>, vector<1x16xf32>,
          %swap3A_1343 = vector.shape_cast %swap3A_1342 : vector<1x16xf32> to vector<16xf32>
          %swap3A_1344 = vector.shape_cast %mul3A_1337 : vector<16xf32> to vector<1x16xf32>
          tpu.vector_store %arg11[%swap3A_1340, %swap3A_1341], %swap3A_1344 {strides = array<i32>} : memref<128x128xf32, #tpu.memory_space<vmem>>, vector<1x16xf32>,
          %add3A_1345 = arith.constant 10 : i32
          %add3A_1346 = arith.addi %mul3A_94, %add3A_1345 : i32
          %get3A_1347 = arith.index_cast %add3A_1346 : i32 to index
          %get3A_1348 = arith.constant 96 : index
          %get3A_1349 = tpu.vector_load %arg11[%get3A_1347, %get3A_1348] {strides = array<i32>} : memref<128x128xf32, #tpu.memory_space<vmem>>, vector<1x16xf32>,
          %get3A_1350 = vector.shape_cast %get3A_1349 : vector<1x16xf32> to vector<16xf32>
          %mul3A_1351 = arith.mulf %get3A_1350, %gather3A_1260 : vector<16xf32>
          %add3A_1352 = arith.constant 10 : i32
          %add3A_1353 = arith.addi %mul3A_94, %add3A_1352 : i32
          %swap3A_1354 = arith.index_cast %add3A_1353 : i32 to index
          %swap3A_1355 = arith.constant 96 : index
          %swap3A_1356 = tpu.vector_load %arg11[%swap3A_1354, %swap3A_1355] {strides = array<i32>} : memref<128x128xf32, #tpu.memory_space<vmem>>, vector<1x16xf32>,
          %swap3A_1357 = vector.shape_cast %swap3A_1356 : vector<1x16xf32> to vector<16xf32>
          %swap3A_1358 = vector.shape_cast %mul3A_1351 : vector<16xf32> to vector<1x16xf32>
          tpu.vector_store %arg11[%swap3A_1354, %swap3A_1355], %swap3A_1358 {strides = array<i32>} : memref<128x128xf32, #tpu.memory_space<vmem>>, vector<1x16xf32>,
          %add3A_1359 = arith.constant 10 : i32
          %add3A_1360 = arith.addi %mul3A_94, %add3A_1359 : i32
          %get3A_1361 = arith.index_cast %add3A_1360 : i32 to index
          %get3A_1362 = arith.constant 112 : index
          %get3A_1363 = tpu.vector_load %arg11[%get3A_1361, %get3A_1362] {strides = array<i32>} : memref<128x128xf32, #tpu.memory_space<vmem>>, vector<1x16xf32>,
          %get3A_1364 = vector.shape_cast %get3A_1363 : vector<1x16xf32> to vector<16xf32>
          %mul3A_1365 = arith.mulf %get3A_1364, %gather3A_1260 : vector<16xf32>
          %add3A_1366 = arith.constant 10 : i32
          %add3A_1367 = arith.addi %mul3A_94, %add3A_1366 : i32
          %swap3A_1368 = arith.index_cast %add3A_1367 : i32 to index
          %swap3A_1369 = arith.constant 112 : index
          %swap3A_1370 = tpu.vector_load %arg11[%swap3A_1368, %swap3A_1369] {strides = array<i32>} : memref<128x128xf32, #tpu.memory_space<vmem>>, vector<1x16xf32>,
          %swap3A_1371 = vector.shape_cast %swap3A_1370 : vector<1x16xf32> to vector<16xf32>
          %swap3A_1372 = vector.shape_cast %mul3A_1365 : vector<16xf32> to vector<1x16xf32>
          tpu.vector_store %arg11[%swap3A_1368, %swap3A_1369], %swap3A_1372 {strides = array<i32>} : memref<128x128xf32, #tpu.memory_space<vmem>>, vector<1x16xf32>,
          %broadcast_in_dim3A_1373 = arith.constant 11 : i32
          %broadcast_in_dim3A_1374 = vector.broadcast %broadcast_in_dim3A_1373 : i32 to vector<16x1xi32>
          %gather3A_1375 = vector.shape_cast %broadcast_in_dim3A_1374 : vector<16x1xi32> to vector<16xi32>
          %gather3A_1376 = tpu.dynamic_gather %get3A_98[%gather3A_1375] in [0] : vector<16xf32>, vector<16xi32> -> vector<16xf32>
          %add3A_1377 = arith.constant 11 : i32
          %add3A_1378 = arith.addi %mul3A_94, %add3A_1377 : i32
          %get3A_1379 = arith.index_cast %add3A_1378 : i32 to index
          %get3A_1380 = arith.constant 0 : index
          %get3A_1381 = tpu.vector_load %arg11[%get3A_1379, %get3A_1380] {strides = array<i32>} : memref<128x128xf32, #tpu.memory_space<vmem>>, vector<1x16xf32>,
          %get3A_1382 = vector.shape_cast %get3A_1381 : vector<1x16xf32> to vector<16xf32>
          %mul3A_1383 = arith.mulf %get3A_1382, %gather3A_1376 : vector<16xf32>
          %add3A_1384 = arith.constant 11 : i32
          %add3A_1385 = arith.addi %mul3A_94, %add3A_1384 : i32
          %swap3A_1386 = arith.index_cast %add3A_1385 : i32 to index
          %swap3A_1387 = arith.constant 0 : index
          %swap3A_1388 = tpu.vector_load %arg11[%swap3A_1386, %swap3A_1387] {strides = array<i32>} : memref<128x128xf32, #tpu.memory_space<vmem>>, vector<1x16xf32>,
          %swap3A_1389 = vector.shape_cast %swap3A_1388 : vector<1x16xf32> to vector<16xf32>
          %swap3A_1390 = vector.shape_cast %mul3A_1383 : vector<16xf32> to vector<1x16xf32>
          tpu.vector_store %arg11[%swap3A_1386, %swap3A_1387], %swap3A_1390 {strides = array<i32>} : memref<128x128xf32, #tpu.memory_space<vmem>>, vector<1x16xf32>,
          %add3A_1391 = arith.constant 11 : i32
          %add3A_1392 = arith.addi %mul3A_94, %add3A_1391 : i32
          %get3A_1393 = arith.index_cast %add3A_1392 : i32 to index
          %get3A_1394 = arith.constant 16 : index
          %get3A_1395 = tpu.vector_load %arg11[%get3A_1393, %get3A_1394] {strides = array<i32>} : memref<128x128xf32, #tpu.memory_space<vmem>>, vector<1x16xf32>,
          %get3A_1396 = vector.shape_cast %get3A_1395 : vector<1x16xf32> to vector<16xf32>
          %mul3A_1397 = arith.mulf %get3A_1396, %gather3A_1376 : vector<16xf32>
          %add3A_1398 = arith.constant 11 : i32
          %add3A_1399 = arith.addi %mul3A_94, %add3A_1398 : i32
          %swap3A_1400 = arith.index_cast %add3A_1399 : i32 to index
          %swap3A_1401 = arith.constant 16 : index
          %swap3A_1402 = tpu.vector_load %arg11[%swap3A_1400, %swap3A_1401] {strides = array<i32>} : memref<128x128xf32, #tpu.memory_space<vmem>>, vector<1x16xf32>,
          %swap3A_1403 = vector.shape_cast %swap3A_1402 : vector<1x16xf32> to vector<16xf32>
          %swap3A_1404 = vector.shape_cast %mul3A_1397 : vector<16xf32> to vector<1x16xf32>
          tpu.vector_store %arg11[%swap3A_1400, %swap3A_1401], %swap3A_1404 {strides = array<i32>} : memref<128x128xf32, #tpu.memory_space<vmem>>, vector<1x16xf32>,
          %add3A_1405 = arith.constant 11 : i32
          %add3A_1406 = arith.addi %mul3A_94, %add3A_1405 : i32
          %get3A_1407 = arith.index_cast %add3A_1406 : i32 to index
          %get3A_1408 = arith.constant 32 : index
          %get3A_1409 = tpu.vector_load %arg11[%get3A_1407, %get3A_1408] {strides = array<i32>} : memref<128x128xf32, #tpu.memory_space<vmem>>, vector<1x16xf32>,
          %get3A_1410 = vector.shape_cast %get3A_1409 : vector<1x16xf32> to vector<16xf32>
          %mul3A_1411 = arith.mulf %get3A_1410, %gather3A_1376 : vector<16xf32>
          %add3A_1412 = arith.constant 11 : i32
          %add3A_1413 = arith.addi %mul3A_94, %add3A_1412 : i32
          %swap3A_1414 = arith.index_cast %add3A_1413 : i32 to index
          %swap3A_1415 = arith.constant 32 : index
          %swap3A_1416 = tpu.vector_load %arg11[%swap3A_1414, %swap3A_1415] {strides = array<i32>} : memref<128x128xf32, #tpu.memory_space<vmem>>, vector<1x16xf32>,
          %swap3A_1417 = vector.shape_cast %swap3A_1416 : vector<1x16xf32> to vector<16xf32>
          %swap3A_1418 = vector.shape_cast %mul3A_1411 : vector<16xf32> to vector<1x16xf32>
          tpu.vector_store %arg11[%swap3A_1414, %swap3A_1415], %swap3A_1418 {strides = array<i32>} : memref<128x128xf32, #tpu.memory_space<vmem>>, vector<1x16xf32>,
          %add3A_1419 = arith.constant 11 : i32
          %add3A_1420 = arith.addi %mul3A_94, %add3A_1419 : i32
          %get3A_1421 = arith.index_cast %add3A_1420 : i32 to index
          %get3A_1422 = arith.constant 48 : index
          %get3A_1423 = tpu.vector_load %arg11[%get3A_1421, %get3A_1422] {strides = array<i32>} : memref<128x128xf32, #tpu.memory_space<vmem>>, vector<1x16xf32>,
          %get3A_1424 = vector.shape_cast %get3A_1423 : vector<1x16xf32> to vector<16xf32>
          %mul3A_1425 = arith.mulf %get3A_1424, %gather3A_1376 : vector<16xf32>
          %add3A_1426 = arith.constant 11 : i32
          %add3A_1427 = arith.addi %mul3A_94, %add3A_1426 : i32
          %swap3A_1428 = arith.index_cast %add3A_1427 : i32 to index
          %swap3A_1429 = arith.constant 48 : index
          %swap3A_1430 = tpu.vector_load %arg11[%swap3A_1428, %swap3A_1429] {strides = array<i32>} : memref<128x128xf32, #tpu.memory_space<vmem>>, vector<1x16xf32>,
          %swap3A_1431 = vector.shape_cast %swap3A_1430 : vector<1x16xf32> to vector<16xf32>
          %swap3A_1432 = vector.shape_cast %mul3A_1425 : vector<16xf32> to vector<1x16xf32>
          tpu.vector_store %arg11[%swap3A_1428, %swap3A_1429], %swap3A_1432 {strides = array<i32>} : memref<128x128xf32, #tpu.memory_space<vmem>>, vector<1x16xf32>,
          %add3A_1433 = arith.constant 11 : i32
          %add3A_1434 = arith.addi %mul3A_94, %add3A_1433 : i32
          %get3A_1435 = arith.index_cast %add3A_1434 : i32 to index
          %get3A_1436 = arith.constant 64 : index
          %get3A_1437 = tpu.vector_load %arg11[%get3A_1435, %get3A_1436] {strides = array<i32>} : memref<128x128xf32, #tpu.memory_space<vmem>>, vector<1x16xf32>,
          %get3A_1438 = vector.shape_cast %get3A_1437 : vector<1x16xf32> to vector<16xf32>
          %mul3A_1439 = arith.mulf %get3A_1438, %gather3A_1376 : vector<16xf32>
          %add3A_1440 = arith.constant 11 : i32
          %add3A_1441 = arith.addi %mul3A_94, %add3A_1440 : i32
          %swap3A_1442 = arith.index_cast %add3A_1441 : i32 to index
          %swap3A_1443 = arith.constant 64 : index
          %swap3A_1444 = tpu.vector_load %arg11[%swap3A_1442, %swap3A_1443] {strides = array<i32>} : memref<128x128xf32, #tpu.memory_space<vmem>>, vector<1x16xf32>,
          %swap3A_1445 = vector.shape_cast %swap3A_1444 : vector<1x16xf32> to vector<16xf32>
          %swap3A_1446 = vector.shape_cast %mul3A_1439 : vector<16xf32> to vector<1x16xf32>
          tpu.vector_store %arg11[%swap3A_1442, %swap3A_1443], %swap3A_1446 {strides = array<i32>} : memref<128x128xf32, #tpu.memory_space<vmem>>, vector<1x16xf32>,
          %add3A_1447 = arith.constant 11 : i32
          %add3A_1448 = arith.addi %mul3A_94, %add3A_1447 : i32
          %get3A_1449 = arith.index_cast %add3A_1448 : i32 to index
          %get3A_1450 = arith.constant 80 : index
          %get3A_1451 = tpu.vector_load %arg11[%get3A_1449, %get3A_1450] {strides = array<i32>} : memref<128x128xf32, #tpu.memory_space<vmem>>, vector<1x16xf32>,
          %get3A_1452 = vector.shape_cast %get3A_1451 : vector<1x16xf32> to vector<16xf32>
          %mul3A_1453 = arith.mulf %get3A_1452, %gather3A_1376 : vector<16xf32>
          %add3A_1454 = arith.constant 11 : i32
          %add3A_1455 = arith.addi %mul3A_94, %add3A_1454 : i32
          %swap3A_1456 = arith.index_cast %add3A_1455 : i32 to index
          %swap3A_1457 = arith.constant 80 : index
          %swap3A_1458 = tpu.vector_load %arg11[%swap3A_1456, %swap3A_1457] {strides = array<i32>} : memref<128x128xf32, #tpu.memory_space<vmem>>, vector<1x16xf32>,
          %swap3A_1459 = vector.shape_cast %swap3A_1458 : vector<1x16xf32> to vector<16xf32>
          %swap3A_1460 = vector.shape_cast %mul3A_1453 : vector<16xf32> to vector<1x16xf32>
          tpu.vector_store %arg11[%swap3A_1456, %swap3A_1457], %swap3A_1460 {strides = array<i32>} : memref<128x128xf32, #tpu.memory_space<vmem>>, vector<1x16xf32>,
          %add3A_1461 = arith.constant 11 : i32
          %add3A_1462 = arith.addi %mul3A_94, %add3A_1461 : i32
          %get3A_1463 = arith.index_cast %add3A_1462 : i32 to index
          %get3A_1464 = arith.constant 96 : index
          %get3A_1465 = tpu.vector_load %arg11[%get3A_1463, %get3A_1464] {strides = array<i32>} : memref<128x128xf32, #tpu.memory_space<vmem>>, vector<1x16xf32>,
          %get3A_1466 = vector.shape_cast %get3A_1465 : vector<1x16xf32> to vector<16xf32>
          %mul3A_1467 = arith.mulf %get3A_1466, %gather3A_1376 : vector<16xf32>
          %add3A_1468 = arith.constant 11 : i32
          %add3A_1469 = arith.addi %mul3A_94, %add3A_1468 : i32
          %swap3A_1470 = arith.index_cast %add3A_1469 : i32 to index
          %swap3A_1471 = arith.constant 96 : index
          %swap3A_1472 = tpu.vector_load %arg11[%swap3A_1470, %swap3A_1471] {strides = array<i32>} : memref<128x128xf32, #tpu.memory_space<vmem>>, vector<1x16xf32>,
          %swap3A_1473 = vector.shape_cast %swap3A_1472 : vector<1x16xf32> to vector<16xf32>
          %swap3A_1474 = vector.shape_cast %mul3A_1467 : vector<16xf32> to vector<1x16xf32>
          tpu.vector_store %arg11[%swap3A_1470, %swap3A_1471], %swap3A_1474 {strides = array<i32>} : memref<128x128xf32, #tpu.memory_space<vmem>>, vector<1x16xf32>,
          %add3A_1475 = arith.constant 11 : i32
          %add3A_1476 = arith.addi %mul3A_94, %add3A_1475 : i32
          %get3A_1477 = arith.index_cast %add3A_1476 : i32 to index
          %get3A_1478 = arith.constant 112 : index
          %get3A_1479 = tpu.vector_load %arg11[%get3A_1477, %get3A_1478] {strides = array<i32>} : memref<128x128xf32, #tpu.memory_space<vmem>>, vector<1x16xf32>,
          %get3A_1480 = vector.shape_cast %get3A_1479 : vector<1x16xf32> to vector<16xf32>
          %mul3A_1481 = arith.mulf %get3A_1480, %gather3A_1376 : vector<16xf32>
          %add3A_1482 = arith.constant 11 : i32
          %add3A_1483 = arith.addi %mul3A_94, %add3A_1482 : i32
          %swap3A_1484 = arith.index_cast %add3A_1483 : i32 to index
          %swap3A_1485 = arith.constant 112 : index
          %swap3A_1486 = tpu.vector_load %arg11[%swap3A_1484, %swap3A_1485] {strides = array<i32>} : memref<128x128xf32, #tpu.memory_space<vmem>>, vector<1x16xf32>,
          %swap3A_1487 = vector.shape_cast %swap3A_1486 : vector<1x16xf32> to vector<16xf32>
          %swap3A_1488 = vector.shape_cast %mul3A_1481 : vector<16xf32> to vector<1x16xf32>
          tpu.vector_store %arg11[%swap3A_1484, %swap3A_1485], %swap3A_1488 {strides = array<i32>} : memref<128x128xf32, #tpu.memory_space<vmem>>, vector<1x16xf32>,
          %broadcast_in_dim3A_1489 = arith.constant 12 : i32
          %broadcast_in_dim3A_1490 = vector.broadcast %broadcast_in_dim3A_1489 : i32 to vector<16x1xi32>
          %gather3A_1491 = vector.shape_cast %broadcast_in_dim3A_1490 : vector<16x1xi32> to vector<16xi32>
          %gather3A_1492 = tpu.dynamic_gather %get3A_98[%gather3A_1491] in [0] : vector<16xf32>, vector<16xi32> -> vector<16xf32>
          %add3A_1493 = arith.constant 12 : i32
          %add3A_1494 = arith.addi %mul3A_94, %add3A_1493 : i32
          %get3A_1495 = arith.index_cast %add3A_1494 : i32 to index
          %get3A_1496 = arith.constant 0 : index
          %get3A_1497 = tpu.vector_load %arg11[%get3A_1495, %get3A_1496] {strides = array<i32>} : memref<128x128xf32, #tpu.memory_space<vmem>>, vector<1x16xf32>,
          %get3A_1498 = vector.shape_cast %get3A_1497 : vector<1x16xf32> to vector<16xf32>
          %mul3A_1499 = arith.mulf %get3A_1498, %gather3A_1492 : vector<16xf32>
          %add3A_1500 = arith.constant 12 : i32
          %add3A_1501 = arith.addi %mul3A_94, %add3A_1500 : i32
          %swap3A_1502 = arith.index_cast %add3A_1501 : i32 to index
          %swap3A_1503 = arith.constant 0 : index
          %swap3A_1504 = tpu.vector_load %arg11[%swap3A_1502, %swap3A_1503] {strides = array<i32>} : memref<128x128xf32, #tpu.memory_space<vmem>>, vector<1x16xf32>,
          %swap3A_1505 = vector.shape_cast %swap3A_1504 : vector<1x16xf32> to vector<16xf32>
          %swap3A_1506 = vector.shape_cast %mul3A_1499 : vector<16xf32> to vector<1x16xf32>
          tpu.vector_store %arg11[%swap3A_1502, %swap3A_1503], %swap3A_1506 {strides = array<i32>} : memref<128x128xf32, #tpu.memory_space<vmem>>, vector<1x16xf32>,
          %add3A_1507 = arith.constant 12 : i32
          %add3A_1508 = arith.addi %mul3A_94, %add3A_1507 : i32
          %get3A_1509 = arith.index_cast %add3A_1508 : i32 to index
          %get3A_1510 = arith.constant 16 : index
          %get3A_1511 = tpu.vector_load %arg11[%get3A_1509, %get3A_1510] {strides = array<i32>} : memref<128x128xf32, #tpu.memory_space<vmem>>, vector<1x16xf32>,
          %get3A_1512 = vector.shape_cast %get3A_1511 : vector<1x16xf32> to vector<16xf32>
          %mul3A_1513 = arith.mulf %get3A_1512, %gather3A_1492 : vector<16xf32>
          %add3A_1514 = arith.constant 12 : i32
          %add3A_1515 = arith.addi %mul3A_94, %add3A_1514 : i32
          %swap3A_1516 = arith.index_cast %add3A_1515 : i32 to index
          %swap3A_1517 = arith.constant 16 : index
          %swap3A_1518 = tpu.vector_load %arg11[%swap3A_1516, %swap3A_1517] {strides = array<i32>} : memref<128x128xf32, #tpu.memory_space<vmem>>, vector<1x16xf32>,
          %swap3A_1519 = vector.shape_cast %swap3A_1518 : vector<1x16xf32> to vector<16xf32>
          %swap3A_1520 = vector.shape_cast %mul3A_1513 : vector<16xf32> to vector<1x16xf32>
          tpu.vector_store %arg11[%swap3A_1516, %swap3A_1517], %swap3A_1520 {strides = array<i32>} : memref<128x128xf32, #tpu.memory_space<vmem>>, vector<1x16xf32>,
          %add3A_1521 = arith.constant 12 : i32
          %add3A_1522 = arith.addi %mul3A_94, %add3A_1521 : i32
          %get3A_1523 = arith.index_cast %add3A_1522 : i32 to index
          %get3A_1524 = arith.constant 32 : index
          %get3A_1525 = tpu.vector_load %arg11[%get3A_1523, %get3A_1524] {strides = array<i32>} : memref<128x128xf32, #tpu.memory_space<vmem>>, vector<1x16xf32>,
          %get3A_1526 = vector.shape_cast %get3A_1525 : vector<1x16xf32> to vector<16xf32>
          %mul3A_1527 = arith.mulf %get3A_1526, %gather3A_1492 : vector<16xf32>
          %add3A_1528 = arith.constant 12 : i32
          %add3A_1529 = arith.addi %mul3A_94, %add3A_1528 : i32
          %swap3A_1530 = arith.index_cast %add3A_1529 : i32 to index
          %swap3A_1531 = arith.constant 32 : index
          %swap3A_1532 = tpu.vector_load %arg11[%swap3A_1530, %swap3A_1531] {strides = array<i32>} : memref<128x128xf32, #tpu.memory_space<vmem>>, vector<1x16xf32>,
          %swap3A_1533 = vector.shape_cast %swap3A_1532 : vector<1x16xf32> to vector<16xf32>
          %swap3A_1534 = vector.shape_cast %mul3A_1527 : vector<16xf32> to vector<1x16xf32>
          tpu.vector_store %arg11[%swap3A_1530, %swap3A_1531], %swap3A_1534 {strides = array<i32>} : memref<128x128xf32, #tpu.memory_space<vmem>>, vector<1x16xf32>,
          %add3A_1535 = arith.constant 12 : i32
          %add3A_1536 = arith.addi %mul3A_94, %add3A_1535 : i32
          %get3A_1537 = arith.index_cast %add3A_1536 : i32 to index
          %get3A_1538 = arith.constant 48 : index
          %get3A_1539 = tpu.vector_load %arg11[%get3A_1537, %get3A_1538] {strides = array<i32>} : memref<128x128xf32, #tpu.memory_space<vmem>>, vector<1x16xf32>,
          %get3A_1540 = vector.shape_cast %get3A_1539 : vector<1x16xf32> to vector<16xf32>
          %mul3A_1541 = arith.mulf %get3A_1540, %gather3A_1492 : vector<16xf32>
          %add3A_1542 = arith.constant 12 : i32
          %add3A_1543 = arith.addi %mul3A_94, %add3A_1542 : i32
          %swap3A_1544 = arith.index_cast %add3A_1543 : i32 to index
          %swap3A_1545 = arith.constant 48 : index
          %swap3A_1546 = tpu.vector_load %arg11[%swap3A_1544, %swap3A_1545] {strides = array<i32>} : memref<128x128xf32, #tpu.memory_space<vmem>>, vector<1x16xf32>,
          %swap3A_1547 = vector.shape_cast %swap3A_1546 : vector<1x16xf32> to vector<16xf32>
          %swap3A_1548 = vector.shape_cast %mul3A_1541 : vector<16xf32> to vector<1x16xf32>
          tpu.vector_store %arg11[%swap3A_1544, %swap3A_1545], %swap3A_1548 {strides = array<i32>} : memref<128x128xf32, #tpu.memory_space<vmem>>, vector<1x16xf32>,
          %add3A_1549 = arith.constant 12 : i32
          %add3A_1550 = arith.addi %mul3A_94, %add3A_1549 : i32
          %get3A_1551 = arith.index_cast %add3A_1550 : i32 to index
          %get3A_1552 = arith.constant 64 : index
          %get3A_1553 = tpu.vector_load %arg11[%get3A_1551, %get3A_1552] {strides = array<i32>} : memref<128x128xf32, #tpu.memory_space<vmem>>, vector<1x16xf32>,
          %get3A_1554 = vector.shape_cast %get3A_1553 : vector<1x16xf32> to vector<16xf32>
          %mul3A_1555 = arith.mulf %get3A_1554, %gather3A_1492 : vector<16xf32>
          %add3A_1556 = arith.constant 12 : i32
          %add3A_1557 = arith.addi %mul3A_94, %add3A_1556 : i32
          %swap3A_1558 = arith.index_cast %add3A_1557 : i32 to index
          %swap3A_1559 = arith.constant 64 : index
          %swap3A_1560 = tpu.vector_load %arg11[%swap3A_1558, %swap3A_1559] {strides = array<i32>} : memref<128x128xf32, #tpu.memory_space<vmem>>, vector<1x16xf32>,
          %swap3A_1561 = vector.shape_cast %swap3A_1560 : vector<1x16xf32> to vector<16xf32>
          %swap3A_1562 = vector.shape_cast %mul3A_1555 : vector<16xf32> to vector<1x16xf32>
          tpu.vector_store %arg11[%swap3A_1558, %swap3A_1559], %swap3A_1562 {strides = array<i32>} : memref<128x128xf32, #tpu.memory_space<vmem>>, vector<1x16xf32>,
          %add3A_1563 = arith.constant 12 : i32
          %add3A_1564 = arith.addi %mul3A_94, %add3A_1563 : i32
          %get3A_1565 = arith.index_cast %add3A_1564 : i32 to index
          %get3A_1566 = arith.constant 80 : index
          %get3A_1567 = tpu.vector_load %arg11[%get3A_1565, %get3A_1566] {strides = array<i32>} : memref<128x128xf32, #tpu.memory_space<vmem>>, vector<1x16xf32>,
          %get3A_1568 = vector.shape_cast %get3A_1567 : vector<1x16xf32> to vector<16xf32>
          %mul3A_1569 = arith.mulf %get3A_1568, %gather3A_1492 : vector<16xf32>
          %add3A_1570 = arith.constant 12 : i32
          %add3A_1571 = arith.addi %mul3A_94, %add3A_1570 : i32
          %swap3A_1572 = arith.index_cast %add3A_1571 : i32 to index
          %swap3A_1573 = arith.constant 80 : index
          %swap3A_1574 = tpu.vector_load %arg11[%swap3A_1572, %swap3A_1573] {strides = array<i32>} : memref<128x128xf32, #tpu.memory_space<vmem>>, vector<1x16xf32>,
          %swap3A_1575 = vector.shape_cast %swap3A_1574 : vector<1x16xf32> to vector<16xf32>
          %swap3A_1576 = vector.shape_cast %mul3A_1569 : vector<16xf32> to vector<1x16xf32>
          tpu.vector_store %arg11[%swap3A_1572, %swap3A_1573], %swap3A_1576 {strides = array<i32>} : memref<128x128xf32, #tpu.memory_space<vmem>>, vector<1x16xf32>,
          %add3A_1577 = arith.constant 12 : i32
          %add3A_1578 = arith.addi %mul3A_94, %add3A_1577 : i32
          %get3A_1579 = arith.index_cast %add3A_1578 : i32 to index
          %get3A_1580 = arith.constant 96 : index
          %get3A_1581 = tpu.vector_load %arg11[%get3A_1579, %get3A_1580] {strides = array<i32>} : memref<128x128xf32, #tpu.memory_space<vmem>>, vector<1x16xf32>,
          %get3A_1582 = vector.shape_cast %get3A_1581 : vector<1x16xf32> to vector<16xf32>
          %mul3A_1583 = arith.mulf %get3A_1582, %gather3A_1492 : vector<16xf32>
          %add3A_1584 = arith.constant 12 : i32
          %add3A_1585 = arith.addi %mul3A_94, %add3A_1584 : i32
          %swap3A_1586 = arith.index_cast %add3A_1585 : i32 to index
          %swap3A_1587 = arith.constant 96 : index
          %swap3A_1588 = tpu.vector_load %arg11[%swap3A_1586, %swap3A_1587] {strides = array<i32>} : memref<128x128xf32, #tpu.memory_space<vmem>>, vector<1x16xf32>,
          %swap3A_1589 = vector.shape_cast %swap3A_1588 : vector<1x16xf32> to vector<16xf32>
          %swap3A_1590 = vector.shape_cast %mul3A_1583 : vector<16xf32> to vector<1x16xf32>
          tpu.vector_store %arg11[%swap3A_1586, %swap3A_1587], %swap3A_1590 {strides = array<i32>} : memref<128x128xf32, #tpu.memory_space<vmem>>, vector<1x16xf32>,
          %add3A_1591 = arith.constant 12 : i32
          %add3A_1592 = arith.addi %mul3A_94, %add3A_1591 : i32
          %get3A_1593 = arith.index_cast %add3A_1592 : i32 to index
          %get3A_1594 = arith.constant 112 : index
          %get3A_1595 = tpu.vector_load %arg11[%get3A_1593, %get3A_1594] {strides = array<i32>} : memref<128x128xf32, #tpu.memory_space<vmem>>, vector<1x16xf32>,
          %get3A_1596 = vector.shape_cast %get3A_1595 : vector<1x16xf32> to vector<16xf32>
          %mul3A_1597 = arith.mulf %get3A_1596, %gather3A_1492 : vector<16xf32>
          %add3A_1598 = arith.constant 12 : i32
          %add3A_1599 = arith.addi %mul3A_94, %add3A_1598 : i32
          %swap3A_1600 = arith.index_cast %add3A_1599 : i32 to index
          %swap3A_1601 = arith.constant 112 : index
          %swap3A_1602 = tpu.vector_load %arg11[%swap3A_1600, %swap3A_1601] {strides = array<i32>} : memref<128x128xf32, #tpu.memory_space<vmem>>, vector<1x16xf32>,
          %swap3A_1603 = vector.shape_cast %swap3A_1602 : vector<1x16xf32> to vector<16xf32>
          %swap3A_1604 = vector.shape_cast %mul3A_1597 : vector<16xf32> to vector<1x16xf32>
          tpu.vector_store %arg11[%swap3A_1600, %swap3A_1601], %swap3A_1604 {strides = array<i32>} : memref<128x128xf32, #tpu.memory_space<vmem>>, vector<1x16xf32>,
          %broadcast_in_dim3A_1605 = arith.constant 13 : i32
          %broadcast_in_dim3A_1606 = vector.broadcast %broadcast_in_dim3A_1605 : i32 to vector<16x1xi32>
          %gather3A_1607 = vector.shape_cast %broadcast_in_dim3A_1606 : vector<16x1xi32> to vector<16xi32>
          %gather3A_1608 = tpu.dynamic_gather %get3A_98[%gather3A_1607] in [0] : vector<16xf32>, vector<16xi32> -> vector<16xf32>
          %add3A_1609 = arith.constant 13 : i32
          %add3A_1610 = arith.addi %mul3A_94, %add3A_1609 : i32
          %get3A_1611 = arith.index_cast %add3A_1610 : i32 to index
          %get3A_1612 = arith.constant 0 : index
          %get3A_1613 = tpu.vector_load %arg11[%get3A_1611, %get3A_1612] {strides = array<i32>} : memref<128x128xf32, #tpu.memory_space<vmem>>, vector<1x16xf32>,
          %get3A_1614 = vector.shape_cast %get3A_1613 : vector<1x16xf32> to vector<16xf32>
          %mul3A_1615 = arith.mulf %get3A_1614, %gather3A_1608 : vector<16xf32>
          %add3A_1616 = arith.constant 13 : i32
          %add3A_1617 = arith.addi %mul3A_94, %add3A_1616 : i32
          %swap3A_1618 = arith.index_cast %add3A_1617 : i32 to index
          %swap3A_1619 = arith.constant 0 : index
          %swap3A_1620 = tpu.vector_load %arg11[%swap3A_1618, %swap3A_1619] {strides = array<i32>} : memref<128x128xf32, #tpu.memory_space<vmem>>, vector<1x16xf32>,
          %swap3A_1621 = vector.shape_cast %swap3A_1620 : vector<1x16xf32> to vector<16xf32>
          %swap3A_1622 = vector.shape_cast %mul3A_1615 : vector<16xf32> to vector<1x16xf32>
          tpu.vector_store %arg11[%swap3A_1618, %swap3A_1619], %swap3A_1622 {strides = array<i32>} : memref<128x128xf32, #tpu.memory_space<vmem>>, vector<1x16xf32>,
          %add3A_1623 = arith.constant 13 : i32
          %add3A_1624 = arith.addi %mul3A_94, %add3A_1623 : i32
          %get3A_1625 = arith.index_cast %add3A_1624 : i32 to index
          %get3A_1626 = arith.constant 16 : index
          %get3A_1627 = tpu.vector_load %arg11[%get3A_1625, %get3A_1626] {strides = array<i32>} : memref<128x128xf32, #tpu.memory_space<vmem>>, vector<1x16xf32>,
          %get3A_1628 = vector.shape_cast %get3A_1627 : vector<1x16xf32> to vector<16xf32>
          %mul3A_1629 = arith.mulf %get3A_1628, %gather3A_1608 : vector<16xf32>
          %add3A_1630 = arith.constant 13 : i32
          %add3A_1631 = arith.addi %mul3A_94, %add3A_1630 : i32
          %swap3A_1632 = arith.index_cast %add3A_1631 : i32 to index
          %swap3A_1633 = arith.constant 16 : index
          %swap3A_1634 = tpu.vector_load %arg11[%swap3A_1632, %swap3A_1633] {strides = array<i32>} : memref<128x128xf32, #tpu.memory_space<vmem>>, vector<1x16xf32>,
          %swap3A_1635 = vector.shape_cast %swap3A_1634 : vector<1x16xf32> to vector<16xf32>
          %swap3A_1636 = vector.shape_cast %mul3A_1629 : vector<16xf32> to vector<1x16xf32>
          tpu.vector_store %arg11[%swap3A_1632, %swap3A_1633], %swap3A_1636 {strides = array<i32>} : memref<128x128xf32, #tpu.memory_space<vmem>>, vector<1x16xf32>,
          %add3A_1637 = arith.constant 13 : i32
          %add3A_1638 = arith.addi %mul3A_94, %add3A_1637 : i32
          %get3A_1639 = arith.index_cast %add3A_1638 : i32 to index
          %get3A_1640 = arith.constant 32 : index
          %get3A_1641 = tpu.vector_load %arg11[%get3A_1639, %get3A_1640] {strides = array<i32>} : memref<128x128xf32, #tpu.memory_space<vmem>>, vector<1x16xf32>,
          %get3A_1642 = vector.shape_cast %get3A_1641 : vector<1x16xf32> to vector<16xf32>
          %mul3A_1643 = arith.mulf %get3A_1642, %gather3A_1608 : vector<16xf32>
          %add3A_1644 = arith.constant 13 : i32
          %add3A_1645 = arith.addi %mul3A_94, %add3A_1644 : i32
          %swap3A_1646 = arith.index_cast %add3A_1645 : i32 to index
          %swap3A_1647 = arith.constant 32 : index
          %swap3A_1648 = tpu.vector_load %arg11[%swap3A_1646, %swap3A_1647] {strides = array<i32>} : memref<128x128xf32, #tpu.memory_space<vmem>>, vector<1x16xf32>,
          %swap3A_1649 = vector.shape_cast %swap3A_1648 : vector<1x16xf32> to vector<16xf32>
          %swap3A_1650 = vector.shape_cast %mul3A_1643 : vector<16xf32> to vector<1x16xf32>
          tpu.vector_store %arg11[%swap3A_1646, %swap3A_1647], %swap3A_1650 {strides = array<i32>} : memref<128x128xf32, #tpu.memory_space<vmem>>, vector<1x16xf32>,
          %add3A_1651 = arith.constant 13 : i32
          %add3A_1652 = arith.addi %mul3A_94, %add3A_1651 : i32
          %get3A_1653 = arith.index_cast %add3A_1652 : i32 to index
          %get3A_1654 = arith.constant 48 : index
          %get3A_1655 = tpu.vector_load %arg11[%get3A_1653, %get3A_1654] {strides = array<i32>} : memref<128x128xf32, #tpu.memory_space<vmem>>, vector<1x16xf32>,
          %get3A_1656 = vector.shape_cast %get3A_1655 : vector<1x16xf32> to vector<16xf32>
          %mul3A_1657 = arith.mulf %get3A_1656, %gather3A_1608 : vector<16xf32>
          %add3A_1658 = arith.constant 13 : i32
          %add3A_1659 = arith.addi %mul3A_94, %add3A_1658 : i32
          %swap3A_1660 = arith.index_cast %add3A_1659 : i32 to index
          %swap3A_1661 = arith.constant 48 : index
          %swap3A_1662 = tpu.vector_load %arg11[%swap3A_1660, %swap3A_1661] {strides = array<i32>} : memref<128x128xf32, #tpu.memory_space<vmem>>, vector<1x16xf32>,
          %swap3A_1663 = vector.shape_cast %swap3A_1662 : vector<1x16xf32> to vector<16xf32>
          %swap3A_1664 = vector.shape_cast %mul3A_1657 : vector<16xf32> to vector<1x16xf32>
          tpu.vector_store %arg11[%swap3A_1660, %swap3A_1661], %swap3A_1664 {strides = array<i32>} : memref<128x128xf32, #tpu.memory_space<vmem>>, vector<1x16xf32>,
          %add3A_1665 = arith.constant 13 : i32
          %add3A_1666 = arith.addi %mul3A_94, %add3A_1665 : i32
          %get3A_1667 = arith.index_cast %add3A_1666 : i32 to index
          %get3A_1668 = arith.constant 64 : index
          %get3A_1669 = tpu.vector_load %arg11[%get3A_1667, %get3A_1668] {strides = array<i32>} : memref<128x128xf32, #tpu.memory_space<vmem>>, vector<1x16xf32>,
          %get3A_1670 = vector.shape_cast %get3A_1669 : vector<1x16xf32> to vector<16xf32>
          %mul3A_1671 = arith.mulf %get3A_1670, %gather3A_1608 : vector<16xf32>
          %add3A_1672 = arith.constant 13 : i32
          %add3A_1673 = arith.addi %mul3A_94, %add3A_1672 : i32
          %swap3A_1674 = arith.index_cast %add3A_1673 : i32 to index
          %swap3A_1675 = arith.constant 64 : index
          %swap3A_1676 = tpu.vector_load %arg11[%swap3A_1674, %swap3A_1675] {strides = array<i32>} : memref<128x128xf32, #tpu.memory_space<vmem>>, vector<1x16xf32>,
          %swap3A_1677 = vector.shape_cast %swap3A_1676 : vector<1x16xf32> to vector<16xf32>
          %swap3A_1678 = vector.shape_cast %mul3A_1671 : vector<16xf32> to vector<1x16xf32>
          tpu.vector_store %arg11[%swap3A_1674, %swap3A_1675], %swap3A_1678 {strides = array<i32>} : memref<128x128xf32, #tpu.memory_space<vmem>>, vector<1x16xf32>,
          %add3A_1679 = arith.constant 13 : i32
          %add3A_1680 = arith.addi %mul3A_94, %add3A_1679 : i32
          %get3A_1681 = arith.index_cast %add3A_1680 : i32 to index
          %get3A_1682 = arith.constant 80 : index
          %get3A_1683 = tpu.vector_load %arg11[%get3A_1681, %get3A_1682] {strides = array<i32>} : memref<128x128xf32, #tpu.memory_space<vmem>>, vector<1x16xf32>,
          %get3A_1684 = vector.shape_cast %get3A_1683 : vector<1x16xf32> to vector<16xf32>
          %mul3A_1685 = arith.mulf %get3A_1684, %gather3A_1608 : vector<16xf32>
          %add3A_1686 = arith.constant 13 : i32
          %add3A_1687 = arith.addi %mul3A_94, %add3A_1686 : i32
          %swap3A_1688 = arith.index_cast %add3A_1687 : i32 to index
          %swap3A_1689 = arith.constant 80 : index
          %swap3A_1690 = tpu.vector_load %arg11[%swap3A_1688, %swap3A_1689] {strides = array<i32>} : memref<128x128xf32, #tpu.memory_space<vmem>>, vector<1x16xf32>,
          %swap3A_1691 = vector.shape_cast %swap3A_1690 : vector<1x16xf32> to vector<16xf32>
          %swap3A_1692 = vector.shape_cast %mul3A_1685 : vector<16xf32> to vector<1x16xf32>
          tpu.vector_store %arg11[%swap3A_1688, %swap3A_1689], %swap3A_1692 {strides = array<i32>} : memref<128x128xf32, #tpu.memory_space<vmem>>, vector<1x16xf32>,
          %add3A_1693 = arith.constant 13 : i32
          %add3A_1694 = arith.addi %mul3A_94, %add3A_1693 : i32
          %get3A_1695 = arith.index_cast %add3A_1694 : i32 to index
          %get3A_1696 = arith.constant 96 : index
          %get3A_1697 = tpu.vector_load %arg11[%get3A_1695, %get3A_1696] {strides = array<i32>} : memref<128x128xf32, #tpu.memory_space<vmem>>, vector<1x16xf32>,
          %get3A_1698 = vector.shape_cast %get3A_1697 : vector<1x16xf32> to vector<16xf32>
          %mul3A_1699 = arith.mulf %get3A_1698, %gather3A_1608 : vector<16xf32>
          %add3A_1700 = arith.constant 13 : i32
          %add3A_1701 = arith.addi %mul3A_94, %add3A_1700 : i32
          %swap3A_1702 = arith.index_cast %add3A_1701 : i32 to index
          %swap3A_1703 = arith.constant 96 : index
          %swap3A_1704 = tpu.vector_load %arg11[%swap3A_1702, %swap3A_1703] {strides = array<i32>} : memref<128x128xf32, #tpu.memory_space<vmem>>, vector<1x16xf32>,
          %swap3A_1705 = vector.shape_cast %swap3A_1704 : vector<1x16xf32> to vector<16xf32>
          %swap3A_1706 = vector.shape_cast %mul3A_1699 : vector<16xf32> to vector<1x16xf32>
          tpu.vector_store %arg11[%swap3A_1702, %swap3A_1703], %swap3A_1706 {strides = array<i32>} : memref<128x128xf32, #tpu.memory_space<vmem>>, vector<1x16xf32>,
          %add3A_1707 = arith.constant 13 : i32
          %add3A_1708 = arith.addi %mul3A_94, %add3A_1707 : i32
          %get3A_1709 = arith.index_cast %add3A_1708 : i32 to index
          %get3A_1710 = arith.constant 112 : index
          %get3A_1711 = tpu.vector_load %arg11[%get3A_1709, %get3A_1710] {strides = array<i32>} : memref<128x128xf32, #tpu.memory_space<vmem>>, vector<1x16xf32>,
          %get3A_1712 = vector.shape_cast %get3A_1711 : vector<1x16xf32> to vector<16xf32>
          %mul3A_1713 = arith.mulf %get3A_1712, %gather3A_1608 : vector<16xf32>
          %add3A_1714 = arith.constant 13 : i32
          %add3A_1715 = arith.addi %mul3A_94, %add3A_1714 : i32
          %swap3A_1716 = arith.index_cast %add3A_1715 : i32 to index
          %swap3A_1717 = arith.constant 112 : index
          %swap3A_1718 = tpu.vector_load %arg11[%swap3A_1716, %swap3A_1717] {strides = array<i32>} : memref<128x128xf32, #tpu.memory_space<vmem>>, vector<1x16xf32>,
          %swap3A_1719 = vector.shape_cast %swap3A_1718 : vector<1x16xf32> to vector<16xf32>
          %swap3A_1720 = vector.shape_cast %mul3A_1713 : vector<16xf32> to vector<1x16xf32>
          tpu.vector_store %arg11[%swap3A_1716, %swap3A_1717], %swap3A_1720 {strides = array<i32>} : memref<128x128xf32, #tpu.memory_space<vmem>>, vector<1x16xf32>,
          %broadcast_in_dim3A_1721 = arith.constant 14 : i32
          %broadcast_in_dim3A_1722 = vector.broadcast %broadcast_in_dim3A_1721 : i32 to vector<16x1xi32>
          %gather3A_1723 = vector.shape_cast %broadcast_in_dim3A_1722 : vector<16x1xi32> to vector<16xi32>
          %gather3A_1724 = tpu.dynamic_gather %get3A_98[%gather3A_1723] in [0] : vector<16xf32>, vector<16xi32> -> vector<16xf32>
          %add3A_1725 = arith.constant 14 : i32
          %add3A_1726 = arith.addi %mul3A_94, %add3A_1725 : i32
          %get3A_1727 = arith.index_cast %add3A_1726 : i32 to index
          %get3A_1728 = arith.constant 0 : index
          %get3A_1729 = tpu.vector_load %arg11[%get3A_1727, %get3A_1728] {strides = array<i32>} : memref<128x128xf32, #tpu.memory_space<vmem>>, vector<1x16xf32>,
          %get3A_1730 = vector.shape_cast %get3A_1729 : vector<1x16xf32> to vector<16xf32>
          %mul3A_1731 = arith.mulf %get3A_1730, %gather3A_1724 : vector<16xf32>
          %add3A_1732 = arith.constant 14 : i32
          %add3A_1733 = arith.addi %mul3A_94, %add3A_1732 : i32
          %swap3A_1734 = arith.index_cast %add3A_1733 : i32 to index
          %swap3A_1735 = arith.constant 0 : index
          %swap3A_1736 = tpu.vector_load %arg11[%swap3A_1734, %swap3A_1735] {strides = array<i32>} : memref<128x128xf32, #tpu.memory_space<vmem>>, vector<1x16xf32>,
          %swap3A_1737 = vector.shape_cast %swap3A_1736 : vector<1x16xf32> to vector<16xf32>
          %swap3A_1738 = vector.shape_cast %mul3A_1731 : vector<16xf32> to vector<1x16xf32>
          tpu.vector_store %arg11[%swap3A_1734, %swap3A_1735], %swap3A_1738 {strides = array<i32>} : memref<128x128xf32, #tpu.memory_space<vmem>>, vector<1x16xf32>,
          %add3A_1739 = arith.constant 14 : i32
          %add3A_1740 = arith.addi %mul3A_94, %add3A_1739 : i32
          %get3A_1741 = arith.index_cast %add3A_1740 : i32 to index
          %get3A_1742 = arith.constant 16 : index
          %get3A_1743 = tpu.vector_load %arg11[%get3A_1741, %get3A_1742] {strides = array<i32>} : memref<128x128xf32, #tpu.memory_space<vmem>>, vector<1x16xf32>,
          %get3A_1744 = vector.shape_cast %get3A_1743 : vector<1x16xf32> to vector<16xf32>
          %mul3A_1745 = arith.mulf %get3A_1744, %gather3A_1724 : vector<16xf32>
          %add3A_1746 = arith.constant 14 : i32
          %add3A_1747 = arith.addi %mul3A_94, %add3A_1746 : i32
          %swap3A_1748 = arith.index_cast %add3A_1747 : i32 to index
          %swap3A_1749 = arith.constant 16 : index
          %swap3A_1750 = tpu.vector_load %arg11[%swap3A_1748, %swap3A_1749] {strides = array<i32>} : memref<128x128xf32, #tpu.memory_space<vmem>>, vector<1x16xf32>,
          %swap3A_1751 = vector.shape_cast %swap3A_1750 : vector<1x16xf32> to vector<16xf32>
          %swap3A_1752 = vector.shape_cast %mul3A_1745 : vector<16xf32> to vector<1x16xf32>
          tpu.vector_store %arg11[%swap3A_1748, %swap3A_1749], %swap3A_1752 {strides = array<i32>} : memref<128x128xf32, #tpu.memory_space<vmem>>, vector<1x16xf32>,
          %add3A_1753 = arith.constant 14 : i32
          %add3A_1754 = arith.addi %mul3A_94, %add3A_1753 : i32
          %get3A_1755 = arith.index_cast %add3A_1754 : i32 to index
          %get3A_1756 = arith.constant 32 : index
          %get3A_1757 = tpu.vector_load %arg11[%get3A_1755, %get3A_1756] {strides = array<i32>} : memref<128x128xf32, #tpu.memory_space<vmem>>, vector<1x16xf32>,
          %get3A_1758 = vector.shape_cast %get3A_1757 : vector<1x16xf32> to vector<16xf32>
          %mul3A_1759 = arith.mulf %get3A_1758, %gather3A_1724 : vector<16xf32>
          %add3A_1760 = arith.constant 14 : i32
          %add3A_1761 = arith.addi %mul3A_94, %add3A_1760 : i32
          %swap3A_1762 = arith.index_cast %add3A_1761 : i32 to index
          %swap3A_1763 = arith.constant 32 : index
          %swap3A_1764 = tpu.vector_load %arg11[%swap3A_1762, %swap3A_1763] {strides = array<i32>} : memref<128x128xf32, #tpu.memory_space<vmem>>, vector<1x16xf32>,
          %swap3A_1765 = vector.shape_cast %swap3A_1764 : vector<1x16xf32> to vector<16xf32>
          %swap3A_1766 = vector.shape_cast %mul3A_1759 : vector<16xf32> to vector<1x16xf32>
          tpu.vector_store %arg11[%swap3A_1762, %swap3A_1763], %swap3A_1766 {strides = array<i32>} : memref<128x128xf32, #tpu.memory_space<vmem>>, vector<1x16xf32>,
          %add3A_1767 = arith.constant 14 : i32
          %add3A_1768 = arith.addi %mul3A_94, %add3A_1767 : i32
          %get3A_1769 = arith.index_cast %add3A_1768 : i32 to index
          %get3A_1770 = arith.constant 48 : index
          %get3A_1771 = tpu.vector_load %arg11[%get3A_1769, %get3A_1770] {strides = array<i32>} : memref<128x128xf32, #tpu.memory_space<vmem>>, vector<1x16xf32>,
          %get3A_1772 = vector.shape_cast %get3A_1771 : vector<1x16xf32> to vector<16xf32>
          %mul3A_1773 = arith.mulf %get3A_1772, %gather3A_1724 : vector<16xf32>
          %add3A_1774 = arith.constant 14 : i32
          %add3A_1775 = arith.addi %mul3A_94, %add3A_1774 : i32
          %swap3A_1776 = arith.index_cast %add3A_1775 : i32 to index
          %swap3A_1777 = arith.constant 48 : index
          %swap3A_1778 = tpu.vector_load %arg11[%swap3A_1776, %swap3A_1777] {strides = array<i32>} : memref<128x128xf32, #tpu.memory_space<vmem>>, vector<1x16xf32>,
          %swap3A_1779 = vector.shape_cast %swap3A_1778 : vector<1x16xf32> to vector<16xf32>
          %swap3A_1780 = vector.shape_cast %mul3A_1773 : vector<16xf32> to vector<1x16xf32>
          tpu.vector_store %arg11[%swap3A_1776, %swap3A_1777], %swap3A_1780 {strides = array<i32>} : memref<128x128xf32, #tpu.memory_space<vmem>>, vector<1x16xf32>,
          %add3A_1781 = arith.constant 14 : i32
          %add3A_1782 = arith.addi %mul3A_94, %add3A_1781 : i32
          %get3A_1783 = arith.index_cast %add3A_1782 : i32 to index
          %get3A_1784 = arith.constant 64 : index
          %get3A_1785 = tpu.vector_load %arg11[%get3A_1783, %get3A_1784] {strides = array<i32>} : memref<128x128xf32, #tpu.memory_space<vmem>>, vector<1x16xf32>,
          %get3A_1786 = vector.shape_cast %get3A_1785 : vector<1x16xf32> to vector<16xf32>
          %mul3A_1787 = arith.mulf %get3A_1786, %gather3A_1724 : vector<16xf32>
          %add3A_1788 = arith.constant 14 : i32
          %add3A_1789 = arith.addi %mul3A_94, %add3A_1788 : i32
          %swap3A_1790 = arith.index_cast %add3A_1789 : i32 to index
          %swap3A_1791 = arith.constant 64 : index
          %swap3A_1792 = tpu.vector_load %arg11[%swap3A_1790, %swap3A_1791] {strides = array<i32>} : memref<128x128xf32, #tpu.memory_space<vmem>>, vector<1x16xf32>,
          %swap3A_1793 = vector.shape_cast %swap3A_1792 : vector<1x16xf32> to vector<16xf32>
          %swap3A_1794 = vector.shape_cast %mul3A_1787 : vector<16xf32> to vector<1x16xf32>
          tpu.vector_store %arg11[%swap3A_1790, %swap3A_1791], %swap3A_1794 {strides = array<i32>} : memref<128x128xf32, #tpu.memory_space<vmem>>, vector<1x16xf32>,
          %add3A_1795 = arith.constant 14 : i32
          %add3A_1796 = arith.addi %mul3A_94, %add3A_1795 : i32
          %get3A_1797 = arith.index_cast %add3A_1796 : i32 to index
          %get3A_1798 = arith.constant 80 : index
          %get3A_1799 = tpu.vector_load %arg11[%get3A_1797, %get3A_1798] {strides = array<i32>} : memref<128x128xf32, #tpu.memory_space<vmem>>, vector<1x16xf32>,
          %get3A_1800 = vector.shape_cast %get3A_1799 : vector<1x16xf32> to vector<16xf32>
          %mul3A_1801 = arith.mulf %get3A_1800, %gather3A_1724 : vector<16xf32>
          %add3A_1802 = arith.constant 14 : i32
          %add3A_1803 = arith.addi %mul3A_94, %add3A_1802 : i32
          %swap3A_1804 = arith.index_cast %add3A_1803 : i32 to index
          %swap3A_1805 = arith.constant 80 : index
          %swap3A_1806 = tpu.vector_load %arg11[%swap3A_1804, %swap3A_1805] {strides = array<i32>} : memref<128x128xf32, #tpu.memory_space<vmem>>, vector<1x16xf32>,
          %swap3A_1807 = vector.shape_cast %swap3A_1806 : vector<1x16xf32> to vector<16xf32>
          %swap3A_1808 = vector.shape_cast %mul3A_1801 : vector<16xf32> to vector<1x16xf32>
          tpu.vector_store %arg11[%swap3A_1804, %swap3A_1805], %swap3A_1808 {strides = array<i32>} : memref<128x128xf32, #tpu.memory_space<vmem>>, vector<1x16xf32>,
          %add3A_1809 = arith.constant 14 : i32
          %add3A_1810 = arith.addi %mul3A_94, %add3A_1809 : i32
          %get3A_1811 = arith.index_cast %add3A_1810 : i32 to index
          %get3A_1812 = arith.constant 96 : index
          %get3A_1813 = tpu.vector_load %arg11[%get3A_1811, %get3A_1812] {strides = array<i32>} : memref<128x128xf32, #tpu.memory_space<vmem>>, vector<1x16xf32>,
          %get3A_1814 = vector.shape_cast %get3A_1813 : vector<1x16xf32> to vector<16xf32>
          %mul3A_1815 = arith.mulf %get3A_1814, %gather3A_1724 : vector<16xf32>
          %add3A_1816 = arith.constant 14 : i32
          %add3A_1817 = arith.addi %mul3A_94, %add3A_1816 : i32
          %swap3A_1818 = arith.index_cast %add3A_1817 : i32 to index
          %swap3A_1819 = arith.constant 96 : index
          %swap3A_1820 = tpu.vector_load %arg11[%swap3A_1818, %swap3A_1819] {strides = array<i32>} : memref<128x128xf32, #tpu.memory_space<vmem>>, vector<1x16xf32>,
          %swap3A_1821 = vector.shape_cast %swap3A_1820 : vector<1x16xf32> to vector<16xf32>
          %swap3A_1822 = vector.shape_cast %mul3A_1815 : vector<16xf32> to vector<1x16xf32>
          tpu.vector_store %arg11[%swap3A_1818, %swap3A_1819], %swap3A_1822 {strides = array<i32>} : memref<128x128xf32, #tpu.memory_space<vmem>>, vector<1x16xf32>,
          %add3A_1823 = arith.constant 14 : i32
          %add3A_1824 = arith.addi %mul3A_94, %add3A_1823 : i32
          %get3A_1825 = arith.index_cast %add3A_1824 : i32 to index
          %get3A_1826 = arith.constant 112 : index
          %get3A_1827 = tpu.vector_load %arg11[%get3A_1825, %get3A_1826] {strides = array<i32>} : memref<128x128xf32, #tpu.memory_space<vmem>>, vector<1x16xf32>,
          %get3A_1828 = vector.shape_cast %get3A_1827 : vector<1x16xf32> to vector<16xf32>
          %mul3A_1829 = arith.mulf %get3A_1828, %gather3A_1724 : vector<16xf32>
          %add3A_1830 = arith.constant 14 : i32
          %add3A_1831 = arith.addi %mul3A_94, %add3A_1830 : i32
          %swap3A_1832 = arith.index_cast %add3A_1831 : i32 to index
          %swap3A_1833 = arith.constant 112 : index
          %swap3A_1834 = tpu.vector_load %arg11[%swap3A_1832, %swap3A_1833] {strides = array<i32>} : memref<128x128xf32, #tpu.memory_space<vmem>>, vector<1x16xf32>,
          %swap3A_1835 = vector.shape_cast %swap3A_1834 : vector<1x16xf32> to vector<16xf32>
          %swap3A_1836 = vector.shape_cast %mul3A_1829 : vector<16xf32> to vector<1x16xf32>
          tpu.vector_store %arg11[%swap3A_1832, %swap3A_1833], %swap3A_1836 {strides = array<i32>} : memref<128x128xf32, #tpu.memory_space<vmem>>, vector<1x16xf32>,
          %broadcast_in_dim3A_1837 = arith.constant 15 : i32
          %broadcast_in_dim3A_1838 = vector.broadcast %broadcast_in_dim3A_1837 : i32 to vector<16x1xi32>
          %gather3A_1839 = vector.shape_cast %broadcast_in_dim3A_1838 : vector<16x1xi32> to vector<16xi32>
          %gather3A_1840 = tpu.dynamic_gather %get3A_98[%gather3A_1839] in [0] : vector<16xf32>, vector<16xi32> -> vector<16xf32>
          %add3A_1841 = arith.constant 15 : i32
          %add3A_1842 = arith.addi %mul3A_94, %add3A_1841 : i32
          %get3A_1843 = arith.index_cast %add3A_1842 : i32 to index
          %get3A_1844 = arith.constant 0 : index
          %get3A_1845 = tpu.vector_load %arg11[%get3A_1843, %get3A_1844] {strides = array<i32>} : memref<128x128xf32, #tpu.memory_space<vmem>>, vector<1x16xf32>,
          %get3A_1846 = vector.shape_cast %get3A_1845 : vector<1x16xf32> to vector<16xf32>
          %mul3A_1847 = arith.mulf %get3A_1846, %gather3A_1840 : vector<16xf32>
          %add3A_1848 = arith.constant 15 : i32
          %add3A_1849 = arith.addi %mul3A_94, %add3A_1848 : i32
          %swap3A_1850 = arith.index_cast %add3A_1849 : i32 to index
          %swap3A_1851 = arith.constant 0 : index
          %swap3A_1852 = tpu.vector_load %arg11[%swap3A_1850, %swap3A_1851] {strides = array<i32>} : memref<128x128xf32, #tpu.memory_space<vmem>>, vector<1x16xf32>,
          %swap3A_1853 = vector.shape_cast %swap3A_1852 : vector<1x16xf32> to vector<16xf32>
          %swap3A_1854 = vector.shape_cast %mul3A_1847 : vector<16xf32> to vector<1x16xf32>
          tpu.vector_store %arg11[%swap3A_1850, %swap3A_1851], %swap3A_1854 {strides = array<i32>} : memref<128x128xf32, #tpu.memory_space<vmem>>, vector<1x16xf32>,
          %add3A_1855 = arith.constant 15 : i32
          %add3A_1856 = arith.addi %mul3A_94, %add3A_1855 : i32
          %get3A_1857 = arith.index_cast %add3A_1856 : i32 to index
          %get3A_1858 = arith.constant 16 : index
          %get3A_1859 = tpu.vector_load %arg11[%get3A_1857, %get3A_1858] {strides = array<i32>} : memref<128x128xf32, #tpu.memory_space<vmem>>, vector<1x16xf32>,
          %get3A_1860 = vector.shape_cast %get3A_1859 : vector<1x16xf32> to vector<16xf32>
          %mul3A_1861 = arith.mulf %get3A_1860, %gather3A_1840 : vector<16xf32>
          %add3A_1862 = arith.constant 15 : i32
          %add3A_1863 = arith.addi %mul3A_94, %add3A_1862 : i32
          %swap3A_1864 = arith.index_cast %add3A_1863 : i32 to index
          %swap3A_1865 = arith.constant 16 : index
          %swap3A_1866 = tpu.vector_load %arg11[%swap3A_1864, %swap3A_1865] {strides = array<i32>} : memref<128x128xf32, #tpu.memory_space<vmem>>, vector<1x16xf32>,
          %swap3A_1867 = vector.shape_cast %swap3A_1866 : vector<1x16xf32> to vector<16xf32>
          %swap3A_1868 = vector.shape_cast %mul3A_1861 : vector<16xf32> to vector<1x16xf32>
          tpu.vector_store %arg11[%swap3A_1864, %swap3A_1865], %swap3A_1868 {strides = array<i32>} : memref<128x128xf32, #tpu.memory_space<vmem>>, vector<1x16xf32>,
          %add3A_1869 = arith.constant 15 : i32
          %add3A_1870 = arith.addi %mul3A_94, %add3A_1869 : i32
          %get3A_1871 = arith.index_cast %add3A_1870 : i32 to index
          %get3A_1872 = arith.constant 32 : index
          %get3A_1873 = tpu.vector_load %arg11[%get3A_1871, %get3A_1872] {strides = array<i32>} : memref<128x128xf32, #tpu.memory_space<vmem>>, vector<1x16xf32>,
          %get3A_1874 = vector.shape_cast %get3A_1873 : vector<1x16xf32> to vector<16xf32>
          %mul3A_1875 = arith.mulf %get3A_1874, %gather3A_1840 : vector<16xf32>
          %add3A_1876 = arith.constant 15 : i32
          %add3A_1877 = arith.addi %mul3A_94, %add3A_1876 : i32
          %swap3A_1878 = arith.index_cast %add3A_1877 : i32 to index
          %swap3A_1879 = arith.constant 32 : index
          %swap3A_1880 = tpu.vector_load %arg11[%swap3A_1878, %swap3A_1879] {strides = array<i32>} : memref<128x128xf32, #tpu.memory_space<vmem>>, vector<1x16xf32>,
          %swap3A_1881 = vector.shape_cast %swap3A_1880 : vector<1x16xf32> to vector<16xf32>
          %swap3A_1882 = vector.shape_cast %mul3A_1875 : vector<16xf32> to vector<1x16xf32>
          tpu.vector_store %arg11[%swap3A_1878, %swap3A_1879], %swap3A_1882 {strides = array<i32>} : memref<128x128xf32, #tpu.memory_space<vmem>>, vector<1x16xf32>,
          %add3A_1883 = arith.constant 15 : i32
          %add3A_1884 = arith.addi %mul3A_94, %add3A_1883 : i32
          %get3A_1885 = arith.index_cast %add3A_1884 : i32 to index
          %get3A_1886 = arith.constant 48 : index
          %get3A_1887 = tpu.vector_load %arg11[%get3A_1885, %get3A_1886] {strides = array<i32>} : memref<128x128xf32, #tpu.memory_space<vmem>>, vector<1x16xf32>,
          %get3A_1888 = vector.shape_cast %get3A_1887 : vector<1x16xf32> to vector<16xf32>
          %mul3A_1889 = arith.mulf %get3A_1888, %gather3A_1840 : vector<16xf32>
          %add3A_1890 = arith.constant 15 : i32
          %add3A_1891 = arith.addi %mul3A_94, %add3A_1890 : i32
          %swap3A_1892 = arith.index_cast %add3A_1891 : i32 to index
          %swap3A_1893 = arith.constant 48 : index
          %swap3A_1894 = tpu.vector_load %arg11[%swap3A_1892, %swap3A_1893] {strides = array<i32>} : memref<128x128xf32, #tpu.memory_space<vmem>>, vector<1x16xf32>,
          %swap3A_1895 = vector.shape_cast %swap3A_1894 : vector<1x16xf32> to vector<16xf32>
          %swap3A_1896 = vector.shape_cast %mul3A_1889 : vector<16xf32> to vector<1x16xf32>
          tpu.vector_store %arg11[%swap3A_1892, %swap3A_1893], %swap3A_1896 {strides = array<i32>} : memref<128x128xf32, #tpu.memory_space<vmem>>, vector<1x16xf32>,
          %add3A_1897 = arith.constant 15 : i32
          %add3A_1898 = arith.addi %mul3A_94, %add3A_1897 : i32
          %get3A_1899 = arith.index_cast %add3A_1898 : i32 to index
          %get3A_1900 = arith.constant 64 : index
          %get3A_1901 = tpu.vector_load %arg11[%get3A_1899, %get3A_1900] {strides = array<i32>} : memref<128x128xf32, #tpu.memory_space<vmem>>, vector<1x16xf32>,
          %get3A_1902 = vector.shape_cast %get3A_1901 : vector<1x16xf32> to vector<16xf32>
          %mul3A_1903 = arith.mulf %get3A_1902, %gather3A_1840 : vector<16xf32>
          %add3A_1904 = arith.constant 15 : i32
          %add3A_1905 = arith.addi %mul3A_94, %add3A_1904 : i32
          %swap3A_1906 = arith.index_cast %add3A_1905 : i32 to index
          %swap3A_1907 = arith.constant 64 : index
          %swap3A_1908 = tpu.vector_load %arg11[%swap3A_1906, %swap3A_1907] {strides = array<i32>} : memref<128x128xf32, #tpu.memory_space<vmem>>, vector<1x16xf32>,
          %swap3A_1909 = vector.shape_cast %swap3A_1908 : vector<1x16xf32> to vector<16xf32>
          %swap3A_1910 = vector.shape_cast %mul3A_1903 : vector<16xf32> to vector<1x16xf32>
          tpu.vector_store %arg11[%swap3A_1906, %swap3A_1907], %swap3A_1910 {strides = array<i32>} : memref<128x128xf32, #tpu.memory_space<vmem>>, vector<1x16xf32>,
          %add3A_1911 = arith.constant 15 : i32
          %add3A_1912 = arith.addi %mul3A_94, %add3A_1911 : i32
          %get3A_1913 = arith.index_cast %add3A_1912 : i32 to index
          %get3A_1914 = arith.constant 80 : index
          %get3A_1915 = tpu.vector_load %arg11[%get3A_1913, %get3A_1914] {strides = array<i32>} : memref<128x128xf32, #tpu.memory_space<vmem>>, vector<1x16xf32>,
          %get3A_1916 = vector.shape_cast %get3A_1915 : vector<1x16xf32> to vector<16xf32>
          %mul3A_1917 = arith.mulf %get3A_1916, %gather3A_1840 : vector<16xf32>
          %add3A_1918 = arith.constant 15 : i32
          %add3A_1919 = arith.addi %mul3A_94, %add3A_1918 : i32
          %swap3A_1920 = arith.index_cast %add3A_1919 : i32 to index
          %swap3A_1921 = arith.constant 80 : index
          %swap3A_1922 = tpu.vector_load %arg11[%swap3A_1920, %swap3A_1921] {strides = array<i32>} : memref<128x128xf32, #tpu.memory_space<vmem>>, vector<1x16xf32>,
          %swap3A_1923 = vector.shape_cast %swap3A_1922 : vector<1x16xf32> to vector<16xf32>
          %swap3A_1924 = vector.shape_cast %mul3A_1917 : vector<16xf32> to vector<1x16xf32>
          tpu.vector_store %arg11[%swap3A_1920, %swap3A_1921], %swap3A_1924 {strides = array<i32>} : memref<128x128xf32, #tpu.memory_space<vmem>>, vector<1x16xf32>,
          %add3A_1925 = arith.constant 15 : i32
          %add3A_1926 = arith.addi %mul3A_94, %add3A_1925 : i32
          %get3A_1927 = arith.index_cast %add3A_1926 : i32 to index
          %get3A_1928 = arith.constant 96 : index
          %get3A_1929 = tpu.vector_load %arg11[%get3A_1927, %get3A_1928] {strides = array<i32>} : memref<128x128xf32, #tpu.memory_space<vmem>>, vector<1x16xf32>,
          %get3A_1930 = vector.shape_cast %get3A_1929 : vector<1x16xf32> to vector<16xf32>
          %mul3A_1931 = arith.mulf %get3A_1930, %gather3A_1840 : vector<16xf32>
          %add3A_1932 = arith.constant 15 : i32
          %add3A_1933 = arith.addi %mul3A_94, %add3A_1932 : i32
          %swap3A_1934 = arith.index_cast %add3A_1933 : i32 to index
          %swap3A_1935 = arith.constant 96 : index
          %swap3A_1936 = tpu.vector_load %arg11[%swap3A_1934, %swap3A_1935] {strides = array<i32>} : memref<128x128xf32, #tpu.memory_space<vmem>>, vector<1x16xf32>,
          %swap3A_1937 = vector.shape_cast %swap3A_1936 : vector<1x16xf32> to vector<16xf32>
          %swap3A_1938 = vector.shape_cast %mul3A_1931 : vector<16xf32> to vector<1x16xf32>
          tpu.vector_store %arg11[%swap3A_1934, %swap3A_1935], %swap3A_1938 {strides = array<i32>} : memref<128x128xf32, #tpu.memory_space<vmem>>, vector<1x16xf32>,
          %add3A_1939 = arith.constant 15 : i32
          %add3A_1940 = arith.addi %mul3A_94, %add3A_1939 : i32
          %get3A_1941 = arith.index_cast %add3A_1940 : i32 to index
          %get3A_1942 = arith.constant 112 : index
          %get3A_1943 = tpu.vector_load %arg11[%get3A_1941, %get3A_1942] {strides = array<i32>} : memref<128x128xf32, #tpu.memory_space<vmem>>, vector<1x16xf32>,
          %get3A_1944 = vector.shape_cast %get3A_1943 : vector<1x16xf32> to vector<16xf32>
          %mul3A_1945 = arith.mulf %get3A_1944, %gather3A_1840 : vector<16xf32>
          %add3A_1946 = arith.constant 15 : i32
          %add3A_1947 = arith.addi %mul3A_94, %add3A_1946 : i32
          %swap3A_1948 = arith.index_cast %add3A_1947 : i32 to index
          %swap3A_1949 = arith.constant 112 : index
          %swap3A_1950 = tpu.vector_load %arg11[%swap3A_1948, %swap3A_1949] {strides = array<i32>} : memref<128x128xf32, #tpu.memory_space<vmem>>, vector<1x16xf32>,
          %swap3A_1951 = vector.shape_cast %swap3A_1950 : vector<1x16xf32> to vector<16xf32>
          %swap3A_1952 = vector.shape_cast %mul3A_1945 : vector<16xf32> to vector<1x16xf32>
          tpu.vector_store %arg11[%swap3A_1948, %swap3A_1949], %swap3A_1952 {strides = array<i32>} : memref<128x128xf32, #tpu.memory_space<vmem>>, vector<1x16xf32>,
        }
        %scan3A_73 = arith.constant 8 : i32
        %dma_start3A_74 = arith.constant 1 : i32
        %dma_start3A_75 = arith.constant 0 : i32
        %dma_start3A_76 = tpu.memref_slice %arg9[%dma_start3A_74, %dma_start3A_75] : memref<2x128xi32, #tpu.memory_space<vmem>> -> memref<1x128xi32, #tpu.memory_space<vmem>>
        %dma_start3A_77 = tpu.memref_squeeze %dma_start3A_76 : memref<1x128xi32, #tpu.memory_space<vmem>> -> memref<128xi32, #tpu.memory_space<vmem>>
        %dma_start3A_78 = arith.constant 0 : i32
        %dma_start3A_79 = arith.constant 0 : i32
        %dma_start3A_80 = tpu.memref_slice %arg14[%dma_start3A_78, %dma_start3A_79] : memref<10240x128xf32, #tpu.memory_space<vmem_shared>> -> memref<10240x128xf32, #tpu.memory_space<vmem_shared>>
        tpu.enqueue_indirect_dma source(%arg11 : memref<128x128xf32, #tpu.memory_space<vmem>>) target(%dma_start3A_80 : memref<10240x128xf32, #tpu.memory_space<vmem_shared>>) offsets(%dma_start3A_77 : memref<128xi32, #tpu.memory_space<vmem>>) semaphore(%arg13 : memref<!tpu.dma_semaphore, #tpu.memory_space<semaphore_mem>>) {add = true}
        %dma_wait3A_81 = arith.constant 1 : i32
        %dma_wait3A_82 = arith.constant 0 : i32
        %dma_wait3A_83 = tpu.memref_slice %arg9[%dma_wait3A_81, %dma_wait3A_82] : memref<2x128xi32, #tpu.memory_space<vmem>> -> memref<1x128xi32, #tpu.memory_space<vmem>>
        %dma_wait3A_84 = tpu.memref_squeeze %dma_wait3A_83 : memref<1x128xi32, #tpu.memory_space<vmem>> -> memref<128xi32, #tpu.memory_space<vmem>>
        %dma_wait3A_85 = arith.constant 0 : i32
        %dma_wait3A_86 = arith.constant 0 : i32
        %dma_wait3A_87 = tpu.memref_slice %arg14[%dma_wait3A_85, %dma_wait3A_86] : memref<10240x128xf32, #tpu.memory_space<vmem_shared>> -> memref<10240x128xf32, #tpu.memory_space<vmem_shared>>
        tpu.wait_indirect_dma semaphore(%arg13 : memref<!tpu.dma_semaphore, #tpu.memory_space<semaphore_mem>>) src(%arg11 : memref<128x128xf32, #tpu.memory_space<vmem>>) dst(%dma_wait3A_87 : memref<10240x128xf32, #tpu.memory_space<vmem_shared>>)
      }
      %scan3A_28 = arith.constant 157 : i32
      %barrier3A_29 = arith.constant 0 : index
      tpu.barrier barrier_id(%barrier3A_29)
      %add3A_30 = arith.constant 0 : i32
      %add3A_31 = arith.addi %mul3A_12, %add3A_30 : i32
      "tpu.region"() ({
        %run_scoped3A = tpu.sem_alloc : memref<!tpu.dma_semaphore, #tpu.memory_space<semaphore_mem>>
        %dma_start3A = arith.constant 0 : i32
        %dma_start3A_50 = tpu.memref_slice %arg14[%add3A_31, %dma_start3A] : memref<10240x128xf32, #tpu.memory_space<vmem_shared>> -> memref<128x128xf32, #tpu.memory_space<vmem_shared>>
        %dma_start3A_51 = arith.constant 0 : i32
        %dma_start3A_52 = tpu.memref_slice %arg14[%add3A_31, %dma_start3A_51] : memref<10240x128xf32, #tpu.memory_space<vmem_shared>> -> memref<128x128xf32, #tpu.memory_space<vmem_shared>>
        tpu.enqueue_dma source(%dma_start3A_52 : memref<128x128xf32, #tpu.memory_space<vmem_shared>>) target(%arg11 : memref<128x128xf32, #tpu.memory_space<vmem>>) target_semaphore(%run_scoped3A : memref<!tpu.dma_semaphore, #tpu.memory_space<semaphore_mem>>)
        %dma_wait3A = arith.constant 0 : i32
        %dma_wait3A_53 = tpu.memref_slice %arg14[%add3A_31, %dma_wait3A] : memref<10240x128xf32, #tpu.memory_space<vmem_shared>> -> memref<128x128xf32, #tpu.memory_space<vmem_shared>>
        %dma_wait3A_54 = arith.constant 0 : i32
        %dma_wait3A_55 = tpu.memref_slice %arg14[%add3A_31, %dma_wait3A_54] : memref<10240x128xf32, #tpu.memory_space<vmem_shared>> -> memref<128x128xf32, #tpu.memory_space<vmem_shared>>
        tpu.wait_dma2 semaphore(%run_scoped3A : memref<!tpu.dma_semaphore, #tpu.memory_space<semaphore_mem>>) src(%dma_wait3A_55 : memref<128x128xf32, #tpu.memory_space<vmem_shared>>) dst(%arg11 : memref<128x128xf32, #tpu.memory_space<vmem>>)
        tpu.yield
      }) : () -> ()
      %add3A_32 = arith.constant 0 : i32
      %add3A_33 = arith.addi %mul3A_12, %add3A_32 : i32
      "tpu.region"() ({
        %run_scoped3A = tpu.sem_alloc : memref<!tpu.dma_semaphore, #tpu.memory_space<semaphore_mem>>
        %dma_start3A = arith.constant 0 : i32
        %dma_start3A_50 = tpu.memref_slice %arg7[%add3A_33, %dma_start3A] : memref<10240x128xf32, #tpu.memory_space<hbm>> -> memref<128x128xf32, #tpu.memory_space<hbm>>
        %dma_start3A_51 = arith.constant 0 : i32
        %dma_start3A_52 = tpu.memref_slice %arg7[%add3A_33, %dma_start3A_51] : memref<10240x128xf32, #tpu.memory_space<hbm>> -> memref<128x128xf32, #tpu.memory_space<hbm>>
        tpu.enqueue_dma source(%arg11 : memref<128x128xf32, #tpu.memory_space<vmem>>) target(%dma_start3A_52 : memref<128x128xf32, #tpu.memory_space<hbm>>) target_semaphore(%run_scoped3A : memref<!tpu.dma_semaphore, #tpu.memory_space<semaphore_mem>>)
        %dma_wait3A = arith.constant 0 : i32
        %dma_wait3A_53 = tpu.memref_slice %arg7[%add3A_33, %dma_wait3A] : memref<10240x128xf32, #tpu.memory_space<hbm>> -> memref<128x128xf32, #tpu.memory_space<hbm>>
        %dma_wait3A_54 = arith.constant 0 : i32
        %dma_wait3A_55 = tpu.memref_slice %arg7[%add3A_33, %dma_wait3A_54] : memref<10240x128xf32, #tpu.memory_space<hbm>> -> memref<128x128xf32, #tpu.memory_space<hbm>>
        tpu.wait_dma2 semaphore(%run_scoped3A : memref<!tpu.dma_semaphore, #tpu.memory_space<semaphore_mem>>) src(%arg11 : memref<128x128xf32, #tpu.memory_space<vmem>>) dst(%dma_wait3A_55 : memref<128x128xf32, #tpu.memory_space<hbm>>)
        tpu.yield
      }) : () -> ()
      %add3A_34 = arith.constant 128 : i32
      %add3A_35 = arith.addi %mul3A_12, %add3A_34 : i32
      "tpu.region"() ({
        %run_scoped3A = tpu.sem_alloc : memref<!tpu.dma_semaphore, #tpu.memory_space<semaphore_mem>>
        %dma_start3A = arith.constant 0 : i32
        %dma_start3A_50 = tpu.memref_slice %arg14[%add3A_35, %dma_start3A] : memref<10240x128xf32, #tpu.memory_space<vmem_shared>> -> memref<128x128xf32, #tpu.memory_space<vmem_shared>>
        %dma_start3A_51 = arith.constant 0 : i32
        %dma_start3A_52 = tpu.memref_slice %arg14[%add3A_35, %dma_start3A_51] : memref<10240x128xf32, #tpu.memory_space<vmem_shared>> -> memref<128x128xf32, #tpu.memory_space<vmem_shared>>
        tpu.enqueue_dma source(%dma_start3A_52 : memref<128x128xf32, #tpu.memory_space<vmem_shared>>) target(%arg11 : memref<128x128xf32, #tpu.memory_space<vmem>>) target_semaphore(%run_scoped3A : memref<!tpu.dma_semaphore, #tpu.memory_space<semaphore_mem>>)
        %dma_wait3A = arith.constant 0 : i32
        %dma_wait3A_53 = tpu.memref_slice %arg14[%add3A_35, %dma_wait3A] : memref<10240x128xf32, #tpu.memory_space<vmem_shared>> -> memref<128x128xf32, #tpu.memory_space<vmem_shared>>
        %dma_wait3A_54 = arith.constant 0 : i32
        %dma_wait3A_55 = tpu.memref_slice %arg14[%add3A_35, %dma_wait3A_54] : memref<10240x128xf32, #tpu.memory_space<vmem_shared>> -> memref<128x128xf32, #tpu.memory_space<vmem_shared>>
        tpu.wait_dma2 semaphore(%run_scoped3A : memref<!tpu.dma_semaphore, #tpu.memory_space<semaphore_mem>>) src(%dma_wait3A_55 : memref<128x128xf32, #tpu.memory_space<vmem_shared>>) dst(%arg11 : memref<128x128xf32, #tpu.memory_space<vmem>>)
        tpu.yield
      }) : () -> ()
      %add3A_36 = arith.constant 128 : i32
      %add3A_37 = arith.addi %mul3A_12, %add3A_36 : i32
      "tpu.region"() ({
        %run_scoped3A = tpu.sem_alloc : memref<!tpu.dma_semaphore, #tpu.memory_space<semaphore_mem>>
        %dma_start3A = arith.constant 0 : i32
        %dma_start3A_50 = tpu.memref_slice %arg7[%add3A_37, %dma_start3A] : memref<10240x128xf32, #tpu.memory_space<hbm>> -> memref<128x128xf32, #tpu.memory_space<hbm>>
        %dma_start3A_51 = arith.constant 0 : i32
        %dma_start3A_52 = tpu.memref_slice %arg7[%add3A_37, %dma_start3A_51] : memref<10240x128xf32, #tpu.memory_space<hbm>> -> memref<128x128xf32, #tpu.memory_space<hbm>>
        tpu.enqueue_dma source(%arg11 : memref<128x128xf32, #tpu.memory_space<vmem>>) target(%dma_start3A_52 : memref<128x128xf32, #tpu.memory_space<hbm>>) target_semaphore(%run_scoped3A : memref<!tpu.dma_semaphore, #tpu.memory_space<semaphore_mem>>)
        %dma_wait3A = arith.constant 0 : i32
        %dma_wait3A_53 = tpu.memref_slice %arg7[%add3A_37, %dma_wait3A] : memref<10240x128xf32, #tpu.memory_space<hbm>> -> memref<128x128xf32, #tpu.memory_space<hbm>>
        %dma_wait3A_54 = arith.constant 0 : i32
        %dma_wait3A_55 = tpu.memref_slice %arg7[%add3A_37, %dma_wait3A_54] : memref<10240x128xf32, #tpu.memory_space<hbm>> -> memref<128x128xf32, #tpu.memory_space<hbm>>
        tpu.wait_dma2 semaphore(%run_scoped3A : memref<!tpu.dma_semaphore, #tpu.memory_space<semaphore_mem>>) src(%arg11 : memref<128x128xf32, #tpu.memory_space<vmem>>) dst(%dma_wait3A_55 : memref<128x128xf32, #tpu.memory_space<hbm>>)
        tpu.yield
      }) : () -> ()
      %add3A_38 = arith.constant 256 : i32
      %add3A_39 = arith.addi %mul3A_12, %add3A_38 : i32
      "tpu.region"() ({
        %run_scoped3A = tpu.sem_alloc : memref<!tpu.dma_semaphore, #tpu.memory_space<semaphore_mem>>
        %dma_start3A = arith.constant 0 : i32
        %dma_start3A_50 = tpu.memref_slice %arg14[%add3A_39, %dma_start3A] : memref<10240x128xf32, #tpu.memory_space<vmem_shared>> -> memref<128x128xf32, #tpu.memory_space<vmem_shared>>
        %dma_start3A_51 = arith.constant 0 : i32
        %dma_start3A_52 = tpu.memref_slice %arg14[%add3A_39, %dma_start3A_51] : memref<10240x128xf32, #tpu.memory_space<vmem_shared>> -> memref<128x128xf32, #tpu.memory_space<vmem_shared>>
        tpu.enqueue_dma source(%dma_start3A_52 : memref<128x128xf32, #tpu.memory_space<vmem_shared>>) target(%arg11 : memref<128x128xf32, #tpu.memory_space<vmem>>) target_semaphore(%run_scoped3A : memref<!tpu.dma_semaphore, #tpu.memory_space<semaphore_mem>>)
        %dma_wait3A = arith.constant 0 : i32
        %dma_wait3A_53 = tpu.memref_slice %arg14[%add3A_39, %dma_wait3A] : memref<10240x128xf32, #tpu.memory_space<vmem_shared>> -> memref<128x128xf32, #tpu.memory_space<vmem_shared>>
        %dma_wait3A_54 = arith.constant 0 : i32
        %dma_wait3A_55 = tpu.memref_slice %arg14[%add3A_39, %dma_wait3A_54] : memref<10240x128xf32, #tpu.memory_space<vmem_shared>> -> memref<128x128xf32, #tpu.memory_space<vmem_shared>>
        tpu.wait_dma2 semaphore(%run_scoped3A : memref<!tpu.dma_semaphore, #tpu.memory_space<semaphore_mem>>) src(%dma_wait3A_55 : memref<128x128xf32, #tpu.memory_space<vmem_shared>>) dst(%arg11 : memref<128x128xf32, #tpu.memory_space<vmem>>)
        tpu.yield
      }) : () -> ()
      %add3A_40 = arith.constant 256 : i32
      %add3A_41 = arith.addi %mul3A_12, %add3A_40 : i32
      "tpu.region"() ({
        %run_scoped3A = tpu.sem_alloc : memref<!tpu.dma_semaphore, #tpu.memory_space<semaphore_mem>>
        %dma_start3A = arith.constant 0 : i32
        %dma_start3A_50 = tpu.memref_slice %arg7[%add3A_41, %dma_start3A] : memref<10240x128xf32, #tpu.memory_space<hbm>> -> memref<128x128xf32, #tpu.memory_space<hbm>>
        %dma_start3A_51 = arith.constant 0 : i32
        %dma_start3A_52 = tpu.memref_slice %arg7[%add3A_41, %dma_start3A_51] : memref<10240x128xf32, #tpu.memory_space<hbm>> -> memref<128x128xf32, #tpu.memory_space<hbm>>
        tpu.enqueue_dma source(%arg11 : memref<128x128xf32, #tpu.memory_space<vmem>>) target(%dma_start3A_52 : memref<128x128xf32, #tpu.memory_space<hbm>>) target_semaphore(%run_scoped3A : memref<!tpu.dma_semaphore, #tpu.memory_space<semaphore_mem>>)
        %dma_wait3A = arith.constant 0 : i32
        %dma_wait3A_53 = tpu.memref_slice %arg7[%add3A_41, %dma_wait3A] : memref<10240x128xf32, #tpu.memory_space<hbm>> -> memref<128x128xf32, #tpu.memory_space<hbm>>
        %dma_wait3A_54 = arith.constant 0 : i32
        %dma_wait3A_55 = tpu.memref_slice %arg7[%add3A_41, %dma_wait3A_54] : memref<10240x128xf32, #tpu.memory_space<hbm>> -> memref<128x128xf32, #tpu.memory_space<hbm>>
        tpu.wait_dma2 semaphore(%run_scoped3A : memref<!tpu.dma_semaphore, #tpu.memory_space<semaphore_mem>>) src(%arg11 : memref<128x128xf32, #tpu.memory_space<vmem>>) dst(%dma_wait3A_55 : memref<128x128xf32, #tpu.memory_space<hbm>>)
        tpu.yield
      }) : () -> ()
      %add3A_42 = arith.constant 384 : i32
      %add3A_43 = arith.addi %mul3A_12, %add3A_42 : i32
      "tpu.region"() ({
        %run_scoped3A = tpu.sem_alloc : memref<!tpu.dma_semaphore, #tpu.memory_space<semaphore_mem>>
        %dma_start3A = arith.constant 0 : i32
        %dma_start3A_50 = tpu.memref_slice %arg14[%add3A_43, %dma_start3A] : memref<10240x128xf32, #tpu.memory_space<vmem_shared>> -> memref<128x128xf32, #tpu.memory_space<vmem_shared>>
        %dma_start3A_51 = arith.constant 0 : i32
        %dma_start3A_52 = tpu.memref_slice %arg14[%add3A_43, %dma_start3A_51] : memref<10240x128xf32, #tpu.memory_space<vmem_shared>> -> memref<128x128xf32, #tpu.memory_space<vmem_shared>>
        tpu.enqueue_dma source(%dma_start3A_52 : memref<128x128xf32, #tpu.memory_space<vmem_shared>>) target(%arg11 : memref<128x128xf32, #tpu.memory_space<vmem>>) target_semaphore(%run_scoped3A : memref<!tpu.dma_semaphore, #tpu.memory_space<semaphore_mem>>)
        %dma_wait3A = arith.constant 0 : i32
        %dma_wait3A_53 = tpu.memref_slice %arg14[%add3A_43, %dma_wait3A] : memref<10240x128xf32, #tpu.memory_space<vmem_shared>> -> memref<128x128xf32, #tpu.memory_space<vmem_shared>>
        %dma_wait3A_54 = arith.constant 0 : i32
        %dma_wait3A_55 = tpu.memref_slice %arg14[%add3A_43, %dma_wait3A_54] : memref<10240x128xf32, #tpu.memory_space<vmem_shared>> -> memref<128x128xf32, #tpu.memory_space<vmem_shared>>
        tpu.wait_dma2 semaphore(%run_scoped3A : memref<!tpu.dma_semaphore, #tpu.memory_space<semaphore_mem>>) src(%dma_wait3A_55 : memref<128x128xf32, #tpu.memory_space<vmem_shared>>) dst(%arg11 : memref<128x128xf32, #tpu.memory_space<vmem>>)
        tpu.yield
      }) : () -> ()
      %add3A_44 = arith.constant 384 : i32
      %add3A_45 = arith.addi %mul3A_12, %add3A_44 : i32
      "tpu.region"() ({
        %run_scoped3A = tpu.sem_alloc : memref<!tpu.dma_semaphore, #tpu.memory_space<semaphore_mem>>
        %dma_start3A = arith.constant 0 : i32
        %dma_start3A_50 = tpu.memref_slice %arg7[%add3A_45, %dma_start3A] : memref<10240x128xf32, #tpu.memory_space<hbm>> -> memref<128x128xf32, #tpu.memory_space<hbm>>
        %dma_start3A_51 = arith.constant 0 : i32
        %dma_start3A_52 = tpu.memref_slice %arg7[%add3A_45, %dma_start3A_51] : memref<10240x128xf32, #tpu.memory_space<hbm>> -> memref<128x128xf32, #tpu.memory_space<hbm>>
        tpu.enqueue_dma source(%arg11 : memref<128x128xf32, #tpu.memory_space<vmem>>) target(%dma_start3A_52 : memref<128x128xf32, #tpu.memory_space<hbm>>) target_semaphore(%run_scoped3A : memref<!tpu.dma_semaphore, #tpu.memory_space<semaphore_mem>>)
        %dma_wait3A = arith.constant 0 : i32
        %dma_wait3A_53 = tpu.memref_slice %arg7[%add3A_45, %dma_wait3A] : memref<10240x128xf32, #tpu.memory_space<hbm>> -> memref<128x128xf32, #tpu.memory_space<hbm>>
        %dma_wait3A_54 = arith.constant 0 : i32
        %dma_wait3A_55 = tpu.memref_slice %arg7[%add3A_45, %dma_wait3A_54] : memref<10240x128xf32, #tpu.memory_space<hbm>> -> memref<128x128xf32, #tpu.memory_space<hbm>>
        tpu.wait_dma2 semaphore(%run_scoped3A : memref<!tpu.dma_semaphore, #tpu.memory_space<semaphore_mem>>) src(%arg11 : memref<128x128xf32, #tpu.memory_space<vmem>>) dst(%dma_wait3A_55 : memref<128x128xf32, #tpu.memory_space<hbm>>)
        tpu.yield
      }) : () -> ()
      %add3A_46 = arith.constant 512 : i32
      %add3A_47 = arith.addi %mul3A_12, %add3A_46 : i32
      "tpu.region"() ({
        %run_scoped3A = tpu.sem_alloc : memref<!tpu.dma_semaphore, #tpu.memory_space<semaphore_mem>>
        %dma_start3A = arith.constant 0 : i32
        %dma_start3A_50 = tpu.memref_slice %arg14[%add3A_47, %dma_start3A] : memref<10240x128xf32, #tpu.memory_space<vmem_shared>> -> memref<128x128xf32, #tpu.memory_space<vmem_shared>>
        %dma_start3A_51 = arith.constant 0 : i32
        %dma_start3A_52 = tpu.memref_slice %arg14[%add3A_47, %dma_start3A_51] : memref<10240x128xf32, #tpu.memory_space<vmem_shared>> -> memref<128x128xf32, #tpu.memory_space<vmem_shared>>
        tpu.enqueue_dma source(%dma_start3A_52 : memref<128x128xf32, #tpu.memory_space<vmem_shared>>) target(%arg11 : memref<128x128xf32, #tpu.memory_space<vmem>>) target_semaphore(%run_scoped3A : memref<!tpu.dma_semaphore, #tpu.memory_space<semaphore_mem>>)
        %dma_wait3A = arith.constant 0 : i32
        %dma_wait3A_53 = tpu.memref_slice %arg14[%add3A_47, %dma_wait3A] : memref<10240x128xf32, #tpu.memory_space<vmem_shared>> -> memref<128x128xf32, #tpu.memory_space<vmem_shared>>
        %dma_wait3A_54 = arith.constant 0 : i32
        %dma_wait3A_55 = tpu.memref_slice %arg14[%add3A_47, %dma_wait3A_54] : memref<10240x128xf32, #tpu.memory_space<vmem_shared>> -> memref<128x128xf32, #tpu.memory_space<vmem_shared>>
        tpu.wait_dma2 semaphore(%run_scoped3A : memref<!tpu.dma_semaphore, #tpu.memory_space<semaphore_mem>>) src(%dma_wait3A_55 : memref<128x128xf32, #tpu.memory_space<vmem_shared>>) dst(%arg11 : memref<128x128xf32, #tpu.memory_space<vmem>>)
        tpu.yield
      }) : () -> ()
      %add3A_48 = arith.constant 512 : i32
      %add3A_49 = arith.addi %mul3A_12, %add3A_48 : i32
      "tpu.region"() ({
        %run_scoped3A = tpu.sem_alloc : memref<!tpu.dma_semaphore, #tpu.memory_space<semaphore_mem>>
        %dma_start3A = arith.constant 0 : i32
        %dma_start3A_50 = tpu.memref_slice %arg7[%add3A_49, %dma_start3A] : memref<10240x128xf32, #tpu.memory_space<hbm>> -> memref<128x128xf32, #tpu.memory_space<hbm>>
        %dma_start3A_51 = arith.constant 0 : i32
        %dma_start3A_52 = tpu.memref_slice %arg7[%add3A_49, %dma_start3A_51] : memref<10240x128xf32, #tpu.memory_space<hbm>> -> memref<128x128xf32, #tpu.memory_space<hbm>>
        tpu.enqueue_dma source(%arg11 : memref<128x128xf32, #tpu.memory_space<vmem>>) target(%dma_start3A_52 : memref<128x128xf32, #tpu.memory_space<hbm>>) target_semaphore(%run_scoped3A : memref<!tpu.dma_semaphore, #tpu.memory_space<semaphore_mem>>)
        %dma_wait3A = arith.constant 0 : i32
        %dma_wait3A_53 = tpu.memref_slice %arg7[%add3A_49, %dma_wait3A] : memref<10240x128xf32, #tpu.memory_space<hbm>> -> memref<128x128xf32, #tpu.memory_space<hbm>>
        %dma_wait3A_54 = arith.constant 0 : i32
        %dma_wait3A_55 = tpu.memref_slice %arg7[%add3A_49, %dma_wait3A_54] : memref<10240x128xf32, #tpu.memory_space<hbm>> -> memref<128x128xf32, #tpu.memory_space<hbm>>
        tpu.wait_dma2 semaphore(%run_scoped3A : memref<!tpu.dma_semaphore, #tpu.memory_space<semaphore_mem>>) src(%arg11 : memref<128x128xf32, #tpu.memory_space<vmem>>) dst(%dma_wait3A_55 : memref<128x128xf32, #tpu.memory_space<hbm>>)
        tpu.yield
      }) : () -> ()
    } else {
    }
    %eq3A_7 = arith.constant 1 : i32
    %eq3A_8 = arith.cmpi eq, %arg0, %eq3A_7 : i32
    %convert_element_type3A_9 = arith.extui %eq3A_8 : i1 to i32
    %cond3A_10 = arith.constant 0 : i32
    %cond3A_11 = arith.cmpi ne, %convert_element_type3A_9, %cond3A_10 : i32
    scf.if %cond3A_11 {
      %mul3A = arith.constant 640 : i32
      %mul3A_12 = arith.muli %arg1, %mul3A : i32
      %add3A = arith.constant 0 : i32
      %add3A_13 = arith.addi %mul3A_12, %add3A : i32
      "tpu.region"() ({
        %run_scoped3A = tpu.sem_alloc : memref<!tpu.dma_semaphore, #tpu.memory_space<semaphore_mem>>
        %dma_start3A = arith.constant 0 : i32
        %dma_start3A_50 = tpu.memref_slice %arg14[%add3A_13, %dma_start3A] : memref<10240x128xf32, #tpu.memory_space<vmem_shared>> -> memref<128x128xf32, #tpu.memory_space<vmem_shared>>
        %dma_start3A_51 = arith.constant 0 : i32
        %dma_start3A_52 = tpu.memref_slice %arg14[%add3A_13, %dma_start3A_51] : memref<10240x128xf32, #tpu.memory_space<vmem_shared>> -> memref<128x128xf32, #tpu.memory_space<vmem_shared>>
        tpu.enqueue_dma source(%arg11 : memref<128x128xf32, #tpu.memory_space<vmem>>) target(%dma_start3A_52 : memref<128x128xf32, #tpu.memory_space<vmem_shared>>) target_semaphore(%run_scoped3A : memref<!tpu.dma_semaphore, #tpu.memory_space<semaphore_mem>>)
        %dma_wait3A = arith.constant 0 : i32
        %dma_wait3A_53 = tpu.memref_slice %arg14[%add3A_13, %dma_wait3A] : memref<10240x128xf32, #tpu.memory_space<vmem_shared>> -> memref<128x128xf32, #tpu.memory_space<vmem_shared>>
        %dma_wait3A_54 = arith.constant 0 : i32
        %dma_wait3A_55 = tpu.memref_slice %arg14[%add3A_13, %dma_wait3A_54] : memref<10240x128xf32, #tpu.memory_space<vmem_shared>> -> memref<128x128xf32, #tpu.memory_space<vmem_shared>>
        tpu.wait_dma2 semaphore(%run_scoped3A : memref<!tpu.dma_semaphore, #tpu.memory_space<semaphore_mem>>) src(%arg11 : memref<128x128xf32, #tpu.memory_space<vmem>>) dst(%dma_wait3A_55 : memref<128x128xf32, #tpu.memory_space<vmem_shared>>)
        tpu.yield
      }) : () -> ()
      %add3A_14 = arith.constant 128 : i32
      %add3A_15 = arith.addi %mul3A_12, %add3A_14 : i32
      "tpu.region"() ({
        %run_scoped3A = tpu.sem_alloc : memref<!tpu.dma_semaphore, #tpu.memory_space<semaphore_mem>>
        %dma_start3A = arith.constant 0 : i32
        %dma_start3A_50 = tpu.memref_slice %arg14[%add3A_15, %dma_start3A] : memref<10240x128xf32, #tpu.memory_space<vmem_shared>> -> memref<128x128xf32, #tpu.memory_space<vmem_shared>>
        %dma_start3A_51 = arith.constant 0 : i32
        %dma_start3A_52 = tpu.memref_slice %arg14[%add3A_15, %dma_start3A_51] : memref<10240x128xf32, #tpu.memory_space<vmem_shared>> -> memref<128x128xf32, #tpu.memory_space<vmem_shared>>
        tpu.enqueue_dma source(%arg11 : memref<128x128xf32, #tpu.memory_space<vmem>>) target(%dma_start3A_52 : memref<128x128xf32, #tpu.memory_space<vmem_shared>>) target_semaphore(%run_scoped3A : memref<!tpu.dma_semaphore, #tpu.memory_space<semaphore_mem>>)
        %dma_wait3A = arith.constant 0 : i32
        %dma_wait3A_53 = tpu.memref_slice %arg14[%add3A_15, %dma_wait3A] : memref<10240x128xf32, #tpu.memory_space<vmem_shared>> -> memref<128x128xf32, #tpu.memory_space<vmem_shared>>
        %dma_wait3A_54 = arith.constant 0 : i32
        %dma_wait3A_55 = tpu.memref_slice %arg14[%add3A_15, %dma_wait3A_54] : memref<10240x128xf32, #tpu.memory_space<vmem_shared>> -> memref<128x128xf32, #tpu.memory_space<vmem_shared>>
        tpu.wait_dma2 semaphore(%run_scoped3A : memref<!tpu.dma_semaphore, #tpu.memory_space<semaphore_mem>>) src(%arg11 : memref<128x128xf32, #tpu.memory_space<vmem>>) dst(%dma_wait3A_55 : memref<128x128xf32, #tpu.memory_space<vmem_shared>>)
        tpu.yield
      }) : () -> ()
      %add3A_16 = arith.constant 256 : i32
      %add3A_17 = arith.addi %mul3A_12, %add3A_16 : i32
      "tpu.region"() ({
        %run_scoped3A = tpu.sem_alloc : memref<!tpu.dma_semaphore, #tpu.memory_space<semaphore_mem>>
        %dma_start3A = arith.constant 0 : i32
        %dma_start3A_50 = tpu.memref_slice %arg14[%add3A_17, %dma_start3A] : memref<10240x128xf32, #tpu.memory_space<vmem_shared>> -> memref<128x128xf32, #tpu.memory_space<vmem_shared>>
        %dma_start3A_51 = arith.constant 0 : i32
        %dma_start3A_52 = tpu.memref_slice %arg14[%add3A_17, %dma_start3A_51] : memref<10240x128xf32, #tpu.memory_space<vmem_shared>> -> memref<128x128xf32, #tpu.memory_space<vmem_shared>>
        tpu.enqueue_dma source(%arg11 : memref<128x128xf32, #tpu.memory_space<vmem>>) target(%dma_start3A_52 : memref<128x128xf32, #tpu.memory_space<vmem_shared>>) target_semaphore(%run_scoped3A : memref<!tpu.dma_semaphore, #tpu.memory_space<semaphore_mem>>)
        %dma_wait3A = arith.constant 0 : i32
        %dma_wait3A_53 = tpu.memref_slice %arg14[%add3A_17, %dma_wait3A] : memref<10240x128xf32, #tpu.memory_space<vmem_shared>> -> memref<128x128xf32, #tpu.memory_space<vmem_shared>>
        %dma_wait3A_54 = arith.constant 0 : i32
        %dma_wait3A_55 = tpu.memref_slice %arg14[%add3A_17, %dma_wait3A_54] : memref<10240x128xf32, #tpu.memory_space<vmem_shared>> -> memref<128x128xf32, #tpu.memory_space<vmem_shared>>
        tpu.wait_dma2 semaphore(%run_scoped3A : memref<!tpu.dma_semaphore, #tpu.memory_space<semaphore_mem>>) src(%arg11 : memref<128x128xf32, #tpu.memory_space<vmem>>) dst(%dma_wait3A_55 : memref<128x128xf32, #tpu.memory_space<vmem_shared>>)
        tpu.yield
      }) : () -> ()
      %add3A_18 = arith.constant 384 : i32
      %add3A_19 = arith.addi %mul3A_12, %add3A_18 : i32
      "tpu.region"() ({
        %run_scoped3A = tpu.sem_alloc : memref<!tpu.dma_semaphore, #tpu.memory_space<semaphore_mem>>
        %dma_start3A = arith.constant 0 : i32
        %dma_start3A_50 = tpu.memref_slice %arg14[%add3A_19, %dma_start3A] : memref<10240x128xf32, #tpu.memory_space<vmem_shared>> -> memref<128x128xf32, #tpu.memory_space<vmem_shared>>
        %dma_start3A_51 = arith.constant 0 : i32
        %dma_start3A_52 = tpu.memref_slice %arg14[%add3A_19, %dma_start3A_51] : memref<10240x128xf32, #tpu.memory_space<vmem_shared>> -> memref<128x128xf32, #tpu.memory_space<vmem_shared>>
        tpu.enqueue_dma source(%arg11 : memref<128x128xf32, #tpu.memory_space<vmem>>) target(%dma_start3A_52 : memref<128x128xf32, #tpu.memory_space<vmem_shared>>) target_semaphore(%run_scoped3A : memref<!tpu.dma_semaphore, #tpu.memory_space<semaphore_mem>>)
        %dma_wait3A = arith.constant 0 : i32
        %dma_wait3A_53 = tpu.memref_slice %arg14[%add3A_19, %dma_wait3A] : memref<10240x128xf32, #tpu.memory_space<vmem_shared>> -> memref<128x128xf32, #tpu.memory_space<vmem_shared>>
        %dma_wait3A_54 = arith.constant 0 : i32
        %dma_wait3A_55 = tpu.memref_slice %arg14[%add3A_19, %dma_wait3A_54] : memref<10240x128xf32, #tpu.memory_space<vmem_shared>> -> memref<128x128xf32, #tpu.memory_space<vmem_shared>>
        tpu.wait_dma2 semaphore(%run_scoped3A : memref<!tpu.dma_semaphore, #tpu.memory_space<semaphore_mem>>) src(%arg11 : memref<128x128xf32, #tpu.memory_space<vmem>>) dst(%dma_wait3A_55 : memref<128x128xf32, #tpu.memory_space<vmem_shared>>)
        tpu.yield
      }) : () -> ()
      %add3A_20 = arith.constant 512 : i32
      %add3A_21 = arith.addi %mul3A_12, %add3A_20 : i32
      "tpu.region"() ({
        %run_scoped3A = tpu.sem_alloc : memref<!tpu.dma_semaphore, #tpu.memory_space<semaphore_mem>>
        %dma_start3A = arith.constant 0 : i32
        %dma_start3A_50 = tpu.memref_slice %arg14[%add3A_21, %dma_start3A] : memref<10240x128xf32, #tpu.memory_space<vmem_shared>> -> memref<128x128xf32, #tpu.memory_space<vmem_shared>>
        %dma_start3A_51 = arith.constant 0 : i32
        %dma_start3A_52 = tpu.memref_slice %arg14[%add3A_21, %dma_start3A_51] : memref<10240x128xf32, #tpu.memory_space<vmem_shared>> -> memref<128x128xf32, #tpu.memory_space<vmem_shared>>
        tpu.enqueue_dma source(%arg11 : memref<128x128xf32, #tpu.memory_space<vmem>>) target(%dma_start3A_52 : memref<128x128xf32, #tpu.memory_space<vmem_shared>>) target_semaphore(%run_scoped3A : memref<!tpu.dma_semaphore, #tpu.memory_space<semaphore_mem>>)
        %dma_wait3A = arith.constant 0 : i32
        %dma_wait3A_53 = tpu.memref_slice %arg14[%add3A_21, %dma_wait3A] : memref<10240x128xf32, #tpu.memory_space<vmem_shared>> -> memref<128x128xf32, #tpu.memory_space<vmem_shared>>
        %dma_wait3A_54 = arith.constant 0 : i32
        %dma_wait3A_55 = tpu.memref_slice %arg14[%add3A_21, %dma_wait3A_54] : memref<10240x128xf32, #tpu.memory_space<vmem_shared>> -> memref<128x128xf32, #tpu.memory_space<vmem_shared>>
        tpu.wait_dma2 semaphore(%run_scoped3A : memref<!tpu.dma_semaphore, #tpu.memory_space<semaphore_mem>>) src(%arg11 : memref<128x128xf32, #tpu.memory_space<vmem>>) dst(%dma_wait3A_55 : memref<128x128xf32, #tpu.memory_space<vmem_shared>>)
        tpu.yield
      }) : () -> ()
      %barrier3A = arith.constant 0 : index
      tpu.barrier barrier_id(%barrier3A)
      %mul3A_22 = arith.constant 157 : i32
      %mul3A_23 = arith.muli %arg1, %mul3A_22 : i32
      %scan3A_24 = arith.constant 0 : i32
      %scan3A_25 = arith.constant 157 : i32
      %scan3A_26 = arith.addi %scan3A_24, %scan3A_25 : i32
      %scan3A_27 = arith.constant 1 : i32
      scf.for %scan3A_50 = %scan3A_24 to %scan3A_26 step %scan3A_27  : i32 {
        %mul3A_51 = arith.constant 1 : i32
        %mul3A_52 = arith.muli %scan3A_50, %mul3A_51 : i32
        %add3A_53 = arith.constant 0 : i32
        %add3A_54 = arith.addi %add3A_53, %mul3A_52 : i32
        %add3A_55 = arith.addi %mul3A_23, %add3A_54 : i32
        "tpu.region"() ({
          %run_scoped3A = tpu.sem_alloc : memref<!tpu.dma_semaphore, #tpu.memory_space<semaphore_mem>>
          %dma_start3A_88 = arith.constant 0 : i32
          %dma_start3A_89 = arith.constant 0 : i32
          %dma_start3A_90 = tpu.memref_slice %arg5[%add3A_55, %dma_start3A_88, %dma_start3A_89] : memref<2512x2x128xi32, #tpu.memory_space<hbm>> -> memref<1x2x128xi32, #tpu.memory_space<hbm>>
          %dma_start3A_91 = tpu.memref_squeeze %dma_start3A_90 : memref<1x2x128xi32, #tpu.memory_space<hbm>> -> memref<2x128xi32, #tpu.memory_space<hbm>>
          %dma_start3A_92 = arith.constant 0 : i32
          %dma_start3A_93 = arith.constant 0 : i32
          %dma_start3A_94 = tpu.memref_slice %arg5[%add3A_55, %dma_start3A_92, %dma_start3A_93] : memref<2512x2x128xi32, #tpu.memory_space<hbm>> -> memref<1x2x128xi32, #tpu.memory_space<hbm>>
          %dma_start3A_95 = tpu.memref_squeeze %dma_start3A_94 : memref<1x2x128xi32, #tpu.memory_space<hbm>> -> memref<2x128xi32, #tpu.memory_space<hbm>>
          tpu.enqueue_dma source(%dma_start3A_95 : memref<2x128xi32, #tpu.memory_space<hbm>>) target(%arg9 : memref<2x128xi32, #tpu.memory_space<vmem>>) target_semaphore(%run_scoped3A : memref<!tpu.dma_semaphore, #tpu.memory_space<semaphore_mem>>)
          %dma_wait3A_96 = arith.constant 0 : i32
          %dma_wait3A_97 = arith.constant 0 : i32
          %dma_wait3A_98 = tpu.memref_slice %arg5[%add3A_55, %dma_wait3A_96, %dma_wait3A_97] : memref<2512x2x128xi32, #tpu.memory_space<hbm>> -> memref<1x2x128xi32, #tpu.memory_space<hbm>>
          %dma_wait3A_99 = tpu.memref_squeeze %dma_wait3A_98 : memref<1x2x128xi32, #tpu.memory_space<hbm>> -> memref<2x128xi32, #tpu.memory_space<hbm>>
          %dma_wait3A_100 = arith.constant 0 : i32
          %dma_wait3A_101 = arith.constant 0 : i32
          %dma_wait3A_102 = tpu.memref_slice %arg5[%add3A_55, %dma_wait3A_100, %dma_wait3A_101] : memref<2512x2x128xi32, #tpu.memory_space<hbm>> -> memref<1x2x128xi32, #tpu.memory_space<hbm>>
          %dma_wait3A_103 = tpu.memref_squeeze %dma_wait3A_102 : memref<1x2x128xi32, #tpu.memory_space<hbm>> -> memref<2x128xi32, #tpu.memory_space<hbm>>
          tpu.wait_dma2 semaphore(%run_scoped3A : memref<!tpu.dma_semaphore, #tpu.memory_space<semaphore_mem>>) src(%dma_wait3A_103 : memref<2x128xi32, #tpu.memory_space<hbm>>) dst(%arg9 : memref<2x128xi32, #tpu.memory_space<vmem>>)
          tpu.yield
        }) : () -> ()
        %add3A_56 = arith.addi %mul3A_23, %add3A_54 : i32
        "tpu.region"() ({
          %run_scoped3A = tpu.sem_alloc : memref<!tpu.dma_semaphore, #tpu.memory_space<semaphore_mem>>
          %dma_start3A_88 = arith.constant 0 : i32
          %dma_start3A_89 = tpu.memref_slice %arg6[%add3A_56, %dma_start3A_88] : memref<2512x128xf32, #tpu.memory_space<hbm>> -> memref<1x128xf32, #tpu.memory_space<hbm>>
          %dma_start3A_90 = arith.constant 0 : i32
          %dma_start3A_91 = tpu.memref_slice %arg6[%add3A_56, %dma_start3A_90] : memref<2512x128xf32, #tpu.memory_space<hbm>> -> memref<1x128xf32, #tpu.memory_space<hbm>>
          tpu.enqueue_dma source(%dma_start3A_91 : memref<1x128xf32, #tpu.memory_space<hbm>>) target(%arg10 : memref<1x128xf32, #tpu.memory_space<vmem>>) target_semaphore(%run_scoped3A : memref<!tpu.dma_semaphore, #tpu.memory_space<semaphore_mem>>)
          %dma_wait3A_92 = arith.constant 0 : i32
          %dma_wait3A_93 = tpu.memref_slice %arg6[%add3A_56, %dma_wait3A_92] : memref<2512x128xf32, #tpu.memory_space<hbm>> -> memref<1x128xf32, #tpu.memory_space<hbm>>
          %dma_wait3A_94 = arith.constant 0 : i32
          %dma_wait3A_95 = tpu.memref_slice %arg6[%add3A_56, %dma_wait3A_94] : memref<2512x128xf32, #tpu.memory_space<hbm>> -> memref<1x128xf32, #tpu.memory_space<hbm>>
          tpu.wait_dma2 semaphore(%run_scoped3A : memref<!tpu.dma_semaphore, #tpu.memory_space<semaphore_mem>>) src(%dma_wait3A_95 : memref<1x128xf32, #tpu.memory_space<hbm>>) dst(%arg10 : memref<1x128xf32, #tpu.memory_space<vmem>>)
          tpu.yield
        }) : () -> ()
        %dma_start3A = arith.constant 0 : i32
        %dma_start3A_57 = arith.constant 0 : i32
        %dma_start3A_58 = tpu.memref_slice %arg9[%dma_start3A, %dma_start3A_57] : memref<2x128xi32, #tpu.memory_space<vmem>> -> memref<1x128xi32, #tpu.memory_space<vmem>>
        %dma_start3A_59 = tpu.memref_squeeze %dma_start3A_58 : memref<1x128xi32, #tpu.memory_space<vmem>> -> memref<128xi32, #tpu.memory_space<vmem>>
        %dma_start3A_60 = arith.constant 0 : i32
        %dma_start3A_61 = arith.constant 0 : i32
        %dma_start3A_62 = tpu.memref_slice %arg2[%dma_start3A_60, %dma_start3A_61] : memref<10000x128xf32, #tpu.memory_space<hbm>> -> memref<10000x128xf32, #tpu.memory_space<hbm>>
        tpu.enqueue_indirect_dma source(%dma_start3A_62 : memref<10000x128xf32, #tpu.memory_space<hbm>>) target(%arg11 : memref<128x128xf32, #tpu.memory_space<vmem>>) offsets(%dma_start3A_59 : memref<128xi32, #tpu.memory_space<vmem>>) semaphore(%arg12 : memref<!tpu.dma_semaphore, #tpu.memory_space<semaphore_mem>>)
        %dma_wait3A = arith.constant 0 : i32
        %dma_wait3A_63 = arith.constant 0 : i32
        %dma_wait3A_64 = tpu.memref_slice %arg9[%dma_wait3A, %dma_wait3A_63] : memref<2x128xi32, #tpu.memory_space<vmem>> -> memref<1x128xi32, #tpu.memory_space<vmem>>
        %dma_wait3A_65 = tpu.memref_squeeze %dma_wait3A_64 : memref<1x128xi32, #tpu.memory_space<vmem>> -> memref<128xi32, #tpu.memory_space<vmem>>
        %dma_wait3A_66 = arith.constant 0 : i32
        %dma_wait3A_67 = arith.constant 0 : i32
        %dma_wait3A_68 = tpu.memref_slice %arg2[%dma_wait3A_66, %dma_wait3A_67] : memref<10000x128xf32, #tpu.memory_space<hbm>> -> memref<10000x128xf32, #tpu.memory_space<hbm>>
        tpu.wait_indirect_dma semaphore(%arg12 : memref<!tpu.dma_semaphore, #tpu.memory_space<semaphore_mem>>) src(%dma_wait3A_68 : memref<10000x128xf32, #tpu.memory_space<hbm>>) dst(%arg11 : memref<128x128xf32, #tpu.memory_space<vmem>>)
        %scan3A_69 = arith.constant 0 : i32
        %scan3A_70 = arith.constant 8 : i32
        %scan3A_71 = arith.addi %scan3A_69, %scan3A_70 : i32
        %scan3A_72 = arith.constant 1 : i32
        scf.for %scan3A_88 = %scan3A_69 to %scan3A_71 step %scan3A_72  : i32 {
          %mul3A_89 = arith.constant 1 : i32
          %mul3A_90 = arith.muli %scan3A_88, %mul3A_89 : i32
          %add3A_91 = arith.constant 0 : i32
          %add3A_92 = arith.addi %add3A_91, %mul3A_90 : i32
          %mul3A_93 = arith.constant 16 : i32
          %mul3A_94 = arith.muli %add3A_92, %mul3A_93 : i32
          %get3A = arith.constant 0 : i32
          %get3A_95 = arith.index_cast %get3A : i32 to index
          %get3A_96 = arith.index_cast %mul3A_94 : i32 to index
          %get3A_97 = tpu.vector_load %arg10[%get3A_95, %get3A_96] {strides = array<i32>} : memref<1x128xf32, #tpu.memory_space<vmem>>, vector<1x16xf32>,
          %get3A_98 = vector.shape_cast %get3A_97 : vector<1x16xf32> to vector<16xf32>
          %broadcast_in_dim3A_99 = arith.constant 0 : i32
          %broadcast_in_dim3A_100 = vector.broadcast %broadcast_in_dim3A_99 : i32 to vector<16x1xi32>
          %gather3A = vector.shape_cast %broadcast_in_dim3A_100 : vector<16x1xi32> to vector<16xi32>
          %gather3A_101 = tpu.dynamic_gather %get3A_98[%gather3A] in [0] : vector<16xf32>, vector<16xi32> -> vector<16xf32>
          %add3A_102 = arith.constant 0 : i32
          %add3A_103 = arith.addi %mul3A_94, %add3A_102 : i32
          %get3A_104 = arith.index_cast %add3A_103 : i32 to index
          %get3A_105 = arith.constant 0 : index
          %get3A_106 = tpu.vector_load %arg11[%get3A_104, %get3A_105] {strides = array<i32>} : memref<128x128xf32, #tpu.memory_space<vmem>>, vector<1x16xf32>,
          %get3A_107 = vector.shape_cast %get3A_106 : vector<1x16xf32> to vector<16xf32>
          %mul3A_108 = arith.mulf %get3A_107, %gather3A_101 : vector<16xf32>
          %add3A_109 = arith.constant 0 : i32
          %add3A_110 = arith.addi %mul3A_94, %add3A_109 : i32
          %swap3A = arith.index_cast %add3A_110 : i32 to index
          %swap3A_111 = arith.constant 0 : index
          %swap3A_112 = tpu.vector_load %arg11[%swap3A, %swap3A_111] {strides = array<i32>} : memref<128x128xf32, #tpu.memory_space<vmem>>, vector<1x16xf32>,
          %swap3A_113 = vector.shape_cast %swap3A_112 : vector<1x16xf32> to vector<16xf32>
          %swap3A_114 = vector.shape_cast %mul3A_108 : vector<16xf32> to vector<1x16xf32>
          tpu.vector_store %arg11[%swap3A, %swap3A_111], %swap3A_114 {strides = array<i32>} : memref<128x128xf32, #tpu.memory_space<vmem>>, vector<1x16xf32>,
          %add3A_115 = arith.constant 0 : i32
          %add3A_116 = arith.addi %mul3A_94, %add3A_115 : i32
          %get3A_117 = arith.index_cast %add3A_116 : i32 to index
          %get3A_118 = arith.constant 16 : index
          %get3A_119 = tpu.vector_load %arg11[%get3A_117, %get3A_118] {strides = array<i32>} : memref<128x128xf32, #tpu.memory_space<vmem>>, vector<1x16xf32>,
          %get3A_120 = vector.shape_cast %get3A_119 : vector<1x16xf32> to vector<16xf32>
          %mul3A_121 = arith.mulf %get3A_120, %gather3A_101 : vector<16xf32>
          %add3A_122 = arith.constant 0 : i32
          %add3A_123 = arith.addi %mul3A_94, %add3A_122 : i32
          %swap3A_124 = arith.index_cast %add3A_123 : i32 to index
          %swap3A_125 = arith.constant 16 : index
          %swap3A_126 = tpu.vector_load %arg11[%swap3A_124, %swap3A_125] {strides = array<i32>} : memref<128x128xf32, #tpu.memory_space<vmem>>, vector<1x16xf32>,
          %swap3A_127 = vector.shape_cast %swap3A_126 : vector<1x16xf32> to vector<16xf32>
          %swap3A_128 = vector.shape_cast %mul3A_121 : vector<16xf32> to vector<1x16xf32>
          tpu.vector_store %arg11[%swap3A_124, %swap3A_125], %swap3A_128 {strides = array<i32>} : memref<128x128xf32, #tpu.memory_space<vmem>>, vector<1x16xf32>,
          %add3A_129 = arith.constant 0 : i32
          %add3A_130 = arith.addi %mul3A_94, %add3A_129 : i32
          %get3A_131 = arith.index_cast %add3A_130 : i32 to index
          %get3A_132 = arith.constant 32 : index
          %get3A_133 = tpu.vector_load %arg11[%get3A_131, %get3A_132] {strides = array<i32>} : memref<128x128xf32, #tpu.memory_space<vmem>>, vector<1x16xf32>,
          %get3A_134 = vector.shape_cast %get3A_133 : vector<1x16xf32> to vector<16xf32>
          %mul3A_135 = arith.mulf %get3A_134, %gather3A_101 : vector<16xf32>
          %add3A_136 = arith.constant 0 : i32
          %add3A_137 = arith.addi %mul3A_94, %add3A_136 : i32
          %swap3A_138 = arith.index_cast %add3A_137 : i32 to index
          %swap3A_139 = arith.constant 32 : index
          %swap3A_140 = tpu.vector_load %arg11[%swap3A_138, %swap3A_139] {strides = array<i32>} : memref<128x128xf32, #tpu.memory_space<vmem>>, vector<1x16xf32>,
          %swap3A_141 = vector.shape_cast %swap3A_140 : vector<1x16xf32> to vector<16xf32>
          %swap3A_142 = vector.shape_cast %mul3A_135 : vector<16xf32> to vector<1x16xf32>
          tpu.vector_store %arg11[%swap3A_138, %swap3A_139], %swap3A_142 {strides = array<i32>} : memref<128x128xf32, #tpu.memory_space<vmem>>, vector<1x16xf32>,
          %add3A_143 = arith.constant 0 : i32
          %add3A_144 = arith.addi %mul3A_94, %add3A_143 : i32
          %get3A_145 = arith.index_cast %add3A_144 : i32 to index
          %get3A_146 = arith.constant 48 : index
          %get3A_147 = tpu.vector_load %arg11[%get3A_145, %get3A_146] {strides = array<i32>} : memref<128x128xf32, #tpu.memory_space<vmem>>, vector<1x16xf32>,
          %get3A_148 = vector.shape_cast %get3A_147 : vector<1x16xf32> to vector<16xf32>
          %mul3A_149 = arith.mulf %get3A_148, %gather3A_101 : vector<16xf32>
          %add3A_150 = arith.constant 0 : i32
          %add3A_151 = arith.addi %mul3A_94, %add3A_150 : i32
          %swap3A_152 = arith.index_cast %add3A_151 : i32 to index
          %swap3A_153 = arith.constant 48 : index
          %swap3A_154 = tpu.vector_load %arg11[%swap3A_152, %swap3A_153] {strides = array<i32>} : memref<128x128xf32, #tpu.memory_space<vmem>>, vector<1x16xf32>,
          %swap3A_155 = vector.shape_cast %swap3A_154 : vector<1x16xf32> to vector<16xf32>
          %swap3A_156 = vector.shape_cast %mul3A_149 : vector<16xf32> to vector<1x16xf32>
          tpu.vector_store %arg11[%swap3A_152, %swap3A_153], %swap3A_156 {strides = array<i32>} : memref<128x128xf32, #tpu.memory_space<vmem>>, vector<1x16xf32>,
          %add3A_157 = arith.constant 0 : i32
          %add3A_158 = arith.addi %mul3A_94, %add3A_157 : i32
          %get3A_159 = arith.index_cast %add3A_158 : i32 to index
          %get3A_160 = arith.constant 64 : index
          %get3A_161 = tpu.vector_load %arg11[%get3A_159, %get3A_160] {strides = array<i32>} : memref<128x128xf32, #tpu.memory_space<vmem>>, vector<1x16xf32>,
          %get3A_162 = vector.shape_cast %get3A_161 : vector<1x16xf32> to vector<16xf32>
          %mul3A_163 = arith.mulf %get3A_162, %gather3A_101 : vector<16xf32>
          %add3A_164 = arith.constant 0 : i32
          %add3A_165 = arith.addi %mul3A_94, %add3A_164 : i32
          %swap3A_166 = arith.index_cast %add3A_165 : i32 to index
          %swap3A_167 = arith.constant 64 : index
          %swap3A_168 = tpu.vector_load %arg11[%swap3A_166, %swap3A_167] {strides = array<i32>} : memref<128x128xf32, #tpu.memory_space<vmem>>, vector<1x16xf32>,
          %swap3A_169 = vector.shape_cast %swap3A_168 : vector<1x16xf32> to vector<16xf32>
          %swap3A_170 = vector.shape_cast %mul3A_163 : vector<16xf32> to vector<1x16xf32>
          tpu.vector_store %arg11[%swap3A_166, %swap3A_167], %swap3A_170 {strides = array<i32>} : memref<128x128xf32, #tpu.memory_space<vmem>>, vector<1x16xf32>,
          %add3A_171 = arith.constant 0 : i32
          %add3A_172 = arith.addi %mul3A_94, %add3A_171 : i32
          %get3A_173 = arith.index_cast %add3A_172 : i32 to index
          %get3A_174 = arith.constant 80 : index
          %get3A_175 = tpu.vector_load %arg11[%get3A_173, %get3A_174] {strides = array<i32>} : memref<128x128xf32, #tpu.memory_space<vmem>>, vector<1x16xf32>,
          %get3A_176 = vector.shape_cast %get3A_175 : vector<1x16xf32> to vector<16xf32>
          %mul3A_177 = arith.mulf %get3A_176, %gather3A_101 : vector<16xf32>
          %add3A_178 = arith.constant 0 : i32
          %add3A_179 = arith.addi %mul3A_94, %add3A_178 : i32
          %swap3A_180 = arith.index_cast %add3A_179 : i32 to index
          %swap3A_181 = arith.constant 80 : index
          %swap3A_182 = tpu.vector_load %arg11[%swap3A_180, %swap3A_181] {strides = array<i32>} : memref<128x128xf32, #tpu.memory_space<vmem>>, vector<1x16xf32>,
          %swap3A_183 = vector.shape_cast %swap3A_182 : vector<1x16xf32> to vector<16xf32>
          %swap3A_184 = vector.shape_cast %mul3A_177 : vector<16xf32> to vector<1x16xf32>
          tpu.vector_store %arg11[%swap3A_180, %swap3A_181], %swap3A_184 {strides = array<i32>} : memref<128x128xf32, #tpu.memory_space<vmem>>, vector<1x16xf32>,
          %add3A_185 = arith.constant 0 : i32
          %add3A_186 = arith.addi %mul3A_94, %add3A_185 : i32
          %get3A_187 = arith.index_cast %add3A_186 : i32 to index
          %get3A_188 = arith.constant 96 : index
          %get3A_189 = tpu.vector_load %arg11[%get3A_187, %get3A_188] {strides = array<i32>} : memref<128x128xf32, #tpu.memory_space<vmem>>, vector<1x16xf32>,
          %get3A_190 = vector.shape_cast %get3A_189 : vector<1x16xf32> to vector<16xf32>
          %mul3A_191 = arith.mulf %get3A_190, %gather3A_101 : vector<16xf32>
          %add3A_192 = arith.constant 0 : i32
          %add3A_193 = arith.addi %mul3A_94, %add3A_192 : i32
          %swap3A_194 = arith.index_cast %add3A_193 : i32 to index
          %swap3A_195 = arith.constant 96 : index
          %swap3A_196 = tpu.vector_load %arg11[%swap3A_194, %swap3A_195] {strides = array<i32>} : memref<128x128xf32, #tpu.memory_space<vmem>>, vector<1x16xf32>,
          %swap3A_197 = vector.shape_cast %swap3A_196 : vector<1x16xf32> to vector<16xf32>
          %swap3A_198 = vector.shape_cast %mul3A_191 : vector<16xf32> to vector<1x16xf32>
          tpu.vector_store %arg11[%swap3A_194, %swap3A_195], %swap3A_198 {strides = array<i32>} : memref<128x128xf32, #tpu.memory_space<vmem>>, vector<1x16xf32>,
          %add3A_199 = arith.constant 0 : i32
          %add3A_200 = arith.addi %mul3A_94, %add3A_199 : i32
          %get3A_201 = arith.index_cast %add3A_200 : i32 to index
          %get3A_202 = arith.constant 112 : index
          %get3A_203 = tpu.vector_load %arg11[%get3A_201, %get3A_202] {strides = array<i32>} : memref<128x128xf32, #tpu.memory_space<vmem>>, vector<1x16xf32>,
          %get3A_204 = vector.shape_cast %get3A_203 : vector<1x16xf32> to vector<16xf32>
          %mul3A_205 = arith.mulf %get3A_204, %gather3A_101 : vector<16xf32>
          %add3A_206 = arith.constant 0 : i32
          %add3A_207 = arith.addi %mul3A_94, %add3A_206 : i32
          %swap3A_208 = arith.index_cast %add3A_207 : i32 to index
          %swap3A_209 = arith.constant 112 : index
          %swap3A_210 = tpu.vector_load %arg11[%swap3A_208, %swap3A_209] {strides = array<i32>} : memref<128x128xf32, #tpu.memory_space<vmem>>, vector<1x16xf32>,
          %swap3A_211 = vector.shape_cast %swap3A_210 : vector<1x16xf32> to vector<16xf32>
          %swap3A_212 = vector.shape_cast %mul3A_205 : vector<16xf32> to vector<1x16xf32>
          tpu.vector_store %arg11[%swap3A_208, %swap3A_209], %swap3A_212 {strides = array<i32>} : memref<128x128xf32, #tpu.memory_space<vmem>>, vector<1x16xf32>,
          %broadcast_in_dim3A_213 = arith.constant 1 : i32
          %broadcast_in_dim3A_214 = vector.broadcast %broadcast_in_dim3A_213 : i32 to vector<16x1xi32>
          %gather3A_215 = vector.shape_cast %broadcast_in_dim3A_214 : vector<16x1xi32> to vector<16xi32>
          %gather3A_216 = tpu.dynamic_gather %get3A_98[%gather3A_215] in [0] : vector<16xf32>, vector<16xi32> -> vector<16xf32>
          %add3A_217 = arith.constant 1 : i32
          %add3A_218 = arith.addi %mul3A_94, %add3A_217 : i32
          %get3A_219 = arith.index_cast %add3A_218 : i32 to index
          %get3A_220 = arith.constant 0 : index
          %get3A_221 = tpu.vector_load %arg11[%get3A_219, %get3A_220] {strides = array<i32>} : memref<128x128xf32, #tpu.memory_space<vmem>>, vector<1x16xf32>,
          %get3A_222 = vector.shape_cast %get3A_221 : vector<1x16xf32> to vector<16xf32>
          %mul3A_223 = arith.mulf %get3A_222, %gather3A_216 : vector<16xf32>
          %add3A_224 = arith.constant 1 : i32
          %add3A_225 = arith.addi %mul3A_94, %add3A_224 : i32
          %swap3A_226 = arith.index_cast %add3A_225 : i32 to index
          %swap3A_227 = arith.constant 0 : index
          %swap3A_228 = tpu.vector_load %arg11[%swap3A_226, %swap3A_227] {strides = array<i32>} : memref<128x128xf32, #tpu.memory_space<vmem>>, vector<1x16xf32>,
          %swap3A_229 = vector.shape_cast %swap3A_228 : vector<1x16xf32> to vector<16xf32>
          %swap3A_230 = vector.shape_cast %mul3A_223 : vector<16xf32> to vector<1x16xf32>
          tpu.vector_store %arg11[%swap3A_226, %swap3A_227], %swap3A_230 {strides = array<i32>} : memref<128x128xf32, #tpu.memory_space<vmem>>, vector<1x16xf32>,
          %add3A_231 = arith.constant 1 : i32
          %add3A_232 = arith.addi %mul3A_94, %add3A_231 : i32
          %get3A_233 = arith.index_cast %add3A_232 : i32 to index
          %get3A_234 = arith.constant 16 : index
          %get3A_235 = tpu.vector_load %arg11[%get3A_233, %get3A_234] {strides = array<i32>} : memref<128x128xf32, #tpu.memory_space<vmem>>, vector<1x16xf32>,
          %get3A_236 = vector.shape_cast %get3A_235 : vector<1x16xf32> to vector<16xf32>
          %mul3A_237 = arith.mulf %get3A_236, %gather3A_216 : vector<16xf32>
          %add3A_238 = arith.constant 1 : i32
          %add3A_239 = arith.addi %mul3A_94, %add3A_238 : i32
          %swap3A_240 = arith.index_cast %add3A_239 : i32 to index
          %swap3A_241 = arith.constant 16 : index
          %swap3A_242 = tpu.vector_load %arg11[%swap3A_240, %swap3A_241] {strides = array<i32>} : memref<128x128xf32, #tpu.memory_space<vmem>>, vector<1x16xf32>,
          %swap3A_243 = vector.shape_cast %swap3A_242 : vector<1x16xf32> to vector<16xf32>
          %swap3A_244 = vector.shape_cast %mul3A_237 : vector<16xf32> to vector<1x16xf32>
          tpu.vector_store %arg11[%swap3A_240, %swap3A_241], %swap3A_244 {strides = array<i32>} : memref<128x128xf32, #tpu.memory_space<vmem>>, vector<1x16xf32>,
          %add3A_245 = arith.constant 1 : i32
          %add3A_246 = arith.addi %mul3A_94, %add3A_245 : i32
          %get3A_247 = arith.index_cast %add3A_246 : i32 to index
          %get3A_248 = arith.constant 32 : index
          %get3A_249 = tpu.vector_load %arg11[%get3A_247, %get3A_248] {strides = array<i32>} : memref<128x128xf32, #tpu.memory_space<vmem>>, vector<1x16xf32>,
          %get3A_250 = vector.shape_cast %get3A_249 : vector<1x16xf32> to vector<16xf32>
          %mul3A_251 = arith.mulf %get3A_250, %gather3A_216 : vector<16xf32>
          %add3A_252 = arith.constant 1 : i32
          %add3A_253 = arith.addi %mul3A_94, %add3A_252 : i32
          %swap3A_254 = arith.index_cast %add3A_253 : i32 to index
          %swap3A_255 = arith.constant 32 : index
          %swap3A_256 = tpu.vector_load %arg11[%swap3A_254, %swap3A_255] {strides = array<i32>} : memref<128x128xf32, #tpu.memory_space<vmem>>, vector<1x16xf32>,
          %swap3A_257 = vector.shape_cast %swap3A_256 : vector<1x16xf32> to vector<16xf32>
          %swap3A_258 = vector.shape_cast %mul3A_251 : vector<16xf32> to vector<1x16xf32>
          tpu.vector_store %arg11[%swap3A_254, %swap3A_255], %swap3A_258 {strides = array<i32>} : memref<128x128xf32, #tpu.memory_space<vmem>>, vector<1x16xf32>,
          %add3A_259 = arith.constant 1 : i32
          %add3A_260 = arith.addi %mul3A_94, %add3A_259 : i32
          %get3A_261 = arith.index_cast %add3A_260 : i32 to index
          %get3A_262 = arith.constant 48 : index
          %get3A_263 = tpu.vector_load %arg11[%get3A_261, %get3A_262] {strides = array<i32>} : memref<128x128xf32, #tpu.memory_space<vmem>>, vector<1x16xf32>,
          %get3A_264 = vector.shape_cast %get3A_263 : vector<1x16xf32> to vector<16xf32>
          %mul3A_265 = arith.mulf %get3A_264, %gather3A_216 : vector<16xf32>
          %add3A_266 = arith.constant 1 : i32
          %add3A_267 = arith.addi %mul3A_94, %add3A_266 : i32
          %swap3A_268 = arith.index_cast %add3A_267 : i32 to index
          %swap3A_269 = arith.constant 48 : index
          %swap3A_270 = tpu.vector_load %arg11[%swap3A_268, %swap3A_269] {strides = array<i32>} : memref<128x128xf32, #tpu.memory_space<vmem>>, vector<1x16xf32>,
          %swap3A_271 = vector.shape_cast %swap3A_270 : vector<1x16xf32> to vector<16xf32>
          %swap3A_272 = vector.shape_cast %mul3A_265 : vector<16xf32> to vector<1x16xf32>
          tpu.vector_store %arg11[%swap3A_268, %swap3A_269], %swap3A_272 {strides = array<i32>} : memref<128x128xf32, #tpu.memory_space<vmem>>, vector<1x16xf32>,
          %add3A_273 = arith.constant 1 : i32
          %add3A_274 = arith.addi %mul3A_94, %add3A_273 : i32
          %get3A_275 = arith.index_cast %add3A_274 : i32 to index
          %get3A_276 = arith.constant 64 : index
          %get3A_277 = tpu.vector_load %arg11[%get3A_275, %get3A_276] {strides = array<i32>} : memref<128x128xf32, #tpu.memory_space<vmem>>, vector<1x16xf32>,
          %get3A_278 = vector.shape_cast %get3A_277 : vector<1x16xf32> to vector<16xf32>
          %mul3A_279 = arith.mulf %get3A_278, %gather3A_216 : vector<16xf32>
          %add3A_280 = arith.constant 1 : i32
          %add3A_281 = arith.addi %mul3A_94, %add3A_280 : i32
          %swap3A_282 = arith.index_cast %add3A_281 : i32 to index
          %swap3A_283 = arith.constant 64 : index
          %swap3A_284 = tpu.vector_load %arg11[%swap3A_282, %swap3A_283] {strides = array<i32>} : memref<128x128xf32, #tpu.memory_space<vmem>>, vector<1x16xf32>,
          %swap3A_285 = vector.shape_cast %swap3A_284 : vector<1x16xf32> to vector<16xf32>
          %swap3A_286 = vector.shape_cast %mul3A_279 : vector<16xf32> to vector<1x16xf32>
          tpu.vector_store %arg11[%swap3A_282, %swap3A_283], %swap3A_286 {strides = array<i32>} : memref<128x128xf32, #tpu.memory_space<vmem>>, vector<1x16xf32>,
          %add3A_287 = arith.constant 1 : i32
          %add3A_288 = arith.addi %mul3A_94, %add3A_287 : i32
          %get3A_289 = arith.index_cast %add3A_288 : i32 to index
          %get3A_290 = arith.constant 80 : index
          %get3A_291 = tpu.vector_load %arg11[%get3A_289, %get3A_290] {strides = array<i32>} : memref<128x128xf32, #tpu.memory_space<vmem>>, vector<1x16xf32>,
          %get3A_292 = vector.shape_cast %get3A_291 : vector<1x16xf32> to vector<16xf32>
          %mul3A_293 = arith.mulf %get3A_292, %gather3A_216 : vector<16xf32>
          %add3A_294 = arith.constant 1 : i32
          %add3A_295 = arith.addi %mul3A_94, %add3A_294 : i32
          %swap3A_296 = arith.index_cast %add3A_295 : i32 to index
          %swap3A_297 = arith.constant 80 : index
          %swap3A_298 = tpu.vector_load %arg11[%swap3A_296, %swap3A_297] {strides = array<i32>} : memref<128x128xf32, #tpu.memory_space<vmem>>, vector<1x16xf32>,
          %swap3A_299 = vector.shape_cast %swap3A_298 : vector<1x16xf32> to vector<16xf32>
          %swap3A_300 = vector.shape_cast %mul3A_293 : vector<16xf32> to vector<1x16xf32>
          tpu.vector_store %arg11[%swap3A_296, %swap3A_297], %swap3A_300 {strides = array<i32>} : memref<128x128xf32, #tpu.memory_space<vmem>>, vector<1x16xf32>,
          %add3A_301 = arith.constant 1 : i32
          %add3A_302 = arith.addi %mul3A_94, %add3A_301 : i32
          %get3A_303 = arith.index_cast %add3A_302 : i32 to index
          %get3A_304 = arith.constant 96 : index
          %get3A_305 = tpu.vector_load %arg11[%get3A_303, %get3A_304] {strides = array<i32>} : memref<128x128xf32, #tpu.memory_space<vmem>>, vector<1x16xf32>,
          %get3A_306 = vector.shape_cast %get3A_305 : vector<1x16xf32> to vector<16xf32>
          %mul3A_307 = arith.mulf %get3A_306, %gather3A_216 : vector<16xf32>
          %add3A_308 = arith.constant 1 : i32
          %add3A_309 = arith.addi %mul3A_94, %add3A_308 : i32
          %swap3A_310 = arith.index_cast %add3A_309 : i32 to index
          %swap3A_311 = arith.constant 96 : index
          %swap3A_312 = tpu.vector_load %arg11[%swap3A_310, %swap3A_311] {strides = array<i32>} : memref<128x128xf32, #tpu.memory_space<vmem>>, vector<1x16xf32>,
          %swap3A_313 = vector.shape_cast %swap3A_312 : vector<1x16xf32> to vector<16xf32>
          %swap3A_314 = vector.shape_cast %mul3A_307 : vector<16xf32> to vector<1x16xf32>
          tpu.vector_store %arg11[%swap3A_310, %swap3A_311], %swap3A_314 {strides = array<i32>} : memref<128x128xf32, #tpu.memory_space<vmem>>, vector<1x16xf32>,
          %add3A_315 = arith.constant 1 : i32
          %add3A_316 = arith.addi %mul3A_94, %add3A_315 : i32
          %get3A_317 = arith.index_cast %add3A_316 : i32 to index
          %get3A_318 = arith.constant 112 : index
          %get3A_319 = tpu.vector_load %arg11[%get3A_317, %get3A_318] {strides = array<i32>} : memref<128x128xf32, #tpu.memory_space<vmem>>, vector<1x16xf32>,
          %get3A_320 = vector.shape_cast %get3A_319 : vector<1x16xf32> to vector<16xf32>
          %mul3A_321 = arith.mulf %get3A_320, %gather3A_216 : vector<16xf32>
          %add3A_322 = arith.constant 1 : i32
          %add3A_323 = arith.addi %mul3A_94, %add3A_322 : i32
          %swap3A_324 = arith.index_cast %add3A_323 : i32 to index
          %swap3A_325 = arith.constant 112 : index
          %swap3A_326 = tpu.vector_load %arg11[%swap3A_324, %swap3A_325] {strides = array<i32>} : memref<128x128xf32, #tpu.memory_space<vmem>>, vector<1x16xf32>,
          %swap3A_327 = vector.shape_cast %swap3A_326 : vector<1x16xf32> to vector<16xf32>
          %swap3A_328 = vector.shape_cast %mul3A_321 : vector<16xf32> to vector<1x16xf32>
          tpu.vector_store %arg11[%swap3A_324, %swap3A_325], %swap3A_328 {strides = array<i32>} : memref<128x128xf32, #tpu.memory_space<vmem>>, vector<1x16xf32>,
          %broadcast_in_dim3A_329 = arith.constant 2 : i32
          %broadcast_in_dim3A_330 = vector.broadcast %broadcast_in_dim3A_329 : i32 to vector<16x1xi32>
          %gather3A_331 = vector.shape_cast %broadcast_in_dim3A_330 : vector<16x1xi32> to vector<16xi32>
          %gather3A_332 = tpu.dynamic_gather %get3A_98[%gather3A_331] in [0] : vector<16xf32>, vector<16xi32> -> vector<16xf32>
          %add3A_333 = arith.constant 2 : i32
          %add3A_334 = arith.addi %mul3A_94, %add3A_333 : i32
          %get3A_335 = arith.index_cast %add3A_334 : i32 to index
          %get3A_336 = arith.constant 0 : index
          %get3A_337 = tpu.vector_load %arg11[%get3A_335, %get3A_336] {strides = array<i32>} : memref<128x128xf32, #tpu.memory_space<vmem>>, vector<1x16xf32>,
          %get3A_338 = vector.shape_cast %get3A_337 : vector<1x16xf32> to vector<16xf32>
          %mul3A_339 = arith.mulf %get3A_338, %gather3A_332 : vector<16xf32>
          %add3A_340 = arith.constant 2 : i32
          %add3A_341 = arith.addi %mul3A_94, %add3A_340 : i32
          %swap3A_342 = arith.index_cast %add3A_341 : i32 to index
          %swap3A_343 = arith.constant 0 : index
          %swap3A_344 = tpu.vector_load %arg11[%swap3A_342, %swap3A_343] {strides = array<i32>} : memref<128x128xf32, #tpu.memory_space<vmem>>, vector<1x16xf32>,
          %swap3A_345 = vector.shape_cast %swap3A_344 : vector<1x16xf32> to vector<16xf32>
          %swap3A_346 = vector.shape_cast %mul3A_339 : vector<16xf32> to vector<1x16xf32>
          tpu.vector_store %arg11[%swap3A_342, %swap3A_343], %swap3A_346 {strides = array<i32>} : memref<128x128xf32, #tpu.memory_space<vmem>>, vector<1x16xf32>,
          %add3A_347 = arith.constant 2 : i32
          %add3A_348 = arith.addi %mul3A_94, %add3A_347 : i32
          %get3A_349 = arith.index_cast %add3A_348 : i32 to index
          %get3A_350 = arith.constant 16 : index
          %get3A_351 = tpu.vector_load %arg11[%get3A_349, %get3A_350] {strides = array<i32>} : memref<128x128xf32, #tpu.memory_space<vmem>>, vector<1x16xf32>,
          %get3A_352 = vector.shape_cast %get3A_351 : vector<1x16xf32> to vector<16xf32>
          %mul3A_353 = arith.mulf %get3A_352, %gather3A_332 : vector<16xf32>
          %add3A_354 = arith.constant 2 : i32
          %add3A_355 = arith.addi %mul3A_94, %add3A_354 : i32
          %swap3A_356 = arith.index_cast %add3A_355 : i32 to index
          %swap3A_357 = arith.constant 16 : index
          %swap3A_358 = tpu.vector_load %arg11[%swap3A_356, %swap3A_357] {strides = array<i32>} : memref<128x128xf32, #tpu.memory_space<vmem>>, vector<1x16xf32>,
          %swap3A_359 = vector.shape_cast %swap3A_358 : vector<1x16xf32> to vector<16xf32>
          %swap3A_360 = vector.shape_cast %mul3A_353 : vector<16xf32> to vector<1x16xf32>
          tpu.vector_store %arg11[%swap3A_356, %swap3A_357], %swap3A_360 {strides = array<i32>} : memref<128x128xf32, #tpu.memory_space<vmem>>, vector<1x16xf32>,
          %add3A_361 = arith.constant 2 : i32
          %add3A_362 = arith.addi %mul3A_94, %add3A_361 : i32
          %get3A_363 = arith.index_cast %add3A_362 : i32 to index
          %get3A_364 = arith.constant 32 : index
          %get3A_365 = tpu.vector_load %arg11[%get3A_363, %get3A_364] {strides = array<i32>} : memref<128x128xf32, #tpu.memory_space<vmem>>, vector<1x16xf32>,
          %get3A_366 = vector.shape_cast %get3A_365 : vector<1x16xf32> to vector<16xf32>
          %mul3A_367 = arith.mulf %get3A_366, %gather3A_332 : vector<16xf32>
          %add3A_368 = arith.constant 2 : i32
          %add3A_369 = arith.addi %mul3A_94, %add3A_368 : i32
          %swap3A_370 = arith.index_cast %add3A_369 : i32 to index
          %swap3A_371 = arith.constant 32 : index
          %swap3A_372 = tpu.vector_load %arg11[%swap3A_370, %swap3A_371] {strides = array<i32>} : memref<128x128xf32, #tpu.memory_space<vmem>>, vector<1x16xf32>,
          %swap3A_373 = vector.shape_cast %swap3A_372 : vector<1x16xf32> to vector<16xf32>
          %swap3A_374 = vector.shape_cast %mul3A_367 : vector<16xf32> to vector<1x16xf32>
          tpu.vector_store %arg11[%swap3A_370, %swap3A_371], %swap3A_374 {strides = array<i32>} : memref<128x128xf32, #tpu.memory_space<vmem>>, vector<1x16xf32>,
          %add3A_375 = arith.constant 2 : i32
          %add3A_376 = arith.addi %mul3A_94, %add3A_375 : i32
          %get3A_377 = arith.index_cast %add3A_376 : i32 to index
          %get3A_378 = arith.constant 48 : index
          %get3A_379 = tpu.vector_load %arg11[%get3A_377, %get3A_378] {strides = array<i32>} : memref<128x128xf32, #tpu.memory_space<vmem>>, vector<1x16xf32>,
          %get3A_380 = vector.shape_cast %get3A_379 : vector<1x16xf32> to vector<16xf32>
          %mul3A_381 = arith.mulf %get3A_380, %gather3A_332 : vector<16xf32>
          %add3A_382 = arith.constant 2 : i32
          %add3A_383 = arith.addi %mul3A_94, %add3A_382 : i32
          %swap3A_384 = arith.index_cast %add3A_383 : i32 to index
          %swap3A_385 = arith.constant 48 : index
          %swap3A_386 = tpu.vector_load %arg11[%swap3A_384, %swap3A_385] {strides = array<i32>} : memref<128x128xf32, #tpu.memory_space<vmem>>, vector<1x16xf32>,
          %swap3A_387 = vector.shape_cast %swap3A_386 : vector<1x16xf32> to vector<16xf32>
          %swap3A_388 = vector.shape_cast %mul3A_381 : vector<16xf32> to vector<1x16xf32>
          tpu.vector_store %arg11[%swap3A_384, %swap3A_385], %swap3A_388 {strides = array<i32>} : memref<128x128xf32, #tpu.memory_space<vmem>>, vector<1x16xf32>,
          %add3A_389 = arith.constant 2 : i32
          %add3A_390 = arith.addi %mul3A_94, %add3A_389 : i32
          %get3A_391 = arith.index_cast %add3A_390 : i32 to index
          %get3A_392 = arith.constant 64 : index
          %get3A_393 = tpu.vector_load %arg11[%get3A_391, %get3A_392] {strides = array<i32>} : memref<128x128xf32, #tpu.memory_space<vmem>>, vector<1x16xf32>,
          %get3A_394 = vector.shape_cast %get3A_393 : vector<1x16xf32> to vector<16xf32>
          %mul3A_395 = arith.mulf %get3A_394, %gather3A_332 : vector<16xf32>
          %add3A_396 = arith.constant 2 : i32
          %add3A_397 = arith.addi %mul3A_94, %add3A_396 : i32
          %swap3A_398 = arith.index_cast %add3A_397 : i32 to index
          %swap3A_399 = arith.constant 64 : index
          %swap3A_400 = tpu.vector_load %arg11[%swap3A_398, %swap3A_399] {strides = array<i32>} : memref<128x128xf32, #tpu.memory_space<vmem>>, vector<1x16xf32>,
          %swap3A_401 = vector.shape_cast %swap3A_400 : vector<1x16xf32> to vector<16xf32>
          %swap3A_402 = vector.shape_cast %mul3A_395 : vector<16xf32> to vector<1x16xf32>
          tpu.vector_store %arg11[%swap3A_398, %swap3A_399], %swap3A_402 {strides = array<i32>} : memref<128x128xf32, #tpu.memory_space<vmem>>, vector<1x16xf32>,
          %add3A_403 = arith.constant 2 : i32
          %add3A_404 = arith.addi %mul3A_94, %add3A_403 : i32
          %get3A_405 = arith.index_cast %add3A_404 : i32 to index
          %get3A_406 = arith.constant 80 : index
          %get3A_407 = tpu.vector_load %arg11[%get3A_405, %get3A_406] {strides = array<i32>} : memref<128x128xf32, #tpu.memory_space<vmem>>, vector<1x16xf32>,
          %get3A_408 = vector.shape_cast %get3A_407 : vector<1x16xf32> to vector<16xf32>
          %mul3A_409 = arith.mulf %get3A_408, %gather3A_332 : vector<16xf32>
          %add3A_410 = arith.constant 2 : i32
          %add3A_411 = arith.addi %mul3A_94, %add3A_410 : i32
          %swap3A_412 = arith.index_cast %add3A_411 : i32 to index
          %swap3A_413 = arith.constant 80 : index
          %swap3A_414 = tpu.vector_load %arg11[%swap3A_412, %swap3A_413] {strides = array<i32>} : memref<128x128xf32, #tpu.memory_space<vmem>>, vector<1x16xf32>,
          %swap3A_415 = vector.shape_cast %swap3A_414 : vector<1x16xf32> to vector<16xf32>
          %swap3A_416 = vector.shape_cast %mul3A_409 : vector<16xf32> to vector<1x16xf32>
          tpu.vector_store %arg11[%swap3A_412, %swap3A_413], %swap3A_416 {strides = array<i32>} : memref<128x128xf32, #tpu.memory_space<vmem>>, vector<1x16xf32>,
          %add3A_417 = arith.constant 2 : i32
          %add3A_418 = arith.addi %mul3A_94, %add3A_417 : i32
          %get3A_419 = arith.index_cast %add3A_418 : i32 to index
          %get3A_420 = arith.constant 96 : index
          %get3A_421 = tpu.vector_load %arg11[%get3A_419, %get3A_420] {strides = array<i32>} : memref<128x128xf32, #tpu.memory_space<vmem>>, vector<1x16xf32>,
          %get3A_422 = vector.shape_cast %get3A_421 : vector<1x16xf32> to vector<16xf32>
          %mul3A_423 = arith.mulf %get3A_422, %gather3A_332 : vector<16xf32>
          %add3A_424 = arith.constant 2 : i32
          %add3A_425 = arith.addi %mul3A_94, %add3A_424 : i32
          %swap3A_426 = arith.index_cast %add3A_425 : i32 to index
          %swap3A_427 = arith.constant 96 : index
          %swap3A_428 = tpu.vector_load %arg11[%swap3A_426, %swap3A_427] {strides = array<i32>} : memref<128x128xf32, #tpu.memory_space<vmem>>, vector<1x16xf32>,
          %swap3A_429 = vector.shape_cast %swap3A_428 : vector<1x16xf32> to vector<16xf32>
          %swap3A_430 = vector.shape_cast %mul3A_423 : vector<16xf32> to vector<1x16xf32>
          tpu.vector_store %arg11[%swap3A_426, %swap3A_427], %swap3A_430 {strides = array<i32>} : memref<128x128xf32, #tpu.memory_space<vmem>>, vector<1x16xf32>,
          %add3A_431 = arith.constant 2 : i32
          %add3A_432 = arith.addi %mul3A_94, %add3A_431 : i32
          %get3A_433 = arith.index_cast %add3A_432 : i32 to index
          %get3A_434 = arith.constant 112 : index
          %get3A_435 = tpu.vector_load %arg11[%get3A_433, %get3A_434] {strides = array<i32>} : memref<128x128xf32, #tpu.memory_space<vmem>>, vector<1x16xf32>,
          %get3A_436 = vector.shape_cast %get3A_435 : vector<1x16xf32> to vector<16xf32>
          %mul3A_437 = arith.mulf %get3A_436, %gather3A_332 : vector<16xf32>
          %add3A_438 = arith.constant 2 : i32
          %add3A_439 = arith.addi %mul3A_94, %add3A_438 : i32
          %swap3A_440 = arith.index_cast %add3A_439 : i32 to index
          %swap3A_441 = arith.constant 112 : index
          %swap3A_442 = tpu.vector_load %arg11[%swap3A_440, %swap3A_441] {strides = array<i32>} : memref<128x128xf32, #tpu.memory_space<vmem>>, vector<1x16xf32>,
          %swap3A_443 = vector.shape_cast %swap3A_442 : vector<1x16xf32> to vector<16xf32>
          %swap3A_444 = vector.shape_cast %mul3A_437 : vector<16xf32> to vector<1x16xf32>
          tpu.vector_store %arg11[%swap3A_440, %swap3A_441], %swap3A_444 {strides = array<i32>} : memref<128x128xf32, #tpu.memory_space<vmem>>, vector<1x16xf32>,
          %broadcast_in_dim3A_445 = arith.constant 3 : i32
          %broadcast_in_dim3A_446 = vector.broadcast %broadcast_in_dim3A_445 : i32 to vector<16x1xi32>
          %gather3A_447 = vector.shape_cast %broadcast_in_dim3A_446 : vector<16x1xi32> to vector<16xi32>
          %gather3A_448 = tpu.dynamic_gather %get3A_98[%gather3A_447] in [0] : vector<16xf32>, vector<16xi32> -> vector<16xf32>
          %add3A_449 = arith.constant 3 : i32
          %add3A_450 = arith.addi %mul3A_94, %add3A_449 : i32
          %get3A_451 = arith.index_cast %add3A_450 : i32 to index
          %get3A_452 = arith.constant 0 : index
          %get3A_453 = tpu.vector_load %arg11[%get3A_451, %get3A_452] {strides = array<i32>} : memref<128x128xf32, #tpu.memory_space<vmem>>, vector<1x16xf32>,
          %get3A_454 = vector.shape_cast %get3A_453 : vector<1x16xf32> to vector<16xf32>
          %mul3A_455 = arith.mulf %get3A_454, %gather3A_448 : vector<16xf32>
          %add3A_456 = arith.constant 3 : i32
          %add3A_457 = arith.addi %mul3A_94, %add3A_456 : i32
          %swap3A_458 = arith.index_cast %add3A_457 : i32 to index
          %swap3A_459 = arith.constant 0 : index
          %swap3A_460 = tpu.vector_load %arg11[%swap3A_458, %swap3A_459] {strides = array<i32>} : memref<128x128xf32, #tpu.memory_space<vmem>>, vector<1x16xf32>,
          %swap3A_461 = vector.shape_cast %swap3A_460 : vector<1x16xf32> to vector<16xf32>
          %swap3A_462 = vector.shape_cast %mul3A_455 : vector<16xf32> to vector<1x16xf32>
          tpu.vector_store %arg11[%swap3A_458, %swap3A_459], %swap3A_462 {strides = array<i32>} : memref<128x128xf32, #tpu.memory_space<vmem>>, vector<1x16xf32>,
          %add3A_463 = arith.constant 3 : i32
          %add3A_464 = arith.addi %mul3A_94, %add3A_463 : i32
          %get3A_465 = arith.index_cast %add3A_464 : i32 to index
          %get3A_466 = arith.constant 16 : index
          %get3A_467 = tpu.vector_load %arg11[%get3A_465, %get3A_466] {strides = array<i32>} : memref<128x128xf32, #tpu.memory_space<vmem>>, vector<1x16xf32>,
          %get3A_468 = vector.shape_cast %get3A_467 : vector<1x16xf32> to vector<16xf32>
          %mul3A_469 = arith.mulf %get3A_468, %gather3A_448 : vector<16xf32>
          %add3A_470 = arith.constant 3 : i32
          %add3A_471 = arith.addi %mul3A_94, %add3A_470 : i32
          %swap3A_472 = arith.index_cast %add3A_471 : i32 to index
          %swap3A_473 = arith.constant 16 : index
          %swap3A_474 = tpu.vector_load %arg11[%swap3A_472, %swap3A_473] {strides = array<i32>} : memref<128x128xf32, #tpu.memory_space<vmem>>, vector<1x16xf32>,
          %swap3A_475 = vector.shape_cast %swap3A_474 : vector<1x16xf32> to vector<16xf32>
          %swap3A_476 = vector.shape_cast %mul3A_469 : vector<16xf32> to vector<1x16xf32>
          tpu.vector_store %arg11[%swap3A_472, %swap3A_473], %swap3A_476 {strides = array<i32>} : memref<128x128xf32, #tpu.memory_space<vmem>>, vector<1x16xf32>,
          %add3A_477 = arith.constant 3 : i32
          %add3A_478 = arith.addi %mul3A_94, %add3A_477 : i32
          %get3A_479 = arith.index_cast %add3A_478 : i32 to index
          %get3A_480 = arith.constant 32 : index
          %get3A_481 = tpu.vector_load %arg11[%get3A_479, %get3A_480] {strides = array<i32>} : memref<128x128xf32, #tpu.memory_space<vmem>>, vector<1x16xf32>,
          %get3A_482 = vector.shape_cast %get3A_481 : vector<1x16xf32> to vector<16xf32>
          %mul3A_483 = arith.mulf %get3A_482, %gather3A_448 : vector<16xf32>
          %add3A_484 = arith.constant 3 : i32
          %add3A_485 = arith.addi %mul3A_94, %add3A_484 : i32
          %swap3A_486 = arith.index_cast %add3A_485 : i32 to index
          %swap3A_487 = arith.constant 32 : index
          %swap3A_488 = tpu.vector_load %arg11[%swap3A_486, %swap3A_487] {strides = array<i32>} : memref<128x128xf32, #tpu.memory_space<vmem>>, vector<1x16xf32>,
          %swap3A_489 = vector.shape_cast %swap3A_488 : vector<1x16xf32> to vector<16xf32>
          %swap3A_490 = vector.shape_cast %mul3A_483 : vector<16xf32> to vector<1x16xf32>
          tpu.vector_store %arg11[%swap3A_486, %swap3A_487], %swap3A_490 {strides = array<i32>} : memref<128x128xf32, #tpu.memory_space<vmem>>, vector<1x16xf32>,
          %add3A_491 = arith.constant 3 : i32
          %add3A_492 = arith.addi %mul3A_94, %add3A_491 : i32
          %get3A_493 = arith.index_cast %add3A_492 : i32 to index
          %get3A_494 = arith.constant 48 : index
          %get3A_495 = tpu.vector_load %arg11[%get3A_493, %get3A_494] {strides = array<i32>} : memref<128x128xf32, #tpu.memory_space<vmem>>, vector<1x16xf32>,
          %get3A_496 = vector.shape_cast %get3A_495 : vector<1x16xf32> to vector<16xf32>
          %mul3A_497 = arith.mulf %get3A_496, %gather3A_448 : vector<16xf32>
          %add3A_498 = arith.constant 3 : i32
          %add3A_499 = arith.addi %mul3A_94, %add3A_498 : i32
          %swap3A_500 = arith.index_cast %add3A_499 : i32 to index
          %swap3A_501 = arith.constant 48 : index
          %swap3A_502 = tpu.vector_load %arg11[%swap3A_500, %swap3A_501] {strides = array<i32>} : memref<128x128xf32, #tpu.memory_space<vmem>>, vector<1x16xf32>,
          %swap3A_503 = vector.shape_cast %swap3A_502 : vector<1x16xf32> to vector<16xf32>
          %swap3A_504 = vector.shape_cast %mul3A_497 : vector<16xf32> to vector<1x16xf32>
          tpu.vector_store %arg11[%swap3A_500, %swap3A_501], %swap3A_504 {strides = array<i32>} : memref<128x128xf32, #tpu.memory_space<vmem>>, vector<1x16xf32>,
          %add3A_505 = arith.constant 3 : i32
          %add3A_506 = arith.addi %mul3A_94, %add3A_505 : i32
          %get3A_507 = arith.index_cast %add3A_506 : i32 to index
          %get3A_508 = arith.constant 64 : index
          %get3A_509 = tpu.vector_load %arg11[%get3A_507, %get3A_508] {strides = array<i32>} : memref<128x128xf32, #tpu.memory_space<vmem>>, vector<1x16xf32>,
          %get3A_510 = vector.shape_cast %get3A_509 : vector<1x16xf32> to vector<16xf32>
          %mul3A_511 = arith.mulf %get3A_510, %gather3A_448 : vector<16xf32>
          %add3A_512 = arith.constant 3 : i32
          %add3A_513 = arith.addi %mul3A_94, %add3A_512 : i32
          %swap3A_514 = arith.index_cast %add3A_513 : i32 to index
          %swap3A_515 = arith.constant 64 : index
          %swap3A_516 = tpu.vector_load %arg11[%swap3A_514, %swap3A_515] {strides = array<i32>} : memref<128x128xf32, #tpu.memory_space<vmem>>, vector<1x16xf32>,
          %swap3A_517 = vector.shape_cast %swap3A_516 : vector<1x16xf32> to vector<16xf32>
          %swap3A_518 = vector.shape_cast %mul3A_511 : vector<16xf32> to vector<1x16xf32>
          tpu.vector_store %arg11[%swap3A_514, %swap3A_515], %swap3A_518 {strides = array<i32>} : memref<128x128xf32, #tpu.memory_space<vmem>>, vector<1x16xf32>,
          %add3A_519 = arith.constant 3 : i32
          %add3A_520 = arith.addi %mul3A_94, %add3A_519 : i32
          %get3A_521 = arith.index_cast %add3A_520 : i32 to index
          %get3A_522 = arith.constant 80 : index
          %get3A_523 = tpu.vector_load %arg11[%get3A_521, %get3A_522] {strides = array<i32>} : memref<128x128xf32, #tpu.memory_space<vmem>>, vector<1x16xf32>,
          %get3A_524 = vector.shape_cast %get3A_523 : vector<1x16xf32> to vector<16xf32>
          %mul3A_525 = arith.mulf %get3A_524, %gather3A_448 : vector<16xf32>
          %add3A_526 = arith.constant 3 : i32
          %add3A_527 = arith.addi %mul3A_94, %add3A_526 : i32
          %swap3A_528 = arith.index_cast %add3A_527 : i32 to index
          %swap3A_529 = arith.constant 80 : index
          %swap3A_530 = tpu.vector_load %arg11[%swap3A_528, %swap3A_529] {strides = array<i32>} : memref<128x128xf32, #tpu.memory_space<vmem>>, vector<1x16xf32>,
          %swap3A_531 = vector.shape_cast %swap3A_530 : vector<1x16xf32> to vector<16xf32>
          %swap3A_532 = vector.shape_cast %mul3A_525 : vector<16xf32> to vector<1x16xf32>
          tpu.vector_store %arg11[%swap3A_528, %swap3A_529], %swap3A_532 {strides = array<i32>} : memref<128x128xf32, #tpu.memory_space<vmem>>, vector<1x16xf32>,
          %add3A_533 = arith.constant 3 : i32
          %add3A_534 = arith.addi %mul3A_94, %add3A_533 : i32
          %get3A_535 = arith.index_cast %add3A_534 : i32 to index
          %get3A_536 = arith.constant 96 : index
          %get3A_537 = tpu.vector_load %arg11[%get3A_535, %get3A_536] {strides = array<i32>} : memref<128x128xf32, #tpu.memory_space<vmem>>, vector<1x16xf32>,
          %get3A_538 = vector.shape_cast %get3A_537 : vector<1x16xf32> to vector<16xf32>
          %mul3A_539 = arith.mulf %get3A_538, %gather3A_448 : vector<16xf32>
          %add3A_540 = arith.constant 3 : i32
          %add3A_541 = arith.addi %mul3A_94, %add3A_540 : i32
          %swap3A_542 = arith.index_cast %add3A_541 : i32 to index
          %swap3A_543 = arith.constant 96 : index
          %swap3A_544 = tpu.vector_load %arg11[%swap3A_542, %swap3A_543] {strides = array<i32>} : memref<128x128xf32, #tpu.memory_space<vmem>>, vector<1x16xf32>,
          %swap3A_545 = vector.shape_cast %swap3A_544 : vector<1x16xf32> to vector<16xf32>
          %swap3A_546 = vector.shape_cast %mul3A_539 : vector<16xf32> to vector<1x16xf32>
          tpu.vector_store %arg11[%swap3A_542, %swap3A_543], %swap3A_546 {strides = array<i32>} : memref<128x128xf32, #tpu.memory_space<vmem>>, vector<1x16xf32>,
          %add3A_547 = arith.constant 3 : i32
          %add3A_548 = arith.addi %mul3A_94, %add3A_547 : i32
          %get3A_549 = arith.index_cast %add3A_548 : i32 to index
          %get3A_550 = arith.constant 112 : index
          %get3A_551 = tpu.vector_load %arg11[%get3A_549, %get3A_550] {strides = array<i32>} : memref<128x128xf32, #tpu.memory_space<vmem>>, vector<1x16xf32>,
          %get3A_552 = vector.shape_cast %get3A_551 : vector<1x16xf32> to vector<16xf32>
          %mul3A_553 = arith.mulf %get3A_552, %gather3A_448 : vector<16xf32>
          %add3A_554 = arith.constant 3 : i32
          %add3A_555 = arith.addi %mul3A_94, %add3A_554 : i32
          %swap3A_556 = arith.index_cast %add3A_555 : i32 to index
          %swap3A_557 = arith.constant 112 : index
          %swap3A_558 = tpu.vector_load %arg11[%swap3A_556, %swap3A_557] {strides = array<i32>} : memref<128x128xf32, #tpu.memory_space<vmem>>, vector<1x16xf32>,
          %swap3A_559 = vector.shape_cast %swap3A_558 : vector<1x16xf32> to vector<16xf32>
          %swap3A_560 = vector.shape_cast %mul3A_553 : vector<16xf32> to vector<1x16xf32>
          tpu.vector_store %arg11[%swap3A_556, %swap3A_557], %swap3A_560 {strides = array<i32>} : memref<128x128xf32, #tpu.memory_space<vmem>>, vector<1x16xf32>,
          %broadcast_in_dim3A_561 = arith.constant 4 : i32
          %broadcast_in_dim3A_562 = vector.broadcast %broadcast_in_dim3A_561 : i32 to vector<16x1xi32>
          %gather3A_563 = vector.shape_cast %broadcast_in_dim3A_562 : vector<16x1xi32> to vector<16xi32>
          %gather3A_564 = tpu.dynamic_gather %get3A_98[%gather3A_563] in [0] : vector<16xf32>, vector<16xi32> -> vector<16xf32>
          %add3A_565 = arith.constant 4 : i32
          %add3A_566 = arith.addi %mul3A_94, %add3A_565 : i32
          %get3A_567 = arith.index_cast %add3A_566 : i32 to index
          %get3A_568 = arith.constant 0 : index
          %get3A_569 = tpu.vector_load %arg11[%get3A_567, %get3A_568] {strides = array<i32>} : memref<128x128xf32, #tpu.memory_space<vmem>>, vector<1x16xf32>,
          %get3A_570 = vector.shape_cast %get3A_569 : vector<1x16xf32> to vector<16xf32>
          %mul3A_571 = arith.mulf %get3A_570, %gather3A_564 : vector<16xf32>
          %add3A_572 = arith.constant 4 : i32
          %add3A_573 = arith.addi %mul3A_94, %add3A_572 : i32
          %swap3A_574 = arith.index_cast %add3A_573 : i32 to index
          %swap3A_575 = arith.constant 0 : index
          %swap3A_576 = tpu.vector_load %arg11[%swap3A_574, %swap3A_575] {strides = array<i32>} : memref<128x128xf32, #tpu.memory_space<vmem>>, vector<1x16xf32>,
          %swap3A_577 = vector.shape_cast %swap3A_576 : vector<1x16xf32> to vector<16xf32>
          %swap3A_578 = vector.shape_cast %mul3A_571 : vector<16xf32> to vector<1x16xf32>
          tpu.vector_store %arg11[%swap3A_574, %swap3A_575], %swap3A_578 {strides = array<i32>} : memref<128x128xf32, #tpu.memory_space<vmem>>, vector<1x16xf32>,
          %add3A_579 = arith.constant 4 : i32
          %add3A_580 = arith.addi %mul3A_94, %add3A_579 : i32
          %get3A_581 = arith.index_cast %add3A_580 : i32 to index
          %get3A_582 = arith.constant 16 : index
          %get3A_583 = tpu.vector_load %arg11[%get3A_581, %get3A_582] {strides = array<i32>} : memref<128x128xf32, #tpu.memory_space<vmem>>, vector<1x16xf32>,
          %get3A_584 = vector.shape_cast %get3A_583 : vector<1x16xf32> to vector<16xf32>
          %mul3A_585 = arith.mulf %get3A_584, %gather3A_564 : vector<16xf32>
          %add3A_586 = arith.constant 4 : i32
          %add3A_587 = arith.addi %mul3A_94, %add3A_586 : i32
          %swap3A_588 = arith.index_cast %add3A_587 : i32 to index
          %swap3A_589 = arith.constant 16 : index
          %swap3A_590 = tpu.vector_load %arg11[%swap3A_588, %swap3A_589] {strides = array<i32>} : memref<128x128xf32, #tpu.memory_space<vmem>>, vector<1x16xf32>,
          %swap3A_591 = vector.shape_cast %swap3A_590 : vector<1x16xf32> to vector<16xf32>
          %swap3A_592 = vector.shape_cast %mul3A_585 : vector<16xf32> to vector<1x16xf32>
          tpu.vector_store %arg11[%swap3A_588, %swap3A_589], %swap3A_592 {strides = array<i32>} : memref<128x128xf32, #tpu.memory_space<vmem>>, vector<1x16xf32>,
          %add3A_593 = arith.constant 4 : i32
          %add3A_594 = arith.addi %mul3A_94, %add3A_593 : i32
          %get3A_595 = arith.index_cast %add3A_594 : i32 to index
          %get3A_596 = arith.constant 32 : index
          %get3A_597 = tpu.vector_load %arg11[%get3A_595, %get3A_596] {strides = array<i32>} : memref<128x128xf32, #tpu.memory_space<vmem>>, vector<1x16xf32>,
          %get3A_598 = vector.shape_cast %get3A_597 : vector<1x16xf32> to vector<16xf32>
          %mul3A_599 = arith.mulf %get3A_598, %gather3A_564 : vector<16xf32>
          %add3A_600 = arith.constant 4 : i32
          %add3A_601 = arith.addi %mul3A_94, %add3A_600 : i32
          %swap3A_602 = arith.index_cast %add3A_601 : i32 to index
          %swap3A_603 = arith.constant 32 : index
          %swap3A_604 = tpu.vector_load %arg11[%swap3A_602, %swap3A_603] {strides = array<i32>} : memref<128x128xf32, #tpu.memory_space<vmem>>, vector<1x16xf32>,
          %swap3A_605 = vector.shape_cast %swap3A_604 : vector<1x16xf32> to vector<16xf32>
          %swap3A_606 = vector.shape_cast %mul3A_599 : vector<16xf32> to vector<1x16xf32>
          tpu.vector_store %arg11[%swap3A_602, %swap3A_603], %swap3A_606 {strides = array<i32>} : memref<128x128xf32, #tpu.memory_space<vmem>>, vector<1x16xf32>,
          %add3A_607 = arith.constant 4 : i32
          %add3A_608 = arith.addi %mul3A_94, %add3A_607 : i32
          %get3A_609 = arith.index_cast %add3A_608 : i32 to index
          %get3A_610 = arith.constant 48 : index
          %get3A_611 = tpu.vector_load %arg11[%get3A_609, %get3A_610] {strides = array<i32>} : memref<128x128xf32, #tpu.memory_space<vmem>>, vector<1x16xf32>,
          %get3A_612 = vector.shape_cast %get3A_611 : vector<1x16xf32> to vector<16xf32>
          %mul3A_613 = arith.mulf %get3A_612, %gather3A_564 : vector<16xf32>
          %add3A_614 = arith.constant 4 : i32
          %add3A_615 = arith.addi %mul3A_94, %add3A_614 : i32
          %swap3A_616 = arith.index_cast %add3A_615 : i32 to index
          %swap3A_617 = arith.constant 48 : index
          %swap3A_618 = tpu.vector_load %arg11[%swap3A_616, %swap3A_617] {strides = array<i32>} : memref<128x128xf32, #tpu.memory_space<vmem>>, vector<1x16xf32>,
          %swap3A_619 = vector.shape_cast %swap3A_618 : vector<1x16xf32> to vector<16xf32>
          %swap3A_620 = vector.shape_cast %mul3A_613 : vector<16xf32> to vector<1x16xf32>
          tpu.vector_store %arg11[%swap3A_616, %swap3A_617], %swap3A_620 {strides = array<i32>} : memref<128x128xf32, #tpu.memory_space<vmem>>, vector<1x16xf32>,
          %add3A_621 = arith.constant 4 : i32
          %add3A_622 = arith.addi %mul3A_94, %add3A_621 : i32
          %get3A_623 = arith.index_cast %add3A_622 : i32 to index
          %get3A_624 = arith.constant 64 : index
          %get3A_625 = tpu.vector_load %arg11[%get3A_623, %get3A_624] {strides = array<i32>} : memref<128x128xf32, #tpu.memory_space<vmem>>, vector<1x16xf32>,
          %get3A_626 = vector.shape_cast %get3A_625 : vector<1x16xf32> to vector<16xf32>
          %mul3A_627 = arith.mulf %get3A_626, %gather3A_564 : vector<16xf32>
          %add3A_628 = arith.constant 4 : i32
          %add3A_629 = arith.addi %mul3A_94, %add3A_628 : i32
          %swap3A_630 = arith.index_cast %add3A_629 : i32 to index
          %swap3A_631 = arith.constant 64 : index
          %swap3A_632 = tpu.vector_load %arg11[%swap3A_630, %swap3A_631] {strides = array<i32>} : memref<128x128xf32, #tpu.memory_space<vmem>>, vector<1x16xf32>,
          %swap3A_633 = vector.shape_cast %swap3A_632 : vector<1x16xf32> to vector<16xf32>
          %swap3A_634 = vector.shape_cast %mul3A_627 : vector<16xf32> to vector<1x16xf32>
          tpu.vector_store %arg11[%swap3A_630, %swap3A_631], %swap3A_634 {strides = array<i32>} : memref<128x128xf32, #tpu.memory_space<vmem>>, vector<1x16xf32>,
          %add3A_635 = arith.constant 4 : i32
          %add3A_636 = arith.addi %mul3A_94, %add3A_635 : i32
          %get3A_637 = arith.index_cast %add3A_636 : i32 to index
          %get3A_638 = arith.constant 80 : index
          %get3A_639 = tpu.vector_load %arg11[%get3A_637, %get3A_638] {strides = array<i32>} : memref<128x128xf32, #tpu.memory_space<vmem>>, vector<1x16xf32>,
          %get3A_640 = vector.shape_cast %get3A_639 : vector<1x16xf32> to vector<16xf32>
          %mul3A_641 = arith.mulf %get3A_640, %gather3A_564 : vector<16xf32>
          %add3A_642 = arith.constant 4 : i32
          %add3A_643 = arith.addi %mul3A_94, %add3A_642 : i32
          %swap3A_644 = arith.index_cast %add3A_643 : i32 to index
          %swap3A_645 = arith.constant 80 : index
          %swap3A_646 = tpu.vector_load %arg11[%swap3A_644, %swap3A_645] {strides = array<i32>} : memref<128x128xf32, #tpu.memory_space<vmem>>, vector<1x16xf32>,
          %swap3A_647 = vector.shape_cast %swap3A_646 : vector<1x16xf32> to vector<16xf32>
          %swap3A_648 = vector.shape_cast %mul3A_641 : vector<16xf32> to vector<1x16xf32>
          tpu.vector_store %arg11[%swap3A_644, %swap3A_645], %swap3A_648 {strides = array<i32>} : memref<128x128xf32, #tpu.memory_space<vmem>>, vector<1x16xf32>,
          %add3A_649 = arith.constant 4 : i32
          %add3A_650 = arith.addi %mul3A_94, %add3A_649 : i32
          %get3A_651 = arith.index_cast %add3A_650 : i32 to index
          %get3A_652 = arith.constant 96 : index
          %get3A_653 = tpu.vector_load %arg11[%get3A_651, %get3A_652] {strides = array<i32>} : memref<128x128xf32, #tpu.memory_space<vmem>>, vector<1x16xf32>,
          %get3A_654 = vector.shape_cast %get3A_653 : vector<1x16xf32> to vector<16xf32>
          %mul3A_655 = arith.mulf %get3A_654, %gather3A_564 : vector<16xf32>
          %add3A_656 = arith.constant 4 : i32
          %add3A_657 = arith.addi %mul3A_94, %add3A_656 : i32
          %swap3A_658 = arith.index_cast %add3A_657 : i32 to index
          %swap3A_659 = arith.constant 96 : index
          %swap3A_660 = tpu.vector_load %arg11[%swap3A_658, %swap3A_659] {strides = array<i32>} : memref<128x128xf32, #tpu.memory_space<vmem>>, vector<1x16xf32>,
          %swap3A_661 = vector.shape_cast %swap3A_660 : vector<1x16xf32> to vector<16xf32>
          %swap3A_662 = vector.shape_cast %mul3A_655 : vector<16xf32> to vector<1x16xf32>
          tpu.vector_store %arg11[%swap3A_658, %swap3A_659], %swap3A_662 {strides = array<i32>} : memref<128x128xf32, #tpu.memory_space<vmem>>, vector<1x16xf32>,
          %add3A_663 = arith.constant 4 : i32
          %add3A_664 = arith.addi %mul3A_94, %add3A_663 : i32
          %get3A_665 = arith.index_cast %add3A_664 : i32 to index
          %get3A_666 = arith.constant 112 : index
          %get3A_667 = tpu.vector_load %arg11[%get3A_665, %get3A_666] {strides = array<i32>} : memref<128x128xf32, #tpu.memory_space<vmem>>, vector<1x16xf32>,
          %get3A_668 = vector.shape_cast %get3A_667 : vector<1x16xf32> to vector<16xf32>
          %mul3A_669 = arith.mulf %get3A_668, %gather3A_564 : vector<16xf32>
          %add3A_670 = arith.constant 4 : i32
          %add3A_671 = arith.addi %mul3A_94, %add3A_670 : i32
          %swap3A_672 = arith.index_cast %add3A_671 : i32 to index
          %swap3A_673 = arith.constant 112 : index
          %swap3A_674 = tpu.vector_load %arg11[%swap3A_672, %swap3A_673] {strides = array<i32>} : memref<128x128xf32, #tpu.memory_space<vmem>>, vector<1x16xf32>,
          %swap3A_675 = vector.shape_cast %swap3A_674 : vector<1x16xf32> to vector<16xf32>
          %swap3A_676 = vector.shape_cast %mul3A_669 : vector<16xf32> to vector<1x16xf32>
          tpu.vector_store %arg11[%swap3A_672, %swap3A_673], %swap3A_676 {strides = array<i32>} : memref<128x128xf32, #tpu.memory_space<vmem>>, vector<1x16xf32>,
          %broadcast_in_dim3A_677 = arith.constant 5 : i32
          %broadcast_in_dim3A_678 = vector.broadcast %broadcast_in_dim3A_677 : i32 to vector<16x1xi32>
          %gather3A_679 = vector.shape_cast %broadcast_in_dim3A_678 : vector<16x1xi32> to vector<16xi32>
          %gather3A_680 = tpu.dynamic_gather %get3A_98[%gather3A_679] in [0] : vector<16xf32>, vector<16xi32> -> vector<16xf32>
          %add3A_681 = arith.constant 5 : i32
          %add3A_682 = arith.addi %mul3A_94, %add3A_681 : i32
          %get3A_683 = arith.index_cast %add3A_682 : i32 to index
          %get3A_684 = arith.constant 0 : index
          %get3A_685 = tpu.vector_load %arg11[%get3A_683, %get3A_684] {strides = array<i32>} : memref<128x128xf32, #tpu.memory_space<vmem>>, vector<1x16xf32>,
          %get3A_686 = vector.shape_cast %get3A_685 : vector<1x16xf32> to vector<16xf32>
          %mul3A_687 = arith.mulf %get3A_686, %gather3A_680 : vector<16xf32>
          %add3A_688 = arith.constant 5 : i32
          %add3A_689 = arith.addi %mul3A_94, %add3A_688 : i32
          %swap3A_690 = arith.index_cast %add3A_689 : i32 to index
          %swap3A_691 = arith.constant 0 : index
          %swap3A_692 = tpu.vector_load %arg11[%swap3A_690, %swap3A_691] {strides = array<i32>} : memref<128x128xf32, #tpu.memory_space<vmem>>, vector<1x16xf32>,
          %swap3A_693 = vector.shape_cast %swap3A_692 : vector<1x16xf32> to vector<16xf32>
          %swap3A_694 = vector.shape_cast %mul3A_687 : vector<16xf32> to vector<1x16xf32>
          tpu.vector_store %arg11[%swap3A_690, %swap3A_691], %swap3A_694 {strides = array<i32>} : memref<128x128xf32, #tpu.memory_space<vmem>>, vector<1x16xf32>,
          %add3A_695 = arith.constant 5 : i32
          %add3A_696 = arith.addi %mul3A_94, %add3A_695 : i32
          %get3A_697 = arith.index_cast %add3A_696 : i32 to index
          %get3A_698 = arith.constant 16 : index
          %get3A_699 = tpu.vector_load %arg11[%get3A_697, %get3A_698] {strides = array<i32>} : memref<128x128xf32, #tpu.memory_space<vmem>>, vector<1x16xf32>,
          %get3A_700 = vector.shape_cast %get3A_699 : vector<1x16xf32> to vector<16xf32>
          %mul3A_701 = arith.mulf %get3A_700, %gather3A_680 : vector<16xf32>
          %add3A_702 = arith.constant 5 : i32
          %add3A_703 = arith.addi %mul3A_94, %add3A_702 : i32
          %swap3A_704 = arith.index_cast %add3A_703 : i32 to index
          %swap3A_705 = arith.constant 16 : index
          %swap3A_706 = tpu.vector_load %arg11[%swap3A_704, %swap3A_705] {strides = array<i32>} : memref<128x128xf32, #tpu.memory_space<vmem>>, vector<1x16xf32>,
          %swap3A_707 = vector.shape_cast %swap3A_706 : vector<1x16xf32> to vector<16xf32>
          %swap3A_708 = vector.shape_cast %mul3A_701 : vector<16xf32> to vector<1x16xf32>
          tpu.vector_store %arg11[%swap3A_704, %swap3A_705], %swap3A_708 {strides = array<i32>} : memref<128x128xf32, #tpu.memory_space<vmem>>, vector<1x16xf32>,
          %add3A_709 = arith.constant 5 : i32
          %add3A_710 = arith.addi %mul3A_94, %add3A_709 : i32
          %get3A_711 = arith.index_cast %add3A_710 : i32 to index
          %get3A_712 = arith.constant 32 : index
          %get3A_713 = tpu.vector_load %arg11[%get3A_711, %get3A_712] {strides = array<i32>} : memref<128x128xf32, #tpu.memory_space<vmem>>, vector<1x16xf32>,
          %get3A_714 = vector.shape_cast %get3A_713 : vector<1x16xf32> to vector<16xf32>
          %mul3A_715 = arith.mulf %get3A_714, %gather3A_680 : vector<16xf32>
          %add3A_716 = arith.constant 5 : i32
          %add3A_717 = arith.addi %mul3A_94, %add3A_716 : i32
          %swap3A_718 = arith.index_cast %add3A_717 : i32 to index
          %swap3A_719 = arith.constant 32 : index
          %swap3A_720 = tpu.vector_load %arg11[%swap3A_718, %swap3A_719] {strides = array<i32>} : memref<128x128xf32, #tpu.memory_space<vmem>>, vector<1x16xf32>,
          %swap3A_721 = vector.shape_cast %swap3A_720 : vector<1x16xf32> to vector<16xf32>
          %swap3A_722 = vector.shape_cast %mul3A_715 : vector<16xf32> to vector<1x16xf32>
          tpu.vector_store %arg11[%swap3A_718, %swap3A_719], %swap3A_722 {strides = array<i32>} : memref<128x128xf32, #tpu.memory_space<vmem>>, vector<1x16xf32>,
          %add3A_723 = arith.constant 5 : i32
          %add3A_724 = arith.addi %mul3A_94, %add3A_723 : i32
          %get3A_725 = arith.index_cast %add3A_724 : i32 to index
          %get3A_726 = arith.constant 48 : index
          %get3A_727 = tpu.vector_load %arg11[%get3A_725, %get3A_726] {strides = array<i32>} : memref<128x128xf32, #tpu.memory_space<vmem>>, vector<1x16xf32>,
          %get3A_728 = vector.shape_cast %get3A_727 : vector<1x16xf32> to vector<16xf32>
          %mul3A_729 = arith.mulf %get3A_728, %gather3A_680 : vector<16xf32>
          %add3A_730 = arith.constant 5 : i32
          %add3A_731 = arith.addi %mul3A_94, %add3A_730 : i32
          %swap3A_732 = arith.index_cast %add3A_731 : i32 to index
          %swap3A_733 = arith.constant 48 : index
          %swap3A_734 = tpu.vector_load %arg11[%swap3A_732, %swap3A_733] {strides = array<i32>} : memref<128x128xf32, #tpu.memory_space<vmem>>, vector<1x16xf32>,
          %swap3A_735 = vector.shape_cast %swap3A_734 : vector<1x16xf32> to vector<16xf32>
          %swap3A_736 = vector.shape_cast %mul3A_729 : vector<16xf32> to vector<1x16xf32>
          tpu.vector_store %arg11[%swap3A_732, %swap3A_733], %swap3A_736 {strides = array<i32>} : memref<128x128xf32, #tpu.memory_space<vmem>>, vector<1x16xf32>,
          %add3A_737 = arith.constant 5 : i32
          %add3A_738 = arith.addi %mul3A_94, %add3A_737 : i32
          %get3A_739 = arith.index_cast %add3A_738 : i32 to index
          %get3A_740 = arith.constant 64 : index
          %get3A_741 = tpu.vector_load %arg11[%get3A_739, %get3A_740] {strides = array<i32>} : memref<128x128xf32, #tpu.memory_space<vmem>>, vector<1x16xf32>,
          %get3A_742 = vector.shape_cast %get3A_741 : vector<1x16xf32> to vector<16xf32>
          %mul3A_743 = arith.mulf %get3A_742, %gather3A_680 : vector<16xf32>
          %add3A_744 = arith.constant 5 : i32
          %add3A_745 = arith.addi %mul3A_94, %add3A_744 : i32
          %swap3A_746 = arith.index_cast %add3A_745 : i32 to index
          %swap3A_747 = arith.constant 64 : index
          %swap3A_748 = tpu.vector_load %arg11[%swap3A_746, %swap3A_747] {strides = array<i32>} : memref<128x128xf32, #tpu.memory_space<vmem>>, vector<1x16xf32>,
          %swap3A_749 = vector.shape_cast %swap3A_748 : vector<1x16xf32> to vector<16xf32>
          %swap3A_750 = vector.shape_cast %mul3A_743 : vector<16xf32> to vector<1x16xf32>
          tpu.vector_store %arg11[%swap3A_746, %swap3A_747], %swap3A_750 {strides = array<i32>} : memref<128x128xf32, #tpu.memory_space<vmem>>, vector<1x16xf32>,
          %add3A_751 = arith.constant 5 : i32
          %add3A_752 = arith.addi %mul3A_94, %add3A_751 : i32
          %get3A_753 = arith.index_cast %add3A_752 : i32 to index
          %get3A_754 = arith.constant 80 : index
          %get3A_755 = tpu.vector_load %arg11[%get3A_753, %get3A_754] {strides = array<i32>} : memref<128x128xf32, #tpu.memory_space<vmem>>, vector<1x16xf32>,
          %get3A_756 = vector.shape_cast %get3A_755 : vector<1x16xf32> to vector<16xf32>
          %mul3A_757 = arith.mulf %get3A_756, %gather3A_680 : vector<16xf32>
          %add3A_758 = arith.constant 5 : i32
          %add3A_759 = arith.addi %mul3A_94, %add3A_758 : i32
          %swap3A_760 = arith.index_cast %add3A_759 : i32 to index
          %swap3A_761 = arith.constant 80 : index
          %swap3A_762 = tpu.vector_load %arg11[%swap3A_760, %swap3A_761] {strides = array<i32>} : memref<128x128xf32, #tpu.memory_space<vmem>>, vector<1x16xf32>,
          %swap3A_763 = vector.shape_cast %swap3A_762 : vector<1x16xf32> to vector<16xf32>
          %swap3A_764 = vector.shape_cast %mul3A_757 : vector<16xf32> to vector<1x16xf32>
          tpu.vector_store %arg11[%swap3A_760, %swap3A_761], %swap3A_764 {strides = array<i32>} : memref<128x128xf32, #tpu.memory_space<vmem>>, vector<1x16xf32>,
          %add3A_765 = arith.constant 5 : i32
          %add3A_766 = arith.addi %mul3A_94, %add3A_765 : i32
          %get3A_767 = arith.index_cast %add3A_766 : i32 to index
          %get3A_768 = arith.constant 96 : index
          %get3A_769 = tpu.vector_load %arg11[%get3A_767, %get3A_768] {strides = array<i32>} : memref<128x128xf32, #tpu.memory_space<vmem>>, vector<1x16xf32>,
          %get3A_770 = vector.shape_cast %get3A_769 : vector<1x16xf32> to vector<16xf32>
          %mul3A_771 = arith.mulf %get3A_770, %gather3A_680 : vector<16xf32>
          %add3A_772 = arith.constant 5 : i32
          %add3A_773 = arith.addi %mul3A_94, %add3A_772 : i32
          %swap3A_774 = arith.index_cast %add3A_773 : i32 to index
          %swap3A_775 = arith.constant 96 : index
          %swap3A_776 = tpu.vector_load %arg11[%swap3A_774, %swap3A_775] {strides = array<i32>} : memref<128x128xf32, #tpu.memory_space<vmem>>, vector<1x16xf32>,
          %swap3A_777 = vector.shape_cast %swap3A_776 : vector<1x16xf32> to vector<16xf32>
          %swap3A_778 = vector.shape_cast %mul3A_771 : vector<16xf32> to vector<1x16xf32>
          tpu.vector_store %arg11[%swap3A_774, %swap3A_775], %swap3A_778 {strides = array<i32>} : memref<128x128xf32, #tpu.memory_space<vmem>>, vector<1x16xf32>,
          %add3A_779 = arith.constant 5 : i32
          %add3A_780 = arith.addi %mul3A_94, %add3A_779 : i32
          %get3A_781 = arith.index_cast %add3A_780 : i32 to index
          %get3A_782 = arith.constant 112 : index
          %get3A_783 = tpu.vector_load %arg11[%get3A_781, %get3A_782] {strides = array<i32>} : memref<128x128xf32, #tpu.memory_space<vmem>>, vector<1x16xf32>,
          %get3A_784 = vector.shape_cast %get3A_783 : vector<1x16xf32> to vector<16xf32>
          %mul3A_785 = arith.mulf %get3A_784, %gather3A_680 : vector<16xf32>
          %add3A_786 = arith.constant 5 : i32
          %add3A_787 = arith.addi %mul3A_94, %add3A_786 : i32
          %swap3A_788 = arith.index_cast %add3A_787 : i32 to index
          %swap3A_789 = arith.constant 112 : index
          %swap3A_790 = tpu.vector_load %arg11[%swap3A_788, %swap3A_789] {strides = array<i32>} : memref<128x128xf32, #tpu.memory_space<vmem>>, vector<1x16xf32>,
          %swap3A_791 = vector.shape_cast %swap3A_790 : vector<1x16xf32> to vector<16xf32>
          %swap3A_792 = vector.shape_cast %mul3A_785 : vector<16xf32> to vector<1x16xf32>
          tpu.vector_store %arg11[%swap3A_788, %swap3A_789], %swap3A_792 {strides = array<i32>} : memref<128x128xf32, #tpu.memory_space<vmem>>, vector<1x16xf32>,
          %broadcast_in_dim3A_793 = arith.constant 6 : i32
          %broadcast_in_dim3A_794 = vector.broadcast %broadcast_in_dim3A_793 : i32 to vector<16x1xi32>
          %gather3A_795 = vector.shape_cast %broadcast_in_dim3A_794 : vector<16x1xi32> to vector<16xi32>
          %gather3A_796 = tpu.dynamic_gather %get3A_98[%gather3A_795] in [0] : vector<16xf32>, vector<16xi32> -> vector<16xf32>
          %add3A_797 = arith.constant 6 : i32
          %add3A_798 = arith.addi %mul3A_94, %add3A_797 : i32
          %get3A_799 = arith.index_cast %add3A_798 : i32 to index
          %get3A_800 = arith.constant 0 : index
          %get3A_801 = tpu.vector_load %arg11[%get3A_799, %get3A_800] {strides = array<i32>} : memref<128x128xf32, #tpu.memory_space<vmem>>, vector<1x16xf32>,
          %get3A_802 = vector.shape_cast %get3A_801 : vector<1x16xf32> to vector<16xf32>
          %mul3A_803 = arith.mulf %get3A_802, %gather3A_796 : vector<16xf32>
          %add3A_804 = arith.constant 6 : i32
          %add3A_805 = arith.addi %mul3A_94, %add3A_804 : i32
          %swap3A_806 = arith.index_cast %add3A_805 : i32 to index
          %swap3A_807 = arith.constant 0 : index
          %swap3A_808 = tpu.vector_load %arg11[%swap3A_806, %swap3A_807] {strides = array<i32>} : memref<128x128xf32, #tpu.memory_space<vmem>>, vector<1x16xf32>,
          %swap3A_809 = vector.shape_cast %swap3A_808 : vector<1x16xf32> to vector<16xf32>
          %swap3A_810 = vector.shape_cast %mul3A_803 : vector<16xf32> to vector<1x16xf32>
          tpu.vector_store %arg11[%swap3A_806, %swap3A_807], %swap3A_810 {strides = array<i32>} : memref<128x128xf32, #tpu.memory_space<vmem>>, vector<1x16xf32>,
          %add3A_811 = arith.constant 6 : i32
          %add3A_812 = arith.addi %mul3A_94, %add3A_811 : i32
          %get3A_813 = arith.index_cast %add3A_812 : i32 to index
          %get3A_814 = arith.constant 16 : index
          %get3A_815 = tpu.vector_load %arg11[%get3A_813, %get3A_814] {strides = array<i32>} : memref<128x128xf32, #tpu.memory_space<vmem>>, vector<1x16xf32>,
          %get3A_816 = vector.shape_cast %get3A_815 : vector<1x16xf32> to vector<16xf32>
          %mul3A_817 = arith.mulf %get3A_816, %gather3A_796 : vector<16xf32>
          %add3A_818 = arith.constant 6 : i32
          %add3A_819 = arith.addi %mul3A_94, %add3A_818 : i32
          %swap3A_820 = arith.index_cast %add3A_819 : i32 to index
          %swap3A_821 = arith.constant 16 : index
          %swap3A_822 = tpu.vector_load %arg11[%swap3A_820, %swap3A_821] {strides = array<i32>} : memref<128x128xf32, #tpu.memory_space<vmem>>, vector<1x16xf32>,
          %swap3A_823 = vector.shape_cast %swap3A_822 : vector<1x16xf32> to vector<16xf32>
          %swap3A_824 = vector.shape_cast %mul3A_817 : vector<16xf32> to vector<1x16xf32>
          tpu.vector_store %arg11[%swap3A_820, %swap3A_821], %swap3A_824 {strides = array<i32>} : memref<128x128xf32, #tpu.memory_space<vmem>>, vector<1x16xf32>,
          %add3A_825 = arith.constant 6 : i32
          %add3A_826 = arith.addi %mul3A_94, %add3A_825 : i32
          %get3A_827 = arith.index_cast %add3A_826 : i32 to index
          %get3A_828 = arith.constant 32 : index
          %get3A_829 = tpu.vector_load %arg11[%get3A_827, %get3A_828] {strides = array<i32>} : memref<128x128xf32, #tpu.memory_space<vmem>>, vector<1x16xf32>,
          %get3A_830 = vector.shape_cast %get3A_829 : vector<1x16xf32> to vector<16xf32>
          %mul3A_831 = arith.mulf %get3A_830, %gather3A_796 : vector<16xf32>
          %add3A_832 = arith.constant 6 : i32
          %add3A_833 = arith.addi %mul3A_94, %add3A_832 : i32
          %swap3A_834 = arith.index_cast %add3A_833 : i32 to index
          %swap3A_835 = arith.constant 32 : index
          %swap3A_836 = tpu.vector_load %arg11[%swap3A_834, %swap3A_835] {strides = array<i32>} : memref<128x128xf32, #tpu.memory_space<vmem>>, vector<1x16xf32>,
          %swap3A_837 = vector.shape_cast %swap3A_836 : vector<1x16xf32> to vector<16xf32>
          %swap3A_838 = vector.shape_cast %mul3A_831 : vector<16xf32> to vector<1x16xf32>
          tpu.vector_store %arg11[%swap3A_834, %swap3A_835], %swap3A_838 {strides = array<i32>} : memref<128x128xf32, #tpu.memory_space<vmem>>, vector<1x16xf32>,
          %add3A_839 = arith.constant 6 : i32
          %add3A_840 = arith.addi %mul3A_94, %add3A_839 : i32
          %get3A_841 = arith.index_cast %add3A_840 : i32 to index
          %get3A_842 = arith.constant 48 : index
          %get3A_843 = tpu.vector_load %arg11[%get3A_841, %get3A_842] {strides = array<i32>} : memref<128x128xf32, #tpu.memory_space<vmem>>, vector<1x16xf32>,
          %get3A_844 = vector.shape_cast %get3A_843 : vector<1x16xf32> to vector<16xf32>
          %mul3A_845 = arith.mulf %get3A_844, %gather3A_796 : vector<16xf32>
          %add3A_846 = arith.constant 6 : i32
          %add3A_847 = arith.addi %mul3A_94, %add3A_846 : i32
          %swap3A_848 = arith.index_cast %add3A_847 : i32 to index
          %swap3A_849 = arith.constant 48 : index
          %swap3A_850 = tpu.vector_load %arg11[%swap3A_848, %swap3A_849] {strides = array<i32>} : memref<128x128xf32, #tpu.memory_space<vmem>>, vector<1x16xf32>,
          %swap3A_851 = vector.shape_cast %swap3A_850 : vector<1x16xf32> to vector<16xf32>
          %swap3A_852 = vector.shape_cast %mul3A_845 : vector<16xf32> to vector<1x16xf32>
          tpu.vector_store %arg11[%swap3A_848, %swap3A_849], %swap3A_852 {strides = array<i32>} : memref<128x128xf32, #tpu.memory_space<vmem>>, vector<1x16xf32>,
          %add3A_853 = arith.constant 6 : i32
          %add3A_854 = arith.addi %mul3A_94, %add3A_853 : i32
          %get3A_855 = arith.index_cast %add3A_854 : i32 to index
          %get3A_856 = arith.constant 64 : index
          %get3A_857 = tpu.vector_load %arg11[%get3A_855, %get3A_856] {strides = array<i32>} : memref<128x128xf32, #tpu.memory_space<vmem>>, vector<1x16xf32>,
          %get3A_858 = vector.shape_cast %get3A_857 : vector<1x16xf32> to vector<16xf32>
          %mul3A_859 = arith.mulf %get3A_858, %gather3A_796 : vector<16xf32>
          %add3A_860 = arith.constant 6 : i32
          %add3A_861 = arith.addi %mul3A_94, %add3A_860 : i32
          %swap3A_862 = arith.index_cast %add3A_861 : i32 to index
          %swap3A_863 = arith.constant 64 : index
          %swap3A_864 = tpu.vector_load %arg11[%swap3A_862, %swap3A_863] {strides = array<i32>} : memref<128x128xf32, #tpu.memory_space<vmem>>, vector<1x16xf32>,
          %swap3A_865 = vector.shape_cast %swap3A_864 : vector<1x16xf32> to vector<16xf32>
          %swap3A_866 = vector.shape_cast %mul3A_859 : vector<16xf32> to vector<1x16xf32>
          tpu.vector_store %arg11[%swap3A_862, %swap3A_863], %swap3A_866 {strides = array<i32>} : memref<128x128xf32, #tpu.memory_space<vmem>>, vector<1x16xf32>,
          %add3A_867 = arith.constant 6 : i32
          %add3A_868 = arith.addi %mul3A_94, %add3A_867 : i32
          %get3A_869 = arith.index_cast %add3A_868 : i32 to index
          %get3A_870 = arith.constant 80 : index
          %get3A_871 = tpu.vector_load %arg11[%get3A_869, %get3A_870] {strides = array<i32>} : memref<128x128xf32, #tpu.memory_space<vmem>>, vector<1x16xf32>,
          %get3A_872 = vector.shape_cast %get3A_871 : vector<1x16xf32> to vector<16xf32>
          %mul3A_873 = arith.mulf %get3A_872, %gather3A_796 : vector<16xf32>
          %add3A_874 = arith.constant 6 : i32
          %add3A_875 = arith.addi %mul3A_94, %add3A_874 : i32
          %swap3A_876 = arith.index_cast %add3A_875 : i32 to index
          %swap3A_877 = arith.constant 80 : index
          %swap3A_878 = tpu.vector_load %arg11[%swap3A_876, %swap3A_877] {strides = array<i32>} : memref<128x128xf32, #tpu.memory_space<vmem>>, vector<1x16xf32>,
          %swap3A_879 = vector.shape_cast %swap3A_878 : vector<1x16xf32> to vector<16xf32>
          %swap3A_880 = vector.shape_cast %mul3A_873 : vector<16xf32> to vector<1x16xf32>
          tpu.vector_store %arg11[%swap3A_876, %swap3A_877], %swap3A_880 {strides = array<i32>} : memref<128x128xf32, #tpu.memory_space<vmem>>, vector<1x16xf32>,
          %add3A_881 = arith.constant 6 : i32
          %add3A_882 = arith.addi %mul3A_94, %add3A_881 : i32
          %get3A_883 = arith.index_cast %add3A_882 : i32 to index
          %get3A_884 = arith.constant 96 : index
          %get3A_885 = tpu.vector_load %arg11[%get3A_883, %get3A_884] {strides = array<i32>} : memref<128x128xf32, #tpu.memory_space<vmem>>, vector<1x16xf32>,
          %get3A_886 = vector.shape_cast %get3A_885 : vector<1x16xf32> to vector<16xf32>
          %mul3A_887 = arith.mulf %get3A_886, %gather3A_796 : vector<16xf32>
          %add3A_888 = arith.constant 6 : i32
          %add3A_889 = arith.addi %mul3A_94, %add3A_888 : i32
          %swap3A_890 = arith.index_cast %add3A_889 : i32 to index
          %swap3A_891 = arith.constant 96 : index
          %swap3A_892 = tpu.vector_load %arg11[%swap3A_890, %swap3A_891] {strides = array<i32>} : memref<128x128xf32, #tpu.memory_space<vmem>>, vector<1x16xf32>,
          %swap3A_893 = vector.shape_cast %swap3A_892 : vector<1x16xf32> to vector<16xf32>
          %swap3A_894 = vector.shape_cast %mul3A_887 : vector<16xf32> to vector<1x16xf32>
          tpu.vector_store %arg11[%swap3A_890, %swap3A_891], %swap3A_894 {strides = array<i32>} : memref<128x128xf32, #tpu.memory_space<vmem>>, vector<1x16xf32>,
          %add3A_895 = arith.constant 6 : i32
          %add3A_896 = arith.addi %mul3A_94, %add3A_895 : i32
          %get3A_897 = arith.index_cast %add3A_896 : i32 to index
          %get3A_898 = arith.constant 112 : index
          %get3A_899 = tpu.vector_load %arg11[%get3A_897, %get3A_898] {strides = array<i32>} : memref<128x128xf32, #tpu.memory_space<vmem>>, vector<1x16xf32>,
          %get3A_900 = vector.shape_cast %get3A_899 : vector<1x16xf32> to vector<16xf32>
          %mul3A_901 = arith.mulf %get3A_900, %gather3A_796 : vector<16xf32>
          %add3A_902 = arith.constant 6 : i32
          %add3A_903 = arith.addi %mul3A_94, %add3A_902 : i32
          %swap3A_904 = arith.index_cast %add3A_903 : i32 to index
          %swap3A_905 = arith.constant 112 : index
          %swap3A_906 = tpu.vector_load %arg11[%swap3A_904, %swap3A_905] {strides = array<i32>} : memref<128x128xf32, #tpu.memory_space<vmem>>, vector<1x16xf32>,
          %swap3A_907 = vector.shape_cast %swap3A_906 : vector<1x16xf32> to vector<16xf32>
          %swap3A_908 = vector.shape_cast %mul3A_901 : vector<16xf32> to vector<1x16xf32>
          tpu.vector_store %arg11[%swap3A_904, %swap3A_905], %swap3A_908 {strides = array<i32>} : memref<128x128xf32, #tpu.memory_space<vmem>>, vector<1x16xf32>,
          %broadcast_in_dim3A_909 = arith.constant 7 : i32
          %broadcast_in_dim3A_910 = vector.broadcast %broadcast_in_dim3A_909 : i32 to vector<16x1xi32>
          %gather3A_911 = vector.shape_cast %broadcast_in_dim3A_910 : vector<16x1xi32> to vector<16xi32>
          %gather3A_912 = tpu.dynamic_gather %get3A_98[%gather3A_911] in [0] : vector<16xf32>, vector<16xi32> -> vector<16xf32>
          %add3A_913 = arith.constant 7 : i32
          %add3A_914 = arith.addi %mul3A_94, %add3A_913 : i32
          %get3A_915 = arith.index_cast %add3A_914 : i32 to index
          %get3A_916 = arith.constant 0 : index
          %get3A_917 = tpu.vector_load %arg11[%get3A_915, %get3A_916] {strides = array<i32>} : memref<128x128xf32, #tpu.memory_space<vmem>>, vector<1x16xf32>,
          %get3A_918 = vector.shape_cast %get3A_917 : vector<1x16xf32> to vector<16xf32>
          %mul3A_919 = arith.mulf %get3A_918, %gather3A_912 : vector<16xf32>
          %add3A_920 = arith.constant 7 : i32
          %add3A_921 = arith.addi %mul3A_94, %add3A_920 : i32
          %swap3A_922 = arith.index_cast %add3A_921 : i32 to index
          %swap3A_923 = arith.constant 0 : index
          %swap3A_924 = tpu.vector_load %arg11[%swap3A_922, %swap3A_923] {strides = array<i32>} : memref<128x128xf32, #tpu.memory_space<vmem>>, vector<1x16xf32>,
          %swap3A_925 = vector.shape_cast %swap3A_924 : vector<1x16xf32> to vector<16xf32>
          %swap3A_926 = vector.shape_cast %mul3A_919 : vector<16xf32> to vector<1x16xf32>
          tpu.vector_store %arg11[%swap3A_922, %swap3A_923], %swap3A_926 {strides = array<i32>} : memref<128x128xf32, #tpu.memory_space<vmem>>, vector<1x16xf32>,
          %add3A_927 = arith.constant 7 : i32
          %add3A_928 = arith.addi %mul3A_94, %add3A_927 : i32
          %get3A_929 = arith.index_cast %add3A_928 : i32 to index
          %get3A_930 = arith.constant 16 : index
          %get3A_931 = tpu.vector_load %arg11[%get3A_929, %get3A_930] {strides = array<i32>} : memref<128x128xf32, #tpu.memory_space<vmem>>, vector<1x16xf32>,
          %get3A_932 = vector.shape_cast %get3A_931 : vector<1x16xf32> to vector<16xf32>
          %mul3A_933 = arith.mulf %get3A_932, %gather3A_912 : vector<16xf32>
          %add3A_934 = arith.constant 7 : i32
          %add3A_935 = arith.addi %mul3A_94, %add3A_934 : i32
          %swap3A_936 = arith.index_cast %add3A_935 : i32 to index
          %swap3A_937 = arith.constant 16 : index
          %swap3A_938 = tpu.vector_load %arg11[%swap3A_936, %swap3A_937] {strides = array<i32>} : memref<128x128xf32, #tpu.memory_space<vmem>>, vector<1x16xf32>,
          %swap3A_939 = vector.shape_cast %swap3A_938 : vector<1x16xf32> to vector<16xf32>
          %swap3A_940 = vector.shape_cast %mul3A_933 : vector<16xf32> to vector<1x16xf32>
          tpu.vector_store %arg11[%swap3A_936, %swap3A_937], %swap3A_940 {strides = array<i32>} : memref<128x128xf32, #tpu.memory_space<vmem>>, vector<1x16xf32>,
          %add3A_941 = arith.constant 7 : i32
          %add3A_942 = arith.addi %mul3A_94, %add3A_941 : i32
          %get3A_943 = arith.index_cast %add3A_942 : i32 to index
          %get3A_944 = arith.constant 32 : index
          %get3A_945 = tpu.vector_load %arg11[%get3A_943, %get3A_944] {strides = array<i32>} : memref<128x128xf32, #tpu.memory_space<vmem>>, vector<1x16xf32>,
          %get3A_946 = vector.shape_cast %get3A_945 : vector<1x16xf32> to vector<16xf32>
          %mul3A_947 = arith.mulf %get3A_946, %gather3A_912 : vector<16xf32>
          %add3A_948 = arith.constant 7 : i32
          %add3A_949 = arith.addi %mul3A_94, %add3A_948 : i32
          %swap3A_950 = arith.index_cast %add3A_949 : i32 to index
          %swap3A_951 = arith.constant 32 : index
          %swap3A_952 = tpu.vector_load %arg11[%swap3A_950, %swap3A_951] {strides = array<i32>} : memref<128x128xf32, #tpu.memory_space<vmem>>, vector<1x16xf32>,
          %swap3A_953 = vector.shape_cast %swap3A_952 : vector<1x16xf32> to vector<16xf32>
          %swap3A_954 = vector.shape_cast %mul3A_947 : vector<16xf32> to vector<1x16xf32>
          tpu.vector_store %arg11[%swap3A_950, %swap3A_951], %swap3A_954 {strides = array<i32>} : memref<128x128xf32, #tpu.memory_space<vmem>>, vector<1x16xf32>,
          %add3A_955 = arith.constant 7 : i32
          %add3A_956 = arith.addi %mul3A_94, %add3A_955 : i32
          %get3A_957 = arith.index_cast %add3A_956 : i32 to index
          %get3A_958 = arith.constant 48 : index
          %get3A_959 = tpu.vector_load %arg11[%get3A_957, %get3A_958] {strides = array<i32>} : memref<128x128xf32, #tpu.memory_space<vmem>>, vector<1x16xf32>,
          %get3A_960 = vector.shape_cast %get3A_959 : vector<1x16xf32> to vector<16xf32>
          %mul3A_961 = arith.mulf %get3A_960, %gather3A_912 : vector<16xf32>
          %add3A_962 = arith.constant 7 : i32
          %add3A_963 = arith.addi %mul3A_94, %add3A_962 : i32
          %swap3A_964 = arith.index_cast %add3A_963 : i32 to index
          %swap3A_965 = arith.constant 48 : index
          %swap3A_966 = tpu.vector_load %arg11[%swap3A_964, %swap3A_965] {strides = array<i32>} : memref<128x128xf32, #tpu.memory_space<vmem>>, vector<1x16xf32>,
          %swap3A_967 = vector.shape_cast %swap3A_966 : vector<1x16xf32> to vector<16xf32>
          %swap3A_968 = vector.shape_cast %mul3A_961 : vector<16xf32> to vector<1x16xf32>
          tpu.vector_store %arg11[%swap3A_964, %swap3A_965], %swap3A_968 {strides = array<i32>} : memref<128x128xf32, #tpu.memory_space<vmem>>, vector<1x16xf32>,
          %add3A_969 = arith.constant 7 : i32
          %add3A_970 = arith.addi %mul3A_94, %add3A_969 : i32
          %get3A_971 = arith.index_cast %add3A_970 : i32 to index
          %get3A_972 = arith.constant 64 : index
          %get3A_973 = tpu.vector_load %arg11[%get3A_971, %get3A_972] {strides = array<i32>} : memref<128x128xf32, #tpu.memory_space<vmem>>, vector<1x16xf32>,
          %get3A_974 = vector.shape_cast %get3A_973 : vector<1x16xf32> to vector<16xf32>
          %mul3A_975 = arith.mulf %get3A_974, %gather3A_912 : vector<16xf32>
          %add3A_976 = arith.constant 7 : i32
          %add3A_977 = arith.addi %mul3A_94, %add3A_976 : i32
          %swap3A_978 = arith.index_cast %add3A_977 : i32 to index
          %swap3A_979 = arith.constant 64 : index
          %swap3A_980 = tpu.vector_load %arg11[%swap3A_978, %swap3A_979] {strides = array<i32>} : memref<128x128xf32, #tpu.memory_space<vmem>>, vector<1x16xf32>,
          %swap3A_981 = vector.shape_cast %swap3A_980 : vector<1x16xf32> to vector<16xf32>
          %swap3A_982 = vector.shape_cast %mul3A_975 : vector<16xf32> to vector<1x16xf32>
          tpu.vector_store %arg11[%swap3A_978, %swap3A_979], %swap3A_982 {strides = array<i32>} : memref<128x128xf32, #tpu.memory_space<vmem>>, vector<1x16xf32>,
          %add3A_983 = arith.constant 7 : i32
          %add3A_984 = arith.addi %mul3A_94, %add3A_983 : i32
          %get3A_985 = arith.index_cast %add3A_984 : i32 to index
          %get3A_986 = arith.constant 80 : index
          %get3A_987 = tpu.vector_load %arg11[%get3A_985, %get3A_986] {strides = array<i32>} : memref<128x128xf32, #tpu.memory_space<vmem>>, vector<1x16xf32>,
          %get3A_988 = vector.shape_cast %get3A_987 : vector<1x16xf32> to vector<16xf32>
          %mul3A_989 = arith.mulf %get3A_988, %gather3A_912 : vector<16xf32>
          %add3A_990 = arith.constant 7 : i32
          %add3A_991 = arith.addi %mul3A_94, %add3A_990 : i32
          %swap3A_992 = arith.index_cast %add3A_991 : i32 to index
          %swap3A_993 = arith.constant 80 : index
          %swap3A_994 = tpu.vector_load %arg11[%swap3A_992, %swap3A_993] {strides = array<i32>} : memref<128x128xf32, #tpu.memory_space<vmem>>, vector<1x16xf32>,
          %swap3A_995 = vector.shape_cast %swap3A_994 : vector<1x16xf32> to vector<16xf32>
          %swap3A_996 = vector.shape_cast %mul3A_989 : vector<16xf32> to vector<1x16xf32>
          tpu.vector_store %arg11[%swap3A_992, %swap3A_993], %swap3A_996 {strides = array<i32>} : memref<128x128xf32, #tpu.memory_space<vmem>>, vector<1x16xf32>,
          %add3A_997 = arith.constant 7 : i32
          %add3A_998 = arith.addi %mul3A_94, %add3A_997 : i32
          %get3A_999 = arith.index_cast %add3A_998 : i32 to index
          %get3A_1000 = arith.constant 96 : index
          %get3A_1001 = tpu.vector_load %arg11[%get3A_999, %get3A_1000] {strides = array<i32>} : memref<128x128xf32, #tpu.memory_space<vmem>>, vector<1x16xf32>,
          %get3A_1002 = vector.shape_cast %get3A_1001 : vector<1x16xf32> to vector<16xf32>
          %mul3A_1003 = arith.mulf %get3A_1002, %gather3A_912 : vector<16xf32>
          %add3A_1004 = arith.constant 7 : i32
          %add3A_1005 = arith.addi %mul3A_94, %add3A_1004 : i32
          %swap3A_1006 = arith.index_cast %add3A_1005 : i32 to index
          %swap3A_1007 = arith.constant 96 : index
          %swap3A_1008 = tpu.vector_load %arg11[%swap3A_1006, %swap3A_1007] {strides = array<i32>} : memref<128x128xf32, #tpu.memory_space<vmem>>, vector<1x16xf32>,
          %swap3A_1009 = vector.shape_cast %swap3A_1008 : vector<1x16xf32> to vector<16xf32>
          %swap3A_1010 = vector.shape_cast %mul3A_1003 : vector<16xf32> to vector<1x16xf32>
          tpu.vector_store %arg11[%swap3A_1006, %swap3A_1007], %swap3A_1010 {strides = array<i32>} : memref<128x128xf32, #tpu.memory_space<vmem>>, vector<1x16xf32>,
          %add3A_1011 = arith.constant 7 : i32
          %add3A_1012 = arith.addi %mul3A_94, %add3A_1011 : i32
          %get3A_1013 = arith.index_cast %add3A_1012 : i32 to index
          %get3A_1014 = arith.constant 112 : index
          %get3A_1015 = tpu.vector_load %arg11[%get3A_1013, %get3A_1014] {strides = array<i32>} : memref<128x128xf32, #tpu.memory_space<vmem>>, vector<1x16xf32>,
          %get3A_1016 = vector.shape_cast %get3A_1015 : vector<1x16xf32> to vector<16xf32>
          %mul3A_1017 = arith.mulf %get3A_1016, %gather3A_912 : vector<16xf32>
          %add3A_1018 = arith.constant 7 : i32
          %add3A_1019 = arith.addi %mul3A_94, %add3A_1018 : i32
          %swap3A_1020 = arith.index_cast %add3A_1019 : i32 to index
          %swap3A_1021 = arith.constant 112 : index
          %swap3A_1022 = tpu.vector_load %arg11[%swap3A_1020, %swap3A_1021] {strides = array<i32>} : memref<128x128xf32, #tpu.memory_space<vmem>>, vector<1x16xf32>,
          %swap3A_1023 = vector.shape_cast %swap3A_1022 : vector<1x16xf32> to vector<16xf32>
          %swap3A_1024 = vector.shape_cast %mul3A_1017 : vector<16xf32> to vector<1x16xf32>
          tpu.vector_store %arg11[%swap3A_1020, %swap3A_1021], %swap3A_1024 {strides = array<i32>} : memref<128x128xf32, #tpu.memory_space<vmem>>, vector<1x16xf32>,
          %broadcast_in_dim3A_1025 = arith.constant 8 : i32
          %broadcast_in_dim3A_1026 = vector.broadcast %broadcast_in_dim3A_1025 : i32 to vector<16x1xi32>
          %gather3A_1027 = vector.shape_cast %broadcast_in_dim3A_1026 : vector<16x1xi32> to vector<16xi32>
          %gather3A_1028 = tpu.dynamic_gather %get3A_98[%gather3A_1027] in [0] : vector<16xf32>, vector<16xi32> -> vector<16xf32>
          %add3A_1029 = arith.constant 8 : i32
          %add3A_1030 = arith.addi %mul3A_94, %add3A_1029 : i32
          %get3A_1031 = arith.index_cast %add3A_1030 : i32 to index
          %get3A_1032 = arith.constant 0 : index
          %get3A_1033 = tpu.vector_load %arg11[%get3A_1031, %get3A_1032] {strides = array<i32>} : memref<128x128xf32, #tpu.memory_space<vmem>>, vector<1x16xf32>,
          %get3A_1034 = vector.shape_cast %get3A_1033 : vector<1x16xf32> to vector<16xf32>
          %mul3A_1035 = arith.mulf %get3A_1034, %gather3A_1028 : vector<16xf32>
          %add3A_1036 = arith.constant 8 : i32
          %add3A_1037 = arith.addi %mul3A_94, %add3A_1036 : i32
          %swap3A_1038 = arith.index_cast %add3A_1037 : i32 to index
          %swap3A_1039 = arith.constant 0 : index
          %swap3A_1040 = tpu.vector_load %arg11[%swap3A_1038, %swap3A_1039] {strides = array<i32>} : memref<128x128xf32, #tpu.memory_space<vmem>>, vector<1x16xf32>,
          %swap3A_1041 = vector.shape_cast %swap3A_1040 : vector<1x16xf32> to vector<16xf32>
          %swap3A_1042 = vector.shape_cast %mul3A_1035 : vector<16xf32> to vector<1x16xf32>
          tpu.vector_store %arg11[%swap3A_1038, %swap3A_1039], %swap3A_1042 {strides = array<i32>} : memref<128x128xf32, #tpu.memory_space<vmem>>, vector<1x16xf32>,
          %add3A_1043 = arith.constant 8 : i32
          %add3A_1044 = arith.addi %mul3A_94, %add3A_1043 : i32
          %get3A_1045 = arith.index_cast %add3A_1044 : i32 to index
          %get3A_1046 = arith.constant 16 : index
          %get3A_1047 = tpu.vector_load %arg11[%get3A_1045, %get3A_1046] {strides = array<i32>} : memref<128x128xf32, #tpu.memory_space<vmem>>, vector<1x16xf32>,
          %get3A_1048 = vector.shape_cast %get3A_1047 : vector<1x16xf32> to vector<16xf32>
          %mul3A_1049 = arith.mulf %get3A_1048, %gather3A_1028 : vector<16xf32>
          %add3A_1050 = arith.constant 8 : i32
          %add3A_1051 = arith.addi %mul3A_94, %add3A_1050 : i32
          %swap3A_1052 = arith.index_cast %add3A_1051 : i32 to index
          %swap3A_1053 = arith.constant 16 : index
          %swap3A_1054 = tpu.vector_load %arg11[%swap3A_1052, %swap3A_1053] {strides = array<i32>} : memref<128x128xf32, #tpu.memory_space<vmem>>, vector<1x16xf32>,
          %swap3A_1055 = vector.shape_cast %swap3A_1054 : vector<1x16xf32> to vector<16xf32>
          %swap3A_1056 = vector.shape_cast %mul3A_1049 : vector<16xf32> to vector<1x16xf32>
          tpu.vector_store %arg11[%swap3A_1052, %swap3A_1053], %swap3A_1056 {strides = array<i32>} : memref<128x128xf32, #tpu.memory_space<vmem>>, vector<1x16xf32>,
          %add3A_1057 = arith.constant 8 : i32
          %add3A_1058 = arith.addi %mul3A_94, %add3A_1057 : i32
          %get3A_1059 = arith.index_cast %add3A_1058 : i32 to index
          %get3A_1060 = arith.constant 32 : index
          %get3A_1061 = tpu.vector_load %arg11[%get3A_1059, %get3A_1060] {strides = array<i32>} : memref<128x128xf32, #tpu.memory_space<vmem>>, vector<1x16xf32>,
          %get3A_1062 = vector.shape_cast %get3A_1061 : vector<1x16xf32> to vector<16xf32>
          %mul3A_1063 = arith.mulf %get3A_1062, %gather3A_1028 : vector<16xf32>
          %add3A_1064 = arith.constant 8 : i32
          %add3A_1065 = arith.addi %mul3A_94, %add3A_1064 : i32
          %swap3A_1066 = arith.index_cast %add3A_1065 : i32 to index
          %swap3A_1067 = arith.constant 32 : index
          %swap3A_1068 = tpu.vector_load %arg11[%swap3A_1066, %swap3A_1067] {strides = array<i32>} : memref<128x128xf32, #tpu.memory_space<vmem>>, vector<1x16xf32>,
          %swap3A_1069 = vector.shape_cast %swap3A_1068 : vector<1x16xf32> to vector<16xf32>
          %swap3A_1070 = vector.shape_cast %mul3A_1063 : vector<16xf32> to vector<1x16xf32>
          tpu.vector_store %arg11[%swap3A_1066, %swap3A_1067], %swap3A_1070 {strides = array<i32>} : memref<128x128xf32, #tpu.memory_space<vmem>>, vector<1x16xf32>,
          %add3A_1071 = arith.constant 8 : i32
          %add3A_1072 = arith.addi %mul3A_94, %add3A_1071 : i32
          %get3A_1073 = arith.index_cast %add3A_1072 : i32 to index
          %get3A_1074 = arith.constant 48 : index
          %get3A_1075 = tpu.vector_load %arg11[%get3A_1073, %get3A_1074] {strides = array<i32>} : memref<128x128xf32, #tpu.memory_space<vmem>>, vector<1x16xf32>,
          %get3A_1076 = vector.shape_cast %get3A_1075 : vector<1x16xf32> to vector<16xf32>
          %mul3A_1077 = arith.mulf %get3A_1076, %gather3A_1028 : vector<16xf32>
          %add3A_1078 = arith.constant 8 : i32
          %add3A_1079 = arith.addi %mul3A_94, %add3A_1078 : i32
          %swap3A_1080 = arith.index_cast %add3A_1079 : i32 to index
          %swap3A_1081 = arith.constant 48 : index
          %swap3A_1082 = tpu.vector_load %arg11[%swap3A_1080, %swap3A_1081] {strides = array<i32>} : memref<128x128xf32, #tpu.memory_space<vmem>>, vector<1x16xf32>,
          %swap3A_1083 = vector.shape_cast %swap3A_1082 : vector<1x16xf32> to vector<16xf32>
          %swap3A_1084 = vector.shape_cast %mul3A_1077 : vector<16xf32> to vector<1x16xf32>
          tpu.vector_store %arg11[%swap3A_1080, %swap3A_1081], %swap3A_1084 {strides = array<i32>} : memref<128x128xf32, #tpu.memory_space<vmem>>, vector<1x16xf32>,
          %add3A_1085 = arith.constant 8 : i32
          %add3A_1086 = arith.addi %mul3A_94, %add3A_1085 : i32
          %get3A_1087 = arith.index_cast %add3A_1086 : i32 to index
          %get3A_1088 = arith.constant 64 : index
          %get3A_1089 = tpu.vector_load %arg11[%get3A_1087, %get3A_1088] {strides = array<i32>} : memref<128x128xf32, #tpu.memory_space<vmem>>, vector<1x16xf32>,
          %get3A_1090 = vector.shape_cast %get3A_1089 : vector<1x16xf32> to vector<16xf32>
          %mul3A_1091 = arith.mulf %get3A_1090, %gather3A_1028 : vector<16xf32>
          %add3A_1092 = arith.constant 8 : i32
          %add3A_1093 = arith.addi %mul3A_94, %add3A_1092 : i32
          %swap3A_1094 = arith.index_cast %add3A_1093 : i32 to index
          %swap3A_1095 = arith.constant 64 : index
          %swap3A_1096 = tpu.vector_load %arg11[%swap3A_1094, %swap3A_1095] {strides = array<i32>} : memref<128x128xf32, #tpu.memory_space<vmem>>, vector<1x16xf32>,
          %swap3A_1097 = vector.shape_cast %swap3A_1096 : vector<1x16xf32> to vector<16xf32>
          %swap3A_1098 = vector.shape_cast %mul3A_1091 : vector<16xf32> to vector<1x16xf32>
          tpu.vector_store %arg11[%swap3A_1094, %swap3A_1095], %swap3A_1098 {strides = array<i32>} : memref<128x128xf32, #tpu.memory_space<vmem>>, vector<1x16xf32>,
          %add3A_1099 = arith.constant 8 : i32
          %add3A_1100 = arith.addi %mul3A_94, %add3A_1099 : i32
          %get3A_1101 = arith.index_cast %add3A_1100 : i32 to index
          %get3A_1102 = arith.constant 80 : index
          %get3A_1103 = tpu.vector_load %arg11[%get3A_1101, %get3A_1102] {strides = array<i32>} : memref<128x128xf32, #tpu.memory_space<vmem>>, vector<1x16xf32>,
          %get3A_1104 = vector.shape_cast %get3A_1103 : vector<1x16xf32> to vector<16xf32>
          %mul3A_1105 = arith.mulf %get3A_1104, %gather3A_1028 : vector<16xf32>
          %add3A_1106 = arith.constant 8 : i32
          %add3A_1107 = arith.addi %mul3A_94, %add3A_1106 : i32
          %swap3A_1108 = arith.index_cast %add3A_1107 : i32 to index
          %swap3A_1109 = arith.constant 80 : index
          %swap3A_1110 = tpu.vector_load %arg11[%swap3A_1108, %swap3A_1109] {strides = array<i32>} : memref<128x128xf32, #tpu.memory_space<vmem>>, vector<1x16xf32>,
          %swap3A_1111 = vector.shape_cast %swap3A_1110 : vector<1x16xf32> to vector<16xf32>
          %swap3A_1112 = vector.shape_cast %mul3A_1105 : vector<16xf32> to vector<1x16xf32>
          tpu.vector_store %arg11[%swap3A_1108, %swap3A_1109], %swap3A_1112 {strides = array<i32>} : memref<128x128xf32, #tpu.memory_space<vmem>>, vector<1x16xf32>,
          %add3A_1113 = arith.constant 8 : i32
          %add3A_1114 = arith.addi %mul3A_94, %add3A_1113 : i32
          %get3A_1115 = arith.index_cast %add3A_1114 : i32 to index
          %get3A_1116 = arith.constant 96 : index
          %get3A_1117 = tpu.vector_load %arg11[%get3A_1115, %get3A_1116] {strides = array<i32>} : memref<128x128xf32, #tpu.memory_space<vmem>>, vector<1x16xf32>,
          %get3A_1118 = vector.shape_cast %get3A_1117 : vector<1x16xf32> to vector<16xf32>
          %mul3A_1119 = arith.mulf %get3A_1118, %gather3A_1028 : vector<16xf32>
          %add3A_1120 = arith.constant 8 : i32
          %add3A_1121 = arith.addi %mul3A_94, %add3A_1120 : i32
          %swap3A_1122 = arith.index_cast %add3A_1121 : i32 to index
          %swap3A_1123 = arith.constant 96 : index
          %swap3A_1124 = tpu.vector_load %arg11[%swap3A_1122, %swap3A_1123] {strides = array<i32>} : memref<128x128xf32, #tpu.memory_space<vmem>>, vector<1x16xf32>,
          %swap3A_1125 = vector.shape_cast %swap3A_1124 : vector<1x16xf32> to vector<16xf32>
          %swap3A_1126 = vector.shape_cast %mul3A_1119 : vector<16xf32> to vector<1x16xf32>
          tpu.vector_store %arg11[%swap3A_1122, %swap3A_1123], %swap3A_1126 {strides = array<i32>} : memref<128x128xf32, #tpu.memory_space<vmem>>, vector<1x16xf32>,
          %add3A_1127 = arith.constant 8 : i32
          %add3A_1128 = arith.addi %mul3A_94, %add3A_1127 : i32
          %get3A_1129 = arith.index_cast %add3A_1128 : i32 to index
          %get3A_1130 = arith.constant 112 : index
          %get3A_1131 = tpu.vector_load %arg11[%get3A_1129, %get3A_1130] {strides = array<i32>} : memref<128x128xf32, #tpu.memory_space<vmem>>, vector<1x16xf32>,
          %get3A_1132 = vector.shape_cast %get3A_1131 : vector<1x16xf32> to vector<16xf32>
          %mul3A_1133 = arith.mulf %get3A_1132, %gather3A_1028 : vector<16xf32>
          %add3A_1134 = arith.constant 8 : i32
          %add3A_1135 = arith.addi %mul3A_94, %add3A_1134 : i32
          %swap3A_1136 = arith.index_cast %add3A_1135 : i32 to index
          %swap3A_1137 = arith.constant 112 : index
          %swap3A_1138 = tpu.vector_load %arg11[%swap3A_1136, %swap3A_1137] {strides = array<i32>} : memref<128x128xf32, #tpu.memory_space<vmem>>, vector<1x16xf32>,
          %swap3A_1139 = vector.shape_cast %swap3A_1138 : vector<1x16xf32> to vector<16xf32>
          %swap3A_1140 = vector.shape_cast %mul3A_1133 : vector<16xf32> to vector<1x16xf32>
          tpu.vector_store %arg11[%swap3A_1136, %swap3A_1137], %swap3A_1140 {strides = array<i32>} : memref<128x128xf32, #tpu.memory_space<vmem>>, vector<1x16xf32>,
          %broadcast_in_dim3A_1141 = arith.constant 9 : i32
          %broadcast_in_dim3A_1142 = vector.broadcast %broadcast_in_dim3A_1141 : i32 to vector<16x1xi32>
          %gather3A_1143 = vector.shape_cast %broadcast_in_dim3A_1142 : vector<16x1xi32> to vector<16xi32>
          %gather3A_1144 = tpu.dynamic_gather %get3A_98[%gather3A_1143] in [0] : vector<16xf32>, vector<16xi32> -> vector<16xf32>
          %add3A_1145 = arith.constant 9 : i32
          %add3A_1146 = arith.addi %mul3A_94, %add3A_1145 : i32
          %get3A_1147 = arith.index_cast %add3A_1146 : i32 to index
          %get3A_1148 = arith.constant 0 : index
          %get3A_1149 = tpu.vector_load %arg11[%get3A_1147, %get3A_1148] {strides = array<i32>} : memref<128x128xf32, #tpu.memory_space<vmem>>, vector<1x16xf32>,
          %get3A_1150 = vector.shape_cast %get3A_1149 : vector<1x16xf32> to vector<16xf32>
          %mul3A_1151 = arith.mulf %get3A_1150, %gather3A_1144 : vector<16xf32>
          %add3A_1152 = arith.constant 9 : i32
          %add3A_1153 = arith.addi %mul3A_94, %add3A_1152 : i32
          %swap3A_1154 = arith.index_cast %add3A_1153 : i32 to index
          %swap3A_1155 = arith.constant 0 : index
          %swap3A_1156 = tpu.vector_load %arg11[%swap3A_1154, %swap3A_1155] {strides = array<i32>} : memref<128x128xf32, #tpu.memory_space<vmem>>, vector<1x16xf32>,
          %swap3A_1157 = vector.shape_cast %swap3A_1156 : vector<1x16xf32> to vector<16xf32>
          %swap3A_1158 = vector.shape_cast %mul3A_1151 : vector<16xf32> to vector<1x16xf32>
          tpu.vector_store %arg11[%swap3A_1154, %swap3A_1155], %swap3A_1158 {strides = array<i32>} : memref<128x128xf32, #tpu.memory_space<vmem>>, vector<1x16xf32>,
          %add3A_1159 = arith.constant 9 : i32
          %add3A_1160 = arith.addi %mul3A_94, %add3A_1159 : i32
          %get3A_1161 = arith.index_cast %add3A_1160 : i32 to index
          %get3A_1162 = arith.constant 16 : index
          %get3A_1163 = tpu.vector_load %arg11[%get3A_1161, %get3A_1162] {strides = array<i32>} : memref<128x128xf32, #tpu.memory_space<vmem>>, vector<1x16xf32>,
          %get3A_1164 = vector.shape_cast %get3A_1163 : vector<1x16xf32> to vector<16xf32>
          %mul3A_1165 = arith.mulf %get3A_1164, %gather3A_1144 : vector<16xf32>
          %add3A_1166 = arith.constant 9 : i32
          %add3A_1167 = arith.addi %mul3A_94, %add3A_1166 : i32
          %swap3A_1168 = arith.index_cast %add3A_1167 : i32 to index
          %swap3A_1169 = arith.constant 16 : index
          %swap3A_1170 = tpu.vector_load %arg11[%swap3A_1168, %swap3A_1169] {strides = array<i32>} : memref<128x128xf32, #tpu.memory_space<vmem>>, vector<1x16xf32>,
          %swap3A_1171 = vector.shape_cast %swap3A_1170 : vector<1x16xf32> to vector<16xf32>
          %swap3A_1172 = vector.shape_cast %mul3A_1165 : vector<16xf32> to vector<1x16xf32>
          tpu.vector_store %arg11[%swap3A_1168, %swap3A_1169], %swap3A_1172 {strides = array<i32>} : memref<128x128xf32, #tpu.memory_space<vmem>>, vector<1x16xf32>,
          %add3A_1173 = arith.constant 9 : i32
          %add3A_1174 = arith.addi %mul3A_94, %add3A_1173 : i32
          %get3A_1175 = arith.index_cast %add3A_1174 : i32 to index
          %get3A_1176 = arith.constant 32 : index
          %get3A_1177 = tpu.vector_load %arg11[%get3A_1175, %get3A_1176] {strides = array<i32>} : memref<128x128xf32, #tpu.memory_space<vmem>>, vector<1x16xf32>,
          %get3A_1178 = vector.shape_cast %get3A_1177 : vector<1x16xf32> to vector<16xf32>
          %mul3A_1179 = arith.mulf %get3A_1178, %gather3A_1144 : vector<16xf32>
          %add3A_1180 = arith.constant 9 : i32
          %add3A_1181 = arith.addi %mul3A_94, %add3A_1180 : i32
          %swap3A_1182 = arith.index_cast %add3A_1181 : i32 to index
          %swap3A_1183 = arith.constant 32 : index
          %swap3A_1184 = tpu.vector_load %arg11[%swap3A_1182, %swap3A_1183] {strides = array<i32>} : memref<128x128xf32, #tpu.memory_space<vmem>>, vector<1x16xf32>,
          %swap3A_1185 = vector.shape_cast %swap3A_1184 : vector<1x16xf32> to vector<16xf32>
          %swap3A_1186 = vector.shape_cast %mul3A_1179 : vector<16xf32> to vector<1x16xf32>
          tpu.vector_store %arg11[%swap3A_1182, %swap3A_1183], %swap3A_1186 {strides = array<i32>} : memref<128x128xf32, #tpu.memory_space<vmem>>, vector<1x16xf32>,
          %add3A_1187 = arith.constant 9 : i32
          %add3A_1188 = arith.addi %mul3A_94, %add3A_1187 : i32
          %get3A_1189 = arith.index_cast %add3A_1188 : i32 to index
          %get3A_1190 = arith.constant 48 : index
          %get3A_1191 = tpu.vector_load %arg11[%get3A_1189, %get3A_1190] {strides = array<i32>} : memref<128x128xf32, #tpu.memory_space<vmem>>, vector<1x16xf32>,
          %get3A_1192 = vector.shape_cast %get3A_1191 : vector<1x16xf32> to vector<16xf32>
          %mul3A_1193 = arith.mulf %get3A_1192, %gather3A_1144 : vector<16xf32>
          %add3A_1194 = arith.constant 9 : i32
          %add3A_1195 = arith.addi %mul3A_94, %add3A_1194 : i32
          %swap3A_1196 = arith.index_cast %add3A_1195 : i32 to index
          %swap3A_1197 = arith.constant 48 : index
          %swap3A_1198 = tpu.vector_load %arg11[%swap3A_1196, %swap3A_1197] {strides = array<i32>} : memref<128x128xf32, #tpu.memory_space<vmem>>, vector<1x16xf32>,
          %swap3A_1199 = vector.shape_cast %swap3A_1198 : vector<1x16xf32> to vector<16xf32>
          %swap3A_1200 = vector.shape_cast %mul3A_1193 : vector<16xf32> to vector<1x16xf32>
          tpu.vector_store %arg11[%swap3A_1196, %swap3A_1197], %swap3A_1200 {strides = array<i32>} : memref<128x128xf32, #tpu.memory_space<vmem>>, vector<1x16xf32>,
          %add3A_1201 = arith.constant 9 : i32
          %add3A_1202 = arith.addi %mul3A_94, %add3A_1201 : i32
          %get3A_1203 = arith.index_cast %add3A_1202 : i32 to index
          %get3A_1204 = arith.constant 64 : index
          %get3A_1205 = tpu.vector_load %arg11[%get3A_1203, %get3A_1204] {strides = array<i32>} : memref<128x128xf32, #tpu.memory_space<vmem>>, vector<1x16xf32>,
          %get3A_1206 = vector.shape_cast %get3A_1205 : vector<1x16xf32> to vector<16xf32>
          %mul3A_1207 = arith.mulf %get3A_1206, %gather3A_1144 : vector<16xf32>
          %add3A_1208 = arith.constant 9 : i32
          %add3A_1209 = arith.addi %mul3A_94, %add3A_1208 : i32
          %swap3A_1210 = arith.index_cast %add3A_1209 : i32 to index
          %swap3A_1211 = arith.constant 64 : index
          %swap3A_1212 = tpu.vector_load %arg11[%swap3A_1210, %swap3A_1211] {strides = array<i32>} : memref<128x128xf32, #tpu.memory_space<vmem>>, vector<1x16xf32>,
          %swap3A_1213 = vector.shape_cast %swap3A_1212 : vector<1x16xf32> to vector<16xf32>
          %swap3A_1214 = vector.shape_cast %mul3A_1207 : vector<16xf32> to vector<1x16xf32>
          tpu.vector_store %arg11[%swap3A_1210, %swap3A_1211], %swap3A_1214 {strides = array<i32>} : memref<128x128xf32, #tpu.memory_space<vmem>>, vector<1x16xf32>,
          %add3A_1215 = arith.constant 9 : i32
          %add3A_1216 = arith.addi %mul3A_94, %add3A_1215 : i32
          %get3A_1217 = arith.index_cast %add3A_1216 : i32 to index
          %get3A_1218 = arith.constant 80 : index
          %get3A_1219 = tpu.vector_load %arg11[%get3A_1217, %get3A_1218] {strides = array<i32>} : memref<128x128xf32, #tpu.memory_space<vmem>>, vector<1x16xf32>,
          %get3A_1220 = vector.shape_cast %get3A_1219 : vector<1x16xf32> to vector<16xf32>
          %mul3A_1221 = arith.mulf %get3A_1220, %gather3A_1144 : vector<16xf32>
          %add3A_1222 = arith.constant 9 : i32
          %add3A_1223 = arith.addi %mul3A_94, %add3A_1222 : i32
          %swap3A_1224 = arith.index_cast %add3A_1223 : i32 to index
          %swap3A_1225 = arith.constant 80 : index
          %swap3A_1226 = tpu.vector_load %arg11[%swap3A_1224, %swap3A_1225] {strides = array<i32>} : memref<128x128xf32, #tpu.memory_space<vmem>>, vector<1x16xf32>,
          %swap3A_1227 = vector.shape_cast %swap3A_1226 : vector<1x16xf32> to vector<16xf32>
          %swap3A_1228 = vector.shape_cast %mul3A_1221 : vector<16xf32> to vector<1x16xf32>
          tpu.vector_store %arg11[%swap3A_1224, %swap3A_1225], %swap3A_1228 {strides = array<i32>} : memref<128x128xf32, #tpu.memory_space<vmem>>, vector<1x16xf32>,
          %add3A_1229 = arith.constant 9 : i32
          %add3A_1230 = arith.addi %mul3A_94, %add3A_1229 : i32
          %get3A_1231 = arith.index_cast %add3A_1230 : i32 to index
          %get3A_1232 = arith.constant 96 : index
          %get3A_1233 = tpu.vector_load %arg11[%get3A_1231, %get3A_1232] {strides = array<i32>} : memref<128x128xf32, #tpu.memory_space<vmem>>, vector<1x16xf32>,
          %get3A_1234 = vector.shape_cast %get3A_1233 : vector<1x16xf32> to vector<16xf32>
          %mul3A_1235 = arith.mulf %get3A_1234, %gather3A_1144 : vector<16xf32>
          %add3A_1236 = arith.constant 9 : i32
          %add3A_1237 = arith.addi %mul3A_94, %add3A_1236 : i32
          %swap3A_1238 = arith.index_cast %add3A_1237 : i32 to index
          %swap3A_1239 = arith.constant 96 : index
          %swap3A_1240 = tpu.vector_load %arg11[%swap3A_1238, %swap3A_1239] {strides = array<i32>} : memref<128x128xf32, #tpu.memory_space<vmem>>, vector<1x16xf32>,
          %swap3A_1241 = vector.shape_cast %swap3A_1240 : vector<1x16xf32> to vector<16xf32>
          %swap3A_1242 = vector.shape_cast %mul3A_1235 : vector<16xf32> to vector<1x16xf32>
          tpu.vector_store %arg11[%swap3A_1238, %swap3A_1239], %swap3A_1242 {strides = array<i32>} : memref<128x128xf32, #tpu.memory_space<vmem>>, vector<1x16xf32>,
          %add3A_1243 = arith.constant 9 : i32
          %add3A_1244 = arith.addi %mul3A_94, %add3A_1243 : i32
          %get3A_1245 = arith.index_cast %add3A_1244 : i32 to index
          %get3A_1246 = arith.constant 112 : index
          %get3A_1247 = tpu.vector_load %arg11[%get3A_1245, %get3A_1246] {strides = array<i32>} : memref<128x128xf32, #tpu.memory_space<vmem>>, vector<1x16xf32>,
          %get3A_1248 = vector.shape_cast %get3A_1247 : vector<1x16xf32> to vector<16xf32>
          %mul3A_1249 = arith.mulf %get3A_1248, %gather3A_1144 : vector<16xf32>
          %add3A_1250 = arith.constant 9 : i32
          %add3A_1251 = arith.addi %mul3A_94, %add3A_1250 : i32
          %swap3A_1252 = arith.index_cast %add3A_1251 : i32 to index
          %swap3A_1253 = arith.constant 112 : index
          %swap3A_1254 = tpu.vector_load %arg11[%swap3A_1252, %swap3A_1253] {strides = array<i32>} : memref<128x128xf32, #tpu.memory_space<vmem>>, vector<1x16xf32>,
          %swap3A_1255 = vector.shape_cast %swap3A_1254 : vector<1x16xf32> to vector<16xf32>
          %swap3A_1256 = vector.shape_cast %mul3A_1249 : vector<16xf32> to vector<1x16xf32>
          tpu.vector_store %arg11[%swap3A_1252, %swap3A_1253], %swap3A_1256 {strides = array<i32>} : memref<128x128xf32, #tpu.memory_space<vmem>>, vector<1x16xf32>,
          %broadcast_in_dim3A_1257 = arith.constant 10 : i32
          %broadcast_in_dim3A_1258 = vector.broadcast %broadcast_in_dim3A_1257 : i32 to vector<16x1xi32>
          %gather3A_1259 = vector.shape_cast %broadcast_in_dim3A_1258 : vector<16x1xi32> to vector<16xi32>
          %gather3A_1260 = tpu.dynamic_gather %get3A_98[%gather3A_1259] in [0] : vector<16xf32>, vector<16xi32> -> vector<16xf32>
          %add3A_1261 = arith.constant 10 : i32
          %add3A_1262 = arith.addi %mul3A_94, %add3A_1261 : i32
          %get3A_1263 = arith.index_cast %add3A_1262 : i32 to index
          %get3A_1264 = arith.constant 0 : index
          %get3A_1265 = tpu.vector_load %arg11[%get3A_1263, %get3A_1264] {strides = array<i32>} : memref<128x128xf32, #tpu.memory_space<vmem>>, vector<1x16xf32>,
          %get3A_1266 = vector.shape_cast %get3A_1265 : vector<1x16xf32> to vector<16xf32>
          %mul3A_1267 = arith.mulf %get3A_1266, %gather3A_1260 : vector<16xf32>
          %add3A_1268 = arith.constant 10 : i32
          %add3A_1269 = arith.addi %mul3A_94, %add3A_1268 : i32
          %swap3A_1270 = arith.index_cast %add3A_1269 : i32 to index
          %swap3A_1271 = arith.constant 0 : index
          %swap3A_1272 = tpu.vector_load %arg11[%swap3A_1270, %swap3A_1271] {strides = array<i32>} : memref<128x128xf32, #tpu.memory_space<vmem>>, vector<1x16xf32>,
          %swap3A_1273 = vector.shape_cast %swap3A_1272 : vector<1x16xf32> to vector<16xf32>
          %swap3A_1274 = vector.shape_cast %mul3A_1267 : vector<16xf32> to vector<1x16xf32>
          tpu.vector_store %arg11[%swap3A_1270, %swap3A_1271], %swap3A_1274 {strides = array<i32>} : memref<128x128xf32, #tpu.memory_space<vmem>>, vector<1x16xf32>,
          %add3A_1275 = arith.constant 10 : i32
          %add3A_1276 = arith.addi %mul3A_94, %add3A_1275 : i32
          %get3A_1277 = arith.index_cast %add3A_1276 : i32 to index
          %get3A_1278 = arith.constant 16 : index
          %get3A_1279 = tpu.vector_load %arg11[%get3A_1277, %get3A_1278] {strides = array<i32>} : memref<128x128xf32, #tpu.memory_space<vmem>>, vector<1x16xf32>,
          %get3A_1280 = vector.shape_cast %get3A_1279 : vector<1x16xf32> to vector<16xf32>
          %mul3A_1281 = arith.mulf %get3A_1280, %gather3A_1260 : vector<16xf32>
          %add3A_1282 = arith.constant 10 : i32
          %add3A_1283 = arith.addi %mul3A_94, %add3A_1282 : i32
          %swap3A_1284 = arith.index_cast %add3A_1283 : i32 to index
          %swap3A_1285 = arith.constant 16 : index
          %swap3A_1286 = tpu.vector_load %arg11[%swap3A_1284, %swap3A_1285] {strides = array<i32>} : memref<128x128xf32, #tpu.memory_space<vmem>>, vector<1x16xf32>,
          %swap3A_1287 = vector.shape_cast %swap3A_1286 : vector<1x16xf32> to vector<16xf32>
          %swap3A_1288 = vector.shape_cast %mul3A_1281 : vector<16xf32> to vector<1x16xf32>
          tpu.vector_store %arg11[%swap3A_1284, %swap3A_1285], %swap3A_1288 {strides = array<i32>} : memref<128x128xf32, #tpu.memory_space<vmem>>, vector<1x16xf32>,
          %add3A_1289 = arith.constant 10 : i32
          %add3A_1290 = arith.addi %mul3A_94, %add3A_1289 : i32
          %get3A_1291 = arith.index_cast %add3A_1290 : i32 to index
          %get3A_1292 = arith.constant 32 : index
          %get3A_1293 = tpu.vector_load %arg11[%get3A_1291, %get3A_1292] {strides = array<i32>} : memref<128x128xf32, #tpu.memory_space<vmem>>, vector<1x16xf32>,
          %get3A_1294 = vector.shape_cast %get3A_1293 : vector<1x16xf32> to vector<16xf32>
          %mul3A_1295 = arith.mulf %get3A_1294, %gather3A_1260 : vector<16xf32>
          %add3A_1296 = arith.constant 10 : i32
          %add3A_1297 = arith.addi %mul3A_94, %add3A_1296 : i32
          %swap3A_1298 = arith.index_cast %add3A_1297 : i32 to index
          %swap3A_1299 = arith.constant 32 : index
          %swap3A_1300 = tpu.vector_load %arg11[%swap3A_1298, %swap3A_1299] {strides = array<i32>} : memref<128x128xf32, #tpu.memory_space<vmem>>, vector<1x16xf32>,
          %swap3A_1301 = vector.shape_cast %swap3A_1300 : vector<1x16xf32> to vector<16xf32>
          %swap3A_1302 = vector.shape_cast %mul3A_1295 : vector<16xf32> to vector<1x16xf32>
          tpu.vector_store %arg11[%swap3A_1298, %swap3A_1299], %swap3A_1302 {strides = array<i32>} : memref<128x128xf32, #tpu.memory_space<vmem>>, vector<1x16xf32>,
          %add3A_1303 = arith.constant 10 : i32
          %add3A_1304 = arith.addi %mul3A_94, %add3A_1303 : i32
          %get3A_1305 = arith.index_cast %add3A_1304 : i32 to index
          %get3A_1306 = arith.constant 48 : index
          %get3A_1307 = tpu.vector_load %arg11[%get3A_1305, %get3A_1306] {strides = array<i32>} : memref<128x128xf32, #tpu.memory_space<vmem>>, vector<1x16xf32>,
          %get3A_1308 = vector.shape_cast %get3A_1307 : vector<1x16xf32> to vector<16xf32>
          %mul3A_1309 = arith.mulf %get3A_1308, %gather3A_1260 : vector<16xf32>
          %add3A_1310 = arith.constant 10 : i32
          %add3A_1311 = arith.addi %mul3A_94, %add3A_1310 : i32
          %swap3A_1312 = arith.index_cast %add3A_1311 : i32 to index
          %swap3A_1313 = arith.constant 48 : index
          %swap3A_1314 = tpu.vector_load %arg11[%swap3A_1312, %swap3A_1313] {strides = array<i32>} : memref<128x128xf32, #tpu.memory_space<vmem>>, vector<1x16xf32>,
          %swap3A_1315 = vector.shape_cast %swap3A_1314 : vector<1x16xf32> to vector<16xf32>
          %swap3A_1316 = vector.shape_cast %mul3A_1309 : vector<16xf32> to vector<1x16xf32>
          tpu.vector_store %arg11[%swap3A_1312, %swap3A_1313], %swap3A_1316 {strides = array<i32>} : memref<128x128xf32, #tpu.memory_space<vmem>>, vector<1x16xf32>,
          %add3A_1317 = arith.constant 10 : i32
          %add3A_1318 = arith.addi %mul3A_94, %add3A_1317 : i32
          %get3A_1319 = arith.index_cast %add3A_1318 : i32 to index
          %get3A_1320 = arith.constant 64 : index
          %get3A_1321 = tpu.vector_load %arg11[%get3A_1319, %get3A_1320] {strides = array<i32>} : memref<128x128xf32, #tpu.memory_space<vmem>>, vector<1x16xf32>,
          %get3A_1322 = vector.shape_cast %get3A_1321 : vector<1x16xf32> to vector<16xf32>
          %mul3A_1323 = arith.mulf %get3A_1322, %gather3A_1260 : vector<16xf32>
          %add3A_1324 = arith.constant 10 : i32
          %add3A_1325 = arith.addi %mul3A_94, %add3A_1324 : i32
          %swap3A_1326 = arith.index_cast %add3A_1325 : i32 to index
          %swap3A_1327 = arith.constant 64 : index
          %swap3A_1328 = tpu.vector_load %arg11[%swap3A_1326, %swap3A_1327] {strides = array<i32>} : memref<128x128xf32, #tpu.memory_space<vmem>>, vector<1x16xf32>,
          %swap3A_1329 = vector.shape_cast %swap3A_1328 : vector<1x16xf32> to vector<16xf32>
          %swap3A_1330 = vector.shape_cast %mul3A_1323 : vector<16xf32> to vector<1x16xf32>
          tpu.vector_store %arg11[%swap3A_1326, %swap3A_1327], %swap3A_1330 {strides = array<i32>} : memref<128x128xf32, #tpu.memory_space<vmem>>, vector<1x16xf32>,
          %add3A_1331 = arith.constant 10 : i32
          %add3A_1332 = arith.addi %mul3A_94, %add3A_1331 : i32
          %get3A_1333 = arith.index_cast %add3A_1332 : i32 to index
          %get3A_1334 = arith.constant 80 : index
          %get3A_1335 = tpu.vector_load %arg11[%get3A_1333, %get3A_1334] {strides = array<i32>} : memref<128x128xf32, #tpu.memory_space<vmem>>, vector<1x16xf32>,
          %get3A_1336 = vector.shape_cast %get3A_1335 : vector<1x16xf32> to vector<16xf32>
          %mul3A_1337 = arith.mulf %get3A_1336, %gather3A_1260 : vector<16xf32>
          %add3A_1338 = arith.constant 10 : i32
          %add3A_1339 = arith.addi %mul3A_94, %add3A_1338 : i32
          %swap3A_1340 = arith.index_cast %add3A_1339 : i32 to index
          %swap3A_1341 = arith.constant 80 : index
          %swap3A_1342 = tpu.vector_load %arg11[%swap3A_1340, %swap3A_1341] {strides = array<i32>} : memref<128x128xf32, #tpu.memory_space<vmem>>, vector<1x16xf32>,
          %swap3A_1343 = vector.shape_cast %swap3A_1342 : vector<1x16xf32> to vector<16xf32>
          %swap3A_1344 = vector.shape_cast %mul3A_1337 : vector<16xf32> to vector<1x16xf32>
          tpu.vector_store %arg11[%swap3A_1340, %swap3A_1341], %swap3A_1344 {strides = array<i32>} : memref<128x128xf32, #tpu.memory_space<vmem>>, vector<1x16xf32>,
          %add3A_1345 = arith.constant 10 : i32
          %add3A_1346 = arith.addi %mul3A_94, %add3A_1345 : i32
          %get3A_1347 = arith.index_cast %add3A_1346 : i32 to index
          %get3A_1348 = arith.constant 96 : index
          %get3A_1349 = tpu.vector_load %arg11[%get3A_1347, %get3A_1348] {strides = array<i32>} : memref<128x128xf32, #tpu.memory_space<vmem>>, vector<1x16xf32>,
          %get3A_1350 = vector.shape_cast %get3A_1349 : vector<1x16xf32> to vector<16xf32>
          %mul3A_1351 = arith.mulf %get3A_1350, %gather3A_1260 : vector<16xf32>
          %add3A_1352 = arith.constant 10 : i32
          %add3A_1353 = arith.addi %mul3A_94, %add3A_1352 : i32
          %swap3A_1354 = arith.index_cast %add3A_1353 : i32 to index
          %swap3A_1355 = arith.constant 96 : index
          %swap3A_1356 = tpu.vector_load %arg11[%swap3A_1354, %swap3A_1355] {strides = array<i32>} : memref<128x128xf32, #tpu.memory_space<vmem>>, vector<1x16xf32>,
          %swap3A_1357 = vector.shape_cast %swap3A_1356 : vector<1x16xf32> to vector<16xf32>
          %swap3A_1358 = vector.shape_cast %mul3A_1351 : vector<16xf32> to vector<1x16xf32>
          tpu.vector_store %arg11[%swap3A_1354, %swap3A_1355], %swap3A_1358 {strides = array<i32>} : memref<128x128xf32, #tpu.memory_space<vmem>>, vector<1x16xf32>,
          %add3A_1359 = arith.constant 10 : i32
          %add3A_1360 = arith.addi %mul3A_94, %add3A_1359 : i32
          %get3A_1361 = arith.index_cast %add3A_1360 : i32 to index
          %get3A_1362 = arith.constant 112 : index
          %get3A_1363 = tpu.vector_load %arg11[%get3A_1361, %get3A_1362] {strides = array<i32>} : memref<128x128xf32, #tpu.memory_space<vmem>>, vector<1x16xf32>,
          %get3A_1364 = vector.shape_cast %get3A_1363 : vector<1x16xf32> to vector<16xf32>
          %mul3A_1365 = arith.mulf %get3A_1364, %gather3A_1260 : vector<16xf32>
          %add3A_1366 = arith.constant 10 : i32
          %add3A_1367 = arith.addi %mul3A_94, %add3A_1366 : i32
          %swap3A_1368 = arith.index_cast %add3A_1367 : i32 to index
          %swap3A_1369 = arith.constant 112 : index
          %swap3A_1370 = tpu.vector_load %arg11[%swap3A_1368, %swap3A_1369] {strides = array<i32>} : memref<128x128xf32, #tpu.memory_space<vmem>>, vector<1x16xf32>,
          %swap3A_1371 = vector.shape_cast %swap3A_1370 : vector<1x16xf32> to vector<16xf32>
          %swap3A_1372 = vector.shape_cast %mul3A_1365 : vector<16xf32> to vector<1x16xf32>
          tpu.vector_store %arg11[%swap3A_1368, %swap3A_1369], %swap3A_1372 {strides = array<i32>} : memref<128x128xf32, #tpu.memory_space<vmem>>, vector<1x16xf32>,
          %broadcast_in_dim3A_1373 = arith.constant 11 : i32
          %broadcast_in_dim3A_1374 = vector.broadcast %broadcast_in_dim3A_1373 : i32 to vector<16x1xi32>
          %gather3A_1375 = vector.shape_cast %broadcast_in_dim3A_1374 : vector<16x1xi32> to vector<16xi32>
          %gather3A_1376 = tpu.dynamic_gather %get3A_98[%gather3A_1375] in [0] : vector<16xf32>, vector<16xi32> -> vector<16xf32>
          %add3A_1377 = arith.constant 11 : i32
          %add3A_1378 = arith.addi %mul3A_94, %add3A_1377 : i32
          %get3A_1379 = arith.index_cast %add3A_1378 : i32 to index
          %get3A_1380 = arith.constant 0 : index
          %get3A_1381 = tpu.vector_load %arg11[%get3A_1379, %get3A_1380] {strides = array<i32>} : memref<128x128xf32, #tpu.memory_space<vmem>>, vector<1x16xf32>,
          %get3A_1382 = vector.shape_cast %get3A_1381 : vector<1x16xf32> to vector<16xf32>
          %mul3A_1383 = arith.mulf %get3A_1382, %gather3A_1376 : vector<16xf32>
          %add3A_1384 = arith.constant 11 : i32
          %add3A_1385 = arith.addi %mul3A_94, %add3A_1384 : i32
          %swap3A_1386 = arith.index_cast %add3A_1385 : i32 to index
          %swap3A_1387 = arith.constant 0 : index
          %swap3A_1388 = tpu.vector_load %arg11[%swap3A_1386, %swap3A_1387] {strides = array<i32>} : memref<128x128xf32, #tpu.memory_space<vmem>>, vector<1x16xf32>,
          %swap3A_1389 = vector.shape_cast %swap3A_1388 : vector<1x16xf32> to vector<16xf32>
          %swap3A_1390 = vector.shape_cast %mul3A_1383 : vector<16xf32> to vector<1x16xf32>
          tpu.vector_store %arg11[%swap3A_1386, %swap3A_1387], %swap3A_1390 {strides = array<i32>} : memref<128x128xf32, #tpu.memory_space<vmem>>, vector<1x16xf32>,
          %add3A_1391 = arith.constant 11 : i32
          %add3A_1392 = arith.addi %mul3A_94, %add3A_1391 : i32
          %get3A_1393 = arith.index_cast %add3A_1392 : i32 to index
          %get3A_1394 = arith.constant 16 : index
          %get3A_1395 = tpu.vector_load %arg11[%get3A_1393, %get3A_1394] {strides = array<i32>} : memref<128x128xf32, #tpu.memory_space<vmem>>, vector<1x16xf32>,
          %get3A_1396 = vector.shape_cast %get3A_1395 : vector<1x16xf32> to vector<16xf32>
          %mul3A_1397 = arith.mulf %get3A_1396, %gather3A_1376 : vector<16xf32>
          %add3A_1398 = arith.constant 11 : i32
          %add3A_1399 = arith.addi %mul3A_94, %add3A_1398 : i32
          %swap3A_1400 = arith.index_cast %add3A_1399 : i32 to index
          %swap3A_1401 = arith.constant 16 : index
          %swap3A_1402 = tpu.vector_load %arg11[%swap3A_1400, %swap3A_1401] {strides = array<i32>} : memref<128x128xf32, #tpu.memory_space<vmem>>, vector<1x16xf32>,
          %swap3A_1403 = vector.shape_cast %swap3A_1402 : vector<1x16xf32> to vector<16xf32>
          %swap3A_1404 = vector.shape_cast %mul3A_1397 : vector<16xf32> to vector<1x16xf32>
          tpu.vector_store %arg11[%swap3A_1400, %swap3A_1401], %swap3A_1404 {strides = array<i32>} : memref<128x128xf32, #tpu.memory_space<vmem>>, vector<1x16xf32>,
          %add3A_1405 = arith.constant 11 : i32
          %add3A_1406 = arith.addi %mul3A_94, %add3A_1405 : i32
          %get3A_1407 = arith.index_cast %add3A_1406 : i32 to index
          %get3A_1408 = arith.constant 32 : index
          %get3A_1409 = tpu.vector_load %arg11[%get3A_1407, %get3A_1408] {strides = array<i32>} : memref<128x128xf32, #tpu.memory_space<vmem>>, vector<1x16xf32>,
          %get3A_1410 = vector.shape_cast %get3A_1409 : vector<1x16xf32> to vector<16xf32>
          %mul3A_1411 = arith.mulf %get3A_1410, %gather3A_1376 : vector<16xf32>
          %add3A_1412 = arith.constant 11 : i32
          %add3A_1413 = arith.addi %mul3A_94, %add3A_1412 : i32
          %swap3A_1414 = arith.index_cast %add3A_1413 : i32 to index
          %swap3A_1415 = arith.constant 32 : index
          %swap3A_1416 = tpu.vector_load %arg11[%swap3A_1414, %swap3A_1415] {strides = array<i32>} : memref<128x128xf32, #tpu.memory_space<vmem>>, vector<1x16xf32>,
          %swap3A_1417 = vector.shape_cast %swap3A_1416 : vector<1x16xf32> to vector<16xf32>
          %swap3A_1418 = vector.shape_cast %mul3A_1411 : vector<16xf32> to vector<1x16xf32>
          tpu.vector_store %arg11[%swap3A_1414, %swap3A_1415], %swap3A_1418 {strides = array<i32>} : memref<128x128xf32, #tpu.memory_space<vmem>>, vector<1x16xf32>,
          %add3A_1419 = arith.constant 11 : i32
          %add3A_1420 = arith.addi %mul3A_94, %add3A_1419 : i32
          %get3A_1421 = arith.index_cast %add3A_1420 : i32 to index
          %get3A_1422 = arith.constant 48 : index
          %get3A_1423 = tpu.vector_load %arg11[%get3A_1421, %get3A_1422] {strides = array<i32>} : memref<128x128xf32, #tpu.memory_space<vmem>>, vector<1x16xf32>,
          %get3A_1424 = vector.shape_cast %get3A_1423 : vector<1x16xf32> to vector<16xf32>
          %mul3A_1425 = arith.mulf %get3A_1424, %gather3A_1376 : vector<16xf32>
          %add3A_1426 = arith.constant 11 : i32
          %add3A_1427 = arith.addi %mul3A_94, %add3A_1426 : i32
          %swap3A_1428 = arith.index_cast %add3A_1427 : i32 to index
          %swap3A_1429 = arith.constant 48 : index
          %swap3A_1430 = tpu.vector_load %arg11[%swap3A_1428, %swap3A_1429] {strides = array<i32>} : memref<128x128xf32, #tpu.memory_space<vmem>>, vector<1x16xf32>,
          %swap3A_1431 = vector.shape_cast %swap3A_1430 : vector<1x16xf32> to vector<16xf32>
          %swap3A_1432 = vector.shape_cast %mul3A_1425 : vector<16xf32> to vector<1x16xf32>
          tpu.vector_store %arg11[%swap3A_1428, %swap3A_1429], %swap3A_1432 {strides = array<i32>} : memref<128x128xf32, #tpu.memory_space<vmem>>, vector<1x16xf32>,
          %add3A_1433 = arith.constant 11 : i32
          %add3A_1434 = arith.addi %mul3A_94, %add3A_1433 : i32
          %get3A_1435 = arith.index_cast %add3A_1434 : i32 to index
          %get3A_1436 = arith.constant 64 : index
          %get3A_1437 = tpu.vector_load %arg11[%get3A_1435, %get3A_1436] {strides = array<i32>} : memref<128x128xf32, #tpu.memory_space<vmem>>, vector<1x16xf32>,
          %get3A_1438 = vector.shape_cast %get3A_1437 : vector<1x16xf32> to vector<16xf32>
          %mul3A_1439 = arith.mulf %get3A_1438, %gather3A_1376 : vector<16xf32>
          %add3A_1440 = arith.constant 11 : i32
          %add3A_1441 = arith.addi %mul3A_94, %add3A_1440 : i32
          %swap3A_1442 = arith.index_cast %add3A_1441 : i32 to index
          %swap3A_1443 = arith.constant 64 : index
          %swap3A_1444 = tpu.vector_load %arg11[%swap3A_1442, %swap3A_1443] {strides = array<i32>} : memref<128x128xf32, #tpu.memory_space<vmem>>, vector<1x16xf32>,
          %swap3A_1445 = vector.shape_cast %swap3A_1444 : vector<1x16xf32> to vector<16xf32>
          %swap3A_1446 = vector.shape_cast %mul3A_1439 : vector<16xf32> to vector<1x16xf32>
          tpu.vector_store %arg11[%swap3A_1442, %swap3A_1443], %swap3A_1446 {strides = array<i32>} : memref<128x128xf32, #tpu.memory_space<vmem>>, vector<1x16xf32>,
          %add3A_1447 = arith.constant 11 : i32
          %add3A_1448 = arith.addi %mul3A_94, %add3A_1447 : i32
          %get3A_1449 = arith.index_cast %add3A_1448 : i32 to index
          %get3A_1450 = arith.constant 80 : index
          %get3A_1451 = tpu.vector_load %arg11[%get3A_1449, %get3A_1450] {strides = array<i32>} : memref<128x128xf32, #tpu.memory_space<vmem>>, vector<1x16xf32>,
          %get3A_1452 = vector.shape_cast %get3A_1451 : vector<1x16xf32> to vector<16xf32>
          %mul3A_1453 = arith.mulf %get3A_1452, %gather3A_1376 : vector<16xf32>
          %add3A_1454 = arith.constant 11 : i32
          %add3A_1455 = arith.addi %mul3A_94, %add3A_1454 : i32
          %swap3A_1456 = arith.index_cast %add3A_1455 : i32 to index
          %swap3A_1457 = arith.constant 80 : index
          %swap3A_1458 = tpu.vector_load %arg11[%swap3A_1456, %swap3A_1457] {strides = array<i32>} : memref<128x128xf32, #tpu.memory_space<vmem>>, vector<1x16xf32>,
          %swap3A_1459 = vector.shape_cast %swap3A_1458 : vector<1x16xf32> to vector<16xf32>
          %swap3A_1460 = vector.shape_cast %mul3A_1453 : vector<16xf32> to vector<1x16xf32>
          tpu.vector_store %arg11[%swap3A_1456, %swap3A_1457], %swap3A_1460 {strides = array<i32>} : memref<128x128xf32, #tpu.memory_space<vmem>>, vector<1x16xf32>,
          %add3A_1461 = arith.constant 11 : i32
          %add3A_1462 = arith.addi %mul3A_94, %add3A_1461 : i32
          %get3A_1463 = arith.index_cast %add3A_1462 : i32 to index
          %get3A_1464 = arith.constant 96 : index
          %get3A_1465 = tpu.vector_load %arg11[%get3A_1463, %get3A_1464] {strides = array<i32>} : memref<128x128xf32, #tpu.memory_space<vmem>>, vector<1x16xf32>,
          %get3A_1466 = vector.shape_cast %get3A_1465 : vector<1x16xf32> to vector<16xf32>
          %mul3A_1467 = arith.mulf %get3A_1466, %gather3A_1376 : vector<16xf32>
          %add3A_1468 = arith.constant 11 : i32
          %add3A_1469 = arith.addi %mul3A_94, %add3A_1468 : i32
          %swap3A_1470 = arith.index_cast %add3A_1469 : i32 to index
          %swap3A_1471 = arith.constant 96 : index
          %swap3A_1472 = tpu.vector_load %arg11[%swap3A_1470, %swap3A_1471] {strides = array<i32>} : memref<128x128xf32, #tpu.memory_space<vmem>>, vector<1x16xf32>,
          %swap3A_1473 = vector.shape_cast %swap3A_1472 : vector<1x16xf32> to vector<16xf32>
          %swap3A_1474 = vector.shape_cast %mul3A_1467 : vector<16xf32> to vector<1x16xf32>
          tpu.vector_store %arg11[%swap3A_1470, %swap3A_1471], %swap3A_1474 {strides = array<i32>} : memref<128x128xf32, #tpu.memory_space<vmem>>, vector<1x16xf32>,
          %add3A_1475 = arith.constant 11 : i32
          %add3A_1476 = arith.addi %mul3A_94, %add3A_1475 : i32
          %get3A_1477 = arith.index_cast %add3A_1476 : i32 to index
          %get3A_1478 = arith.constant 112 : index
          %get3A_1479 = tpu.vector_load %arg11[%get3A_1477, %get3A_1478] {strides = array<i32>} : memref<128x128xf32, #tpu.memory_space<vmem>>, vector<1x16xf32>,
          %get3A_1480 = vector.shape_cast %get3A_1479 : vector<1x16xf32> to vector<16xf32>
          %mul3A_1481 = arith.mulf %get3A_1480, %gather3A_1376 : vector<16xf32>
          %add3A_1482 = arith.constant 11 : i32
          %add3A_1483 = arith.addi %mul3A_94, %add3A_1482 : i32
          %swap3A_1484 = arith.index_cast %add3A_1483 : i32 to index
          %swap3A_1485 = arith.constant 112 : index
          %swap3A_1486 = tpu.vector_load %arg11[%swap3A_1484, %swap3A_1485] {strides = array<i32>} : memref<128x128xf32, #tpu.memory_space<vmem>>, vector<1x16xf32>,
          %swap3A_1487 = vector.shape_cast %swap3A_1486 : vector<1x16xf32> to vector<16xf32>
          %swap3A_1488 = vector.shape_cast %mul3A_1481 : vector<16xf32> to vector<1x16xf32>
          tpu.vector_store %arg11[%swap3A_1484, %swap3A_1485], %swap3A_1488 {strides = array<i32>} : memref<128x128xf32, #tpu.memory_space<vmem>>, vector<1x16xf32>,
          %broadcast_in_dim3A_1489 = arith.constant 12 : i32
          %broadcast_in_dim3A_1490 = vector.broadcast %broadcast_in_dim3A_1489 : i32 to vector<16x1xi32>
          %gather3A_1491 = vector.shape_cast %broadcast_in_dim3A_1490 : vector<16x1xi32> to vector<16xi32>
          %gather3A_1492 = tpu.dynamic_gather %get3A_98[%gather3A_1491] in [0] : vector<16xf32>, vector<16xi32> -> vector<16xf32>
          %add3A_1493 = arith.constant 12 : i32
          %add3A_1494 = arith.addi %mul3A_94, %add3A_1493 : i32
          %get3A_1495 = arith.index_cast %add3A_1494 : i32 to index
          %get3A_1496 = arith.constant 0 : index
          %get3A_1497 = tpu.vector_load %arg11[%get3A_1495, %get3A_1496] {strides = array<i32>} : memref<128x128xf32, #tpu.memory_space<vmem>>, vector<1x16xf32>,
          %get3A_1498 = vector.shape_cast %get3A_1497 : vector<1x16xf32> to vector<16xf32>
          %mul3A_1499 = arith.mulf %get3A_1498, %gather3A_1492 : vector<16xf32>
          %add3A_1500 = arith.constant 12 : i32
          %add3A_1501 = arith.addi %mul3A_94, %add3A_1500 : i32
          %swap3A_1502 = arith.index_cast %add3A_1501 : i32 to index
          %swap3A_1503 = arith.constant 0 : index
          %swap3A_1504 = tpu.vector_load %arg11[%swap3A_1502, %swap3A_1503] {strides = array<i32>} : memref<128x128xf32, #tpu.memory_space<vmem>>, vector<1x16xf32>,
          %swap3A_1505 = vector.shape_cast %swap3A_1504 : vector<1x16xf32> to vector<16xf32>
          %swap3A_1506 = vector.shape_cast %mul3A_1499 : vector<16xf32> to vector<1x16xf32>
          tpu.vector_store %arg11[%swap3A_1502, %swap3A_1503], %swap3A_1506 {strides = array<i32>} : memref<128x128xf32, #tpu.memory_space<vmem>>, vector<1x16xf32>,
          %add3A_1507 = arith.constant 12 : i32
          %add3A_1508 = arith.addi %mul3A_94, %add3A_1507 : i32
          %get3A_1509 = arith.index_cast %add3A_1508 : i32 to index
          %get3A_1510 = arith.constant 16 : index
          %get3A_1511 = tpu.vector_load %arg11[%get3A_1509, %get3A_1510] {strides = array<i32>} : memref<128x128xf32, #tpu.memory_space<vmem>>, vector<1x16xf32>,
          %get3A_1512 = vector.shape_cast %get3A_1511 : vector<1x16xf32> to vector<16xf32>
          %mul3A_1513 = arith.mulf %get3A_1512, %gather3A_1492 : vector<16xf32>
          %add3A_1514 = arith.constant 12 : i32
          %add3A_1515 = arith.addi %mul3A_94, %add3A_1514 : i32
          %swap3A_1516 = arith.index_cast %add3A_1515 : i32 to index
          %swap3A_1517 = arith.constant 16 : index
          %swap3A_1518 = tpu.vector_load %arg11[%swap3A_1516, %swap3A_1517] {strides = array<i32>} : memref<128x128xf32, #tpu.memory_space<vmem>>, vector<1x16xf32>,
          %swap3A_1519 = vector.shape_cast %swap3A_1518 : vector<1x16xf32> to vector<16xf32>
          %swap3A_1520 = vector.shape_cast %mul3A_1513 : vector<16xf32> to vector<1x16xf32>
          tpu.vector_store %arg11[%swap3A_1516, %swap3A_1517], %swap3A_1520 {strides = array<i32>} : memref<128x128xf32, #tpu.memory_space<vmem>>, vector<1x16xf32>,
          %add3A_1521 = arith.constant 12 : i32
          %add3A_1522 = arith.addi %mul3A_94, %add3A_1521 : i32
          %get3A_1523 = arith.index_cast %add3A_1522 : i32 to index
          %get3A_1524 = arith.constant 32 : index
          %get3A_1525 = tpu.vector_load %arg11[%get3A_1523, %get3A_1524] {strides = array<i32>} : memref<128x128xf32, #tpu.memory_space<vmem>>, vector<1x16xf32>,
          %get3A_1526 = vector.shape_cast %get3A_1525 : vector<1x16xf32> to vector<16xf32>
          %mul3A_1527 = arith.mulf %get3A_1526, %gather3A_1492 : vector<16xf32>
          %add3A_1528 = arith.constant 12 : i32
          %add3A_1529 = arith.addi %mul3A_94, %add3A_1528 : i32
          %swap3A_1530 = arith.index_cast %add3A_1529 : i32 to index
          %swap3A_1531 = arith.constant 32 : index
          %swap3A_1532 = tpu.vector_load %arg11[%swap3A_1530, %swap3A_1531] {strides = array<i32>} : memref<128x128xf32, #tpu.memory_space<vmem>>, vector<1x16xf32>,
          %swap3A_1533 = vector.shape_cast %swap3A_1532 : vector<1x16xf32> to vector<16xf32>
          %swap3A_1534 = vector.shape_cast %mul3A_1527 : vector<16xf32> to vector<1x16xf32>
          tpu.vector_store %arg11[%swap3A_1530, %swap3A_1531], %swap3A_1534 {strides = array<i32>} : memref<128x128xf32, #tpu.memory_space<vmem>>, vector<1x16xf32>,
          %add3A_1535 = arith.constant 12 : i32
          %add3A_1536 = arith.addi %mul3A_94, %add3A_1535 : i32
          %get3A_1537 = arith.index_cast %add3A_1536 : i32 to index
          %get3A_1538 = arith.constant 48 : index
          %get3A_1539 = tpu.vector_load %arg11[%get3A_1537, %get3A_1538] {strides = array<i32>} : memref<128x128xf32, #tpu.memory_space<vmem>>, vector<1x16xf32>,
          %get3A_1540 = vector.shape_cast %get3A_1539 : vector<1x16xf32> to vector<16xf32>
          %mul3A_1541 = arith.mulf %get3A_1540, %gather3A_1492 : vector<16xf32>
          %add3A_1542 = arith.constant 12 : i32
          %add3A_1543 = arith.addi %mul3A_94, %add3A_1542 : i32
          %swap3A_1544 = arith.index_cast %add3A_1543 : i32 to index
          %swap3A_1545 = arith.constant 48 : index
          %swap3A_1546 = tpu.vector_load %arg11[%swap3A_1544, %swap3A_1545] {strides = array<i32>} : memref<128x128xf32, #tpu.memory_space<vmem>>, vector<1x16xf32>,
          %swap3A_1547 = vector.shape_cast %swap3A_1546 : vector<1x16xf32> to vector<16xf32>
          %swap3A_1548 = vector.shape_cast %mul3A_1541 : vector<16xf32> to vector<1x16xf32>
          tpu.vector_store %arg11[%swap3A_1544, %swap3A_1545], %swap3A_1548 {strides = array<i32>} : memref<128x128xf32, #tpu.memory_space<vmem>>, vector<1x16xf32>,
          %add3A_1549 = arith.constant 12 : i32
          %add3A_1550 = arith.addi %mul3A_94, %add3A_1549 : i32
          %get3A_1551 = arith.index_cast %add3A_1550 : i32 to index
          %get3A_1552 = arith.constant 64 : index
          %get3A_1553 = tpu.vector_load %arg11[%get3A_1551, %get3A_1552] {strides = array<i32>} : memref<128x128xf32, #tpu.memory_space<vmem>>, vector<1x16xf32>,
          %get3A_1554 = vector.shape_cast %get3A_1553 : vector<1x16xf32> to vector<16xf32>
          %mul3A_1555 = arith.mulf %get3A_1554, %gather3A_1492 : vector<16xf32>
          %add3A_1556 = arith.constant 12 : i32
          %add3A_1557 = arith.addi %mul3A_94, %add3A_1556 : i32
          %swap3A_1558 = arith.index_cast %add3A_1557 : i32 to index
          %swap3A_1559 = arith.constant 64 : index
          %swap3A_1560 = tpu.vector_load %arg11[%swap3A_1558, %swap3A_1559] {strides = array<i32>} : memref<128x128xf32, #tpu.memory_space<vmem>>, vector<1x16xf32>,
          %swap3A_1561 = vector.shape_cast %swap3A_1560 : vector<1x16xf32> to vector<16xf32>
          %swap3A_1562 = vector.shape_cast %mul3A_1555 : vector<16xf32> to vector<1x16xf32>
          tpu.vector_store %arg11[%swap3A_1558, %swap3A_1559], %swap3A_1562 {strides = array<i32>} : memref<128x128xf32, #tpu.memory_space<vmem>>, vector<1x16xf32>,
          %add3A_1563 = arith.constant 12 : i32
          %add3A_1564 = arith.addi %mul3A_94, %add3A_1563 : i32
          %get3A_1565 = arith.index_cast %add3A_1564 : i32 to index
          %get3A_1566 = arith.constant 80 : index
          %get3A_1567 = tpu.vector_load %arg11[%get3A_1565, %get3A_1566] {strides = array<i32>} : memref<128x128xf32, #tpu.memory_space<vmem>>, vector<1x16xf32>,
          %get3A_1568 = vector.shape_cast %get3A_1567 : vector<1x16xf32> to vector<16xf32>
          %mul3A_1569 = arith.mulf %get3A_1568, %gather3A_1492 : vector<16xf32>
          %add3A_1570 = arith.constant 12 : i32
          %add3A_1571 = arith.addi %mul3A_94, %add3A_1570 : i32
          %swap3A_1572 = arith.index_cast %add3A_1571 : i32 to index
          %swap3A_1573 = arith.constant 80 : index
          %swap3A_1574 = tpu.vector_load %arg11[%swap3A_1572, %swap3A_1573] {strides = array<i32>} : memref<128x128xf32, #tpu.memory_space<vmem>>, vector<1x16xf32>,
          %swap3A_1575 = vector.shape_cast %swap3A_1574 : vector<1x16xf32> to vector<16xf32>
          %swap3A_1576 = vector.shape_cast %mul3A_1569 : vector<16xf32> to vector<1x16xf32>
          tpu.vector_store %arg11[%swap3A_1572, %swap3A_1573], %swap3A_1576 {strides = array<i32>} : memref<128x128xf32, #tpu.memory_space<vmem>>, vector<1x16xf32>,
          %add3A_1577 = arith.constant 12 : i32
          %add3A_1578 = arith.addi %mul3A_94, %add3A_1577 : i32
          %get3A_1579 = arith.index_cast %add3A_1578 : i32 to index
          %get3A_1580 = arith.constant 96 : index
          %get3A_1581 = tpu.vector_load %arg11[%get3A_1579, %get3A_1580] {strides = array<i32>} : memref<128x128xf32, #tpu.memory_space<vmem>>, vector<1x16xf32>,
          %get3A_1582 = vector.shape_cast %get3A_1581 : vector<1x16xf32> to vector<16xf32>
          %mul3A_1583 = arith.mulf %get3A_1582, %gather3A_1492 : vector<16xf32>
          %add3A_1584 = arith.constant 12 : i32
          %add3A_1585 = arith.addi %mul3A_94, %add3A_1584 : i32
          %swap3A_1586 = arith.index_cast %add3A_1585 : i32 to index
          %swap3A_1587 = arith.constant 96 : index
          %swap3A_1588 = tpu.vector_load %arg11[%swap3A_1586, %swap3A_1587] {strides = array<i32>} : memref<128x128xf32, #tpu.memory_space<vmem>>, vector<1x16xf32>,
          %swap3A_1589 = vector.shape_cast %swap3A_1588 : vector<1x16xf32> to vector<16xf32>
          %swap3A_1590 = vector.shape_cast %mul3A_1583 : vector<16xf32> to vector<1x16xf32>
          tpu.vector_store %arg11[%swap3A_1586, %swap3A_1587], %swap3A_1590 {strides = array<i32>} : memref<128x128xf32, #tpu.memory_space<vmem>>, vector<1x16xf32>,
          %add3A_1591 = arith.constant 12 : i32
          %add3A_1592 = arith.addi %mul3A_94, %add3A_1591 : i32
          %get3A_1593 = arith.index_cast %add3A_1592 : i32 to index
          %get3A_1594 = arith.constant 112 : index
          %get3A_1595 = tpu.vector_load %arg11[%get3A_1593, %get3A_1594] {strides = array<i32>} : memref<128x128xf32, #tpu.memory_space<vmem>>, vector<1x16xf32>,
          %get3A_1596 = vector.shape_cast %get3A_1595 : vector<1x16xf32> to vector<16xf32>
          %mul3A_1597 = arith.mulf %get3A_1596, %gather3A_1492 : vector<16xf32>
          %add3A_1598 = arith.constant 12 : i32
          %add3A_1599 = arith.addi %mul3A_94, %add3A_1598 : i32
          %swap3A_1600 = arith.index_cast %add3A_1599 : i32 to index
          %swap3A_1601 = arith.constant 112 : index
          %swap3A_1602 = tpu.vector_load %arg11[%swap3A_1600, %swap3A_1601] {strides = array<i32>} : memref<128x128xf32, #tpu.memory_space<vmem>>, vector<1x16xf32>,
          %swap3A_1603 = vector.shape_cast %swap3A_1602 : vector<1x16xf32> to vector<16xf32>
          %swap3A_1604 = vector.shape_cast %mul3A_1597 : vector<16xf32> to vector<1x16xf32>
          tpu.vector_store %arg11[%swap3A_1600, %swap3A_1601], %swap3A_1604 {strides = array<i32>} : memref<128x128xf32, #tpu.memory_space<vmem>>, vector<1x16xf32>,
          %broadcast_in_dim3A_1605 = arith.constant 13 : i32
          %broadcast_in_dim3A_1606 = vector.broadcast %broadcast_in_dim3A_1605 : i32 to vector<16x1xi32>
          %gather3A_1607 = vector.shape_cast %broadcast_in_dim3A_1606 : vector<16x1xi32> to vector<16xi32>
          %gather3A_1608 = tpu.dynamic_gather %get3A_98[%gather3A_1607] in [0] : vector<16xf32>, vector<16xi32> -> vector<16xf32>
          %add3A_1609 = arith.constant 13 : i32
          %add3A_1610 = arith.addi %mul3A_94, %add3A_1609 : i32
          %get3A_1611 = arith.index_cast %add3A_1610 : i32 to index
          %get3A_1612 = arith.constant 0 : index
          %get3A_1613 = tpu.vector_load %arg11[%get3A_1611, %get3A_1612] {strides = array<i32>} : memref<128x128xf32, #tpu.memory_space<vmem>>, vector<1x16xf32>,
          %get3A_1614 = vector.shape_cast %get3A_1613 : vector<1x16xf32> to vector<16xf32>
          %mul3A_1615 = arith.mulf %get3A_1614, %gather3A_1608 : vector<16xf32>
          %add3A_1616 = arith.constant 13 : i32
          %add3A_1617 = arith.addi %mul3A_94, %add3A_1616 : i32
          %swap3A_1618 = arith.index_cast %add3A_1617 : i32 to index
          %swap3A_1619 = arith.constant 0 : index
          %swap3A_1620 = tpu.vector_load %arg11[%swap3A_1618, %swap3A_1619] {strides = array<i32>} : memref<128x128xf32, #tpu.memory_space<vmem>>, vector<1x16xf32>,
          %swap3A_1621 = vector.shape_cast %swap3A_1620 : vector<1x16xf32> to vector<16xf32>
          %swap3A_1622 = vector.shape_cast %mul3A_1615 : vector<16xf32> to vector<1x16xf32>
          tpu.vector_store %arg11[%swap3A_1618, %swap3A_1619], %swap3A_1622 {strides = array<i32>} : memref<128x128xf32, #tpu.memory_space<vmem>>, vector<1x16xf32>,
          %add3A_1623 = arith.constant 13 : i32
          %add3A_1624 = arith.addi %mul3A_94, %add3A_1623 : i32
          %get3A_1625 = arith.index_cast %add3A_1624 : i32 to index
          %get3A_1626 = arith.constant 16 : index
          %get3A_1627 = tpu.vector_load %arg11[%get3A_1625, %get3A_1626] {strides = array<i32>} : memref<128x128xf32, #tpu.memory_space<vmem>>, vector<1x16xf32>,
          %get3A_1628 = vector.shape_cast %get3A_1627 : vector<1x16xf32> to vector<16xf32>
          %mul3A_1629 = arith.mulf %get3A_1628, %gather3A_1608 : vector<16xf32>
          %add3A_1630 = arith.constant 13 : i32
          %add3A_1631 = arith.addi %mul3A_94, %add3A_1630 : i32
          %swap3A_1632 = arith.index_cast %add3A_1631 : i32 to index
          %swap3A_1633 = arith.constant 16 : index
          %swap3A_1634 = tpu.vector_load %arg11[%swap3A_1632, %swap3A_1633] {strides = array<i32>} : memref<128x128xf32, #tpu.memory_space<vmem>>, vector<1x16xf32>,
          %swap3A_1635 = vector.shape_cast %swap3A_1634 : vector<1x16xf32> to vector<16xf32>
          %swap3A_1636 = vector.shape_cast %mul3A_1629 : vector<16xf32> to vector<1x16xf32>
          tpu.vector_store %arg11[%swap3A_1632, %swap3A_1633], %swap3A_1636 {strides = array<i32>} : memref<128x128xf32, #tpu.memory_space<vmem>>, vector<1x16xf32>,
          %add3A_1637 = arith.constant 13 : i32
          %add3A_1638 = arith.addi %mul3A_94, %add3A_1637 : i32
          %get3A_1639 = arith.index_cast %add3A_1638 : i32 to index
          %get3A_1640 = arith.constant 32 : index
          %get3A_1641 = tpu.vector_load %arg11[%get3A_1639, %get3A_1640] {strides = array<i32>} : memref<128x128xf32, #tpu.memory_space<vmem>>, vector<1x16xf32>,
          %get3A_1642 = vector.shape_cast %get3A_1641 : vector<1x16xf32> to vector<16xf32>
          %mul3A_1643 = arith.mulf %get3A_1642, %gather3A_1608 : vector<16xf32>
          %add3A_1644 = arith.constant 13 : i32
          %add3A_1645 = arith.addi %mul3A_94, %add3A_1644 : i32
          %swap3A_1646 = arith.index_cast %add3A_1645 : i32 to index
          %swap3A_1647 = arith.constant 32 : index
          %swap3A_1648 = tpu.vector_load %arg11[%swap3A_1646, %swap3A_1647] {strides = array<i32>} : memref<128x128xf32, #tpu.memory_space<vmem>>, vector<1x16xf32>,
          %swap3A_1649 = vector.shape_cast %swap3A_1648 : vector<1x16xf32> to vector<16xf32>
          %swap3A_1650 = vector.shape_cast %mul3A_1643 : vector<16xf32> to vector<1x16xf32>
          tpu.vector_store %arg11[%swap3A_1646, %swap3A_1647], %swap3A_1650 {strides = array<i32>} : memref<128x128xf32, #tpu.memory_space<vmem>>, vector<1x16xf32>,
          %add3A_1651 = arith.constant 13 : i32
          %add3A_1652 = arith.addi %mul3A_94, %add3A_1651 : i32
          %get3A_1653 = arith.index_cast %add3A_1652 : i32 to index
          %get3A_1654 = arith.constant 48 : index
          %get3A_1655 = tpu.vector_load %arg11[%get3A_1653, %get3A_1654] {strides = array<i32>} : memref<128x128xf32, #tpu.memory_space<vmem>>, vector<1x16xf32>,
          %get3A_1656 = vector.shape_cast %get3A_1655 : vector<1x16xf32> to vector<16xf32>
          %mul3A_1657 = arith.mulf %get3A_1656, %gather3A_1608 : vector<16xf32>
          %add3A_1658 = arith.constant 13 : i32
          %add3A_1659 = arith.addi %mul3A_94, %add3A_1658 : i32
          %swap3A_1660 = arith.index_cast %add3A_1659 : i32 to index
          %swap3A_1661 = arith.constant 48 : index
          %swap3A_1662 = tpu.vector_load %arg11[%swap3A_1660, %swap3A_1661] {strides = array<i32>} : memref<128x128xf32, #tpu.memory_space<vmem>>, vector<1x16xf32>,
          %swap3A_1663 = vector.shape_cast %swap3A_1662 : vector<1x16xf32> to vector<16xf32>
          %swap3A_1664 = vector.shape_cast %mul3A_1657 : vector<16xf32> to vector<1x16xf32>
          tpu.vector_store %arg11[%swap3A_1660, %swap3A_1661], %swap3A_1664 {strides = array<i32>} : memref<128x128xf32, #tpu.memory_space<vmem>>, vector<1x16xf32>,
          %add3A_1665 = arith.constant 13 : i32
          %add3A_1666 = arith.addi %mul3A_94, %add3A_1665 : i32
          %get3A_1667 = arith.index_cast %add3A_1666 : i32 to index
          %get3A_1668 = arith.constant 64 : index
          %get3A_1669 = tpu.vector_load %arg11[%get3A_1667, %get3A_1668] {strides = array<i32>} : memref<128x128xf32, #tpu.memory_space<vmem>>, vector<1x16xf32>,
          %get3A_1670 = vector.shape_cast %get3A_1669 : vector<1x16xf32> to vector<16xf32>
          %mul3A_1671 = arith.mulf %get3A_1670, %gather3A_1608 : vector<16xf32>
          %add3A_1672 = arith.constant 13 : i32
          %add3A_1673 = arith.addi %mul3A_94, %add3A_1672 : i32
          %swap3A_1674 = arith.index_cast %add3A_1673 : i32 to index
          %swap3A_1675 = arith.constant 64 : index
          %swap3A_1676 = tpu.vector_load %arg11[%swap3A_1674, %swap3A_1675] {strides = array<i32>} : memref<128x128xf32, #tpu.memory_space<vmem>>, vector<1x16xf32>,
          %swap3A_1677 = vector.shape_cast %swap3A_1676 : vector<1x16xf32> to vector<16xf32>
          %swap3A_1678 = vector.shape_cast %mul3A_1671 : vector<16xf32> to vector<1x16xf32>
          tpu.vector_store %arg11[%swap3A_1674, %swap3A_1675], %swap3A_1678 {strides = array<i32>} : memref<128x128xf32, #tpu.memory_space<vmem>>, vector<1x16xf32>,
          %add3A_1679 = arith.constant 13 : i32
          %add3A_1680 = arith.addi %mul3A_94, %add3A_1679 : i32
          %get3A_1681 = arith.index_cast %add3A_1680 : i32 to index
          %get3A_1682 = arith.constant 80 : index
          %get3A_1683 = tpu.vector_load %arg11[%get3A_1681, %get3A_1682] {strides = array<i32>} : memref<128x128xf32, #tpu.memory_space<vmem>>, vector<1x16xf32>,
          %get3A_1684 = vector.shape_cast %get3A_1683 : vector<1x16xf32> to vector<16xf32>
          %mul3A_1685 = arith.mulf %get3A_1684, %gather3A_1608 : vector<16xf32>
          %add3A_1686 = arith.constant 13 : i32
          %add3A_1687 = arith.addi %mul3A_94, %add3A_1686 : i32
          %swap3A_1688 = arith.index_cast %add3A_1687 : i32 to index
          %swap3A_1689 = arith.constant 80 : index
          %swap3A_1690 = tpu.vector_load %arg11[%swap3A_1688, %swap3A_1689] {strides = array<i32>} : memref<128x128xf32, #tpu.memory_space<vmem>>, vector<1x16xf32>,
          %swap3A_1691 = vector.shape_cast %swap3A_1690 : vector<1x16xf32> to vector<16xf32>
          %swap3A_1692 = vector.shape_cast %mul3A_1685 : vector<16xf32> to vector<1x16xf32>
          tpu.vector_store %arg11[%swap3A_1688, %swap3A_1689], %swap3A_1692 {strides = array<i32>} : memref<128x128xf32, #tpu.memory_space<vmem>>, vector<1x16xf32>,
          %add3A_1693 = arith.constant 13 : i32
          %add3A_1694 = arith.addi %mul3A_94, %add3A_1693 : i32
          %get3A_1695 = arith.index_cast %add3A_1694 : i32 to index
          %get3A_1696 = arith.constant 96 : index
          %get3A_1697 = tpu.vector_load %arg11[%get3A_1695, %get3A_1696] {strides = array<i32>} : memref<128x128xf32, #tpu.memory_space<vmem>>, vector<1x16xf32>,
          %get3A_1698 = vector.shape_cast %get3A_1697 : vector<1x16xf32> to vector<16xf32>
          %mul3A_1699 = arith.mulf %get3A_1698, %gather3A_1608 : vector<16xf32>
          %add3A_1700 = arith.constant 13 : i32
          %add3A_1701 = arith.addi %mul3A_94, %add3A_1700 : i32
          %swap3A_1702 = arith.index_cast %add3A_1701 : i32 to index
          %swap3A_1703 = arith.constant 96 : index
          %swap3A_1704 = tpu.vector_load %arg11[%swap3A_1702, %swap3A_1703] {strides = array<i32>} : memref<128x128xf32, #tpu.memory_space<vmem>>, vector<1x16xf32>,
          %swap3A_1705 = vector.shape_cast %swap3A_1704 : vector<1x16xf32> to vector<16xf32>
          %swap3A_1706 = vector.shape_cast %mul3A_1699 : vector<16xf32> to vector<1x16xf32>
          tpu.vector_store %arg11[%swap3A_1702, %swap3A_1703], %swap3A_1706 {strides = array<i32>} : memref<128x128xf32, #tpu.memory_space<vmem>>, vector<1x16xf32>,
          %add3A_1707 = arith.constant 13 : i32
          %add3A_1708 = arith.addi %mul3A_94, %add3A_1707 : i32
          %get3A_1709 = arith.index_cast %add3A_1708 : i32 to index
          %get3A_1710 = arith.constant 112 : index
          %get3A_1711 = tpu.vector_load %arg11[%get3A_1709, %get3A_1710] {strides = array<i32>} : memref<128x128xf32, #tpu.memory_space<vmem>>, vector<1x16xf32>,
          %get3A_1712 = vector.shape_cast %get3A_1711 : vector<1x16xf32> to vector<16xf32>
          %mul3A_1713 = arith.mulf %get3A_1712, %gather3A_1608 : vector<16xf32>
          %add3A_1714 = arith.constant 13 : i32
          %add3A_1715 = arith.addi %mul3A_94, %add3A_1714 : i32
          %swap3A_1716 = arith.index_cast %add3A_1715 : i32 to index
          %swap3A_1717 = arith.constant 112 : index
          %swap3A_1718 = tpu.vector_load %arg11[%swap3A_1716, %swap3A_1717] {strides = array<i32>} : memref<128x128xf32, #tpu.memory_space<vmem>>, vector<1x16xf32>,
          %swap3A_1719 = vector.shape_cast %swap3A_1718 : vector<1x16xf32> to vector<16xf32>
          %swap3A_1720 = vector.shape_cast %mul3A_1713 : vector<16xf32> to vector<1x16xf32>
          tpu.vector_store %arg11[%swap3A_1716, %swap3A_1717], %swap3A_1720 {strides = array<i32>} : memref<128x128xf32, #tpu.memory_space<vmem>>, vector<1x16xf32>,
          %broadcast_in_dim3A_1721 = arith.constant 14 : i32
          %broadcast_in_dim3A_1722 = vector.broadcast %broadcast_in_dim3A_1721 : i32 to vector<16x1xi32>
          %gather3A_1723 = vector.shape_cast %broadcast_in_dim3A_1722 : vector<16x1xi32> to vector<16xi32>
          %gather3A_1724 = tpu.dynamic_gather %get3A_98[%gather3A_1723] in [0] : vector<16xf32>, vector<16xi32> -> vector<16xf32>
          %add3A_1725 = arith.constant 14 : i32
          %add3A_1726 = arith.addi %mul3A_94, %add3A_1725 : i32
          %get3A_1727 = arith.index_cast %add3A_1726 : i32 to index
          %get3A_1728 = arith.constant 0 : index
          %get3A_1729 = tpu.vector_load %arg11[%get3A_1727, %get3A_1728] {strides = array<i32>} : memref<128x128xf32, #tpu.memory_space<vmem>>, vector<1x16xf32>,
          %get3A_1730 = vector.shape_cast %get3A_1729 : vector<1x16xf32> to vector<16xf32>
          %mul3A_1731 = arith.mulf %get3A_1730, %gather3A_1724 : vector<16xf32>
          %add3A_1732 = arith.constant 14 : i32
          %add3A_1733 = arith.addi %mul3A_94, %add3A_1732 : i32
          %swap3A_1734 = arith.index_cast %add3A_1733 : i32 to index
          %swap3A_1735 = arith.constant 0 : index
          %swap3A_1736 = tpu.vector_load %arg11[%swap3A_1734, %swap3A_1735] {strides = array<i32>} : memref<128x128xf32, #tpu.memory_space<vmem>>, vector<1x16xf32>,
          %swap3A_1737 = vector.shape_cast %swap3A_1736 : vector<1x16xf32> to vector<16xf32>
          %swap3A_1738 = vector.shape_cast %mul3A_1731 : vector<16xf32> to vector<1x16xf32>
          tpu.vector_store %arg11[%swap3A_1734, %swap3A_1735], %swap3A_1738 {strides = array<i32>} : memref<128x128xf32, #tpu.memory_space<vmem>>, vector<1x16xf32>,
          %add3A_1739 = arith.constant 14 : i32
          %add3A_1740 = arith.addi %mul3A_94, %add3A_1739 : i32
          %get3A_1741 = arith.index_cast %add3A_1740 : i32 to index
          %get3A_1742 = arith.constant 16 : index
          %get3A_1743 = tpu.vector_load %arg11[%get3A_1741, %get3A_1742] {strides = array<i32>} : memref<128x128xf32, #tpu.memory_space<vmem>>, vector<1x16xf32>,
          %get3A_1744 = vector.shape_cast %get3A_1743 : vector<1x16xf32> to vector<16xf32>
          %mul3A_1745 = arith.mulf %get3A_1744, %gather3A_1724 : vector<16xf32>
          %add3A_1746 = arith.constant 14 : i32
          %add3A_1747 = arith.addi %mul3A_94, %add3A_1746 : i32
          %swap3A_1748 = arith.index_cast %add3A_1747 : i32 to index
          %swap3A_1749 = arith.constant 16 : index
          %swap3A_1750 = tpu.vector_load %arg11[%swap3A_1748, %swap3A_1749] {strides = array<i32>} : memref<128x128xf32, #tpu.memory_space<vmem>>, vector<1x16xf32>,
          %swap3A_1751 = vector.shape_cast %swap3A_1750 : vector<1x16xf32> to vector<16xf32>
          %swap3A_1752 = vector.shape_cast %mul3A_1745 : vector<16xf32> to vector<1x16xf32>
          tpu.vector_store %arg11[%swap3A_1748, %swap3A_1749], %swap3A_1752 {strides = array<i32>} : memref<128x128xf32, #tpu.memory_space<vmem>>, vector<1x16xf32>,
          %add3A_1753 = arith.constant 14 : i32
          %add3A_1754 = arith.addi %mul3A_94, %add3A_1753 : i32
          %get3A_1755 = arith.index_cast %add3A_1754 : i32 to index
          %get3A_1756 = arith.constant 32 : index
          %get3A_1757 = tpu.vector_load %arg11[%get3A_1755, %get3A_1756] {strides = array<i32>} : memref<128x128xf32, #tpu.memory_space<vmem>>, vector<1x16xf32>,
          %get3A_1758 = vector.shape_cast %get3A_1757 : vector<1x16xf32> to vector<16xf32>
          %mul3A_1759 = arith.mulf %get3A_1758, %gather3A_1724 : vector<16xf32>
          %add3A_1760 = arith.constant 14 : i32
          %add3A_1761 = arith.addi %mul3A_94, %add3A_1760 : i32
          %swap3A_1762 = arith.index_cast %add3A_1761 : i32 to index
          %swap3A_1763 = arith.constant 32 : index
          %swap3A_1764 = tpu.vector_load %arg11[%swap3A_1762, %swap3A_1763] {strides = array<i32>} : memref<128x128xf32, #tpu.memory_space<vmem>>, vector<1x16xf32>,
          %swap3A_1765 = vector.shape_cast %swap3A_1764 : vector<1x16xf32> to vector<16xf32>
          %swap3A_1766 = vector.shape_cast %mul3A_1759 : vector<16xf32> to vector<1x16xf32>
          tpu.vector_store %arg11[%swap3A_1762, %swap3A_1763], %swap3A_1766 {strides = array<i32>} : memref<128x128xf32, #tpu.memory_space<vmem>>, vector<1x16xf32>,
          %add3A_1767 = arith.constant 14 : i32
          %add3A_1768 = arith.addi %mul3A_94, %add3A_1767 : i32
          %get3A_1769 = arith.index_cast %add3A_1768 : i32 to index
          %get3A_1770 = arith.constant 48 : index
          %get3A_1771 = tpu.vector_load %arg11[%get3A_1769, %get3A_1770] {strides = array<i32>} : memref<128x128xf32, #tpu.memory_space<vmem>>, vector<1x16xf32>,
          %get3A_1772 = vector.shape_cast %get3A_1771 : vector<1x16xf32> to vector<16xf32>
          %mul3A_1773 = arith.mulf %get3A_1772, %gather3A_1724 : vector<16xf32>
          %add3A_1774 = arith.constant 14 : i32
          %add3A_1775 = arith.addi %mul3A_94, %add3A_1774 : i32
          %swap3A_1776 = arith.index_cast %add3A_1775 : i32 to index
          %swap3A_1777 = arith.constant 48 : index
          %swap3A_1778 = tpu.vector_load %arg11[%swap3A_1776, %swap3A_1777] {strides = array<i32>} : memref<128x128xf32, #tpu.memory_space<vmem>>, vector<1x16xf32>,
          %swap3A_1779 = vector.shape_cast %swap3A_1778 : vector<1x16xf32> to vector<16xf32>
          %swap3A_1780 = vector.shape_cast %mul3A_1773 : vector<16xf32> to vector<1x16xf32>
          tpu.vector_store %arg11[%swap3A_1776, %swap3A_1777], %swap3A_1780 {strides = array<i32>} : memref<128x128xf32, #tpu.memory_space<vmem>>, vector<1x16xf32>,
          %add3A_1781 = arith.constant 14 : i32
          %add3A_1782 = arith.addi %mul3A_94, %add3A_1781 : i32
          %get3A_1783 = arith.index_cast %add3A_1782 : i32 to index
          %get3A_1784 = arith.constant 64 : index
          %get3A_1785 = tpu.vector_load %arg11[%get3A_1783, %get3A_1784] {strides = array<i32>} : memref<128x128xf32, #tpu.memory_space<vmem>>, vector<1x16xf32>,
          %get3A_1786 = vector.shape_cast %get3A_1785 : vector<1x16xf32> to vector<16xf32>
          %mul3A_1787 = arith.mulf %get3A_1786, %gather3A_1724 : vector<16xf32>
          %add3A_1788 = arith.constant 14 : i32
          %add3A_1789 = arith.addi %mul3A_94, %add3A_1788 : i32
          %swap3A_1790 = arith.index_cast %add3A_1789 : i32 to index
          %swap3A_1791 = arith.constant 64 : index
          %swap3A_1792 = tpu.vector_load %arg11[%swap3A_1790, %swap3A_1791] {strides = array<i32>} : memref<128x128xf32, #tpu.memory_space<vmem>>, vector<1x16xf32>,
          %swap3A_1793 = vector.shape_cast %swap3A_1792 : vector<1x16xf32> to vector<16xf32>
          %swap3A_1794 = vector.shape_cast %mul3A_1787 : vector<16xf32> to vector<1x16xf32>
          tpu.vector_store %arg11[%swap3A_1790, %swap3A_1791], %swap3A_1794 {strides = array<i32>} : memref<128x128xf32, #tpu.memory_space<vmem>>, vector<1x16xf32>,
          %add3A_1795 = arith.constant 14 : i32
          %add3A_1796 = arith.addi %mul3A_94, %add3A_1795 : i32
          %get3A_1797 = arith.index_cast %add3A_1796 : i32 to index
          %get3A_1798 = arith.constant 80 : index
          %get3A_1799 = tpu.vector_load %arg11[%get3A_1797, %get3A_1798] {strides = array<i32>} : memref<128x128xf32, #tpu.memory_space<vmem>>, vector<1x16xf32>,
          %get3A_1800 = vector.shape_cast %get3A_1799 : vector<1x16xf32> to vector<16xf32>
          %mul3A_1801 = arith.mulf %get3A_1800, %gather3A_1724 : vector<16xf32>
          %add3A_1802 = arith.constant 14 : i32
          %add3A_1803 = arith.addi %mul3A_94, %add3A_1802 : i32
          %swap3A_1804 = arith.index_cast %add3A_1803 : i32 to index
          %swap3A_1805 = arith.constant 80 : index
          %swap3A_1806 = tpu.vector_load %arg11[%swap3A_1804, %swap3A_1805] {strides = array<i32>} : memref<128x128xf32, #tpu.memory_space<vmem>>, vector<1x16xf32>,
          %swap3A_1807 = vector.shape_cast %swap3A_1806 : vector<1x16xf32> to vector<16xf32>
          %swap3A_1808 = vector.shape_cast %mul3A_1801 : vector<16xf32> to vector<1x16xf32>
          tpu.vector_store %arg11[%swap3A_1804, %swap3A_1805], %swap3A_1808 {strides = array<i32>} : memref<128x128xf32, #tpu.memory_space<vmem>>, vector<1x16xf32>,
          %add3A_1809 = arith.constant 14 : i32
          %add3A_1810 = arith.addi %mul3A_94, %add3A_1809 : i32
          %get3A_1811 = arith.index_cast %add3A_1810 : i32 to index
          %get3A_1812 = arith.constant 96 : index
          %get3A_1813 = tpu.vector_load %arg11[%get3A_1811, %get3A_1812] {strides = array<i32>} : memref<128x128xf32, #tpu.memory_space<vmem>>, vector<1x16xf32>,
          %get3A_1814 = vector.shape_cast %get3A_1813 : vector<1x16xf32> to vector<16xf32>
          %mul3A_1815 = arith.mulf %get3A_1814, %gather3A_1724 : vector<16xf32>
          %add3A_1816 = arith.constant 14 : i32
          %add3A_1817 = arith.addi %mul3A_94, %add3A_1816 : i32
          %swap3A_1818 = arith.index_cast %add3A_1817 : i32 to index
          %swap3A_1819 = arith.constant 96 : index
          %swap3A_1820 = tpu.vector_load %arg11[%swap3A_1818, %swap3A_1819] {strides = array<i32>} : memref<128x128xf32, #tpu.memory_space<vmem>>, vector<1x16xf32>,
          %swap3A_1821 = vector.shape_cast %swap3A_1820 : vector<1x16xf32> to vector<16xf32>
          %swap3A_1822 = vector.shape_cast %mul3A_1815 : vector<16xf32> to vector<1x16xf32>
          tpu.vector_store %arg11[%swap3A_1818, %swap3A_1819], %swap3A_1822 {strides = array<i32>} : memref<128x128xf32, #tpu.memory_space<vmem>>, vector<1x16xf32>,
          %add3A_1823 = arith.constant 14 : i32
          %add3A_1824 = arith.addi %mul3A_94, %add3A_1823 : i32
          %get3A_1825 = arith.index_cast %add3A_1824 : i32 to index
          %get3A_1826 = arith.constant 112 : index
          %get3A_1827 = tpu.vector_load %arg11[%get3A_1825, %get3A_1826] {strides = array<i32>} : memref<128x128xf32, #tpu.memory_space<vmem>>, vector<1x16xf32>,
          %get3A_1828 = vector.shape_cast %get3A_1827 : vector<1x16xf32> to vector<16xf32>
          %mul3A_1829 = arith.mulf %get3A_1828, %gather3A_1724 : vector<16xf32>
          %add3A_1830 = arith.constant 14 : i32
          %add3A_1831 = arith.addi %mul3A_94, %add3A_1830 : i32
          %swap3A_1832 = arith.index_cast %add3A_1831 : i32 to index
          %swap3A_1833 = arith.constant 112 : index
          %swap3A_1834 = tpu.vector_load %arg11[%swap3A_1832, %swap3A_1833] {strides = array<i32>} : memref<128x128xf32, #tpu.memory_space<vmem>>, vector<1x16xf32>,
          %swap3A_1835 = vector.shape_cast %swap3A_1834 : vector<1x16xf32> to vector<16xf32>
          %swap3A_1836 = vector.shape_cast %mul3A_1829 : vector<16xf32> to vector<1x16xf32>
          tpu.vector_store %arg11[%swap3A_1832, %swap3A_1833], %swap3A_1836 {strides = array<i32>} : memref<128x128xf32, #tpu.memory_space<vmem>>, vector<1x16xf32>,
          %broadcast_in_dim3A_1837 = arith.constant 15 : i32
          %broadcast_in_dim3A_1838 = vector.broadcast %broadcast_in_dim3A_1837 : i32 to vector<16x1xi32>
          %gather3A_1839 = vector.shape_cast %broadcast_in_dim3A_1838 : vector<16x1xi32> to vector<16xi32>
          %gather3A_1840 = tpu.dynamic_gather %get3A_98[%gather3A_1839] in [0] : vector<16xf32>, vector<16xi32> -> vector<16xf32>
          %add3A_1841 = arith.constant 15 : i32
          %add3A_1842 = arith.addi %mul3A_94, %add3A_1841 : i32
          %get3A_1843 = arith.index_cast %add3A_1842 : i32 to index
          %get3A_1844 = arith.constant 0 : index
          %get3A_1845 = tpu.vector_load %arg11[%get3A_1843, %get3A_1844] {strides = array<i32>} : memref<128x128xf32, #tpu.memory_space<vmem>>, vector<1x16xf32>,
          %get3A_1846 = vector.shape_cast %get3A_1845 : vector<1x16xf32> to vector<16xf32>
          %mul3A_1847 = arith.mulf %get3A_1846, %gather3A_1840 : vector<16xf32>
          %add3A_1848 = arith.constant 15 : i32
          %add3A_1849 = arith.addi %mul3A_94, %add3A_1848 : i32
          %swap3A_1850 = arith.index_cast %add3A_1849 : i32 to index
          %swap3A_1851 = arith.constant 0 : index
          %swap3A_1852 = tpu.vector_load %arg11[%swap3A_1850, %swap3A_1851] {strides = array<i32>} : memref<128x128xf32, #tpu.memory_space<vmem>>, vector<1x16xf32>,
          %swap3A_1853 = vector.shape_cast %swap3A_1852 : vector<1x16xf32> to vector<16xf32>
          %swap3A_1854 = vector.shape_cast %mul3A_1847 : vector<16xf32> to vector<1x16xf32>
          tpu.vector_store %arg11[%swap3A_1850, %swap3A_1851], %swap3A_1854 {strides = array<i32>} : memref<128x128xf32, #tpu.memory_space<vmem>>, vector<1x16xf32>,
          %add3A_1855 = arith.constant 15 : i32
          %add3A_1856 = arith.addi %mul3A_94, %add3A_1855 : i32
          %get3A_1857 = arith.index_cast %add3A_1856 : i32 to index
          %get3A_1858 = arith.constant 16 : index
          %get3A_1859 = tpu.vector_load %arg11[%get3A_1857, %get3A_1858] {strides = array<i32>} : memref<128x128xf32, #tpu.memory_space<vmem>>, vector<1x16xf32>,
          %get3A_1860 = vector.shape_cast %get3A_1859 : vector<1x16xf32> to vector<16xf32>
          %mul3A_1861 = arith.mulf %get3A_1860, %gather3A_1840 : vector<16xf32>
          %add3A_1862 = arith.constant 15 : i32
          %add3A_1863 = arith.addi %mul3A_94, %add3A_1862 : i32
          %swap3A_1864 = arith.index_cast %add3A_1863 : i32 to index
          %swap3A_1865 = arith.constant 16 : index
          %swap3A_1866 = tpu.vector_load %arg11[%swap3A_1864, %swap3A_1865] {strides = array<i32>} : memref<128x128xf32, #tpu.memory_space<vmem>>, vector<1x16xf32>,
          %swap3A_1867 = vector.shape_cast %swap3A_1866 : vector<1x16xf32> to vector<16xf32>
          %swap3A_1868 = vector.shape_cast %mul3A_1861 : vector<16xf32> to vector<1x16xf32>
          tpu.vector_store %arg11[%swap3A_1864, %swap3A_1865], %swap3A_1868 {strides = array<i32>} : memref<128x128xf32, #tpu.memory_space<vmem>>, vector<1x16xf32>,
          %add3A_1869 = arith.constant 15 : i32
          %add3A_1870 = arith.addi %mul3A_94, %add3A_1869 : i32
          %get3A_1871 = arith.index_cast %add3A_1870 : i32 to index
          %get3A_1872 = arith.constant 32 : index
          %get3A_1873 = tpu.vector_load %arg11[%get3A_1871, %get3A_1872] {strides = array<i32>} : memref<128x128xf32, #tpu.memory_space<vmem>>, vector<1x16xf32>,
          %get3A_1874 = vector.shape_cast %get3A_1873 : vector<1x16xf32> to vector<16xf32>
          %mul3A_1875 = arith.mulf %get3A_1874, %gather3A_1840 : vector<16xf32>
          %add3A_1876 = arith.constant 15 : i32
          %add3A_1877 = arith.addi %mul3A_94, %add3A_1876 : i32
          %swap3A_1878 = arith.index_cast %add3A_1877 : i32 to index
          %swap3A_1879 = arith.constant 32 : index
          %swap3A_1880 = tpu.vector_load %arg11[%swap3A_1878, %swap3A_1879] {strides = array<i32>} : memref<128x128xf32, #tpu.memory_space<vmem>>, vector<1x16xf32>,
          %swap3A_1881 = vector.shape_cast %swap3A_1880 : vector<1x16xf32> to vector<16xf32>
          %swap3A_1882 = vector.shape_cast %mul3A_1875 : vector<16xf32> to vector<1x16xf32>
          tpu.vector_store %arg11[%swap3A_1878, %swap3A_1879], %swap3A_1882 {strides = array<i32>} : memref<128x128xf32, #tpu.memory_space<vmem>>, vector<1x16xf32>,
          %add3A_1883 = arith.constant 15 : i32
          %add3A_1884 = arith.addi %mul3A_94, %add3A_1883 : i32
          %get3A_1885 = arith.index_cast %add3A_1884 : i32 to index
          %get3A_1886 = arith.constant 48 : index
          %get3A_1887 = tpu.vector_load %arg11[%get3A_1885, %get3A_1886] {strides = array<i32>} : memref<128x128xf32, #tpu.memory_space<vmem>>, vector<1x16xf32>,
          %get3A_1888 = vector.shape_cast %get3A_1887 : vector<1x16xf32> to vector<16xf32>
          %mul3A_1889 = arith.mulf %get3A_1888, %gather3A_1840 : vector<16xf32>
          %add3A_1890 = arith.constant 15 : i32
          %add3A_1891 = arith.addi %mul3A_94, %add3A_1890 : i32
          %swap3A_1892 = arith.index_cast %add3A_1891 : i32 to index
          %swap3A_1893 = arith.constant 48 : index
          %swap3A_1894 = tpu.vector_load %arg11[%swap3A_1892, %swap3A_1893] {strides = array<i32>} : memref<128x128xf32, #tpu.memory_space<vmem>>, vector<1x16xf32>,
          %swap3A_1895 = vector.shape_cast %swap3A_1894 : vector<1x16xf32> to vector<16xf32>
          %swap3A_1896 = vector.shape_cast %mul3A_1889 : vector<16xf32> to vector<1x16xf32>
          tpu.vector_store %arg11[%swap3A_1892, %swap3A_1893], %swap3A_1896 {strides = array<i32>} : memref<128x128xf32, #tpu.memory_space<vmem>>, vector<1x16xf32>,
          %add3A_1897 = arith.constant 15 : i32
          %add3A_1898 = arith.addi %mul3A_94, %add3A_1897 : i32
          %get3A_1899 = arith.index_cast %add3A_1898 : i32 to index
          %get3A_1900 = arith.constant 64 : index
          %get3A_1901 = tpu.vector_load %arg11[%get3A_1899, %get3A_1900] {strides = array<i32>} : memref<128x128xf32, #tpu.memory_space<vmem>>, vector<1x16xf32>,
          %get3A_1902 = vector.shape_cast %get3A_1901 : vector<1x16xf32> to vector<16xf32>
          %mul3A_1903 = arith.mulf %get3A_1902, %gather3A_1840 : vector<16xf32>
          %add3A_1904 = arith.constant 15 : i32
          %add3A_1905 = arith.addi %mul3A_94, %add3A_1904 : i32
          %swap3A_1906 = arith.index_cast %add3A_1905 : i32 to index
          %swap3A_1907 = arith.constant 64 : index
          %swap3A_1908 = tpu.vector_load %arg11[%swap3A_1906, %swap3A_1907] {strides = array<i32>} : memref<128x128xf32, #tpu.memory_space<vmem>>, vector<1x16xf32>,
          %swap3A_1909 = vector.shape_cast %swap3A_1908 : vector<1x16xf32> to vector<16xf32>
          %swap3A_1910 = vector.shape_cast %mul3A_1903 : vector<16xf32> to vector<1x16xf32>
          tpu.vector_store %arg11[%swap3A_1906, %swap3A_1907], %swap3A_1910 {strides = array<i32>} : memref<128x128xf32, #tpu.memory_space<vmem>>, vector<1x16xf32>,
          %add3A_1911 = arith.constant 15 : i32
          %add3A_1912 = arith.addi %mul3A_94, %add3A_1911 : i32
          %get3A_1913 = arith.index_cast %add3A_1912 : i32 to index
          %get3A_1914 = arith.constant 80 : index
          %get3A_1915 = tpu.vector_load %arg11[%get3A_1913, %get3A_1914] {strides = array<i32>} : memref<128x128xf32, #tpu.memory_space<vmem>>, vector<1x16xf32>,
          %get3A_1916 = vector.shape_cast %get3A_1915 : vector<1x16xf32> to vector<16xf32>
          %mul3A_1917 = arith.mulf %get3A_1916, %gather3A_1840 : vector<16xf32>
          %add3A_1918 = arith.constant 15 : i32
          %add3A_1919 = arith.addi %mul3A_94, %add3A_1918 : i32
          %swap3A_1920 = arith.index_cast %add3A_1919 : i32 to index
          %swap3A_1921 = arith.constant 80 : index
          %swap3A_1922 = tpu.vector_load %arg11[%swap3A_1920, %swap3A_1921] {strides = array<i32>} : memref<128x128xf32, #tpu.memory_space<vmem>>, vector<1x16xf32>,
          %swap3A_1923 = vector.shape_cast %swap3A_1922 : vector<1x16xf32> to vector<16xf32>
          %swap3A_1924 = vector.shape_cast %mul3A_1917 : vector<16xf32> to vector<1x16xf32>
          tpu.vector_store %arg11[%swap3A_1920, %swap3A_1921], %swap3A_1924 {strides = array<i32>} : memref<128x128xf32, #tpu.memory_space<vmem>>, vector<1x16xf32>,
          %add3A_1925 = arith.constant 15 : i32
          %add3A_1926 = arith.addi %mul3A_94, %add3A_1925 : i32
          %get3A_1927 = arith.index_cast %add3A_1926 : i32 to index
          %get3A_1928 = arith.constant 96 : index
          %get3A_1929 = tpu.vector_load %arg11[%get3A_1927, %get3A_1928] {strides = array<i32>} : memref<128x128xf32, #tpu.memory_space<vmem>>, vector<1x16xf32>,
          %get3A_1930 = vector.shape_cast %get3A_1929 : vector<1x16xf32> to vector<16xf32>
          %mul3A_1931 = arith.mulf %get3A_1930, %gather3A_1840 : vector<16xf32>
          %add3A_1932 = arith.constant 15 : i32
          %add3A_1933 = arith.addi %mul3A_94, %add3A_1932 : i32
          %swap3A_1934 = arith.index_cast %add3A_1933 : i32 to index
          %swap3A_1935 = arith.constant 96 : index
          %swap3A_1936 = tpu.vector_load %arg11[%swap3A_1934, %swap3A_1935] {strides = array<i32>} : memref<128x128xf32, #tpu.memory_space<vmem>>, vector<1x16xf32>,
          %swap3A_1937 = vector.shape_cast %swap3A_1936 : vector<1x16xf32> to vector<16xf32>
          %swap3A_1938 = vector.shape_cast %mul3A_1931 : vector<16xf32> to vector<1x16xf32>
          tpu.vector_store %arg11[%swap3A_1934, %swap3A_1935], %swap3A_1938 {strides = array<i32>} : memref<128x128xf32, #tpu.memory_space<vmem>>, vector<1x16xf32>,
          %add3A_1939 = arith.constant 15 : i32
          %add3A_1940 = arith.addi %mul3A_94, %add3A_1939 : i32
          %get3A_1941 = arith.index_cast %add3A_1940 : i32 to index
          %get3A_1942 = arith.constant 112 : index
          %get3A_1943 = tpu.vector_load %arg11[%get3A_1941, %get3A_1942] {strides = array<i32>} : memref<128x128xf32, #tpu.memory_space<vmem>>, vector<1x16xf32>,
          %get3A_1944 = vector.shape_cast %get3A_1943 : vector<1x16xf32> to vector<16xf32>
          %mul3A_1945 = arith.mulf %get3A_1944, %gather3A_1840 : vector<16xf32>
          %add3A_1946 = arith.constant 15 : i32
          %add3A_1947 = arith.addi %mul3A_94, %add3A_1946 : i32
          %swap3A_1948 = arith.index_cast %add3A_1947 : i32 to index
          %swap3A_1949 = arith.constant 112 : index
          %swap3A_1950 = tpu.vector_load %arg11[%swap3A_1948, %swap3A_1949] {strides = array<i32>} : memref<128x128xf32, #tpu.memory_space<vmem>>, vector<1x16xf32>,
          %swap3A_1951 = vector.shape_cast %swap3A_1950 : vector<1x16xf32> to vector<16xf32>
          %swap3A_1952 = vector.shape_cast %mul3A_1945 : vector<16xf32> to vector<1x16xf32>
          tpu.vector_store %arg11[%swap3A_1948, %swap3A_1949], %swap3A_1952 {strides = array<i32>} : memref<128x128xf32, #tpu.memory_space<vmem>>, vector<1x16xf32>,
        }
        %scan3A_73 = arith.constant 8 : i32
        %dma_start3A_74 = arith.constant 1 : i32
        %dma_start3A_75 = arith.constant 0 : i32
        %dma_start3A_76 = tpu.memref_slice %arg9[%dma_start3A_74, %dma_start3A_75] : memref<2x128xi32, #tpu.memory_space<vmem>> -> memref<1x128xi32, #tpu.memory_space<vmem>>
        %dma_start3A_77 = tpu.memref_squeeze %dma_start3A_76 : memref<1x128xi32, #tpu.memory_space<vmem>> -> memref<128xi32, #tpu.memory_space<vmem>>
        %dma_start3A_78 = arith.constant 0 : i32
        %dma_start3A_79 = arith.constant 0 : i32
        %dma_start3A_80 = tpu.memref_slice %arg14[%dma_start3A_78, %dma_start3A_79] : memref<10240x128xf32, #tpu.memory_space<vmem_shared>> -> memref<10240x128xf32, #tpu.memory_space<vmem_shared>>
        tpu.enqueue_indirect_dma source(%arg11 : memref<128x128xf32, #tpu.memory_space<vmem>>) target(%dma_start3A_80 : memref<10240x128xf32, #tpu.memory_space<vmem_shared>>) offsets(%dma_start3A_77 : memref<128xi32, #tpu.memory_space<vmem>>) semaphore(%arg13 : memref<!tpu.dma_semaphore, #tpu.memory_space<semaphore_mem>>) {add = true}
        %dma_wait3A_81 = arith.constant 1 : i32
        %dma_wait3A_82 = arith.constant 0 : i32
        %dma_wait3A_83 = tpu.memref_slice %arg9[%dma_wait3A_81, %dma_wait3A_82] : memref<2x128xi32, #tpu.memory_space<vmem>> -> memref<1x128xi32, #tpu.memory_space<vmem>>
        %dma_wait3A_84 = tpu.memref_squeeze %dma_wait3A_83 : memref<1x128xi32, #tpu.memory_space<vmem>> -> memref<128xi32, #tpu.memory_space<vmem>>
        %dma_wait3A_85 = arith.constant 0 : i32
        %dma_wait3A_86 = arith.constant 0 : i32
        %dma_wait3A_87 = tpu.memref_slice %arg14[%dma_wait3A_85, %dma_wait3A_86] : memref<10240x128xf32, #tpu.memory_space<vmem_shared>> -> memref<10240x128xf32, #tpu.memory_space<vmem_shared>>
        tpu.wait_indirect_dma semaphore(%arg13 : memref<!tpu.dma_semaphore, #tpu.memory_space<semaphore_mem>>) src(%arg11 : memref<128x128xf32, #tpu.memory_space<vmem>>) dst(%dma_wait3A_87 : memref<10240x128xf32, #tpu.memory_space<vmem_shared>>)
      }
      %scan3A_28 = arith.constant 157 : i32
      %barrier3A_29 = arith.constant 0 : index
      tpu.barrier barrier_id(%barrier3A_29)
      %add3A_30 = arith.constant 0 : i32
      %add3A_31 = arith.addi %mul3A_12, %add3A_30 : i32
      "tpu.region"() ({
        %run_scoped3A = tpu.sem_alloc : memref<!tpu.dma_semaphore, #tpu.memory_space<semaphore_mem>>
        %dma_start3A = arith.constant 0 : i32
        %dma_start3A_50 = tpu.memref_slice %arg14[%add3A_31, %dma_start3A] : memref<10240x128xf32, #tpu.memory_space<vmem_shared>> -> memref<128x128xf32, #tpu.memory_space<vmem_shared>>
        %dma_start3A_51 = arith.constant 0 : i32
        %dma_start3A_52 = tpu.memref_slice %arg14[%add3A_31, %dma_start3A_51] : memref<10240x128xf32, #tpu.memory_space<vmem_shared>> -> memref<128x128xf32, #tpu.memory_space<vmem_shared>>
        tpu.enqueue_dma source(%dma_start3A_52 : memref<128x128xf32, #tpu.memory_space<vmem_shared>>) target(%arg11 : memref<128x128xf32, #tpu.memory_space<vmem>>) target_semaphore(%run_scoped3A : memref<!tpu.dma_semaphore, #tpu.memory_space<semaphore_mem>>)
        %dma_wait3A = arith.constant 0 : i32
        %dma_wait3A_53 = tpu.memref_slice %arg14[%add3A_31, %dma_wait3A] : memref<10240x128xf32, #tpu.memory_space<vmem_shared>> -> memref<128x128xf32, #tpu.memory_space<vmem_shared>>
        %dma_wait3A_54 = arith.constant 0 : i32
        %dma_wait3A_55 = tpu.memref_slice %arg14[%add3A_31, %dma_wait3A_54] : memref<10240x128xf32, #tpu.memory_space<vmem_shared>> -> memref<128x128xf32, #tpu.memory_space<vmem_shared>>
        tpu.wait_dma2 semaphore(%run_scoped3A : memref<!tpu.dma_semaphore, #tpu.memory_space<semaphore_mem>>) src(%dma_wait3A_55 : memref<128x128xf32, #tpu.memory_space<vmem_shared>>) dst(%arg11 : memref<128x128xf32, #tpu.memory_space<vmem>>)
        tpu.yield
      }) : () -> ()
      %add3A_32 = arith.constant 0 : i32
      %add3A_33 = arith.addi %mul3A_12, %add3A_32 : i32
      "tpu.region"() ({
        %run_scoped3A = tpu.sem_alloc : memref<!tpu.dma_semaphore, #tpu.memory_space<semaphore_mem>>
        %dma_start3A = arith.constant 0 : i32
        %dma_start3A_50 = tpu.memref_slice %arg8[%add3A_33, %dma_start3A] : memref<10240x128xf32, #tpu.memory_space<hbm>> -> memref<128x128xf32, #tpu.memory_space<hbm>>
        %dma_start3A_51 = arith.constant 0 : i32
        %dma_start3A_52 = tpu.memref_slice %arg8[%add3A_33, %dma_start3A_51] : memref<10240x128xf32, #tpu.memory_space<hbm>> -> memref<128x128xf32, #tpu.memory_space<hbm>>
        tpu.enqueue_dma source(%arg11 : memref<128x128xf32, #tpu.memory_space<vmem>>) target(%dma_start3A_52 : memref<128x128xf32, #tpu.memory_space<hbm>>) target_semaphore(%run_scoped3A : memref<!tpu.dma_semaphore, #tpu.memory_space<semaphore_mem>>)
        %dma_wait3A = arith.constant 0 : i32
        %dma_wait3A_53 = tpu.memref_slice %arg8[%add3A_33, %dma_wait3A] : memref<10240x128xf32, #tpu.memory_space<hbm>> -> memref<128x128xf32, #tpu.memory_space<hbm>>
        %dma_wait3A_54 = arith.constant 0 : i32
        %dma_wait3A_55 = tpu.memref_slice %arg8[%add3A_33, %dma_wait3A_54] : memref<10240x128xf32, #tpu.memory_space<hbm>> -> memref<128x128xf32, #tpu.memory_space<hbm>>
        tpu.wait_dma2 semaphore(%run_scoped3A : memref<!tpu.dma_semaphore, #tpu.memory_space<semaphore_mem>>) src(%arg11 : memref<128x128xf32, #tpu.memory_space<vmem>>) dst(%dma_wait3A_55 : memref<128x128xf32, #tpu.memory_space<hbm>>)
        tpu.yield
      }) : () -> ()
      %add3A_34 = arith.constant 128 : i32
      %add3A_35 = arith.addi %mul3A_12, %add3A_34 : i32
      "tpu.region"() ({
        %run_scoped3A = tpu.sem_alloc : memref<!tpu.dma_semaphore, #tpu.memory_space<semaphore_mem>>
        %dma_start3A = arith.constant 0 : i32
        %dma_start3A_50 = tpu.memref_slice %arg14[%add3A_35, %dma_start3A] : memref<10240x128xf32, #tpu.memory_space<vmem_shared>> -> memref<128x128xf32, #tpu.memory_space<vmem_shared>>
        %dma_start3A_51 = arith.constant 0 : i32
        %dma_start3A_52 = tpu.memref_slice %arg14[%add3A_35, %dma_start3A_51] : memref<10240x128xf32, #tpu.memory_space<vmem_shared>> -> memref<128x128xf32, #tpu.memory_space<vmem_shared>>
        tpu.enqueue_dma source(%dma_start3A_52 : memref<128x128xf32, #tpu.memory_space<vmem_shared>>) target(%arg11 : memref<128x128xf32, #tpu.memory_space<vmem>>) target_semaphore(%run_scoped3A : memref<!tpu.dma_semaphore, #tpu.memory_space<semaphore_mem>>)
        %dma_wait3A = arith.constant 0 : i32
        %dma_wait3A_53 = tpu.memref_slice %arg14[%add3A_35, %dma_wait3A] : memref<10240x128xf32, #tpu.memory_space<vmem_shared>> -> memref<128x128xf32, #tpu.memory_space<vmem_shared>>
        %dma_wait3A_54 = arith.constant 0 : i32
        %dma_wait3A_55 = tpu.memref_slice %arg14[%add3A_35, %dma_wait3A_54] : memref<10240x128xf32, #tpu.memory_space<vmem_shared>> -> memref<128x128xf32, #tpu.memory_space<vmem_shared>>
        tpu.wait_dma2 semaphore(%run_scoped3A : memref<!tpu.dma_semaphore, #tpu.memory_space<semaphore_mem>>) src(%dma_wait3A_55 : memref<128x128xf32, #tpu.memory_space<vmem_shared>>) dst(%arg11 : memref<128x128xf32, #tpu.memory_space<vmem>>)
        tpu.yield
      }) : () -> ()
      %add3A_36 = arith.constant 128 : i32
      %add3A_37 = arith.addi %mul3A_12, %add3A_36 : i32
      "tpu.region"() ({
        %run_scoped3A = tpu.sem_alloc : memref<!tpu.dma_semaphore, #tpu.memory_space<semaphore_mem>>
        %dma_start3A = arith.constant 0 : i32
        %dma_start3A_50 = tpu.memref_slice %arg8[%add3A_37, %dma_start3A] : memref<10240x128xf32, #tpu.memory_space<hbm>> -> memref<128x128xf32, #tpu.memory_space<hbm>>
        %dma_start3A_51 = arith.constant 0 : i32
        %dma_start3A_52 = tpu.memref_slice %arg8[%add3A_37, %dma_start3A_51] : memref<10240x128xf32, #tpu.memory_space<hbm>> -> memref<128x128xf32, #tpu.memory_space<hbm>>
        tpu.enqueue_dma source(%arg11 : memref<128x128xf32, #tpu.memory_space<vmem>>) target(%dma_start3A_52 : memref<128x128xf32, #tpu.memory_space<hbm>>) target_semaphore(%run_scoped3A : memref<!tpu.dma_semaphore, #tpu.memory_space<semaphore_mem>>)
        %dma_wait3A = arith.constant 0 : i32
        %dma_wait3A_53 = tpu.memref_slice %arg8[%add3A_37, %dma_wait3A] : memref<10240x128xf32, #tpu.memory_space<hbm>> -> memref<128x128xf32, #tpu.memory_space<hbm>>
        %dma_wait3A_54 = arith.constant 0 : i32
        %dma_wait3A_55 = tpu.memref_slice %arg8[%add3A_37, %dma_wait3A_54] : memref<10240x128xf32, #tpu.memory_space<hbm>> -> memref<128x128xf32, #tpu.memory_space<hbm>>
        tpu.wait_dma2 semaphore(%run_scoped3A : memref<!tpu.dma_semaphore, #tpu.memory_space<semaphore_mem>>) src(%arg11 : memref<128x128xf32, #tpu.memory_space<vmem>>) dst(%dma_wait3A_55 : memref<128x128xf32, #tpu.memory_space<hbm>>)
        tpu.yield
      }) : () -> ()
      %add3A_38 = arith.constant 256 : i32
      %add3A_39 = arith.addi %mul3A_12, %add3A_38 : i32
      "tpu.region"() ({
        %run_scoped3A = tpu.sem_alloc : memref<!tpu.dma_semaphore, #tpu.memory_space<semaphore_mem>>
        %dma_start3A = arith.constant 0 : i32
        %dma_start3A_50 = tpu.memref_slice %arg14[%add3A_39, %dma_start3A] : memref<10240x128xf32, #tpu.memory_space<vmem_shared>> -> memref<128x128xf32, #tpu.memory_space<vmem_shared>>
        %dma_start3A_51 = arith.constant 0 : i32
        %dma_start3A_52 = tpu.memref_slice %arg14[%add3A_39, %dma_start3A_51] : memref<10240x128xf32, #tpu.memory_space<vmem_shared>> -> memref<128x128xf32, #tpu.memory_space<vmem_shared>>
        tpu.enqueue_dma source(%dma_start3A_52 : memref<128x128xf32, #tpu.memory_space<vmem_shared>>) target(%arg11 : memref<128x128xf32, #tpu.memory_space<vmem>>) target_semaphore(%run_scoped3A : memref<!tpu.dma_semaphore, #tpu.memory_space<semaphore_mem>>)
        %dma_wait3A = arith.constant 0 : i32
        %dma_wait3A_53 = tpu.memref_slice %arg14[%add3A_39, %dma_wait3A] : memref<10240x128xf32, #tpu.memory_space<vmem_shared>> -> memref<128x128xf32, #tpu.memory_space<vmem_shared>>
        %dma_wait3A_54 = arith.constant 0 : i32
        %dma_wait3A_55 = tpu.memref_slice %arg14[%add3A_39, %dma_wait3A_54] : memref<10240x128xf32, #tpu.memory_space<vmem_shared>> -> memref<128x128xf32, #tpu.memory_space<vmem_shared>>
        tpu.wait_dma2 semaphore(%run_scoped3A : memref<!tpu.dma_semaphore, #tpu.memory_space<semaphore_mem>>) src(%dma_wait3A_55 : memref<128x128xf32, #tpu.memory_space<vmem_shared>>) dst(%arg11 : memref<128x128xf32, #tpu.memory_space<vmem>>)
        tpu.yield
      }) : () -> ()
      %add3A_40 = arith.constant 256 : i32
      %add3A_41 = arith.addi %mul3A_12, %add3A_40 : i32
      "tpu.region"() ({
        %run_scoped3A = tpu.sem_alloc : memref<!tpu.dma_semaphore, #tpu.memory_space<semaphore_mem>>
        %dma_start3A = arith.constant 0 : i32
        %dma_start3A_50 = tpu.memref_slice %arg8[%add3A_41, %dma_start3A] : memref<10240x128xf32, #tpu.memory_space<hbm>> -> memref<128x128xf32, #tpu.memory_space<hbm>>
        %dma_start3A_51 = arith.constant 0 : i32
        %dma_start3A_52 = tpu.memref_slice %arg8[%add3A_41, %dma_start3A_51] : memref<10240x128xf32, #tpu.memory_space<hbm>> -> memref<128x128xf32, #tpu.memory_space<hbm>>
        tpu.enqueue_dma source(%arg11 : memref<128x128xf32, #tpu.memory_space<vmem>>) target(%dma_start3A_52 : memref<128x128xf32, #tpu.memory_space<hbm>>) target_semaphore(%run_scoped3A : memref<!tpu.dma_semaphore, #tpu.memory_space<semaphore_mem>>)
        %dma_wait3A = arith.constant 0 : i32
        %dma_wait3A_53 = tpu.memref_slice %arg8[%add3A_41, %dma_wait3A] : memref<10240x128xf32, #tpu.memory_space<hbm>> -> memref<128x128xf32, #tpu.memory_space<hbm>>
        %dma_wait3A_54 = arith.constant 0 : i32
        %dma_wait3A_55 = tpu.memref_slice %arg8[%add3A_41, %dma_wait3A_54] : memref<10240x128xf32, #tpu.memory_space<hbm>> -> memref<128x128xf32, #tpu.memory_space<hbm>>
        tpu.wait_dma2 semaphore(%run_scoped3A : memref<!tpu.dma_semaphore, #tpu.memory_space<semaphore_mem>>) src(%arg11 : memref<128x128xf32, #tpu.memory_space<vmem>>) dst(%dma_wait3A_55 : memref<128x128xf32, #tpu.memory_space<hbm>>)
        tpu.yield
      }) : () -> ()
      %add3A_42 = arith.constant 384 : i32
      %add3A_43 = arith.addi %mul3A_12, %add3A_42 : i32
      "tpu.region"() ({
        %run_scoped3A = tpu.sem_alloc : memref<!tpu.dma_semaphore, #tpu.memory_space<semaphore_mem>>
        %dma_start3A = arith.constant 0 : i32
        %dma_start3A_50 = tpu.memref_slice %arg14[%add3A_43, %dma_start3A] : memref<10240x128xf32, #tpu.memory_space<vmem_shared>> -> memref<128x128xf32, #tpu.memory_space<vmem_shared>>
        %dma_start3A_51 = arith.constant 0 : i32
        %dma_start3A_52 = tpu.memref_slice %arg14[%add3A_43, %dma_start3A_51] : memref<10240x128xf32, #tpu.memory_space<vmem_shared>> -> memref<128x128xf32, #tpu.memory_space<vmem_shared>>
        tpu.enqueue_dma source(%dma_start3A_52 : memref<128x128xf32, #tpu.memory_space<vmem_shared>>) target(%arg11 : memref<128x128xf32, #tpu.memory_space<vmem>>) target_semaphore(%run_scoped3A : memref<!tpu.dma_semaphore, #tpu.memory_space<semaphore_mem>>)
        %dma_wait3A = arith.constant 0 : i32
        %dma_wait3A_53 = tpu.memref_slice %arg14[%add3A_43, %dma_wait3A] : memref<10240x128xf32, #tpu.memory_space<vmem_shared>> -> memref<128x128xf32, #tpu.memory_space<vmem_shared>>
        %dma_wait3A_54 = arith.constant 0 : i32
        %dma_wait3A_55 = tpu.memref_slice %arg14[%add3A_43, %dma_wait3A_54] : memref<10240x128xf32, #tpu.memory_space<vmem_shared>> -> memref<128x128xf32, #tpu.memory_space<vmem_shared>>
        tpu.wait_dma2 semaphore(%run_scoped3A : memref<!tpu.dma_semaphore, #tpu.memory_space<semaphore_mem>>) src(%dma_wait3A_55 : memref<128x128xf32, #tpu.memory_space<vmem_shared>>) dst(%arg11 : memref<128x128xf32, #tpu.memory_space<vmem>>)
        tpu.yield
      }) : () -> ()
      %add3A_44 = arith.constant 384 : i32
      %add3A_45 = arith.addi %mul3A_12, %add3A_44 : i32
      "tpu.region"() ({
        %run_scoped3A = tpu.sem_alloc : memref<!tpu.dma_semaphore, #tpu.memory_space<semaphore_mem>>
        %dma_start3A = arith.constant 0 : i32
        %dma_start3A_50 = tpu.memref_slice %arg8[%add3A_45, %dma_start3A] : memref<10240x128xf32, #tpu.memory_space<hbm>> -> memref<128x128xf32, #tpu.memory_space<hbm>>
        %dma_start3A_51 = arith.constant 0 : i32
        %dma_start3A_52 = tpu.memref_slice %arg8[%add3A_45, %dma_start3A_51] : memref<10240x128xf32, #tpu.memory_space<hbm>> -> memref<128x128xf32, #tpu.memory_space<hbm>>
        tpu.enqueue_dma source(%arg11 : memref<128x128xf32, #tpu.memory_space<vmem>>) target(%dma_start3A_52 : memref<128x128xf32, #tpu.memory_space<hbm>>) target_semaphore(%run_scoped3A : memref<!tpu.dma_semaphore, #tpu.memory_space<semaphore_mem>>)
        %dma_wait3A = arith.constant 0 : i32
        %dma_wait3A_53 = tpu.memref_slice %arg8[%add3A_45, %dma_wait3A] : memref<10240x128xf32, #tpu.memory_space<hbm>> -> memref<128x128xf32, #tpu.memory_space<hbm>>
        %dma_wait3A_54 = arith.constant 0 : i32
        %dma_wait3A_55 = tpu.memref_slice %arg8[%add3A_45, %dma_wait3A_54] : memref<10240x128xf32, #tpu.memory_space<hbm>> -> memref<128x128xf32, #tpu.memory_space<hbm>>
        tpu.wait_dma2 semaphore(%run_scoped3A : memref<!tpu.dma_semaphore, #tpu.memory_space<semaphore_mem>>) src(%arg11 : memref<128x128xf32, #tpu.memory_space<vmem>>) dst(%dma_wait3A_55 : memref<128x128xf32, #tpu.memory_space<hbm>>)
        tpu.yield
      }) : () -> ()
      %add3A_46 = arith.constant 512 : i32
      %add3A_47 = arith.addi %mul3A_12, %add3A_46 : i32
      "tpu.region"() ({
        %run_scoped3A = tpu.sem_alloc : memref<!tpu.dma_semaphore, #tpu.memory_space<semaphore_mem>>
        %dma_start3A = arith.constant 0 : i32
        %dma_start3A_50 = tpu.memref_slice %arg14[%add3A_47, %dma_start3A] : memref<10240x128xf32, #tpu.memory_space<vmem_shared>> -> memref<128x128xf32, #tpu.memory_space<vmem_shared>>
        %dma_start3A_51 = arith.constant 0 : i32
        %dma_start3A_52 = tpu.memref_slice %arg14[%add3A_47, %dma_start3A_51] : memref<10240x128xf32, #tpu.memory_space<vmem_shared>> -> memref<128x128xf32, #tpu.memory_space<vmem_shared>>
        tpu.enqueue_dma source(%dma_start3A_52 : memref<128x128xf32, #tpu.memory_space<vmem_shared>>) target(%arg11 : memref<128x128xf32, #tpu.memory_space<vmem>>) target_semaphore(%run_scoped3A : memref<!tpu.dma_semaphore, #tpu.memory_space<semaphore_mem>>)
        %dma_wait3A = arith.constant 0 : i32
        %dma_wait3A_53 = tpu.memref_slice %arg14[%add3A_47, %dma_wait3A] : memref<10240x128xf32, #tpu.memory_space<vmem_shared>> -> memref<128x128xf32, #tpu.memory_space<vmem_shared>>
        %dma_wait3A_54 = arith.constant 0 : i32
        %dma_wait3A_55 = tpu.memref_slice %arg14[%add3A_47, %dma_wait3A_54] : memref<10240x128xf32, #tpu.memory_space<vmem_shared>> -> memref<128x128xf32, #tpu.memory_space<vmem_shared>>
        tpu.wait_dma2 semaphore(%run_scoped3A : memref<!tpu.dma_semaphore, #tpu.memory_space<semaphore_mem>>) src(%dma_wait3A_55 : memref<128x128xf32, #tpu.memory_space<vmem_shared>>) dst(%arg11 : memref<128x128xf32, #tpu.memory_space<vmem>>)
        tpu.yield
      }) : () -> ()
      %add3A_48 = arith.constant 512 : i32
      %add3A_49 = arith.addi %mul3A_12, %add3A_48 : i32
      "tpu.region"() ({
        %run_scoped3A = tpu.sem_alloc : memref<!tpu.dma_semaphore, #tpu.memory_space<semaphore_mem>>
        %dma_start3A = arith.constant 0 : i32
        %dma_start3A_50 = tpu.memref_slice %arg8[%add3A_49, %dma_start3A] : memref<10240x128xf32, #tpu.memory_space<hbm>> -> memref<128x128xf32, #tpu.memory_space<hbm>>
        %dma_start3A_51 = arith.constant 0 : i32
        %dma_start3A_52 = tpu.memref_slice %arg8[%add3A_49, %dma_start3A_51] : memref<10240x128xf32, #tpu.memory_space<hbm>> -> memref<128x128xf32, #tpu.memory_space<hbm>>
        tpu.enqueue_dma source(%arg11 : memref<128x128xf32, #tpu.memory_space<vmem>>) target(%dma_start3A_52 : memref<128x128xf32, #tpu.memory_space<hbm>>) target_semaphore(%run_scoped3A : memref<!tpu.dma_semaphore, #tpu.memory_space<semaphore_mem>>)
        %dma_wait3A = arith.constant 0 : i32
        %dma_wait3A_53 = tpu.memref_slice %arg8[%add3A_49, %dma_wait3A] : memref<10240x128xf32, #tpu.memory_space<hbm>> -> memref<128x128xf32, #tpu.memory_space<hbm>>
        %dma_wait3A_54 = arith.constant 0 : i32
        %dma_wait3A_55 = tpu.memref_slice %arg8[%add3A_49, %dma_wait3A_54] : memref<10240x128xf32, #tpu.memory_space<hbm>> -> memref<128x128xf32, #tpu.memory_space<hbm>>
        tpu.wait_dma2 semaphore(%run_scoped3A : memref<!tpu.dma_semaphore, #tpu.memory_space<semaphore_mem>>) src(%arg11 : memref<128x128xf32, #tpu.memory_space<vmem>>) dst(%dma_wait3A_55 : memref<128x128xf32, #tpu.memory_space<hbm>>)
        tpu.yield
      }) : () -> ()
    } else {
    }
    return
  }
}

module attributes {stable_mosaic.version = 14 : i64} {
  func.func @_ln_body(%arg0: i32, %arg1: memref<1000x128xf32, #tpu.memory_space<vmem>>, %arg2: memref<1000x128xf32, #tpu.memory_space<vmem>>, %arg3: memref<1000x128xf32, #tpu.memory_space<vmem>>, %arg4: memref<128x128xf32, #tpu.memory_space<vmem>>, %arg5: memref<1x384xf32, #tpu.memory_space<vmem>>, %arg6: memref<1x384xf32, #tpu.memory_space<vmem>>, %arg7: memref<1000x384xf32, #tpu.memory_space<vmem>>) attributes {dimension_semantics = [#tpu.dimension_semantics<arbitrary>], iteration_bounds = array<i64: 10>, scalar_prefetch = 0 : i64, scratch_operands = 0 : i64, tpu.core_type = #tpu.core_type<tc>, window_params = [{transform_indices = @transform_0, window_bounds = array<i64: 1000, 128>}, {transform_indices = @transform_1, window_bounds = array<i64: 1000, 128>}, {transform_indices = @transform_2, window_bounds = array<i64: 1000, 128>}, {pipeline_mode = #tpu.pipeline_mode<synchronous>, transform_indices = @transform_3, window_bounds = array<i64: 128, 128>}, {pipeline_mode = #tpu.pipeline_mode<synchronous>, transform_indices = @transform_4, window_bounds = array<i64: 1, 384>}, {pipeline_mode = #tpu.pipeline_mode<synchronous>, transform_indices = @transform_5, window_bounds = array<i64: 1, 384>}, {transform_indices = @transform_6, window_bounds = array<i64: 1000, 384>}]} {
    %get3A = arith.constant 0 : index
    %get3A_0 = arith.constant 0 : index
    %get3A_1 = vector.load %arg4[%get3A, %get3A_0] : memref<128x128xf32, #tpu.memory_space<vmem>>, vector<128x128xf32>
    %get3A_2 = arith.constant 0 : index
    %get3A_3 = arith.constant 0 : index
    %get3A_4 = vector.load %arg1[%get3A_2, %get3A_3] : memref<1000x128xf32, #tpu.memory_space<vmem>>, vector<1000x128xf32>
    %dot_general3A = arith.constant dense<0.000000e+00> : vector<1000x128xf32>
    %dot_general3A_5 = tpu.matmul %get3A_4, %get3A_1, %dot_general3A {dimension_numbers = #tpu.dot_dimension_numbers<[1], [0], [0], [1], [0, 0, 1, 1], [], []>, transpose_lhs_hint = false} : vector<1000x128xf32>, vector<128x128xf32>, vector<1000x128xf32> -> vector<1000x128xf32>
    %get3A_6 = arith.constant 0 : index
    %get3A_7 = arith.constant 0 : index
    %get3A_8 = vector.load %arg2[%get3A_6, %get3A_7] : memref<1000x128xf32, #tpu.memory_space<vmem>>, vector<1000x128xf32>
    %dot_general3A_9 = arith.constant dense<0.000000e+00> : vector<1000x128xf32>
    %dot_general3A_10 = tpu.matmul %get3A_8, %get3A_1, %dot_general3A_9 {dimension_numbers = #tpu.dot_dimension_numbers<[1], [0], [0], [1], [0, 0, 1, 1], [], []>, transpose_lhs_hint = false} : vector<1000x128xf32>, vector<128x128xf32>, vector<1000x128xf32> -> vector<1000x128xf32>
    %get3A_11 = arith.constant 0 : index
    %get3A_12 = arith.constant 0 : index
    %get3A_13 = vector.load %arg3[%get3A_11, %get3A_12] : memref<1000x128xf32, #tpu.memory_space<vmem>>, vector<1000x128xf32>
    %dot_general3A_14 = arith.constant dense<0.000000e+00> : vector<1000x128xf32>
    %dot_general3A_15 = tpu.matmul %get3A_13, %get3A_1, %dot_general3A_14 {dimension_numbers = #tpu.dot_dimension_numbers<[1], [0], [0], [1], [0, 0, 1, 1], [], []>, transpose_lhs_hint = false} : vector<1000x128xf32>, vector<128x128xf32>, vector<1000x128xf32> -> vector<1000x128xf32>
    %concatenate3A = tpu.concatenate %dot_general3A_5, %dot_general3A_10, %dot_general3A_15 in 1 : vector<1000x128xf32>, vector<1000x128xf32>, vector<1000x128xf32> -> vector<1000x384xf32>
    %reduce_sum3A = arith.constant dense<0.000000e+00> : vector<1000xf32>
    %reduce_sum3A_16 = vector.multi_reduction <add>, %concatenate3A, %reduce_sum3A [1] : vector<1000x384xf32> to vector<1000xf32>
    %broadcast_in_dim3A = vector.shape_cast %reduce_sum3A_16 : vector<1000xf32> to vector<1000x1xf32>
    %div3A = arith.constant 3.840000e+02 : f32
    %div3A_17 = vector.broadcast %div3A : f32 to vector<1000x1xf32>
    %div3A_18 = arith.divf %broadcast_in_dim3A, %div3A_17 : vector<1000x1xf32>
    %mul3A = arith.mulf %concatenate3A, %concatenate3A : vector<1000x384xf32>
    %reduce_sum3A_19 = arith.constant dense<0.000000e+00> : vector<1000xf32>
    %reduce_sum3A_20 = vector.multi_reduction <add>, %mul3A, %reduce_sum3A_19 [1] : vector<1000x384xf32> to vector<1000xf32>
    %broadcast_in_dim3A_21 = vector.shape_cast %reduce_sum3A_20 : vector<1000xf32> to vector<1000x1xf32>
    %div3A_22 = arith.constant 3.840000e+02 : f32
    %div3A_23 = vector.broadcast %div3A_22 : f32 to vector<1000x1xf32>
    %div3A_24 = arith.divf %broadcast_in_dim3A_21, %div3A_23 : vector<1000x1xf32>
    %mul3A_25 = arith.mulf %div3A_18, %div3A_18 : vector<1000x1xf32>
    %sub3A = arith.subf %div3A_24, %mul3A_25 : vector<1000x1xf32>
    %add3A = arith.constant 9.99999974E-6 : f32
    %add3A_26 = vector.broadcast %add3A : f32 to vector<1000x1xf32>
    %add3A_27 = arith.addf %sub3A, %add3A_26 : vector<1000x1xf32>
    %rsqrt3A = math.rsqrt %add3A_27 : vector<1000x1xf32>
    %sub3A_28 = vector.broadcast %div3A_18 : vector<1000x1xf32> to vector<1000x384xf32>
    %sub3A_29 = arith.subf %concatenate3A, %sub3A_28 : vector<1000x384xf32>
    %mul3A_30 = vector.broadcast %rsqrt3A : vector<1000x1xf32> to vector<1000x384xf32>
    %mul3A_31 = arith.mulf %sub3A_29, %mul3A_30 : vector<1000x384xf32>
    %get3A_32 = arith.constant 0 : index
    %get3A_33 = arith.constant 0 : index
    %get3A_34 = vector.load %arg5[%get3A_32, %get3A_33] : memref<1x384xf32, #tpu.memory_space<vmem>>, vector<1x384xf32>
    %mul3A_35 = vector.broadcast %get3A_34 : vector<1x384xf32> to vector<1000x384xf32>
    %mul3A_36 = arith.mulf %mul3A_31, %mul3A_35 : vector<1000x384xf32>
    %get3A_37 = arith.constant 0 : index
    %get3A_38 = arith.constant 0 : index
    %get3A_39 = vector.load %arg6[%get3A_37, %get3A_38] : memref<1x384xf32, #tpu.memory_space<vmem>>, vector<1x384xf32>
    %add3A_40 = vector.broadcast %get3A_39 : vector<1x384xf32> to vector<1000x384xf32>
    %add3A_41 = arith.addf %mul3A_36, %add3A_40 : vector<1000x384xf32>
    %swap3A = arith.constant 0 : index
    %swap3A_42 = arith.constant 0 : index
    %swap3A_43 = vector.load %arg7[%swap3A, %swap3A_42] : memref<1000x384xf32, #tpu.memory_space<vmem>>, vector<1000x384xf32>
    tpu.vector_store %arg7[%swap3A, %swap3A_42], %add3A_41 {strides = array<i32>} : memref<1000x384xf32, #tpu.memory_space<vmem>>, vector<1000x384xf32>,
    return
  }
  func.func @transform_0(%arg0: i32) -> (i32, i32) {
    %c0_i32 = arith.constant 0 : i32
    %c0_i32_0 = arith.constant 0 : i32
    return %arg0, %c0_i32 : i32, i32
  }
  func.func @transform_1(%arg0: i32) -> (i32, i32) {
    %c0_i32 = arith.constant 0 : i32
    %c0_i32_0 = arith.constant 0 : i32
    return %arg0, %c0_i32 : i32, i32
  }
  func.func @transform_2(%arg0: i32) -> (i32, i32) {
    %c0_i32 = arith.constant 0 : i32
    %c0_i32_0 = arith.constant 0 : i32
    return %arg0, %c0_i32 : i32, i32
  }
  func.func @transform_3(%arg0: i32) -> (i32, i32) {
    %c0_i32 = arith.constant 0 : i32
    %c0_i32_0 = arith.constant 0 : i32
    %c0_i32_1 = arith.constant 0 : i32
    return %c0_i32, %c0_i32_0 : i32, i32
  }
  func.func @transform_4(%arg0: i32) -> (i32, i32) {
    %c0_i32 = arith.constant 0 : i32
    %c0_i32_0 = arith.constant 0 : i32
    %c0_i32_1 = arith.constant 0 : i32
    return %c0_i32, %c0_i32_0 : i32, i32
  }
  func.func @transform_5(%arg0: i32) -> (i32, i32) {
    %c0_i32 = arith.constant 0 : i32
    %c0_i32_0 = arith.constant 0 : i32
    %c0_i32_1 = arith.constant 0 : i32
    return %c0_i32, %c0_i32_0 : i32, i32
  }
  func.func @transform_6(%arg0: i32) -> (i32, i32) {
    %c0_i32 = arith.constant 0 : i32
    %c0_i32_0 = arith.constant 0 : i32
    return %arg0, %c0_i32 : i32, i32
  }
}

</mosaic_0001>

<sc_bundles>
// kernel: kernel.4.cloned.1.call-start
scs
__scs_entry_jumppad:
0x0: {  	(pc) =	sbr.rel $0x88, $3  }
0x1: {  	(tag) =	ssettag $0x0;
	lr =	simm.s32 $0x1  }
0x2: {  	[smem:$0x3F99] =	sst lr;
	_ =	strace $0xD0000000  }
0x3: {  	_ = 	snop  }
0x4: {  	_ = 	snop  }
0x5: {  	_ = 	snop  }
0x6: {  	_ = 	snop  }
0x7: {  	_ = 	snop  }
__scs_overlays_trampoline_lowered:
0x8: {  	[smem:$0x3FA8] =	sst s0  }
0x9: {  	[smem:$0x3FA9] =	sst s1  }
0xa: {  	[smem:$0x3FAA] =	sst s2  }
0xb: {  	[smem:$0x3FAB] =	sst s3  }
0xc: {  	[smem:$0x3FAC] =	sst s4  }
0xd: {  	[smem:$0x3FAD] =	sst s5  }
0xe: {  	[smem:$0x3FAE] =	sst s6  }
0xf: {  	[smem:$0x3FAF] =	sst s7  }
0x10: {  	[smem:$0x3FB0] =	sst s8  }
0x11: {  	[smem:$0x3FB1] =	sst s9;
	s0 =	simm.s32 @!p0 $0x0  }
0x12: {  	s1 =	sld [smem:$0x3F97];
	s0 =	simm.s32 @p0 $0x1  }
0x13: {  	[smem:$0x3FB2] =	sst s0;
	s0 =	simm.s32 @!p1 $0x0  }
0x14: {  	s2 =	sld [smem:$0x3F96];
	s0 =	simm.s32 @p1 $0x1  }
0x15: {  	[smem:$0x3FB3] =	sst s0;
	s0 =	simm.s32 @!p2 $0x0  }
0x16: {  	s3 =	sld [smem:$0x3FDB];
	s0 =	simm.s32 @p2 $0x1  }
0x17: {  	s4 =	simm.s32 $0x1BF5;
	[smem:$0x3FB5] =	sst s0  }
0x18: {  	s0 =	sld [smem:$0x3F98];
	_ =	swait.ge [sflag:s4], $0x0  }
0x19: {  	s7 =	sld [smem:$0x3F99]  }
0x1a: {  	s8 =	sadd.s32 $0xFFFFE003, lr  }
0x1b: {  	s9 =	sadd.s32 $0xFFFFFEF7, lr;
	s5 =	simm.s32 $0xFFFFFFFF;
	p2 =	slt.u32 s8, $0xFFFFF086  }
0x1c: {  	p1 =	slt.u32 s9, $0xF7A;
	s5 =	simm.s32 @!p2 $0x0  }
0x1d: {  	s5 =	simm.s32 @p1 $0x1;
	p0 =	seq.s32 s7, s2  }
0x1e: {  	s7 =	smul.u32 @!p0 $0xF7A, s2;
	p2 =	seq.s32 @!p0 s5, $0x0  }
0x1f: {  	s9 =	smul.u32 $0xF7A, s1;
	s8 =	simm.s32 @!p0 $0x1BF5;
	p2 =	por !p2, p0  }
0x20: {  	[sflag:s8] =	ssyncset.s32 @!p0 $0xFFFFF086;
	s6 =	sadd.s32 @!p0 s3, s7;
	s7 =	simm.s32 @!p0 $0x108  }
0x21: {  	s3 =	sadd.s32 s3, s9;
	s6 =	sadd.s32 @!p0 $0x88, s6;
	s7 =	simm.s32 @p2 $0x1082  }
0x22: {  	[simem:s7], [sflag:s8] =	dma.local @!p0 [hbm:s6], $0xF7A  }
0x23: {  	s9 =	sor.u32 $0xD0000000, s2;
	s6 =	simm.s32 $0x108;
	_ =	swait.ge @!p0 [sflag:s8], $0x0  }
0x24: {  	s3 =	sadd.s32 $0x88, s3;
	s6 =	simm.s32 @!p1 $0x1082;
	[sflag:s4] =	ssyncset.s32 $0xFFFFF086  }
0x25: {  	[simem:s6], [sflag:s4] =	dma.local [hbm:s3], $0xF7A  }
0x26: {  	[smem:$0x3F99] =	sst s1;
	(tag) =	ssettag s2;
	_ =	strace s9  }
0x27: {  	s1 =	sld [smem:$0x3FA9]  }
0x28: {  	s2 =	sld [smem:$0x3FAA]  }
0x29: {  	s4 =	sld [smem:$0x3FAC]  }
0x2a: {  	p0 =	seq.s32 s5, $0x0;
	s5 =	sld [smem:$0x3FAD]  }
0x2b: {  	s6 =	sld [smem:$0x3FAE]  }
0x2c: {  	s7 =	sld [smem:$0x3FAF]  }
0x2d: {  	s3 =	simm.s32 $0x108;
	s8 =	sld [smem:$0x3FB0]  }
0x2e: {  	s3 =	simm.s32 @!p0 $0x1082;
	s9 =	sld [smem:$0x3FB1]  }
0x2f: {  	lr =	sadd.s32 s0, s3;
	s0 =	sld [smem:$0x3FA8]  }
0x30: {  	s3 =	sld [smem:$0x3FAB]  }
0x31: {  	[smem:$0x3FB4] =	sst s10  }
0x32: {  	s10 =	sld [smem:$0x3FB2];
	_ =	sdelay $0x3  }
0x33: {  	p0 =	seq.s32 s10, $0x1;
	s10 =	sld [smem:$0x3FB4];
	_ =	sdelay $0x3  }
0x34: {  	[smem:$0x3FB4] =	sst s10  }
0x35: {  	s10 =	sld [smem:$0x3FB3];
	_ =	sdelay $0x3  }
0x36: {  	p1 =	seq.s32 s10, $0x1;
	s10 =	sld [smem:$0x3FB4];
	_ =	sdelay $0x3  }
0x37: {  	[smem:$0x3FB4] =	sst s10  }
0x38: {  	s10 =	sld [smem:$0x3FB5]  }
0x39: {  	_ = 	snop;
	(pc) =	sbr.ind lr, $3  }
0x3a: {  	_ = 	snop  }
0x3b: {  	_ = 	snop  }
0x3c: {  	p2 =	seq.s32 s10, $0x1;
	s10 =	sld [smem:$0x3FB4]  }
0x3d: {  	_ =	shalt  }
0x3e: {  	_ =	shalt  }
0x3f: {  	_ =	shalt  }
0x40: {  	_ =	shalt  }
0x41: {  	_ =	shalt  }
0x42: {  	_ =	shalt  }
0x43: {  	_ =	shalt  }
0x44: {  	_ =	shalt  }
0x45: {  	_ =	shalt  }
0x46: {  	_ =	shalt  }
0x47: {  	_ =	shalt  }
0x48: {  	_ =	shalt  }
0x49: {  	_ =	shalt  }
0x4a: {  	_ =	shalt  }
0x4b: {  	_ =	shalt  }
0x4c: {  	_ =	shalt  }
0x4d: {  	_ =	shalt  }
0x4e: {  	_ =	shalt  }
0x4f: {  	_ =	shalt  }
0x50: {  	_ =	shalt  }
0x51: {  	_ =	shalt  }
0x52: {  	_ =	shalt  }
0x53: {  	_ =	shalt  }
0x54: {  	_ =	shalt  }
0x55: {  	_ =	shalt  }
0x56: {  	_ =	shalt  }
0x57: {  	_ =	shalt  }
0x58: {  	_ =	shalt  }
0x59: {  	_ =	shalt  }
0x5a: {  	_ =	shalt  }
0x5b: {  	_ =	shalt  }
0x5c: {  	_ =	shalt  }
0x5d: {  	_ =	shalt  }
0x5e: {  	_ =	shalt  }
0x5f: {  	_ =	shalt  }
0x60: {  	_ =	shalt  }
0x61: {  	_ =	shalt  }
0x62: {  	_ =	shalt  }
0x63: {  	_ =	shalt  }
0x64: {  	_ =	shalt  }
0x65: {  	_ =	shalt  }
0x66: {  	_ =	shalt  }
0x67: {  	_ =	shalt  }
0x68: {  	_ =	shalt  }
0x69: {  	_ =	shalt  }
0x6a: {  	_ =	shalt  }
0x6b: {  	_ =	shalt  }
0x6c: {  	_ =	shalt  }
0x6d: {  	_ =	shalt  }
0x6e: {  	_ =	shalt  }
0x6f: {  	_ =	shalt  }
0x70: {  	_ =	shalt  }
0x71: {  	_ =	shalt  }
0x72: {  	_ =	shalt  }
0x73: {  	_ =	shalt  }
0x74: {  	_ =	shalt  }
0x75: {  	_ =	shalt  }
0x76: {  	_ =	shalt  }
0x77: {  	_ =	shalt  }
0x78: {  	_ =	shalt  }
0x79: {  	_ =	shalt  }
0x7a: {  	_ =	shalt  }
0x7b: {  	_ =	shalt  }
0x7c: {  	_ =	shalt  }
0x7d: {  	_ =	shalt  }
0x7e: {  	_ =	shalt  }
0x7f: {  	_ =	shalt  }
0x80: {  	_ =	shalt  }
0x81: {  	_ =	shalt  }
0x82: {  	_ =	shalt  }
0x83: {  	_ =	shalt  }
0x84: {  	_ =	shalt  }
0x85: {  	_ =	shalt  }
0x86: {  	_ =	shalt  }
0x87: {  	_ =	shalt  }
.Lfunc_end0:
.L_simem_size_0:
called_computation_lowered:
.L_overlay_start_0:
0x88: {  	s2 =	sld [smem:$0x3FD9]  }
0x89: {  	s3 =	sld [smem:$0x3FFE];
	_ =	sdelay $0x1  }
0x8a: {  	s1 =	srdreg.scid  }
0x8b: {  	s0 =	sand.u32 $0x1, s1  }
0x8c: {  	s17 =	sshll.u32 s0, $0xA;
	s2 =	sadd.s32 s3, s2  }
0x8d: {  	s2 =	sadd.s32 s2, s17  }
0x8e: {  	[smem:$0x3FC0] =	sst s2  }
0x8f: {  	_ = 	snop  }
0x90: {  	s2 =	sld [smem:$0x3FC9]  }
0x91: {  	s18 =	sld [smem:$0x3FD0];
	(tm) =	ssettm $0x1  }
0x92: {  	s4 =	sld [smem:$0x3FFB];
	_ =	sdelay $0x3  }
0x93: {  	_ =	strace s4  }
0x94: {  	s4 =	sld [smem:$0x3FFC];
	_ =	sdelay $0x3  }
0x95: {  	_ =	strace s4  }
0x96: {  	s4 =	sld [smem:$0x3FFD];
	_ =	sdelay $0x3  }
0x97: {  	_ =	strace s4  }
0x98: {  	_ =	strace $0x8FFFFFFF  }
0x99: {  	s19 =	sld [smem:$0x3FDB];
	_ =	sdelay $0x1  }
0x9a: {  	s5 =	simm.s32 $_scs_section_size  }
0x9b: {  	s6 =	simm.s32 $_size__tile_overlayer_lowered;
	s7 =	simm.s32 $_tile_overlayer_lowered  }
0x9c: {  	s22 =	simm.s32 $0x1BFF;
	s21 =	sshll.u32 s7, $0x1;
	s4 =	sadd.s32 s5, s19  }
0x9d: {  	s8 =	simm.s32 $0x0;
	s20 =	sshll.u32 s6, $0x1;
	s6 =	sadd.s32 s21, s4  }
0x9e: {  	[timem:s8], [sflag:s22] =	dma.local [hbm:s6], s20  }
0x9f: {  	_ =	swait.ge [sflag:s22], s20  }
0xa0: {  	s5 =	ssub.s32 $0x0, s20;
	[sflag:s22] =	ssyncset.done $0x0  }
0xa1: {  	[sflag:s22] =	ssyncadd.s32 s5;
	_ =	sdelay $0x1  }
0xa2: {  	s23 =	simm.s32 $0x1B8B  }
0xa3: {  	_ =	swait.ge [sflag:s23], $0x1  }
0xa4: {  	[sflag:s23] =	ssyncset.done $0x0  }
0xa5: {  	s25 =	simm.s32 $0x1B8E;
	s24 =	sld [smem:$0x3FFE];
	[sflag:s23] =	ssyncadd.s32 $0xFFFFFFFF  }
0xa6: {  	s26 =	simm.s32 $execute0_lowered;
	[smem:$0x3FD2] =	sst s25  }
0xa7: {  	s6 =	sshll.u32 s26, $0x1;
	_ =	strace $0x80000046;
	[dreg:$0x1] =	wrdreg $0xFFFFFFFF  }
0xa8: {  	s28 =	simm.s32 $_size_execute0_lowered;
	s4 =	sadd.s32 s4, s6;
	[dreg:$0x0] =	wrdreg $0x0  }
0xa9: {  	s6 =	sshll.u32 s28, $0x1;
	[dreg:$0x2] =	wrdreg s4  }
0xaa: {  	[dreg:$0x3] =	wrdreg s6  }
0xab: {  	[dreg:$0x4] =	wrdreg $0xC0  }
0xac: {  	_ =	task [dreg:s8], $0x5FFFF  }
0xad: {  	[dreg:$0x1] =	wrdreg $0xFFFFFFFF  }
0xae: {  	[dreg:$0x0] =	wrdreg $0x60  }
0xaf: {  	[dreg:$0x2] =	wrdreg s2  }
0xb0: {  	[dreg:$0x3] =	wrdreg s24  }
0xb1: {  	[dreg:$0x4] =	wrdreg s18  }
0xb2: {  	[dreg:$0x5] =	wrdreg $0x41800  }
0xb3: {  	[dreg:$0x6] =	wrdreg $0x9  }
0xb4: {  	_ =	task.clear_ibuf [dreg:s8], $0x7FFFF;
	_ =	strace $0x90000046  }
0xb5: {  	s29 =	simm.s32 $0x9;
	_ =	strace $0x80000048  }
0xb6: {  	_ =	swait.ge [sflag:s29], $0x1  }
0xb7: {  	[sflag:s29] =	ssyncadd.s32 $0xFFFFFFFF  }
0xb8: {  	_ =	strace $0x90000048  }
0xb9: {  	_ =	sfence  }
0xba: {  	s30 =	sld [smem:$0x0];
	_ =	sdelay $0x2  }
0xbb: {  	s31 =	sshll.u32 s1, $0xD;
	s1 =	sshrl.u32 s1, $0x2  }
0xbc: {  	s3 =	sand.u32 $0x4000, s31;
	s1 =	sadd.s32 s1, s30  }
0xbd: {  	s0 =	sor.u32 s3, s0;
	s1 =	sshll.u32 s1, $0x11  }
0xbe: {  	s0 =	sor.u32 s1, s0  }
0xbf: {  	s0 =	sadd.s32 $0x8F2B, s0  }
0xc0: {  	[sflag:s0] =	ssyncadd.remote.s32 $0x1  }
0xc1: {  	_ =	sfence.sel $0xFFFF  }
0xc2: {  	[dreg:$0x0] =	wrdreg $0xFFFFFFFF;
	(pc) =	sbr.abs _section_cstart, $3  }
0xc3: {  	[dreg:$0x1] =	wrdreg $0xFFFFFFFF  }
0xc4: {  	_ =	task.clear_ibuf [dreg:s8], $0x2FFFF;
	_ =	strace $0x9FFFFFFF  }
0xc5: {  	(tm) =	ssettm $0x7FFFFFFF  }
tec
execute0_lowered:
.L_overlay_start_1:
0x0: {  	(tag) =	ssettag $0x1  }
0x1: {  	s1 =	rddreg [dreg:$0x0]  }
0x2: {  	s0 =	rddreg [dreg:$0x1]  }
0x3: {  	s3 =	rddreg [dreg:$0x3];
	s4 =	simm.s32 $0x0;
	s2 =	srdreg.scid  }
0x4: {  	s17 =	stileid.u32;
	s28 =	simm.s32 $0x1;
	s29 =	simm.s32 $0x2  }
0x5: {  	s30 =	simm.s32 $0x0;
	s31 =	simm.s32 $0x0;
	[smem:$0x7FF] =	sst s4  }
0x6: {  	s6 =	sadd.s32 $0x14E00, s0;
	s7 =	sadd.s32 $0xB000, s0;
	s8 =	sadd.s32 $0x28800, s0  }
0x7: {  	s2 =	sand.u32 $0x1, s2;
	s9 =	sadd.s32 $0x1200, s0;
	s14 =	smul.u32 $0x280, s17  }
0x8: {  	s10 =	sadd.s32 $0x3C200, s0;
	s11 =	smul.u32 $0x50000, s17;
	s5 =	ssub.s32 $0x2, s2  }
0x9: {  	_ =	strace $0x80000047;
	p0 =	seq.s32 s2, $0x1;
	s22 =	sshrl.u32 s5, $0x1  }
0xa: {  	s23 =	sadd.s32 $0x80, s14;
	s24 =	sshrl.u32 s11, $0x2;
	s19 =	sadd.s32 $0x100, s14  }
0xb: {  	s26 =	sadd.s32 $0x180, s14;
	s21 =	sadd.s32 $0x200, s14;
	s14 =	smul.u32 $0x9D, s17  }
0xc: {  	s17 =	smul.u32 $0x2800, s17;
	s0 =	ssub.s32 s5, s22;
	s12 =	sshll.u32 s23, $0x7  }
0xd: {  	v0 =	vimm.f32 $0.0e+00;
	v1 =	vimm.s32 $0x0;
	s11 =	sadd.s32 s24, s3;
	s25 =	sshll.u32 s19, $0x7;
	s15 =	sshll.u32 s26, $0x7  }
.Ltmp0:
0xe: {  	v2 =	vimm.s32 $0x1;
	v3 =	vimm.s32 $0x2;
	v4 =	vimm.s32 $0x3;
	s16 =	sshll.u32 s21, $0x7;
	s18 =	sshll.u32 s23, $0x4;
	(pc) =	sbr.rel .LBB2_1-.Ltmp0, $4  }
0xf: {  	v5 =	vimm.s32 $0x4;
	v6 =	vimm.s32 $0x5;
	v7 =	vimm.s32 $0x6;
	s19 =	sshll.u32 s19, $0x4;
	s20 =	sshll.u32 s26, $0x4;
	s21 =	sshll.u32 s21, $0x4  }
0x10: {  	v8 =	vimm.s32 $0x7;
	v9 =	vimm.s32 $0x8;
	v10 =	vimm.s32 $0x9;
	s23 =	simm.s32 $0x180;
	s24 =	simm.s32 $0x3;
	s26 =	simm.s32 $0x80  }
0x11: {  	v11 =	vimm.s32 $0xA;
	v12 =	vimm.s32 $0xB;
	v13 =	vimm.s32 $0xC;
	s12 =	sadd.s32 s12, s3;
	s13 =	sadd.s32 s25, s3;
	s15 =	sadd.s32 s15, s3  }
0x12: {  	v14 =	vimm.s32 $0xD;
	v15 =	vimm.s32 $0xE;
	v16 =	vimm.s32 $0xF;
	s16 =	sadd.s32 s16, s3;
	s22 =	smax.u32 s0, $0x1;
	s25 =	simm.s32 $0x100  }
.LBB2_12:
0x13: {  	[bflag:$0x0] =	sbarrier.arrive $0xFFFF  }
0x14: {  	[tilespmem:s23], [sflag:$0x3] =	stream.linear.gather [spmem:s11], $0x4000, $0x38;
	[tilespmem:$0x18180] =	vst v63  }
0x15: {  	_ =	swait.ge [sflag:s24], $0x4000  }
0x16: {  	[sflag:s24] =	ssyncset.done $0x0  }
0x17: {  	s2 =	sadd.s32 s0, s17;
	[sflag:s24] =	ssyncadd.s32 $0xFFFFC000  }
0x18: {  	[hbm4b:s2+s4] =	stream.linear.scatter [tilespmem:s23], [sflag:$0x3], $0x4000, $0x38;
	[tilespmem:$0x18180] =	vst v63  }
0x19: {  	_ =	swait.ge [sflag:s24], $0x4000  }
0x1a: {  	[sflag:s24] =	ssyncset.done $0x0  }
0x1b: {  	[sflag:s24] =	ssyncadd.s32 $0xFFFFC000  }
0x1c: {  	[tilespmem:s23], [sflag:$0x3] =	stream.linear.gather [spmem:s12], $0x4000, $0x38;
	[tilespmem:$0x18180] =	vst v63  }
0x1d: {  	_ =	swait.ge [sflag:s24], $0x4000  }
0x1e: {  	[sflag:s24] =	ssyncset.done $0x0  }
0x1f: {  	s5 =	sadd.s32 s0, s18;
	[sflag:s24] =	ssyncadd.s32 $0xFFFFC000  }
0x20: {  	[hbm4b:s5+s4] =	stream.linear.scatter [tilespmem:s23], [sflag:$0x3], $0x4000, $0x38;
	[tilespmem:$0x18180] =	vst v63  }
0x21: {  	_ =	swait.ge [sflag:s24], $0x4000  }
0x22: {  	[sflag:s24] =	ssyncset.done $0x0  }
0x23: {  	[sflag:s24] =	ssyncadd.s32 $0xFFFFC000  }
0x24: {  	[tilespmem:s23], [sflag:$0x3] =	stream.linear.gather [spmem:s13], $0x4000, $0x38;
	[tilespmem:$0x18180] =	vst v63  }
0x25: {  	_ =	swait.ge [sflag:s24], $0x4000  }
0x26: {  	[sflag:s24] =	ssyncset.done $0x0  }
0x27: {  	s5 =	sadd.s32 s0, s19;
	[sflag:s24] =	ssyncadd.s32 $0xFFFFC000  }
0x28: {  	[hbm4b:s5+s4] =	stream.linear.scatter [tilespmem:s23], [sflag:$0x3], $0x4000, $0x38;
	[tilespmem:$0x18180] =	vst v63  }
0x29: {  	_ =	swait.ge [sflag:s24], $0x4000  }
0x2a: {  	[sflag:s24] =	ssyncset.done $0x0  }
0x2b: {  	[sflag:s24] =	ssyncadd.s32 $0xFFFFC000  }
0x2c: {  	[tilespmem:s23], [sflag:$0x3] =	stream.linear.gather [spmem:s15], $0x4000, $0x38;
	[tilespmem:$0x18180] =	vst v63  }
0x2d: {  	_ =	swait.ge [sflag:s24], $0x4000  }
0x2e: {  	[sflag:s24] =	ssyncset.done $0x0  }
0x2f: {  	s5 =	sadd.s32 s0, s20;
	[sflag:s24] =	ssyncadd.s32 $0xFFFFC000  }
0x30: {  	[hbm4b:s5+s4] =	stream.linear.scatter [tilespmem:s23], [sflag:$0x3], $0x4000, $0x38;
	[tilespmem:$0x18180] =	vst v63  }
0x31: {  	_ =	swait.ge [sflag:s24], $0x4000  }
0x32: {  	[sflag:s24] =	ssyncset.done $0x0  }
0x33: {  	[sflag:s24] =	ssyncadd.s32 $0xFFFFC000  }
0x34: {  	[tilespmem:s23], [sflag:$0x3] =	stream.linear.gather [spmem:s16], $0x4000, $0x38;
	[tilespmem:$0x18180] =	vst v63  }
0x35: {  	s30 =	sadd.s32 $0x1, s30;
	_ =	swait.ge [sflag:s24], $0x4000  }
0x36: {  	p1 =	sne.s32 s30, s22;
	[sflag:s24] =	ssyncset.done $0x0  }
.Ltmp1:
0x37: {  	s5 =	sadd.s32 s0, s21;
	[sflag:s24] =	ssyncadd.s32 $0xFFFFC000;
	(pc) =	sbr.rel @!p1 .LBB2_13-.Ltmp1, $4  }
0x38: {  	[hbm4b:s5+s4] =	stream.linear.scatter [tilespmem:s23], [sflag:$0x3], $0x4000, $0x38;
	[tilespmem:$0x18180] =	vst v63  }
0x39: {  	_ =	swait.ge [sflag:s24], $0x4000  }
0x3a: {  	[sflag:s24] =	ssyncset.done $0x0  }
0x3b: {  	[sflag:s24] =	ssyncadd.s32 $0xFFFFC000  }
.LBB2_1:
0x3c: {  	s0 =	simm.s32 $0x0;
	s2 =	simm.s32 $0x200  }
.LBB2_2:
0x3d: {  	p1 =	sne.s32 s2, $0xFE00;
	[tilespmem:s0+$0x1F0] =	vst v0  }
0x3e: {  	[tilespmem:s0+$0x180] =	vst v0  }
0x3f: {  	[tilespmem:s0+$0x190] =	vst v0  }
.Ltmp2:
0x40: {  	[tilespmem:s0+$0x1A0] =	vst v0;
	(pc) =	sbr.rel @p1 .LBB2_2-.Ltmp2, $4  }
0x41: {  	[tilespmem:s0+$0x1B0] =	vst v0  }
0x42: {  	[tilespmem:s0+$0x1C0] =	vst v0  }
0x43: {  	[tilespmem:s0+$0x1D0] =	vst v0  }
0x44: {  	[tilespmem:s0+$0x1E0] =	vst v0;
	s0 =	sshra.s32 s2, $0x2;
	s2 =	sadd.s32 $0x200, s2  }
0x45: {  	[tilespmem:s0+$0x1F0] =	vst v0  }
0x46: {  	[tilespmem:s0+$0x180] =	vst v0  }
0x47: {  	[tilespmem:s0+$0x190] =	vst v0  }
0x48: {  	[tilespmem:s0+$0x1A0] =	vst v0  }
0x49: {  	[tilespmem:s0+$0x1B0] =	vst v0  }
0x4a: {  	[tilespmem:s0+$0x1C0] =	vst v0  }
0x4b: {  	[tilespmem:s0+$0x1D0] =	vst v0  }
0x4c: {  	[tilespmem:s0+$0x1E0] =	vst v0  }
0x4d: {  	[spmem:s11] =	stream.linear.scatter [tilespmem:s23], [sflag:$0x3], $0x4000, $0x38;
	[tilespmem:$0x18180] =	vst v63  }
0x4e: {  	_ =	swait.ge [sflag:s24], $0x4000  }
0x4f: {  	[sflag:s24] =	ssyncset.done $0x0  }
0x50: {  	[sflag:s24] =	ssyncadd.s32 $0xFFFFC000  }
0x51: {  	[spmem:s12] =	stream.linear.scatter [tilespmem:s23], [sflag:$0x3], $0x4000, $0x38;
	[tilespmem:$0x18180] =	vst v63  }
0x52: {  	_ =	swait.ge [sflag:s24], $0x4000  }
0x53: {  	[sflag:s24] =	ssyncset.done $0x0  }
0x54: {  	[sflag:s24] =	ssyncadd.s32 $0xFFFFC000  }
0x55: {  	[spmem:s13] =	stream.linear.scatter [tilespmem:s23], [sflag:$0x3], $0x4000, $0x38;
	[tilespmem:$0x18180] =	vst v63  }
0x56: {  	_ =	swait.ge [sflag:s24], $0x4000  }
0x57: {  	[sflag:s24] =	ssyncset.done $0x0  }
0x58: {  	[sflag:s24] =	ssyncadd.s32 $0xFFFFC000  }
0x59: {  	[spmem:s15] =	stream.linear.scatter [tilespmem:s23], [sflag:$0x3], $0x4000, $0x38;
	[tilespmem:$0x18180] =	vst v63  }
0x5a: {  	_ =	swait.ge [sflag:s24], $0x4000  }
0x5b: {  	[sflag:s24] =	ssyncset.done $0x0  }
0x5c: {  	[sflag:s24] =	ssyncadd.s32 $0xFFFFC000  }
0x5d: {  	[spmem:s16] =	stream.linear.scatter [tilespmem:s23], [sflag:$0x3], $0x4000, $0x38;
	[tilespmem:$0x18180] =	vst v63  }
.Ltmp3:
0x5e: {  	_ =	swait.ge [sflag:s24], $0x4000;
	(pc) =	sbr.rel @!p0 .LBB2_4-.Ltmp3, $4  }
0x5f: {  	[sflag:s24] =	ssyncset.done $0x0  }
0x60: {  	[sflag:s24] =	ssyncadd.s32 $0xFFFFC000  }
0x61: {  	[bflag:$0x0] =	sbarrier.arrive $0xFFFF  }
0x62: {  	s0 =	simm.s32 $0x0;
	s5 =	simm.s32 $0x0  }
.LBB2_8:
0x63: {  	s0 =	sadd.s32 s14, s5  }
0x64: {  	s2 =	sshll.u32 s0, $0x5  }
0x65: {  	s2 =	sadd.s32 s8, s2  }
0x66: {  	[tilespmem:s31], [sflag:$0x3] =	stream.linear.gather [hbm4b:s2+s31], $0x100, $0x38;
	[tilespmem:$0x18180] =	vst v63  }
0x67: {  	_ =	swait.ge [sflag:s24], $0x100  }
0x68: {  	s0 =	sshll.u32 s0, $0x4;
	[sflag:s24] =	ssyncset.done $0x0  }
0x69: {  	s0 =	sadd.s32 s9, s0;
	[sflag:s24] =	ssyncadd.s32 $0xFFFFFF00  }
0x6a: {  	[tilespmem:s25], [sflag:$0x3] =	stream.linear.gather [hbm4b:s0+s31], $0x80, $0x38;
	[tilespmem:$0x18180] =	vst v63  }
0x6b: {  	_ =	swait.ge [sflag:s24], $0x80  }
0x6c: {  	[sflag:s24] =	ssyncset.done $0x0  }
0x6d: {  	[sflag:s24] =	ssyncadd.s32 $0xFFFFFF80  }
0x6e: {  	[tilespmem:s23], [sflag:$0x1] =	stream.indirect.gather [hbm4b:s1+s26], $0x80, s31, s26, $0xb8;
	[tilespmem:$0x18180] =	vst v63  }
0x6f: {  	_ =	swait.ge [sflag:s28], $0x4000  }
0x70: {  	[sflag:s28] =	ssyncset.done $0x0  }
0x71: {  	s0 =	simm.s32 $0x0;
	[sflag:s28] =	ssyncadd.s32 $0xFFFFC000  }
.LBB2_9:
0x72: {  	s2 =	sshll.u32 s0, $0x4  }
0x73: {  	s2 =	sand.u32 $0x3FFFFFF0, s2  }
0x74: {  	v17 =	vld [tilespmem:s2+$0x100];
	s2 =	sshll.u32 s0, $0xB  }
0x75: {  	s2 =	sand.u32 $0x3FFFF800, s2  }
0x76: {  	v18 =	vld [tilespmem:s2+$0x180]  }
0x77: {  	v19 =	vld [tilespmem:s2+$0x190]  }
0x78: {  	v20 =	vld [tilespmem:s2+$0x1A0]  }
0x79: {  	v22 =	vld [tilespmem:s2+$0x1B0];
	v21 =	vperm.xlane v17, v1  }
0x7a: {  	v23 =	vld [tilespmem:s2+$0x1C0]  }
0x7b: {  	v24 =	vld [tilespmem:s2+$0x1D0];
	v18 =	vmul.f32 v18, v21  }
0x7c: {  	v25 =	vld [tilespmem:s2+$0x1E0];
	v19 =	vmul.f32 v19, v21  }
0x7d: {  	v38 =	vld [tilespmem:s2+$0x1F0];
	[tilespmem:s2+$0x180] =	vst v18;
	v18 =	vmul.f32 v20, v21  }
0x7e: {  	v39 =	vld [tilespmem:s2+$0x200];
	[tilespmem:s2+$0x190] =	vst v19;
	v19 =	vmul.f32 v22, v21  }
0x7f: {  	v40 =	vld [tilespmem:s2+$0x210];
	[tilespmem:s2+$0x1A0] =	vst v18;
	v18 =	vmul.f32 v23, v21  }
0x80: {  	v41 =	vld [tilespmem:s2+$0x220];
	[tilespmem:s2+$0x1B0] =	vst v19;
	v19 =	vmul.f32 v24, v21  }
0x81: {  	v26 =	vld [tilespmem:s2+$0x230];
	v42 =	vperm.xlane v17, v2;
	[tilespmem:s2+$0x1C0] =	vst v18;
	v18 =	vmul.f32 v25, v21  }
0x82: {  	v43 =	vld [tilespmem:s2+$0x240];
	[tilespmem:s2+$0x1D0] =	vst v19;
	v19 =	vmul.f32 v38, v21  }
0x83: {  	v44 =	vld [tilespmem:s2+$0x250];
	[tilespmem:s2+$0x1E0] =	vst v18;
	v18 =	vmul.f32 v39, v42  }
0x84: {  	v45 =	vld [tilespmem:s2+$0x260];
	[tilespmem:s2+$0x1F0] =	vst v19;
	v19 =	vmul.f32 v40, v42  }
0x85: {  	v46 =	vld [tilespmem:s2+$0x270];
	[tilespmem:s2+$0x200] =	vst v18;
	v18 =	vmul.f32 v41, v42  }
0x86: {  	v47 =	vld [tilespmem:s2+$0x280];
	[tilespmem:s2+$0x210] =	vst v19;
	v19 =	vmul.f32 v26, v42  }
0x87: {  	v48 =	vld [tilespmem:s2+$0x290];
	[tilespmem:s2+$0x220] =	vst v18;
	v18 =	vmul.f32 v43, v42  }
0x88: {  	v49 =	vld [tilespmem:s2+$0x2A0];
	[tilespmem:s2+$0x230] =	vst v19;
	v19 =	vmul.f32 v44, v42  }
0x89: {  	v51 =	vld [tilespmem:s2+$0x2B0];
	v50 =	vperm.xlane v17, v3;
	[tilespmem:s2+$0x240] =	vst v18;
	v18 =	vmul.f32 v45, v42  }
0x8a: {  	v52 =	vld [tilespmem:s2+$0x2C0];
	[tilespmem:s2+$0x250] =	vst v19;
	v19 =	vmul.f32 v46, v42  }
0x8b: {  	v53 =	vld [tilespmem:s2+$0x2D0];
	[tilespmem:s2+$0x260] =	vst v18;
	v18 =	vmul.f32 v47, v50  }
0x8c: {  	v54 =	vld [tilespmem:s2+$0x2E0];
	[tilespmem:s2+$0x270] =	vst v19;
	v19 =	vmul.f32 v48, v50  }
0x8d: {  	v55 =	vld [tilespmem:s2+$0x2F0];
	[tilespmem:s2+$0x280] =	vst v18;
	v18 =	vmul.f32 v49, v50  }
0x8e: {  	v56 =	vld [tilespmem:s2+$0x300];
	[tilespmem:s2+$0x290] =	vst v19;
	v19 =	vmul.f32 v51, v50  }
0x8f: {  	v57 =	vld [tilespmem:s2+$0x310];
	[tilespmem:s2+$0x2A0] =	vst v18;
	v18 =	vmul.f32 v52, v50  }
0x90: {  	v58 =	vld [tilespmem:s2+$0x320];
	[tilespmem:s2+$0x2B0] =	vst v19;
	v19 =	vmul.f32 v53, v50  }
0x91: {  	v60 =	vld [tilespmem:s2+$0x330];
	v59 =	vperm.xlane v17, v4;
	[tilespmem:s2+$0x2C0] =	vst v18;
	v18 =	vmul.f32 v54, v50  }
0x92: {  	v61 =	vld [tilespmem:s2+$0x340];
	[tilespmem:s2+$0x2D0] =	vst v19;
	v19 =	vmul.f32 v55, v50  }
0x93: {  	v62 =	vld [tilespmem:s2+$0x350];
	[tilespmem:s2+$0x2E0] =	vst v18;
	v18 =	vmul.f32 v56, v59  }
0x94: {  	v63 =	vld [tilespmem:s2+$0x360];
	[tilespmem:s2+$0x2F0] =	vst v19;
	v19 =	vmul.f32 v57, v59  }
0x95: {  	v28 =	vld [tilespmem:s2+$0x370];
	[tilespmem:s2+$0x300] =	vst v18;
	v18 =	vmul.f32 v58, v59  }
0x96: {  	v29 =	vld [tilespmem:s2+$0x380];
	[tilespmem:s2+$0x310] =	vst v19;
	v19 =	vmul.f32 v60, v59  }
0x97: {  	v30 =	vld [tilespmem:s2+$0x390];
	[tilespmem:s2+$0x320] =	vst v18;
	v18 =	vmul.f32 v61, v59  }
0x98: {  	v31 =	vld [tilespmem:s2+$0x3A0];
	[tilespmem:s2+$0x330] =	vst v19;
	v19 =	vmul.f32 v62, v59  }
0x99: {  	v33 =	vld [tilespmem:s2+$0x3B0];
	v32 =	vperm.xlane v17, v5;
	[tilespmem:s2+$0x340] =	vst v18;
	v18 =	vmul.f32 v63, v59  }
0x9a: {  	v34 =	vld [tilespmem:s2+$0x3C0];
	[tilespmem:s2+$0x350] =	vst v19;
	v19 =	vmul.f32 v28, v59  }
0x9b: {  	v35 =	vld [tilespmem:s2+$0x3D0];
	[tilespmem:s2+$0x360] =	vst v18;
	v18 =	vmul.f32 v29, v32  }
0x9c: {  	v36 =	vld [tilespmem:s2+$0x3E0];
	[tilespmem:s2+$0x370] =	vst v19;
	v19 =	vmul.f32 v30, v32  }
0x9d: {  	v37 =	vld [tilespmem:s2+$0x3F0];
	[tilespmem:s2+$0x380] =	vst v18;
	v18 =	vmul.f32 v31, v32  }
0x9e: {  	v38 =	vld [tilespmem:s2+$0x400];
	[tilespmem:s2+$0x390] =	vst v19;
	v19 =	vmul.f32 v33, v32  }
0x9f: {  	v39 =	vld [tilespmem:s2+$0x410];
	[tilespmem:s2+$0x3A0] =	vst v18;
	v18 =	vmul.f32 v34, v32  }
0xa0: {  	v40 =	vld [tilespmem:s2+$0x420];
	[tilespmem:s2+$0x3B0] =	vst v19;
	v19 =	vmul.f32 v35, v32  }
0xa1: {  	v41 =	vperm.xlane v17, v6;
	v42 =	vld [tilespmem:s2+$0x430];
	[tilespmem:s2+$0x3C0] =	vst v18;
	v18 =	vmul.f32 v36, v32  }
0xa2: {  	v43 =	vld [tilespmem:s2+$0x440];
	[tilespmem:s2+$0x3D0] =	vst v19;
	v19 =	vmul.f32 v37, v32  }
0xa3: {  	v44 =	vld [tilespmem:s2+$0x450];
	[tilespmem:s2+$0x3E0] =	vst v18;
	v18 =	vmul.f32 v38, v41  }
0xa4: {  	v45 =	vld [tilespmem:s2+$0x460];
	[tilespmem:s2+$0x3F0] =	vst v19;
	v19 =	vmul.f32 v39, v41  }
0xa5: {  	v46 =	vld [tilespmem:s2+$0x470];
	[tilespmem:s2+$0x400] =	vst v18;
	v18 =	vmul.f32 v40, v41  }
0xa6: {  	v47 =	vld [tilespmem:s2+$0x480];
	[tilespmem:s2+$0x410] =	vst v19;
	v19 =	vmul.f32 v42, v41  }
0xa7: {  	v48 =	vld [tilespmem:s2+$0x490];
	[tilespmem:s2+$0x420] =	vst v18;
	v18 =	vmul.f32 v43, v41  }
0xa8: {  	v49 =	vld [tilespmem:s2+$0x4A0];
	[tilespmem:s2+$0x430] =	vst v19;
	v19 =	vmul.f32 v44, v41  }
0xa9: {  	v51 =	vld [tilespmem:s2+$0x4B0];
	v50 =	vperm.xlane v17, v7;
	[tilespmem:s2+$0x440] =	vst v18;
	v18 =	vmul.f32 v45, v41  }
0xaa: {  	v52 =	vld [tilespmem:s2+$0x4C0];
	[tilespmem:s2+$0x450] =	vst v19;
	v19 =	vmul.f32 v46, v41  }
0xab: {  	v53 =	vld [tilespmem:s2+$0x4D0];
	[tilespmem:s2+$0x460] =	vst v18;
	v18 =	vmul.f32 v47, v50  }
0xac: {  	v54 =	vld [tilespmem:s2+$0x4E0];
	[tilespmem:s2+$0x470] =	vst v19;
	v19 =	vmul.f32 v48, v50  }
0xad: {  	v55 =	vld [tilespmem:s2+$0x4F0];
	[tilespmem:s2+$0x480] =	vst v18;
	v18 =	vmul.f32 v49, v50  }
0xae: {  	v56 =	vld [tilespmem:s2+$0x500];
	[tilespmem:s2+$0x490] =	vst v19;
	v19 =	vmul.f32 v51, v50  }
0xaf: {  	v57 =	vld [tilespmem:s2+$0x510];
	[tilespmem:s2+$0x4A0] =	vst v18;
	v18 =	vmul.f32 v52, v50  }
0xb0: {  	v58 =	vld [tilespmem:s2+$0x520];
	[tilespmem:s2+$0x4B0] =	vst v19;
	v19 =	vmul.f32 v53, v50  }
0xb1: {  	v60 =	vld [tilespmem:s2+$0x530];
	v59 =	vperm.xlane v17, v8;
	[tilespmem:s2+$0x4C0] =	vst v18;
	v18 =	vmul.f32 v54, v50  }
0xb2: {  	v61 =	vld [tilespmem:s2+$0x540];
	[tilespmem:s2+$0x4D0] =	vst v19;
	v19 =	vmul.f32 v55, v50  }
0xb3: {  	v62 =	vld [tilespmem:s2+$0x550];
	[tilespmem:s2+$0x4E0] =	vst v18;
	v18 =	vmul.f32 v56, v59  }
0xb4: {  	v63 =	vld [tilespmem:s2+$0x560];
	[tilespmem:s2+$0x4F0] =	vst v19;
	v19 =	vmul.f32 v57, v59  }
0xb5: {  	v28 =	vld [tilespmem:s2+$0x570];
	[tilespmem:s2+$0x500] =	vst v18;
	v18 =	vmul.f32 v58, v59  }
0xb6: {  	v29 =	vld [tilespmem:s2+$0x580];
	[tilespmem:s2+$0x510] =	vst v19;
	v19 =	vmul.f32 v60, v59  }
0xb7: {  	v30 =	vld [tilespmem:s2+$0x590];
	[tilespmem:s2+$0x520] =	vst v18;
	v18 =	vmul.f32 v61, v59  }
0xb8: {  	v31 =	vld [tilespmem:s2+$0x5A0];
	[tilespmem:s2+$0x530] =	vst v19;
	v19 =	vmul.f32 v62, v59  }
0xb9: {  	v33 =	vld [tilespmem:s2+$0x5B0];
	v32 =	vperm.xlane v17, v9;
	[tilespmem:s2+$0x540] =	vst v18;
	v18 =	vmul.f32 v63, v59  }
0xba: {  	v34 =	vld [tilespmem:s2+$0x5C0];
	[tilespmem:s2+$0x550] =	vst v19;
	v19 =	vmul.f32 v28, v59  }
0xbb: {  	v35 =	vld [tilespmem:s2+$0x5D0];
	[tilespmem:s2+$0x560] =	vst v18;
	v18 =	vmul.f32 v29, v32  }
0xbc: {  	v36 =	vld [tilespmem:s2+$0x5E0];
	[tilespmem:s2+$0x570] =	vst v19;
	v19 =	vmul.f32 v30, v32  }
0xbd: {  	v37 =	vld [tilespmem:s2+$0x5F0];
	[tilespmem:s2+$0x580] =	vst v18;
	v18 =	vmul.f32 v31, v32  }
0xbe: {  	v38 =	vld [tilespmem:s2+$0x600];
	[tilespmem:s2+$0x590] =	vst v19;
	v19 =	vmul.f32 v33, v32  }
0xbf: {  	v39 =	vld [tilespmem:s2+$0x610];
	[tilespmem:s2+$0x5A0] =	vst v18;
	v18 =	vmul.f32 v34, v32  }
0xc0: {  	v40 =	vld [tilespmem:s2+$0x620];
	[tilespmem:s2+$0x5B0] =	vst v19;
	v19 =	vmul.f32 v35, v32  }
0xc1: {  	v42 =	vld [tilespmem:s2+$0x630];
	v41 =	vperm.xlane v17, v10;
	[tilespmem:s2+$0x5C0] =	vst v18;
	v18 =	vmul.f32 v36, v32  }
0xc2: {  	v43 =	vld [tilespmem:s2+$0x640];
	[tilespmem:s2+$0x5D0] =	vst v19;
	v19 =	vmul.f32 v37, v32  }
0xc3: {  	v44 =	vld [tilespmem:s2+$0x650];
	[tilespmem:s2+$0x5E0] =	vst v18;
	v18 =	vmul.f32 v38, v41  }
0xc4: {  	v45 =	vld [tilespmem:s2+$0x660];
	[tilespmem:s2+$0x5F0] =	vst v19;
	v19 =	vmul.f32 v39, v41  }
0xc5: {  	v46 =	vld [tilespmem:s2+$0x670];
	[tilespmem:s2+$0x600] =	vst v18;
	v18 =	vmul.f32 v40, v41  }
0xc6: {  	v47 =	vld [tilespmem:s2+$0x680];
	[tilespmem:s2+$0x610] =	vst v19;
	v19 =	vmul.f32 v42, v41  }
0xc7: {  	v48 =	vld [tilespmem:s2+$0x690];
	[tilespmem:s2+$0x620] =	vst v18;
	v18 =	vmul.f32 v43, v41  }
0xc8: {  	v49 =	vld [tilespmem:s2+$0x6A0];
	[tilespmem:s2+$0x630] =	vst v19;
	v19 =	vmul.f32 v44, v41  }
0xc9: {  	v51 =	vld [tilespmem:s2+$0x6B0];
	v50 =	vperm.xlane v17, v11;
	[tilespmem:s2+$0x640] =	vst v18;
	v18 =	vmul.f32 v45, v41  }
0xca: {  	v52 =	vld [tilespmem:s2+$0x6C0];
	[tilespmem:s2+$0x650] =	vst v19;
	v19 =	vmul.f32 v46, v41  }
0xcb: {  	v53 =	vld [tilespmem:s2+$0x6D0];
	[tilespmem:s2+$0x660] =	vst v18;
	v18 =	vmul.f32 v47, v50  }
0xcc: {  	v54 =	vld [tilespmem:s2+$0x6E0];
	[tilespmem:s2+$0x670] =	vst v19;
	v19 =	vmul.f32 v48, v50  }
0xcd: {  	v55 =	vld [tilespmem:s2+$0x6F0];
	[tilespmem:s2+$0x680] =	vst v18;
	v18 =	vmul.f32 v49, v50  }
0xce: {  	v56 =	vld [tilespmem:s2+$0x700];
	[tilespmem:s2+$0x690] =	vst v19;
	v19 =	vmul.f32 v51, v50  }
0xcf: {  	v57 =	vld [tilespmem:s2+$0x710];
	[tilespmem:s2+$0x6A0] =	vst v18;
	v18 =	vmul.f32 v52, v50  }
0xd0: {  	v58 =	vld [tilespmem:s2+$0x720];
	[tilespmem:s2+$0x6B0] =	vst v19;
	v19 =	vmul.f32 v53, v50  }
0xd1: {  	v60 =	vld [tilespmem:s2+$0x730];
	v59 =	vperm.xlane v17, v12;
	[tilespmem:s2+$0x6C0] =	vst v18;
	v18 =	vmul.f32 v54, v50  }
0xd2: {  	v61 =	vld [tilespmem:s2+$0x740];
	[tilespmem:s2+$0x6D0] =	vst v19;
	v19 =	vmul.f32 v55, v50  }
0xd3: {  	v62 =	vld [tilespmem:s2+$0x750];
	[tilespmem:s2+$0x6E0] =	vst v18;
	v18 =	vmul.f32 v56, v59  }
0xd4: {  	v63 =	vld [tilespmem:s2+$0x760];
	[tilespmem:s2+$0x6F0] =	vst v19;
	v19 =	vmul.f32 v57, v59  }
0xd5: {  	v28 =	vld [tilespmem:s2+$0x770];
	[tilespmem:s2+$0x700] =	vst v18;
	v18 =	vmul.f32 v58, v59  }
0xd6: {  	v29 =	vld [tilespmem:s2+$0x780];
	[tilespmem:s2+$0x710] =	vst v19;
	v19 =	vmul.f32 v60, v59  }
0xd7: {  	v30 =	vld [tilespmem:s2+$0x790];
	[tilespmem:s2+$0x720] =	vst v18;
	v18 =	vmul.f32 v61, v59  }
0xd8: {  	v31 =	vld [tilespmem:s2+$0x7A0];
	[tilespmem:s2+$0x730] =	vst v19;
	v19 =	vmul.f32 v62, v59  }
0xd9: {  	v33 =	vld [tilespmem:s2+$0x7B0];
	v32 =	vperm.xlane v17, v13;
	[tilespmem:s2+$0x740] =	vst v18;
	v18 =	vmul.f32 v63, v59  }
0xda: {  	v34 =	vld [tilespmem:s2+$0x7C0];
	[tilespmem:s2+$0x750] =	vst v19;
	v19 =	vmul.f32 v28, v59  }
0xdb: {  	v35 =	vld [tilespmem:s2+$0x7D0];
	[tilespmem:s2+$0x760] =	vst v18;
	v18 =	vmul.f32 v29, v32  }
0xdc: {  	v36 =	vld [tilespmem:s2+$0x7E0];
	[tilespmem:s2+$0x770] =	vst v19;
	v19 =	vmul.f32 v30, v32  }
0xdd: {  	v37 =	vld [tilespmem:s2+$0x7F0];
	[tilespmem:s2+$0x780] =	vst v18;
	v18 =	vmul.f32 v31, v32  }
0xde: {  	v38 =	vld [tilespmem:s2+$0x800];
	[tilespmem:s2+$0x790] =	vst v19;
	v19 =	vmul.f32 v33, v32  }
0xdf: {  	v39 =	vld [tilespmem:s2+$0x810];
	[tilespmem:s2+$0x7A0] =	vst v18;
	v18 =	vmul.f32 v34, v32  }
0xe0: {  	v40 =	vld [tilespmem:s2+$0x820];
	[tilespmem:s2+$0x7B0] =	vst v19;
	v19 =	vmul.f32 v35, v32  }
0xe1: {  	v42 =	vld [tilespmem:s2+$0x830];
	v41 =	vperm.xlane v17, v14;
	[tilespmem:s2+$0x7C0] =	vst v18;
	v18 =	vmul.f32 v36, v32  }
0xe2: {  	v43 =	vld [tilespmem:s2+$0x840];
	[tilespmem:s2+$0x7D0] =	vst v19;
	v19 =	vmul.f32 v37, v32  }
0xe3: {  	v44 =	vld [tilespmem:s2+$0x850];
	[tilespmem:s2+$0x7E0] =	vst v18;
	v18 =	vmul.f32 v38, v41  }
0xe4: {  	v45 =	vld [tilespmem:s2+$0x860];
	[tilespmem:s2+$0x7F0] =	vst v19;
	v19 =	vmul.f32 v39, v41  }
0xe5: {  	v46 =	vld [tilespmem:s2+$0x870];
	[tilespmem:s2+$0x800] =	vst v18;
	v18 =	vmul.f32 v40, v41  }
0xe6: {  	v47 =	vld [tilespmem:s2+$0x880];
	[tilespmem:s2+$0x810] =	vst v19;
	v19 =	vmul.f32 v42, v41  }
0xe7: {  	v48 =	vld [tilespmem:s2+$0x890];
	[tilespmem:s2+$0x820] =	vst v18;
	v18 =	vmul.f32 v43, v41  }
0xe8: {  	v49 =	vld [tilespmem:s2+$0x8A0];
	[tilespmem:s2+$0x830] =	vst v19;
	v19 =	vmul.f32 v44, v41  }
0xe9: {  	v51 =	vld [tilespmem:s2+$0x8B0];
	v50 =	vperm.xlane v17, v15;
	[tilespmem:s2+$0x840] =	vst v18;
	v18 =	vmul.f32 v45, v41  }
0xea: {  	v52 =	vld [tilespmem:s2+$0x8C0];
	[tilespmem:s2+$0x850] =	vst v19;
	v19 =	vmul.f32 v46, v41  }
0xeb: {  	v53 =	vld [tilespmem:s2+$0x8D0];
	[tilespmem:s2+$0x860] =	vst v18;
	v18 =	vmul.f32 v47, v50  }
0xec: {  	v54 =	vld [tilespmem:s2+$0x8E0];
	[tilespmem:s2+$0x870] =	vst v19;
	v19 =	vmul.f32 v48, v50  }
0xed: {  	v55 =	vld [tilespmem:s2+$0x8F0];
	[tilespmem:s2+$0x880] =	vst v18;
	v18 =	vmul.f32 v49, v50  }
0xee: {  	v56 =	vld [tilespmem:s2+$0x900];
	[tilespmem:s2+$0x890] =	vst v19;
	v19 =	vmul.f32 v51, v50  }
0xef: {  	v57 =	vld [tilespmem:s2+$0x910];
	[tilespmem:s2+$0x8A0] =	vst v18;
	v18 =	vmul.f32 v52, v50  }
0xf0: {  	v58 =	vld [tilespmem:s2+$0x920];
	[tilespmem:s2+$0x8B0] =	vst v19;
	v19 =	vmul.f32 v53, v50  }
0xf1: {  	v17 =	vperm.xlane v17, v16;
	v59 =	vld [tilespmem:s2+$0x930];
	[tilespmem:s2+$0x8C0] =	vst v18;
	v18 =	vmul.f32 v54, v50  }
0xf2: {  	v60 =	vld [tilespmem:s2+$0x940];
	[tilespmem:s2+$0x8D0] =	vst v19;
	v19 =	vmul.f32 v55, v50  }
0xf3: {  	v61 =	vld [tilespmem:s2+$0x950];
	[tilespmem:s2+$0x8E0] =	vst v18;
	v18 =	vmul.f32 v56, v17  }
0xf4: {  	v62 =	vld [tilespmem:s2+$0x960];
	[tilespmem:s2+$0x8F0] =	vst v19;
	v19 =	vmul.f32 v57, v17  }
0xf5: {  	v63 =	vld [tilespmem:s2+$0x970];
	[tilespmem:s2+$0x900] =	vst v18;
	v18 =	vmul.f32 v58, v17  }
0xf6: {  	[tilespmem:s2+$0x910] =	vst v19;
	v19 =	vmul.f32 v59, v17  }
0xf7: {  	p1 =	sne.s32 s0, $0x7;
	[tilespmem:s2+$0x920] =	vst v18;
	v18 =	vmul.f32 v60, v17  }
.Ltmp4:
0xf8: {  	[tilespmem:s2+$0x930] =	vst v19;
	v19 =	vmul.f32 v61, v17;
	(pc) =	sbr.rel @p1 .LBB2_9-.Ltmp4, $4  }
0xf9: {  	[tilespmem:s2+$0x940] =	vst v18;
	v18 =	vmul.f32 v62, v17  }
0xfa: {  	[tilespmem:s2+$0x950] =	vst v19;
	v17 =	vmul.f32 v63, v17  }
0xfb: {  	[tilespmem:s2+$0x960] =	vst v18  }
0xfc: {  	s0 =	sadd.s32 $0x1, s0;
	[tilespmem:s2+$0x970] =	vst v17  }
0xfd: {  	s5 =	sadd.s32 $0x1, s5  }
0xfe: {  	p1 =	sne.s32 s5, $0x9D  }
.Ltmp5:
0xff: {  	_ = 	snop;
	(pc) =	sbr.rel @p1 .LBB2_8-.Ltmp5, $4  }
0x100: {  	[spmem:s3] =	stream.indirect.scatter.add.f32 [tilespmem:s23], [sflag:$0x2], $0x80, s26, s26, $0xb8;
	[tilespmem:$0x18180] =	vst v63  }
0x101: {  	_ =	swait.ge [sflag:s29], $0x4000  }
0x102: {  	[sflag:s29] =	ssyncset.done $0x0  }
0x103: {  	[sflag:s29] =	ssyncadd.s32 $0xFFFFC000  }
.Ltmp6:
0x104: {  	(pc) =	sbr.rel .LBB2_12-.Ltmp6, $2  }
0x105: {  	_ =	sdelay $0x2  }
0x106: {  	s0 =	smov.u32 s10  }
.LBB2_4:
0x107: {  	s2 =	sadd.s32 s14, s0  }
0x108: {  	s5 =	sshll.u32 s2, $0x5  }
0x109: {  	s5 =	sadd.s32 s6, s5  }
0x10a: {  	[tilespmem:s31], [sflag:$0x3] =	stream.linear.gather [hbm4b:s5+s31], $0x100, $0x38;
	[tilespmem:$0x18180] =	vst v63  }
0x10b: {  	_ =	swait.ge [sflag:s24], $0x100  }
0x10c: {  	s2 =	sshll.u32 s2, $0x4;
	[sflag:s24] =	ssyncset.done $0x0  }
0x10d: {  	s2 =	sadd.s32 s7, s2;
	[sflag:s24] =	ssyncadd.s32 $0xFFFFFF00  }
0x10e: {  	[tilespmem:s25], [sflag:$0x3] =	stream.linear.gather [hbm4b:s2+s31], $0x80, $0x38;
	[tilespmem:$0x18180] =	vst v63  }
0x10f: {  	_ =	swait.ge [sflag:s24], $0x80  }
0x110: {  	[sflag:s24] =	ssyncset.done $0x0  }
0x111: {  	[sflag:s24] =	ssyncadd.s32 $0xFFFFFF80  }
0x112: {  	[tilespmem:s23], [sflag:$0x1] =	stream.indirect.gather [hbm4b:s1+s26], $0x80, s31, s26, $0xb8;
	[tilespmem:$0x18180] =	vst v63  }
0x113: {  	_ =	swait.ge [sflag:s28], $0x4000  }
0x114: {  	[sflag:s28] =	ssyncset.done $0x0  }
0x115: {  	s5 =	simm.s32 $0x0;
	[sflag:s28] =	ssyncadd.s32 $0xFFFFC000  }
.LBB2_5:
0x116: {  	s2 =	sshll.u32 s5, $0x4  }
0x117: {  	s2 =	sand.u32 $0x3FFFFFF0, s2  }
0x118: {  	v17 =	vld [tilespmem:s2+$0x100];
	s2 =	sshll.u32 s5, $0xB  }
0x119: {  	s2 =	sand.u32 $0x3FFFF800, s2  }
0x11a: {  	v18 =	vld [tilespmem:s2+$0x180]  }
0x11b: {  	v19 =	vld [tilespmem:s2+$0x190]  }
0x11c: {  	v20 =	vld [tilespmem:s2+$0x1A0]  }
0x11d: {  	v22 =	vld [tilespmem:s2+$0x1B0];
	v21 =	vperm.xlane v17, v1  }
0x11e: {  	v23 =	vld [tilespmem:s2+$0x1C0]  }
0x11f: {  	v24 =	vld [tilespmem:s2+$0x1D0];
	v18 =	vmul.f32 v18, v21  }
0x120: {  	v25 =	vld [tilespmem:s2+$0x1E0];
	v19 =	vmul.f32 v19, v21  }
0x121: {  	v38 =	vld [tilespmem:s2+$0x1F0];
	[tilespmem:s2+$0x180] =	vst v18;
	v18 =	vmul.f32 v20, v21  }
0x122: {  	v39 =	vld [tilespmem:s2+$0x200];
	[tilespmem:s2+$0x190] =	vst v19;
	v19 =	vmul.f32 v22, v21  }
0x123: {  	v40 =	vld [tilespmem:s2+$0x210];
	[tilespmem:s2+$0x1A0] =	vst v18;
	v18 =	vmul.f32 v23, v21  }
0x124: {  	v41 =	vld [tilespmem:s2+$0x220];
	[tilespmem:s2+$0x1B0] =	vst v19;
	v19 =	vmul.f32 v24, v21  }
0x125: {  	v26 =	vld [tilespmem:s2+$0x230];
	v42 =	vperm.xlane v17, v2;
	[tilespmem:s2+$0x1C0] =	vst v18;
	v18 =	vmul.f32 v25, v21  }
0x126: {  	v43 =	vld [tilespmem:s2+$0x240];
	[tilespmem:s2+$0x1D0] =	vst v19;
	v19 =	vmul.f32 v38, v21  }
0x127: {  	v44 =	vld [tilespmem:s2+$0x250];
	[tilespmem:s2+$0x1E0] =	vst v18;
	v18 =	vmul.f32 v39, v42  }
0x128: {  	v45 =	vld [tilespmem:s2+$0x260];
	[tilespmem:s2+$0x1F0] =	vst v19;
	v19 =	vmul.f32 v40, v42  }
0x129: {  	v46 =	vld [tilespmem:s2+$0x270];
	[tilespmem:s2+$0x200] =	vst v18;
	v18 =	vmul.f32 v41, v42  }
0x12a: {  	v47 =	vld [tilespmem:s2+$0x280];
	[tilespmem:s2+$0x210] =	vst v19;
	v19 =	vmul.f32 v26, v42  }
0x12b: {  	v48 =	vld [tilespmem:s2+$0x290];
	[tilespmem:s2+$0x220] =	vst v18;
	v18 =	vmul.f32 v43, v42  }
0x12c: {  	v49 =	vld [tilespmem:s2+$0x2A0];
	[tilespmem:s2+$0x230] =	vst v19;
	v19 =	vmul.f32 v44, v42  }
0x12d: {  	v51 =	vld [tilespmem:s2+$0x2B0];
	v50 =	vperm.xlane v17, v3;
	[tilespmem:s2+$0x240] =	vst v18;
	v18 =	vmul.f32 v45, v42  }
0x12e: {  	v52 =	vld [tilespmem:s2+$0x2C0];
	[tilespmem:s2+$0x250] =	vst v19;
	v19 =	vmul.f32 v46, v42  }
0x12f: {  	v53 =	vld [tilespmem:s2+$0x2D0];
	[tilespmem:s2+$0x260] =	vst v18;
	v18 =	vmul.f32 v47, v50  }
0x130: {  	v54 =	vld [tilespmem:s2+$0x2E0];
	[tilespmem:s2+$0x270] =	vst v19;
	v19 =	vmul.f32 v48, v50  }
0x131: {  	v55 =	vld [tilespmem:s2+$0x2F0];
	[tilespmem:s2+$0x280] =	vst v18;
	v18 =	vmul.f32 v49, v50  }
0x132: {  	v56 =	vld [tilespmem:s2+$0x300];
	[tilespmem:s2+$0x290] =	vst v19;
	v19 =	vmul.f32 v51, v50  }
0x133: {  	v57 =	vld [tilespmem:s2+$0x310];
	[tilespmem:s2+$0x2A0] =	vst v18;
	v18 =	vmul.f32 v52, v50  }
0x134: {  	v58 =	vld [tilespmem:s2+$0x320];
	[tilespmem:s2+$0x2B0] =	vst v19;
	v19 =	vmul.f32 v53, v50  }
0x135: {  	v60 =	vld [tilespmem:s2+$0x330];
	v59 =	vperm.xlane v17, v4;
	[tilespmem:s2+$0x2C0] =	vst v18;
	v18 =	vmul.f32 v54, v50  }
0x136: {  	v61 =	vld [tilespmem:s2+$0x340];
	[tilespmem:s2+$0x2D0] =	vst v19;
	v19 =	vmul.f32 v55, v50  }
0x137: {  	v62 =	vld [tilespmem:s2+$0x350];
	[tilespmem:s2+$0x2E0] =	vst v18;
	v18 =	vmul.f32 v56, v59  }
0x138: {  	v63 =	vld [tilespmem:s2+$0x360];
	[tilespmem:s2+$0x2F0] =	vst v19;
	v19 =	vmul.f32 v57, v59  }
0x139: {  	v28 =	vld [tilespmem:s2+$0x370];
	[tilespmem:s2+$0x300] =	vst v18;
	v18 =	vmul.f32 v58, v59  }
0x13a: {  	v29 =	vld [tilespmem:s2+$0x380];
	[tilespmem:s2+$0x310] =	vst v19;
	v19 =	vmul.f32 v60, v59  }
0x13b: {  	v30 =	vld [tilespmem:s2+$0x390];
	[tilespmem:s2+$0x320] =	vst v18;
	v18 =	vmul.f32 v61, v59  }
0x13c: {  	v31 =	vld [tilespmem:s2+$0x3A0];
	[tilespmem:s2+$0x330] =	vst v19;
	v19 =	vmul.f32 v62, v59  }
0x13d: {  	v33 =	vld [tilespmem:s2+$0x3B0];
	v32 =	vperm.xlane v17, v5;
	[tilespmem:s2+$0x340] =	vst v18;
	v18 =	vmul.f32 v63, v59  }
0x13e: {  	v34 =	vld [tilespmem:s2+$0x3C0];
	[tilespmem:s2+$0x350] =	vst v19;
	v19 =	vmul.f32 v28, v59  }
0x13f: {  	v35 =	vld [tilespmem:s2+$0x3D0];
	[tilespmem:s2+$0x360] =	vst v18;
	v18 =	vmul.f32 v29, v32  }
0x140: {  	v36 =	vld [tilespmem:s2+$0x3E0];
	[tilespmem:s2+$0x370] =	vst v19;
	v19 =	vmul.f32 v30, v32  }
0x141: {  	v37 =	vld [tilespmem:s2+$0x3F0];
	[tilespmem:s2+$0x380] =	vst v18;
	v18 =	vmul.f32 v31, v32  }
0x142: {  	v38 =	vld [tilespmem:s2+$0x400];
	[tilespmem:s2+$0x390] =	vst v19;
	v19 =	vmul.f32 v33, v32  }
0x143: {  	v39 =	vld [tilespmem:s2+$0x410];
	[tilespmem:s2+$0x3A0] =	vst v18;
	v18 =	vmul.f32 v34, v32  }
0x144: {  	v40 =	vld [tilespmem:s2+$0x420];
	[tilespmem:s2+$0x3B0] =	vst v19;
	v19 =	vmul.f32 v35, v32  }
0x145: {  	v41 =	vperm.xlane v17, v6;
	v42 =	vld [tilespmem:s2+$0x430];
	[tilespmem:s2+$0x3C0] =	vst v18;
	v18 =	vmul.f32 v36, v32  }
0x146: {  	v43 =	vld [tilespmem:s2+$0x440];
	[tilespmem:s2+$0x3D0] =	vst v19;
	v19 =	vmul.f32 v37, v32  }
0x147: {  	v44 =	vld [tilespmem:s2+$0x450];
	[tilespmem:s2+$0x3E0] =	vst v18;
	v18 =	vmul.f32 v38, v41  }
0x148: {  	v45 =	vld [tilespmem:s2+$0x460];
	[tilespmem:s2+$0x3F0] =	vst v19;
	v19 =	vmul.f32 v39, v41  }
0x149: {  	v46 =	vld [tilespmem:s2+$0x470];
	[tilespmem:s2+$0x400] =	vst v18;
	v18 =	vmul.f32 v40, v41  }
0x14a: {  	v47 =	vld [tilespmem:s2+$0x480];
	[tilespmem:s2+$0x410] =	vst v19;
	v19 =	vmul.f32 v42, v41  }
0x14b: {  	v48 =	vld [tilespmem:s2+$0x490];
	[tilespmem:s2+$0x420] =	vst v18;
	v18 =	vmul.f32 v43, v41  }
0x14c: {  	v49 =	vld [tilespmem:s2+$0x4A0];
	[tilespmem:s2+$0x430] =	vst v19;
	v19 =	vmul.f32 v44, v41  }
0x14d: {  	v51 =	vld [tilespmem:s2+$0x4B0];
	v50 =	vperm.xlane v17, v7;
	[tilespmem:s2+$0x440] =	vst v18;
	v18 =	vmul.f32 v45, v41  }
0x14e: {  	v52 =	vld [tilespmem:s2+$0x4C0];
	[tilespmem:s2+$0x450] =	vst v19;
	v19 =	vmul.f32 v46, v41  }
0x14f: {  	v53 =	vld [tilespmem:s2+$0x4D0];
	[tilespmem:s2+$0x460] =	vst v18;
	v18 =	vmul.f32 v47, v50  }
0x150: {  	v54 =	vld [tilespmem:s2+$0x4E0];
	[tilespmem:s2+$0x470] =	vst v19;
	v19 =	vmul.f32 v48, v50  }
0x151: {  	v55 =	vld [tilespmem:s2+$0x4F0];
	[tilespmem:s2+$0x480] =	vst v18;
	v18 =	vmul.f32 v49, v50  }
0x152: {  	v56 =	vld [tilespmem:s2+$0x500];
	[tilespmem:s2+$0x490] =	vst v19;
	v19 =	vmul.f32 v51, v50  }
0x153: {  	v57 =	vld [tilespmem:s2+$0x510];
	[tilespmem:s2+$0x4A0] =	vst v18;
	v18 =	vmul.f32 v52, v50  }
0x154: {  	v58 =	vld [tilespmem:s2+$0x520];
	[tilespmem:s2+$0x4B0] =	vst v19;
	v19 =	vmul.f32 v53, v50  }
0x155: {  	v60 =	vld [tilespmem:s2+$0x530];
	v59 =	vperm.xlane v17, v8;
	[tilespmem:s2+$0x4C0] =	vst v18;
	v18 =	vmul.f32 v54, v50  }
0x156: {  	v61 =	vld [tilespmem:s2+$0x540];
	[tilespmem:s2+$0x4D0] =	vst v19;
	v19 =	vmul.f32 v55, v50  }
0x157: {  	v62 =	vld [tilespmem:s2+$0x550];
	[tilespmem:s2+$0x4E0] =	vst v18;
	v18 =	vmul.f32 v56, v59  }
0x158: {  	v63 =	vld [tilespmem:s2+$0x560];
	[tilespmem:s2+$0x4F0] =	vst v19;
	v19 =	vmul.f32 v57, v59  }
0x159: {  	v28 =	vld [tilespmem:s2+$0x570];
	[tilespmem:s2+$0x500] =	vst v18;
	v18 =	vmul.f32 v58, v59  }
0x15a: {  	v29 =	vld [tilespmem:s2+$0x580];
	[tilespmem:s2+$0x510] =	vst v19;
	v19 =	vmul.f32 v60, v59  }
0x15b: {  	v30 =	vld [tilespmem:s2+$0x590];
	[tilespmem:s2+$0x520] =	vst v18;
	v18 =	vmul.f32 v61, v59  }
0x15c: {  	v31 =	vld [tilespmem:s2+$0x5A0];
	[tilespmem:s2+$0x530] =	vst v19;
	v19 =	vmul.f32 v62, v59  }
0x15d: {  	v33 =	vld [tilespmem:s2+$0x5B0];
	v32 =	vperm.xlane v17, v9;
	[tilespmem:s2+$0x540] =	vst v18;
	v18 =	vmul.f32 v63, v59  }
0x15e: {  	v34 =	vld [tilespmem:s2+$0x5C0];
	[tilespmem:s2+$0x550] =	vst v19;
	v19 =	vmul.f32 v28, v59  }
0x15f: {  	v35 =	vld [tilespmem:s2+$0x5D0];
	[tilespmem:s2+$0x560] =	vst v18;
	v18 =	vmul.f32 v29, v32  }
0x160: {  	v36 =	vld [tilespmem:s2+$0x5E0];
	[tilespmem:s2+$0x570] =	vst v19;
	v19 =	vmul.f32 v30, v32  }
0x161: {  	v37 =	vld [tilespmem:s2+$0x5F0];
	[tilespmem:s2+$0x580] =	vst v18;
	v18 =	vmul.f32 v31, v32  }
0x162: {  	v38 =	vld [tilespmem:s2+$0x600];
	[tilespmem:s2+$0x590] =	vst v19;
	v19 =	vmul.f32 v33, v32  }
0x163: {  	v39 =	vld [tilespmem:s2+$0x610];
	[tilespmem:s2+$0x5A0] =	vst v18;
	v18 =	vmul.f32 v34, v32  }
0x164: {  	v40 =	vld [tilespmem:s2+$0x620];
	[tilespmem:s2+$0x5B0] =	vst v19;
	v19 =	vmul.f32 v35, v32  }
0x165: {  	v42 =	vld [tilespmem:s2+$0x630];
	v41 =	vperm.xlane v17, v10;
	[tilespmem:s2+$0x5C0] =	vst v18;
	v18 =	vmul.f32 v36, v32  }
0x166: {  	v43 =	vld [tilespmem:s2+$0x640];
	[tilespmem:s2+$0x5D0] =	vst v19;
	v19 =	vmul.f32 v37, v32  }
0x167: {  	v44 =	vld [tilespmem:s2+$0x650];
	[tilespmem:s2+$0x5E0] =	vst v18;
	v18 =	vmul.f32 v38, v41  }
0x168: {  	v45 =	vld [tilespmem:s2+$0x660];
	[tilespmem:s2+$0x5F0] =	vst v19;
	v19 =	vmul.f32 v39, v41  }
0x169: {  	v46 =	vld [tilespmem:s2+$0x670];
	[tilespmem:s2+$0x600] =	vst v18;
	v18 =	vmul.f32 v40, v41  }
0x16a: {  	v47 =	vld [tilespmem:s2+$0x680];
	[tilespmem:s2+$0x610] =	vst v19;
	v19 =	vmul.f32 v42, v41  }
0x16b: {  	v48 =	vld [tilespmem:s2+$0x690];
	[tilespmem:s2+$0x620] =	vst v18;
	v18 =	vmul.f32 v43, v41  }
0x16c: {  	v49 =	vld [tilespmem:s2+$0x6A0];
	[tilespmem:s2+$0x630] =	vst v19;
	v19 =	vmul.f32 v44, v41  }
0x16d: {  	v51 =	vld [tilespmem:s2+$0x6B0];
	v50 =	vperm.xlane v17, v11;
	[tilespmem:s2+$0x640] =	vst v18;
	v18 =	vmul.f32 v45, v41  }
0x16e: {  	v52 =	vld [tilespmem:s2+$0x6C0];
	[tilespmem:s2+$0x650] =	vst v19;
	v19 =	vmul.f32 v46, v41  }
0x16f: {  	v53 =	vld [tilespmem:s2+$0x6D0];
	[tilespmem:s2+$0x660] =	vst v18;
	v18 =	vmul.f32 v47, v50  }
0x170: {  	v54 =	vld [tilespmem:s2+$0x6E0];
	[tilespmem:s2+$0x670] =	vst v19;
	v19 =	vmul.f32 v48, v50  }
0x171: {  	v55 =	vld [tilespmem:s2+$0x6F0];
	[tilespmem:s2+$0x680] =	vst v18;
	v18 =	vmul.f32 v49, v50  }
0x172: {  	v56 =	vld [tilespmem:s2+$0x700];
	[tilespmem:s2+$0x690] =	vst v19;
	v19 =	vmul.f32 v51, v50  }
0x173: {  	v57 =	vld [tilespmem:s2+$0x710];
	[tilespmem:s2+$0x6A0] =	vst v18;
	v18 =	vmul.f32 v52, v50  }
0x174: {  	v58 =	vld [tilespmem:s2+$0x720];
	[tilespmem:s2+$0x6B0] =	vst v19;
	v19 =	vmul.f32 v53, v50  }
0x175: {  	v60 =	vld [tilespmem:s2+$0x730];
	v59 =	vperm.xlane v17, v12;
	[tilespmem:s2+$0x6C0] =	vst v18;
	v18 =	vmul.f32 v54, v50  }
0x176: {  	v61 =	vld [tilespmem:s2+$0x740];
	[tilespmem:s2+$0x6D0] =	vst v19;
	v19 =	vmul.f32 v55, v50  }
0x177: {  	v62 =	vld [tilespmem:s2+$0x750];
	[tilespmem:s2+$0x6E0] =	vst v18;
	v18 =	vmul.f32 v56, v59  }
0x178: {  	v63 =	vld [tilespmem:s2+$0x760];
	[tilespmem:s2+$0x6F0] =	vst v19;
	v19 =	vmul.f32 v57, v59  }
0x179: {  	v28 =	vld [tilespmem:s2+$0x770];
	[tilespmem:s2+$0x700] =	vst v18;
	v18 =	vmul.f32 v58, v59  }
0x17a: {  	v29 =	vld [tilespmem:s2+$0x780];
	[tilespmem:s2+$0x710] =	vst v19;
	v19 =	vmul.f32 v60, v59  }
0x17b: {  	v30 =	vld [tilespmem:s2+$0x790];
	[tilespmem:s2+$0x720] =	vst v18;
	v18 =	vmul.f32 v61, v59  }
0x17c: {  	v31 =	vld [tilespmem:s2+$0x7A0];
	[tilespmem:s2+$0x730] =	vst v19;
	v19 =	vmul.f32 v62, v59  }
0x17d: {  	v33 =	vld [tilespmem:s2+$0x7B0];
	v32 =	vperm.xlane v17, v13;
	[tilespmem:s2+$0x740] =	vst v18;
	v18 =	vmul.f32 v63, v59  }
0x17e: {  	v34 =	vld [tilespmem:s2+$0x7C0];
	[tilespmem:s2+$0x750] =	vst v19;
	v19 =	vmul.f32 v28, v59  }
0x17f: {  	v35 =	vld [tilespmem:s2+$0x7D0];
	[tilespmem:s2+$0x760] =	vst v18;
	v18 =	vmul.f32 v29, v32  }
0x180: {  	v36 =	vld [tilespmem:s2+$0x7E0];
	[tilespmem:s2+$0x770] =	vst v19;
	v19 =	vmul.f32 v30, v32  }
0x181: {  	v37 =	vld [tilespmem:s2+$0x7F0];
	[tilespmem:s2+$0x780] =	vst v18;
	v18 =	vmul.f32 v31, v32  }
0x182: {  	v38 =	vld [tilespmem:s2+$0x800];
	[tilespmem:s2+$0x790] =	vst v19;
	v19 =	vmul.f32 v33, v32  }
0x183: {  	v39 =	vld [tilespmem:s2+$0x810];
	[tilespmem:s2+$0x7A0] =	vst v18;
	v18 =	vmul.f32 v34, v32  }
0x184: {  	v40 =	vld [tilespmem:s2+$0x820];
	[tilespmem:s2+$0x7B0] =	vst v19;
	v19 =	vmul.f32 v35, v32  }
0x185: {  	v42 =	vld [tilespmem:s2+$0x830];
	v41 =	vperm.xlane v17, v14;
	[tilespmem:s2+$0x7C0] =	vst v18;
	v18 =	vmul.f32 v36, v32  }
0x186: {  	v43 =	vld [tilespmem:s2+$0x840];
	[tilespmem:s2+$0x7D0] =	vst v19;
	v19 =	vmul.f32 v37, v32  }
0x187: {  	v44 =	vld [tilespmem:s2+$0x850];
	[tilespmem:s2+$0x7E0] =	vst v18;
	v18 =	vmul.f32 v38, v41  }
0x188: {  	v45 =	vld [tilespmem:s2+$0x860];
	[tilespmem:s2+$0x7F0] =	vst v19;
	v19 =	vmul.f32 v39, v41  }
0x189: {  	v46 =	vld [tilespmem:s2+$0x870];
	[tilespmem:s2+$0x800] =	vst v18;
	v18 =	vmul.f32 v40, v41  }
0x18a: {  	v47 =	vld [tilespmem:s2+$0x880];
	[tilespmem:s2+$0x810] =	vst v19;
	v19 =	vmul.f32 v42, v41  }
0x18b: {  	v48 =	vld [tilespmem:s2+$0x890];
	[tilespmem:s2+$0x820] =	vst v18;
	v18 =	vmul.f32 v43, v41  }
0x18c: {  	v49 =	vld [tilespmem:s2+$0x8A0];
	[tilespmem:s2+$0x830] =	vst v19;
	v19 =	vmul.f32 v44, v41  }
0x18d: {  	v51 =	vld [tilespmem:s2+$0x8B0];
	v50 =	vperm.xlane v17, v15;
	[tilespmem:s2+$0x840] =	vst v18;
	v18 =	vmul.f32 v45, v41  }
0x18e: {  	v52 =	vld [tilespmem:s2+$0x8C0];
	[tilespmem:s2+$0x850] =	vst v19;
	v19 =	vmul.f32 v46, v41  }
0x18f: {  	v53 =	vld [tilespmem:s2+$0x8D0];
	[tilespmem:s2+$0x860] =	vst v18;
	v18 =	vmul.f32 v47, v50  }
0x190: {  	v54 =	vld [tilespmem:s2+$0x8E0];
	[tilespmem:s2+$0x870] =	vst v19;
	v19 =	vmul.f32 v48, v50  }
0x191: {  	v55 =	vld [tilespmem:s2+$0x8F0];
	[tilespmem:s2+$0x880] =	vst v18;
	v18 =	vmul.f32 v49, v50  }
0x192: {  	v56 =	vld [tilespmem:s2+$0x900];
	[tilespmem:s2+$0x890] =	vst v19;
	v19 =	vmul.f32 v51, v50  }
0x193: {  	v57 =	vld [tilespmem:s2+$0x910];
	[tilespmem:s2+$0x8A0] =	vst v18;
	v18 =	vmul.f32 v52, v50  }
0x194: {  	v58 =	vld [tilespmem:s2+$0x920];
	[tilespmem:s2+$0x8B0] =	vst v19;
	v19 =	vmul.f32 v53, v50  }
0x195: {  	v17 =	vperm.xlane v17, v16;
	v59 =	vld [tilespmem:s2+$0x930];
	[tilespmem:s2+$0x8C0] =	vst v18;
	v18 =	vmul.f32 v54, v50  }
0x196: {  	v60 =	vld [tilespmem:s2+$0x940];
	[tilespmem:s2+$0x8D0] =	vst v19;
	v19 =	vmul.f32 v55, v50  }
0x197: {  	v61 =	vld [tilespmem:s2+$0x950];
	[tilespmem:s2+$0x8E0] =	vst v18;
	v18 =	vmul.f32 v56, v17  }
0x198: {  	v62 =	vld [tilespmem:s2+$0x960];
	[tilespmem:s2+$0x8F0] =	vst v19;
	v19 =	vmul.f32 v57, v17  }
0x199: {  	v63 =	vld [tilespmem:s2+$0x970];
	[tilespmem:s2+$0x900] =	vst v18;
	v18 =	vmul.f32 v58, v17  }
0x19a: {  	[tilespmem:s2+$0x910] =	vst v19;
	v19 =	vmul.f32 v59, v17  }
0x19b: {  	p1 =	sne.s32 s5, $0x7;
	[tilespmem:s2+$0x920] =	vst v18;
	v18 =	vmul.f32 v60, v17  }
.Ltmp7:
0x19c: {  	[tilespmem:s2+$0x930] =	vst v19;
	v19 =	vmul.f32 v61, v17;
	(pc) =	sbr.rel @p1 .LBB2_5-.Ltmp7, $4  }
0x19d: {  	[tilespmem:s2+$0x940] =	vst v18;
	v18 =	vmul.f32 v62, v17  }
0x19e: {  	[tilespmem:s2+$0x950] =	vst v19;
	v17 =	vmul.f32 v63, v17  }
0x19f: {  	[tilespmem:s2+$0x960] =	vst v18  }
0x1a0: {  	s5 =	sadd.s32 $0x1, s5;
	[tilespmem:s2+$0x970] =	vst v17  }
0x1a1: {  	s0 =	sadd.s32 $0x1, s0  }
0x1a2: {  	p1 =	seq.s32 s0, $0x9D  }
.Ltmp8:
0x1a3: {  	_ = 	snop;
	(pc) =	sbr.rel @!p1 .LBB2_4-.Ltmp8, $4  }
0x1a4: {  	[spmem:s3] =	stream.indirect.scatter.add.f32 [tilespmem:s23], [sflag:$0x2], $0x80, s26, s26, $0xb8;
	[tilespmem:$0x18180] =	vst v63  }
0x1a5: {  	_ =	swait.ge [sflag:s29], $0x4000  }
0x1a6: {  	[sflag:s29] =	ssyncset.done $0x0  }
0x1a7: {  	[sflag:s29] =	ssyncadd.s32 $0xFFFFC000  }
.Ltmp9:
0x1a8: {  	(pc) =	sbr.rel .LBB2_12-.Ltmp9, $2  }
0x1a9: {  	_ =	sdelay $0x2  }
0x1aa: {  	s0 =	rddreg [dreg:$0x2]  }
.LBB2_13:
0x1ab: {  	_ =	sfence.sel $0x180000  }
0x1ac: {  	[bflag:$0x0] =	sbarrier.arrive $0xFFFF  }
0x1ad: {  	_ =	strace $0x90000047  }
0x1ae: {  	s0 =	stileid.u32;
	[bflag:$0x2] =	sbarrier.arrive $0xFFFF  }
0x1af: {  	p0 =	sne.s32 s0, $0x0;
	s0 =	rddreg [dreg:$0x4]  }
0x1b0: {  	s0 =	sadd.s32 @!p0 $0x100000, s0  }
0x1b1: {  	[sflag:s0] =	ssyncadd.tile.s32 @!p0 $0x1;
	_ =	shalt  }
.Lfunc_end2:
_tile_overlayer_lowered:
.L_overlay_start_2:
0x1b2: {  	(tag) =	ssettag $0x2  }
0x1b3: {  	s0 =	rddreg [dreg:$0x0];
	s2 =	stileid.u32  }
0x1b4: {  	s1 =	rddreg [dreg:$0x1];
	p0 =	sne.s32 s2, $0x0  }
0x1b5: {  	s3 =	rddreg [dreg:$0x2];
	[bflag:$0x3] =	sbarrier.arrive $0xFFFF;
	s2 =	simm.s32 @!p0 $0x1C03  }
0x1b6: {  	[timem:s3], [sflag:s2] =	dma.local @!p0 [hbm:s0], s1  }
0x1b7: {  	s0 =	simm.s32 @!p0 $0x3  }
0x1b8: {  	_ =	swait.ge @!p0 [sflag:s0], s1  }
0x1b9: {  	s1 =	ssub.s32 @!p0 $0x0, s1;
	[sflag:s0] =	ssyncset.done @!p0 $0x0  }
0x1ba: {  	[sflag:s0] =	ssyncadd.s32 @!p0 s1  }
0x1bb: {  	[bflag:$0x3] =	sbarrier.arrive $0xFFFF  }
0x1bc: {  	_ =	shalt  }

</sc_bundles>
